<compile_context>
chip_gen: v7x
topology: tpu7x:2x2x1
jax: 0.10.2.dev20260603
libtpu: 0.0.44.dev20260713+nightly
codegen_flags: <defaults>
</compile_context>

<pallas_src>
import jax
import jax.numpy as jnp
from jax import lax
from jax.experimental import pallas as pl
from jax.experimental.pallas import tpu as pltpu
from jax.experimental.pallas import tpu_sc as plsc

B, H, W_ = 16, 224, 224
D = 64
HW = H * W_
N = B * HW
NW = 32
PER_W = N // NW
C = 256
NCHUNK = PER_W // C
IDX_L = 128
IDX_ROWS = PER_W // IDX_L
GPC = C // IDX_L
IDX_PAD = 4
PITCH = 264
NBUF = 2


def _body(x_hbm, tbl_hbm, out_hbm, idx_v, rows_v, tb0, tb1,
          g0, g1, g2, g3, o0, o1):
    cid = lax.axis_index("c")
    sid = lax.axis_index("s")
    w = sid * 2 + cid
    b = w // 2
    half = w % 2
    gsems = [g0, g1, g2, g3][:NBUF]

    shift = IDX_PAD * half
    pltpu.sync_copy(
        x_hbm.at[pl.ds(w * IDX_ROWS - shift, IDX_ROWS + IDX_PAD), :], idx_v)

    iota = lax.iota(jnp.int32, 16)
    d_base = [(iota + 16 * q) * PITCH for q in range(4)]

    def issue_gather(cidx, buf):
        for sub in range(GPC):
            pltpu.async_copy(
                tbl_hbm.at[idx_v.at[shift + GPC * cidx + sub]],
                rows_v.at[buf, pl.ds(sub * IDX_L, IDX_L), :],
                gsems[buf],
            )

    def wait_gather(buf):
        for sub in range(GPC):
            pltpu.make_async_copy(
                tbl_hbm.at[idx_v.at[0]],
                rows_v.at[buf, pl.ds(sub * IDX_L, IDX_L), :],
                gsems[buf],
            ).wait()

    def wait_out(osem):
        pltpu.make_async_copy(
            out_hbm.at[0, pl.ds(0, D), pl.ds(0, C)],
            out_hbm.at[0, pl.ds(0, D), pl.ds(0, C)],
            osem,
        ).wait()

    for c0 in range(NBUF - 1):
        issue_gather(c0, c0)

    def chunk_step(cidx, buf, par, tail):
        osem = o0 if par == 0 else o1
        tb = tb0 if par == 0 else tb1

        if not tail:
            @pl.when(cidx + NBUF - 1 < NCHUNK)
            def _():
                issue_gather(cidx + NBUF - 1, (buf + NBUF - 1) % NBUF)

        wait_gather(buf)

        if tail:
            wait_out(osem)
        else:
            @pl.when(cidx >= 2)
            def _():
                wait_out(osem)

        @plsc.parallel_loop(0, C, unroll=16)
        def tr(j):
            jv = jnp.full((16,), j, jnp.int32)
            for q in range(4):
                v = rows_v[buf, j, pl.ds(16 * q, 16)]
                plsc.store_scatter(tb, [d_base[q] + jv], v)

        col = (half * NCHUNK + cidx) * C
        for d in range(D):
            pltpu.async_copy(
                tb.at[pl.ds(d * PITCH, C)],
                out_hbm.at[b, d, pl.ds(col, C)],
                osem,
            )

    def outer(ii, carry):
        for p in range(NBUF):
            chunk_step(NBUF * ii + p, p, p % 2, False)
        return carry

    lax.fori_loop(0, NCHUNK // NBUF, outer, None)
    for k in range((NCHUNK // NBUF) * NBUF, NCHUNK):
        chunk_step(k, k % NBUF, k % 2, True)

    wait_out(o0)
    wait_out(o1)


@jax.jit
def _run(x2, table):
    mesh = plsc.VectorSubcoreMesh(core_axis_name="c", subcore_axis_name="s")
    f = pl.kernel(
        _body,
        out_type=jax.ShapeDtypeStruct((B, D, HW), jnp.float32),
        mesh=mesh,
        compiler_params=pltpu.CompilerParams(use_tc_tiling_on_sc=False, needs_layout_passes=False),
        scratch_types=[
            pltpu.VMEM((IDX_ROWS + IDX_PAD, IDX_L), jnp.int32),
            pltpu.VMEM((NBUF, C, D), jnp.float32),
            pltpu.VMEM((D * PITCH,), jnp.float32),
            pltpu.VMEM((D * PITCH,), jnp.float32),
            pltpu.SemaphoreType.DMA,
            pltpu.SemaphoreType.DMA,
            pltpu.SemaphoreType.DMA,
            pltpu.SemaphoreType.DMA,
            pltpu.SemaphoreType.DMA,
            pltpu.SemaphoreType.DMA,
        ],
    )
    return f(x2, table)


def kernel(x, table):
    x2 = x.reshape(N // IDX_L, IDX_L).astype(jnp.int32)
    out = _run(x2, table)
    return out.reshape(B, D, H, W_)

# --- scband reference (transcript-rebuilt; emitter-appended) ---
"""Pipeline reference for scband-grid-embedding-27590869910071 (READ-ONLY COPY).

The authoritative reference and input builder live on the scoring server;
editing this copy changes nothing except your own understanding.
"""

import jax, jax.numpy as jnp
import numpy as np

N_CAT = 100000
EMBED_DIM = 64
B, H, W = 16, 224, 224

def setup_inputs(seed: int = 0) -> dict:
    key = jax.random.key(seed)
    k1, k2 = jax.random.split(key)
    x = jax.random.randint(k1, (B, H, W), 0, N_CAT, dtype=jnp.int64 if jax.config.jax_enable_x64 else jnp.int32)
    table = jax.random.normal(k2, (N_CAT, EMBED_DIM), dtype=jnp.float32)
    return {"x": x, "table": table}

def reference(x, table):
    # nn.Embedding lookup: [B, H, W] -> [B, H, W, D]
    emb = jnp.take(table, x, axis=0)
    # permute(0, 3, 1, 2): [B, H, W, D] -> [B, D, H, W]
    out = jnp.transpose(emb, (0, 3, 1, 2))
    return out

if __name__ == "__main__":
    import jax
    _d = setup_inputs()
    print(jax.jit(kernel)(*tuple(_d.values())))

</pallas_src>

<mosaic_0001>
#map = affine_map<(d0, d1) -> (0, 0)>
#map1 = affine_map<(d0, d1) -> (0, 0, 0)>
module attributes {stable_mosaic.version = 14 : i64} {
  func.func @_body(%arg0: i32, %arg1: i32, %arg2: memref<6272x128xi32, #tpu.memory_space<hbm>>, %arg3: memref<100000x64xf32, #tpu.memory_space<hbm>>, %arg4: memref<16x64x50176xf32, #tpu.memory_space<hbm>>, %arg5: memref<200x128xi32, #tpu.memory_space<vmem>>, %arg6: memref<2x256x64xf32, #tpu.memory_space<vmem>>, %arg7: memref<16896xf32, #tpu.memory_space<vmem>>, %arg8: memref<16896xf32, #tpu.memory_space<vmem>>, %arg9: memref<!tpu.dma_semaphore, #tpu.memory_space<semaphore_mem>>, %arg10: memref<!tpu.dma_semaphore, #tpu.memory_space<semaphore_mem>>, %arg11: memref<!tpu.dma_semaphore, #tpu.memory_space<semaphore_mem>>, %arg12: memref<!tpu.dma_semaphore, #tpu.memory_space<semaphore_mem>>, %arg13: memref<!tpu.dma_semaphore, #tpu.memory_space<semaphore_mem>>, %arg14: memref<!tpu.dma_semaphore, #tpu.memory_space<semaphore_mem>>) attributes {dimension_semantics = [#tpu.dimension_semantics<core_parallel>, #tpu.dimension_semantics<subcore_parallel>], iteration_bounds = array<i64: 2, 16>, scalar_prefetch = 0 : i64, scratch_operands = 10 : i64, tpu.core_type = #tpu.core_type<sc_vector_subcore>, window_params = [{transform_indices = #map}, {transform_indices = #map}, {transform_indices = #map1}]} {
    %mul3A = arith.constant 2 : i32
    %mul3A_0 = arith.muli %arg1, %mul3A : i32
    %add3A = arith.addi %mul3A_0, %arg0 : i32
    %jit3A = arith.constant 2 : i32
    %div3A = arith.divsi %add3A, %jit3A : i32
    %sign3A = arith.constant 0 : i32
    %sign3A_1 = arith.cmpi sgt, %add3A, %sign3A : i32
    %sign3A_2 = arith.extui %sign3A_1 : i1 to i32
    %sign3A_3 = arith.constant 0 : i32
    %sign3A_4 = arith.cmpi slt, %add3A, %sign3A_3 : i32
    %sign3A_5 = arith.extui %sign3A_4 : i1 to i32
    %sign3A_6 = arith.subi %sign3A_2, %sign3A_5 : i32
    %sign3A_7 = arith.constant 0 : i32
    %sign3A_8 = arith.cmpi sgt, %jit3A, %sign3A_7 : i32
    %sign3A_9 = arith.extui %sign3A_8 : i1 to i32
    %sign3A_10 = arith.constant 0 : i32
    %sign3A_11 = arith.cmpi slt, %jit3A, %sign3A_10 : i32
    %sign3A_12 = arith.extui %sign3A_11 : i1 to i32
    %sign3A_13 = arith.subi %sign3A_9, %sign3A_12 : i32
    %ne3A = arith.cmpi ne, %sign3A_6, %sign3A_13 : i32
    %rem3A = arith.remsi %add3A, %jit3A : i32
    %ne3A_14 = arith.constant 0 : i32
    %ne3A_15 = arith.cmpi ne, %rem3A, %ne3A_14 : i32
    %and3A = arith.andi %ne3A, %ne3A_15 : i1
    %sub3A = arith.constant 1 : i32
    %sub3A_16 = arith.subi %div3A, %sub3A : i32
    %select_n3A = arith.select %and3A, %sub3A_16, %div3A : i32
    %jit3A_17 = arith.constant 2 : i32
    %eq3A = arith.constant 0 : i32
    %eq3A_18 = arith.cmpi eq, %jit3A_17, %eq3A : i32
    %jit3A_19 = arith.constant 1 : i32
    %select_n3A_20 = arith.select %eq3A_18, %jit3A_19, %jit3A_17 : i32
    %rem3A_21 = arith.remsi %add3A, %select_n3A_20 : i32
    %ne3A_22 = arith.constant 0 : i32
    %ne3A_23 = arith.cmpi ne, %rem3A_21, %ne3A_22 : i32
    %lt3A = arith.constant 0 : i32
    %lt3A_24 = arith.cmpi slt, %rem3A_21, %lt3A : i32
    %lt3A_25 = arith.constant 0 : i32
    %lt3A_26 = arith.cmpi slt, %select_n3A_20, %lt3A_25 : i32
    %ne3A_27 = arith.xori %lt3A_24, %lt3A_26 : i1
    %and3A_28 = arith.andi %ne3A_27, %ne3A_23 : i1
    %add3A_29 = arith.addi %rem3A_21, %select_n3A_20 : i32
    %select_n3A_30 = arith.select %and3A_28, %add3A_29, %rem3A_21 : i32
    %mul3A_31 = arith.constant 4 : i32
    %mul3A_32 = arith.muli %mul3A_31, %select_n3A_30 : i32
    %mul3A_33 = arith.constant 196 : i32
    %mul3A_34 = arith.muli %add3A, %mul3A_33 : i32
    %sub3A_35 = arith.subi %mul3A_34, %mul3A_32 : i32
    "tpu.region"() ({
      %run_scoped3A = tpu.sem_alloc : memref<!tpu.dma_semaphore, #tpu.memory_space<semaphore_mem>>
      %dma_start3A_112 = arith.constant 0 : i32
      %dma_start3A_113 = tpu.memref_slice %arg2[%sub3A_35, %dma_start3A_112] : memref<6272x128xi32, #tpu.memory_space<hbm>> -> memref<200x128xi32, #tpu.memory_space<hbm>>
      %dma_start3A_114 = arith.constant 0 : i32
      %dma_start3A_115 = tpu.memref_slice %arg2[%sub3A_35, %dma_start3A_114] : memref<6272x128xi32, #tpu.memory_space<hbm>> -> memref<200x128xi32, #tpu.memory_space<hbm>>
      tpu.enqueue_dma source(%dma_start3A_115 : memref<200x128xi32, #tpu.memory_space<hbm>>) target(%arg5 : memref<200x128xi32, #tpu.memory_space<vmem>>) target_semaphore(%run_scoped3A : memref<!tpu.dma_semaphore, #tpu.memory_space<semaphore_mem>>)
      %dma_wait3A_116 = arith.constant 0 : i32
      %dma_wait3A_117 = tpu.memref_slice %arg2[%sub3A_35, %dma_wait3A_116] : memref<6272x128xi32, #tpu.memory_space<hbm>> -> memref<200x128xi32, #tpu.memory_space<hbm>>
      %dma_wait3A_118 = arith.constant 0 : i32
      %dma_wait3A_119 = tpu.memref_slice %arg2[%sub3A_35, %dma_wait3A_118] : memref<6272x128xi32, #tpu.memory_space<hbm>> -> memref<200x128xi32, #tpu.memory_space<hbm>>
      tpu.wait_dma2 semaphore(%run_scoped3A : memref<!tpu.dma_semaphore, #tpu.memory_space<semaphore_mem>>) src(%dma_wait3A_119 : memref<200x128xi32, #tpu.memory_space<hbm>>) dst(%arg5 : memref<200x128xi32, #tpu.memory_space<vmem>>)
      tpu.yield
    }) : () -> ()
    %iota3A = tpu.iota {dimensions = array<i32: 0>} : vector<16xi32>
    %add3A_36 = arith.constant 0 : i32
    %add3A_37 = vector.broadcast %add3A_36 : i32 to vector<16xi32>
    %add3A_38 = arith.addi %iota3A, %add3A_37 : vector<16xi32>
    %mul3A_39 = arith.constant 264 : i32
    %mul3A_40 = vector.broadcast %mul3A_39 : i32 to vector<16xi32>
    %mul3A_41 = arith.muli %add3A_38, %mul3A_40 : vector<16xi32>
    %add3A_42 = arith.constant 16 : i32
    %add3A_43 = vector.broadcast %add3A_42 : i32 to vector<16xi32>
    %add3A_44 = arith.addi %iota3A, %add3A_43 : vector<16xi32>
    %mul3A_45 = arith.constant 264 : i32
    %mul3A_46 = vector.broadcast %mul3A_45 : i32 to vector<16xi32>
    %mul3A_47 = arith.muli %add3A_44, %mul3A_46 : vector<16xi32>
    %add3A_48 = arith.constant 32 : i32
    %add3A_49 = vector.broadcast %add3A_48 : i32 to vector<16xi32>
    %add3A_50 = arith.addi %iota3A, %add3A_49 : vector<16xi32>
    %mul3A_51 = arith.constant 264 : i32
    %mul3A_52 = vector.broadcast %mul3A_51 : i32 to vector<16xi32>
    %mul3A_53 = arith.muli %add3A_50, %mul3A_52 : vector<16xi32>
    %add3A_54 = arith.constant 48 : i32
    %add3A_55 = vector.broadcast %add3A_54 : i32 to vector<16xi32>
    %add3A_56 = arith.addi %iota3A, %add3A_55 : vector<16xi32>
    %mul3A_57 = arith.constant 264 : i32
    %mul3A_58 = vector.broadcast %mul3A_57 : i32 to vector<16xi32>
    %mul3A_59 = arith.muli %add3A_56, %mul3A_58 : vector<16xi32>
    %add3A_60 = arith.constant 0 : i32
    %add3A_61 = arith.addi %mul3A_32, %add3A_60 : i32
    %add3A_62 = arith.constant 0 : i32
    %add3A_63 = arith.addi %add3A_61, %add3A_62 : i32
    %dma_start3A = arith.constant 0 : i32
    %dma_start3A_64 = arith.constant 0 : i32
    %dma_start3A_65 = arith.constant 0 : i32
    %dma_start3A_66 = tpu.memref_slice %arg6[%dma_start3A, %dma_start3A_64, %dma_start3A_65] : memref<2x256x64xf32, #tpu.memory_space<vmem>> -> memref<1x128x64xf32, #tpu.memory_space<vmem>>
    %dma_start3A_67 = tpu.memref_squeeze %dma_start3A_66 : memref<1x128x64xf32, #tpu.memory_space<vmem>> -> memref<128x64xf32, #tpu.memory_space<vmem>>
    %dma_start3A_68 = arith.constant 0 : i32
    %dma_start3A_69 = tpu.memref_slice %arg5[%add3A_63, %dma_start3A_68] : memref<200x128xi32, #tpu.memory_space<vmem>> -> memref<1x128xi32, #tpu.memory_space<vmem>>
    %dma_start3A_70 = tpu.memref_squeeze %dma_start3A_69 : memref<1x128xi32, #tpu.memory_space<vmem>> -> memref<128xi32, #tpu.memory_space<vmem>>
    %dma_start3A_71 = arith.constant 0 : i32
    %dma_start3A_72 = arith.constant 0 : i32
    %dma_start3A_73 = tpu.memref_slice %arg3[%dma_start3A_71, %dma_start3A_72] : memref<100000x64xf32, #tpu.memory_space<hbm>> -> memref<100000x64xf32, #tpu.memory_space<hbm>>
    tpu.enqueue_indirect_dma source(%dma_start3A_73 : memref<100000x64xf32, #tpu.memory_space<hbm>>) target(%dma_start3A_67 : memref<128x64xf32, #tpu.memory_space<vmem>>) offsets(%dma_start3A_70 : memref<128xi32, #tpu.memory_space<vmem>>) semaphore(%arg9 : memref<!tpu.dma_semaphore, #tpu.memory_space<semaphore_mem>>)
    %add3A_74 = arith.constant 0 : i32
    %add3A_75 = arith.addi %mul3A_32, %add3A_74 : i32
    %add3A_76 = arith.constant 1 : i32
    %add3A_77 = arith.addi %add3A_75, %add3A_76 : i32
    %dma_start3A_78 = arith.constant 0 : i32
    %dma_start3A_79 = arith.constant 128 : i32
    %dma_start3A_80 = arith.constant 0 : i32
    %dma_start3A_81 = tpu.memref_slice %arg6[%dma_start3A_78, %dma_start3A_79, %dma_start3A_80] : memref<2x256x64xf32, #tpu.memory_space<vmem>> -> memref<1x128x64xf32, #tpu.memory_space<vmem>>
    %dma_start3A_82 = tpu.memref_squeeze %dma_start3A_81 : memref<1x128x64xf32, #tpu.memory_space<vmem>> -> memref<128x64xf32, #tpu.memory_space<vmem>>
    %dma_start3A_83 = arith.constant 0 : i32
    %dma_start3A_84 = tpu.memref_slice %arg5[%add3A_77, %dma_start3A_83] : memref<200x128xi32, #tpu.memory_space<vmem>> -> memref<1x128xi32, #tpu.memory_space<vmem>>
    %dma_start3A_85 = tpu.memref_squeeze %dma_start3A_84 : memref<1x128xi32, #tpu.memory_space<vmem>> -> memref<128xi32, #tpu.memory_space<vmem>>
    %dma_start3A_86 = arith.constant 0 : i32
    %dma_start3A_87 = arith.constant 0 : i32
    %dma_start3A_88 = tpu.memref_slice %arg3[%dma_start3A_86, %dma_start3A_87] : memref<100000x64xf32, #tpu.memory_space<hbm>> -> memref<100000x64xf32, #tpu.memory_space<hbm>>
    tpu.enqueue_indirect_dma source(%dma_start3A_88 : memref<100000x64xf32, #tpu.memory_space<hbm>>) target(%dma_start3A_82 : memref<128x64xf32, #tpu.memory_space<vmem>>) offsets(%dma_start3A_85 : memref<128xi32, #tpu.memory_space<vmem>>) semaphore(%arg9 : memref<!tpu.dma_semaphore, #tpu.memory_space<semaphore_mem>>)
    %scan3A = arith.constant 0 : i32
    %scan3A_89 = arith.constant 49 : i32
    %scan3A_90 = arith.addi %scan3A, %scan3A_89 : i32
    %scan3A_91 = arith.constant 1 : i32
    scf.for %scan3A_112 = %scan3A to %scan3A_90 step %scan3A_91  : i32 {
      %mul3A_113 = arith.constant 2 : i32
      %mul3A_114 = arith.muli %mul3A_113, %scan3A_112 : i32
      %add3A_115 = arith.constant 0 : i32
      %add3A_116 = arith.addi %mul3A_114, %add3A_115 : i32
      %add3A_117 = arith.constant 2 : i32
      %add3A_118 = arith.addi %add3A_116, %add3A_117 : i32
      %sub3A_119 = arith.constant 1 : i32
      %sub3A_120 = arith.subi %add3A_118, %sub3A_119 : i32
      %lt3A_121 = arith.constant 98 : i32
      %lt3A_122 = arith.cmpi slt, %sub3A_120, %lt3A_121 : i32
      %convert_element_type3A = arith.extui %lt3A_122 : i1 to i32
      %cond3A = arith.constant 0 : i32
      %cond3A_123 = arith.cmpi ne, %convert_element_type3A, %cond3A : i32
      scf.if %cond3A_123 {
        %add3A_1361 = arith.constant 2 : i32
        %add3A_1362 = arith.addi %add3A_116, %add3A_1361 : i32
        %sub3A_1363 = arith.constant 1 : i32
        %sub3A_1364 = arith.subi %add3A_1362, %sub3A_1363 : i32
        %mul3A_1365 = arith.constant 2 : i32
        %mul3A_1366 = arith.muli %mul3A_1365, %sub3A_1364 : i32
        %add3A_1367 = arith.addi %mul3A_32, %mul3A_1366 : i32
        %add3A_1368 = arith.constant 0 : i32
        %add3A_1369 = arith.addi %add3A_1367, %add3A_1368 : i32
        %dma_start3A_1370 = arith.constant 1 : i32
        %dma_start3A_1371 = arith.constant 0 : i32
        %dma_start3A_1372 = arith.constant 0 : i32
        %dma_start3A_1373 = tpu.memref_slice %arg6[%dma_start3A_1370, %dma_start3A_1371, %dma_start3A_1372] : memref<2x256x64xf32, #tpu.memory_space<vmem>> -> memref<1x128x64xf32, #tpu.memory_space<vmem>>
        %dma_start3A_1374 = tpu.memref_squeeze %dma_start3A_1373 : memref<1x128x64xf32, #tpu.memory_space<vmem>> -> memref<128x64xf32, #tpu.memory_space<vmem>>
        %dma_start3A_1375 = arith.constant 0 : i32
        %dma_start3A_1376 = tpu.memref_slice %arg5[%add3A_1369, %dma_start3A_1375] : memref<200x128xi32, #tpu.memory_space<vmem>> -> memref<1x128xi32, #tpu.memory_space<vmem>>
        %dma_start3A_1377 = tpu.memref_squeeze %dma_start3A_1376 : memref<1x128xi32, #tpu.memory_space<vmem>> -> memref<128xi32, #tpu.memory_space<vmem>>
        %dma_start3A_1378 = arith.constant 0 : i32
        %dma_start3A_1379 = arith.constant 0 : i32
        %dma_start3A_1380 = tpu.memref_slice %arg3[%dma_start3A_1378, %dma_start3A_1379] : memref<100000x64xf32, #tpu.memory_space<hbm>> -> memref<100000x64xf32, #tpu.memory_space<hbm>>
        tpu.enqueue_indirect_dma source(%dma_start3A_1380 : memref<100000x64xf32, #tpu.memory_space<hbm>>) target(%dma_start3A_1374 : memref<128x64xf32, #tpu.memory_space<vmem>>) offsets(%dma_start3A_1377 : memref<128xi32, #tpu.memory_space<vmem>>) semaphore(%arg10 : memref<!tpu.dma_semaphore, #tpu.memory_space<semaphore_mem>>)
        %mul3A_1381 = arith.constant 2 : i32
        %mul3A_1382 = arith.muli %mul3A_1381, %sub3A_1364 : i32
        %add3A_1383 = arith.addi %mul3A_32, %mul3A_1382 : i32
        %add3A_1384 = arith.constant 1 : i32
        %add3A_1385 = arith.addi %add3A_1383, %add3A_1384 : i32
        %dma_start3A_1386 = arith.constant 1 : i32
        %dma_start3A_1387 = arith.constant 128 : i32
        %dma_start3A_1388 = arith.constant 0 : i32
        %dma_start3A_1389 = tpu.memref_slice %arg6[%dma_start3A_1386, %dma_start3A_1387, %dma_start3A_1388] : memref<2x256x64xf32, #tpu.memory_space<vmem>> -> memref<1x128x64xf32, #tpu.memory_space<vmem>>
        %dma_start3A_1390 = tpu.memref_squeeze %dma_start3A_1389 : memref<1x128x64xf32, #tpu.memory_space<vmem>> -> memref<128x64xf32, #tpu.memory_space<vmem>>
        %dma_start3A_1391 = arith.constant 0 : i32
        %dma_start3A_1392 = tpu.memref_slice %arg5[%add3A_1385, %dma_start3A_1391] : memref<200x128xi32, #tpu.memory_space<vmem>> -> memref<1x128xi32, #tpu.memory_space<vmem>>
        %dma_start3A_1393 = tpu.memref_squeeze %dma_start3A_1392 : memref<1x128xi32, #tpu.memory_space<vmem>> -> memref<128xi32, #tpu.memory_space<vmem>>
        %dma_start3A_1394 = arith.constant 0 : i32
        %dma_start3A_1395 = arith.constant 0 : i32
        %dma_start3A_1396 = tpu.memref_slice %arg3[%dma_start3A_1394, %dma_start3A_1395] : memref<100000x64xf32, #tpu.memory_space<hbm>> -> memref<100000x64xf32, #tpu.memory_space<hbm>>
        tpu.enqueue_indirect_dma source(%dma_start3A_1396 : memref<100000x64xf32, #tpu.memory_space<hbm>>) target(%dma_start3A_1390 : memref<128x64xf32, #tpu.memory_space<vmem>>) offsets(%dma_start3A_1393 : memref<128xi32, #tpu.memory_space<vmem>>) semaphore(%arg10 : memref<!tpu.dma_semaphore, #tpu.memory_space<semaphore_mem>>)
      } else {
      }
      %dma_wait3A_124 = arith.constant 0 : i32
      %dma_wait3A_125 = arith.constant 0 : i32
      %dma_wait3A_126 = arith.constant 0 : i32
      %dma_wait3A_127 = arith.constant 0 : i32
      %dma_wait3A_128 = tpu.memref_slice %arg6[%dma_wait3A_125, %dma_wait3A_126, %dma_wait3A_127] : memref<2x256x64xf32, #tpu.memory_space<vmem>> -> memref<1x128x64xf32, #tpu.memory_space<vmem>>
      %dma_wait3A_129 = tpu.memref_squeeze %dma_wait3A_128 : memref<1x128x64xf32, #tpu.memory_space<vmem>> -> memref<128x64xf32, #tpu.memory_space<vmem>>
      %dma_wait3A_130 = arith.constant 0 : i32
      %dma_wait3A_131 = tpu.memref_slice %arg5[%dma_wait3A_124, %dma_wait3A_130] : memref<200x128xi32, #tpu.memory_space<vmem>> -> memref<1x128xi32, #tpu.memory_space<vmem>>
      %dma_wait3A_132 = tpu.memref_squeeze %dma_wait3A_131 : memref<1x128xi32, #tpu.memory_space<vmem>> -> memref<128xi32, #tpu.memory_space<vmem>>
      %dma_wait3A_133 = arith.constant 0 : i32
      %dma_wait3A_134 = arith.constant 0 : i32
      %dma_wait3A_135 = tpu.memref_slice %arg3[%dma_wait3A_133, %dma_wait3A_134] : memref<100000x64xf32, #tpu.memory_space<hbm>> -> memref<100000x64xf32, #tpu.memory_space<hbm>>
      tpu.wait_indirect_dma semaphore(%arg9 : memref<!tpu.dma_semaphore, #tpu.memory_space<semaphore_mem>>) src(%dma_wait3A_135 : memref<100000x64xf32, #tpu.memory_space<hbm>>) dst(%dma_wait3A_129 : memref<128x64xf32, #tpu.memory_space<vmem>>)
      %dma_wait3A_136 = arith.constant 0 : i32
      %dma_wait3A_137 = arith.constant 0 : i32
      %dma_wait3A_138 = arith.constant 128 : i32
      %dma_wait3A_139 = arith.constant 0 : i32
      %dma_wait3A_140 = tpu.memref_slice %arg6[%dma_wait3A_137, %dma_wait3A_138, %dma_wait3A_139] : memref<2x256x64xf32, #tpu.memory_space<vmem>> -> memref<1x128x64xf32, #tpu.memory_space<vmem>>
      %dma_wait3A_141 = tpu.memref_squeeze %dma_wait3A_140 : memref<1x128x64xf32, #tpu.memory_space<vmem>> -> memref<128x64xf32, #tpu.memory_space<vmem>>
      %dma_wait3A_142 = arith.constant 0 : i32
      %dma_wait3A_143 = tpu.memref_slice %arg5[%dma_wait3A_136, %dma_wait3A_142] : memref<200x128xi32, #tpu.memory_space<vmem>> -> memref<1x128xi32, #tpu.memory_space<vmem>>
      %dma_wait3A_144 = tpu.memref_squeeze %dma_wait3A_143 : memref<1x128xi32, #tpu.memory_space<vmem>> -> memref<128xi32, #tpu.memory_space<vmem>>
      %dma_wait3A_145 = arith.constant 0 : i32
      %dma_wait3A_146 = arith.constant 0 : i32
      %dma_wait3A_147 = tpu.memref_slice %arg3[%dma_wait3A_145, %dma_wait3A_146] : memref<100000x64xf32, #tpu.memory_space<hbm>> -> memref<100000x64xf32, #tpu.memory_space<hbm>>
      tpu.wait_indirect_dma semaphore(%arg9 : memref<!tpu.dma_semaphore, #tpu.memory_space<semaphore_mem>>) src(%dma_wait3A_147 : memref<100000x64xf32, #tpu.memory_space<hbm>>) dst(%dma_wait3A_141 : memref<128x64xf32, #tpu.memory_space<vmem>>)
      %ge3A = arith.constant 2 : i32
      %ge3A_148 = arith.cmpi sge, %add3A_116, %ge3A : i32
      %convert_element_type3A_149 = arith.extui %ge3A_148 : i1 to i32
      %cond3A_150 = arith.constant 0 : i32
      %cond3A_151 = arith.cmpi ne, %convert_element_type3A_149, %cond3A_150 : i32
      scf.if %cond3A_151 {
        %dma_wait3A_1361 = arith.constant 0 : i32
        %dma_wait3A_1362 = arith.constant 0 : i32
        %dma_wait3A_1363 = arith.constant 0 : i32
        %dma_wait3A_1364 = arith.constant 0 : i32
        %dma_wait3A_1365 = tpu.memref_slice %arg4[%dma_wait3A_1362, %dma_wait3A_1363, %dma_wait3A_1364] : memref<16x64x50176xf32, #tpu.memory_space<hbm>> -> memref<1x64x256xf32, #tpu.memory_space<hbm>>
        %dma_wait3A_1366 = tpu.memref_squeeze %dma_wait3A_1365 : memref<1x64x256xf32, #tpu.memory_space<hbm>> -> memref<64x256xf32, #tpu.memory_space<hbm>>
        %dma_wait3A_1367 = arith.constant 0 : i32
        %dma_wait3A_1368 = arith.constant 0 : i32
        %dma_wait3A_1369 = tpu.memref_slice %arg4[%dma_wait3A_1361, %dma_wait3A_1367, %dma_wait3A_1368] : memref<16x64x50176xf32, #tpu.memory_space<hbm>> -> memref<1x64x256xf32, #tpu.memory_space<hbm>>
        %dma_wait3A_1370 = tpu.memref_squeeze %dma_wait3A_1369 : memref<1x64x256xf32, #tpu.memory_space<hbm>> -> memref<64x256xf32, #tpu.memory_space<hbm>>
        tpu.wait_dma2 semaphore(%arg13 : memref<!tpu.dma_semaphore, #tpu.memory_space<semaphore_mem>>) src(%dma_wait3A_1370 : memref<64x256xf32, #tpu.memory_space<hbm>>) dst(%dma_wait3A_1366 : memref<64x256xf32, #tpu.memory_space<hbm>>)
      } else {
      }
      %parallel_loop3A = arith.constant 0 : i32
      %parallel_loop3A_152 = arith.constant 256 : i32
      %parallel_loop3A_153 = arith.constant 1 : i32
      scf.for %parallel_loop3A_1361 = %parallel_loop3A to %parallel_loop3A_152 step %parallel_loop3A_153  : i32 {
        %parallel_loop3A_1362 = vector.broadcast %parallel_loop3A_1361 : i32 to vector<16xi32>
        %parallel_loop3A_1363 = arith.constant 0 : i32
        %parallel_loop3A_1364 = arith.index_cast %parallel_loop3A_1363 : i32 to index
        %parallel_loop3A_1365 = arith.index_cast %parallel_loop3A_1361 : i32 to index
        %parallel_loop3A_1366 = arith.constant 0 : index
        %parallel_loop3A_1367 = tpu.vector_load %arg6[%parallel_loop3A_1364, %parallel_loop3A_1365, %parallel_loop3A_1366] {strides = array<i32>} : memref<2x256x64xf32, #tpu.memory_space<vmem>>, vector<16xf32>,
        %parallel_loop3A_1368 = arith.addi %mul3A_41, %parallel_loop3A_1362 : vector<16xi32>
        tpu.vector_store_idx %arg7[%parallel_loop3A_1368], %parallel_loop3A_1367 : memref<16896xf32, #tpu.memory_space<vmem>>[vector<16xi32>], vector<16xf32>,
        %parallel_loop3A_1369 = arith.constant 0 : i32
        %parallel_loop3A_1370 = arith.index_cast %parallel_loop3A_1369 : i32 to index
        %parallel_loop3A_1371 = arith.index_cast %parallel_loop3A_1361 : i32 to index
        %parallel_loop3A_1372 = arith.constant 16 : index
        %parallel_loop3A_1373 = tpu.vector_load %arg6[%parallel_loop3A_1370, %parallel_loop3A_1371, %parallel_loop3A_1372] {strides = array<i32>} : memref<2x256x64xf32, #tpu.memory_space<vmem>>, vector<16xf32>,
        %parallel_loop3A_1374 = arith.addi %mul3A_47, %parallel_loop3A_1362 : vector<16xi32>
        tpu.vector_store_idx %arg7[%parallel_loop3A_1374], %parallel_loop3A_1373 : memref<16896xf32, #tpu.memory_space<vmem>>[vector<16xi32>], vector<16xf32>,
        %parallel_loop3A_1375 = arith.constant 0 : i32
        %parallel_loop3A_1376 = arith.index_cast %parallel_loop3A_1375 : i32 to index
        %parallel_loop3A_1377 = arith.index_cast %parallel_loop3A_1361 : i32 to index
        %parallel_loop3A_1378 = arith.constant 32 : index
        %parallel_loop3A_1379 = tpu.vector_load %arg6[%parallel_loop3A_1376, %parallel_loop3A_1377, %parallel_loop3A_1378] {strides = array<i32>} : memref<2x256x64xf32, #tpu.memory_space<vmem>>, vector<16xf32>,
        %parallel_loop3A_1380 = arith.addi %mul3A_53, %parallel_loop3A_1362 : vector<16xi32>
        tpu.vector_store_idx %arg7[%parallel_loop3A_1380], %parallel_loop3A_1379 : memref<16896xf32, #tpu.memory_space<vmem>>[vector<16xi32>], vector<16xf32>,
        %parallel_loop3A_1381 = arith.constant 0 : i32
        %parallel_loop3A_1382 = arith.index_cast %parallel_loop3A_1381 : i32 to index
        %parallel_loop3A_1383 = arith.index_cast %parallel_loop3A_1361 : i32 to index
        %parallel_loop3A_1384 = arith.constant 48 : index
        %parallel_loop3A_1385 = tpu.vector_load %arg6[%parallel_loop3A_1382, %parallel_loop3A_1383, %parallel_loop3A_1384] {strides = array<i32>} : memref<2x256x64xf32, #tpu.memory_space<vmem>>, vector<16xf32>,
        %parallel_loop3A_1386 = arith.addi %mul3A_59, %parallel_loop3A_1362 : vector<16xi32>
        tpu.vector_store_idx %arg7[%parallel_loop3A_1386], %parallel_loop3A_1385 : memref<16896xf32, #tpu.memory_space<vmem>>[vector<16xi32>], vector<16xf32>,
      } {sc.loop_unroll_factor = 16 : i64, sc.parallel_access}
      %mul3A_154 = arith.constant 98 : i32
      %mul3A_155 = arith.muli %select_n3A_30, %mul3A_154 : i32
      %add3A_156 = arith.addi %mul3A_155, %add3A_116 : i32
      %mul3A_157 = arith.constant 256 : i32
      %mul3A_158 = arith.muli %add3A_156, %mul3A_157 : i32
      %dma_start3A_159 = arith.constant 0 : i32
      %dma_start3A_160 = arith.constant 0 : i32
      %dma_start3A_161 = tpu.memref_slice %arg7[%dma_start3A_160] : memref<16896xf32, #tpu.memory_space<vmem>> -> memref<256xf32, #tpu.memory_space<vmem>>
      %dma_start3A_162 = tpu.memref_slice %arg4[%select_n3A, %dma_start3A_159, %mul3A_158] : memref<16x64x50176xf32, #tpu.memory_space<hbm>> -> memref<1x1x256xf32, #tpu.memory_space<hbm>>
      %dma_start3A_163 = tpu.memref_squeeze %dma_start3A_162 : memref<1x1x256xf32, #tpu.memory_space<hbm>> -> memref<256xf32, #tpu.memory_space<hbm>>
      %dma_start3A_164 = tpu.memref_slice %arg4[%select_n3A, %dma_start3A_159, %mul3A_158] : memref<16x64x50176xf32, #tpu.memory_space<hbm>> -> memref<1x1x256xf32, #tpu.memory_space<hbm>>
      %dma_start3A_165 = tpu.memref_squeeze %dma_start3A_164 : memref<1x1x256xf32, #tpu.memory_space<hbm>> -> memref<256xf32, #tpu.memory_space<hbm>>
      %dma_start3A_166 = arith.constant 0 : i32
      %dma_start3A_167 = tpu.memref_slice %arg7[%dma_start3A_166] : memref<16896xf32, #tpu.memory_space<vmem>> -> memref<256xf32, #tpu.memory_space<vmem>>
      tpu.enqueue_dma source(%dma_start3A_167 : memref<256xf32, #tpu.memory_space<vmem>>) target(%dma_start3A_165 : memref<256xf32, #tpu.memory_space<hbm>>) target_semaphore(%arg13 : memref<!tpu.dma_semaphore, #tpu.memory_space<semaphore_mem>>)
      %dma_start3A_168 = arith.constant 1 : i32
      %dma_start3A_169 = arith.constant 264 : i32
      %dma_start3A_170 = tpu.memref_slice %arg7[%dma_start3A_169] : memref<16896xf32, #tpu.memory_space<vmem>> -> memref<256xf32, #tpu.memory_space<vmem>>
      %dma_start3A_171 = tpu.memref_slice %arg4[%select_n3A, %dma_start3A_168, %mul3A_158] : memref<16x64x50176xf32, #tpu.memory_space<hbm>> -> memref<1x1x256xf32, #tpu.memory_space<hbm>>
      %dma_start3A_172 = tpu.memref_squeeze %dma_start3A_171 : memref<1x1x256xf32, #tpu.memory_space<hbm>> -> memref<256xf32, #tpu.memory_space<hbm>>
      %dma_start3A_173 = tpu.memref_slice %arg4[%select_n3A, %dma_start3A_168, %mul3A_158] : memref<16x64x50176xf32, #tpu.memory_space<hbm>> -> memref<1x1x256xf32, #tpu.memory_space<hbm>>
      %dma_start3A_174 = tpu.memref_squeeze %dma_start3A_173 : memref<1x1x256xf32, #tpu.memory_space<hbm>> -> memref<256xf32, #tpu.memory_space<hbm>>
      %dma_start3A_175 = arith.constant 264 : i32
      %dma_start3A_176 = tpu.memref_slice %arg7[%dma_start3A_175] : memref<16896xf32, #tpu.memory_space<vmem>> -> memref<256xf32, #tpu.memory_space<vmem>>
      tpu.enqueue_dma source(%dma_start3A_176 : memref<256xf32, #tpu.memory_space<vmem>>) target(%dma_start3A_174 : memref<256xf32, #tpu.memory_space<hbm>>) target_semaphore(%arg13 : memref<!tpu.dma_semaphore, #tpu.memory_space<semaphore_mem>>)
      %dma_start3A_177 = arith.constant 2 : i32
      %dma_start3A_178 = arith.constant 528 : i32
      %dma_start3A_179 = tpu.memref_slice %arg7[%dma_start3A_178] : memref<16896xf32, #tpu.memory_space<vmem>> -> memref<256xf32, #tpu.memory_space<vmem>>
      %dma_start3A_180 = tpu.memref_slice %arg4[%select_n3A, %dma_start3A_177, %mul3A_158] : memref<16x64x50176xf32, #tpu.memory_space<hbm>> -> memref<1x1x256xf32, #tpu.memory_space<hbm>>
      %dma_start3A_181 = tpu.memref_squeeze %dma_start3A_180 : memref<1x1x256xf32, #tpu.memory_space<hbm>> -> memref<256xf32, #tpu.memory_space<hbm>>
      %dma_start3A_182 = tpu.memref_slice %arg4[%select_n3A, %dma_start3A_177, %mul3A_158] : memref<16x64x50176xf32, #tpu.memory_space<hbm>> -> memref<1x1x256xf32, #tpu.memory_space<hbm>>
      %dma_start3A_183 = tpu.memref_squeeze %dma_start3A_182 : memref<1x1x256xf32, #tpu.memory_space<hbm>> -> memref<256xf32, #tpu.memory_space<hbm>>
      %dma_start3A_184 = arith.constant 528 : i32
      %dma_start3A_185 = tpu.memref_slice %arg7[%dma_start3A_184] : memref<16896xf32, #tpu.memory_space<vmem>> -> memref<256xf32, #tpu.memory_space<vmem>>
      tpu.enqueue_dma source(%dma_start3A_185 : memref<256xf32, #tpu.memory_space<vmem>>) target(%dma_start3A_183 : memref<256xf32, #tpu.memory_space<hbm>>) target_semaphore(%arg13 : memref<!tpu.dma_semaphore, #tpu.memory_space<semaphore_mem>>)
      %dma_start3A_186 = arith.constant 3 : i32
      %dma_start3A_187 = arith.constant 792 : i32
      %dma_start3A_188 = tpu.memref_slice %arg7[%dma_start3A_187] : memref<16896xf32, #tpu.memory_space<vmem>> -> memref<256xf32, #tpu.memory_space<vmem>>
      %dma_start3A_189 = tpu.memref_slice %arg4[%select_n3A, %dma_start3A_186, %mul3A_158] : memref<16x64x50176xf32, #tpu.memory_space<hbm>> -> memref<1x1x256xf32, #tpu.memory_space<hbm>>
      %dma_start3A_190 = tpu.memref_squeeze %dma_start3A_189 : memref<1x1x256xf32, #tpu.memory_space<hbm>> -> memref<256xf32, #tpu.memory_space<hbm>>
      %dma_start3A_191 = tpu.memref_slice %arg4[%select_n3A, %dma_start3A_186, %mul3A_158] : memref<16x64x50176xf32, #tpu.memory_space<hbm>> -> memref<1x1x256xf32, #tpu.memory_space<hbm>>
      %dma_start3A_192 = tpu.memref_squeeze %dma_start3A_191 : memref<1x1x256xf32, #tpu.memory_space<hbm>> -> memref<256xf32, #tpu.memory_space<hbm>>
      %dma_start3A_193 = arith.constant 792 : i32
      %dma_start3A_194 = tpu.memref_slice %arg7[%dma_start3A_193] : memref<16896xf32, #tpu.memory_space<vmem>> -> memref<256xf32, #tpu.memory_space<vmem>>
      tpu.enqueue_dma source(%dma_start3A_194 : memref<256xf32, #tpu.memory_space<vmem>>) target(%dma_start3A_192 : memref<256xf32, #tpu.memory_space<hbm>>) target_semaphore(%arg13 : memref<!tpu.dma_semaphore, #tpu.memory_space<semaphore_mem>>)
      %dma_start3A_195 = arith.constant 4 : i32
      %dma_start3A_196 = arith.constant 1056 : i32
      %dma_start3A_197 = tpu.memref_slice %arg7[%dma_start3A_196] : memref<16896xf32, #tpu.memory_space<vmem>> -> memref<256xf32, #tpu.memory_space<vmem>>
      %dma_start3A_198 = tpu.memref_slice %arg4[%select_n3A, %dma_start3A_195, %mul3A_158] : memref<16x64x50176xf32, #tpu.memory_space<hbm>> -> memref<1x1x256xf32, #tpu.memory_space<hbm>>
      %dma_start3A_199 = tpu.memref_squeeze %dma_start3A_198 : memref<1x1x256xf32, #tpu.memory_space<hbm>> -> memref<256xf32, #tpu.memory_space<hbm>>
      %dma_start3A_200 = tpu.memref_slice %arg4[%select_n3A, %dma_start3A_195, %mul3A_158] : memref<16x64x50176xf32, #tpu.memory_space<hbm>> -> memref<1x1x256xf32, #tpu.memory_space<hbm>>
      %dma_start3A_201 = tpu.memref_squeeze %dma_start3A_200 : memref<1x1x256xf32, #tpu.memory_space<hbm>> -> memref<256xf32, #tpu.memory_space<hbm>>
      %dma_start3A_202 = arith.constant 1056 : i32
      %dma_start3A_203 = tpu.memref_slice %arg7[%dma_start3A_202] : memref<16896xf32, #tpu.memory_space<vmem>> -> memref<256xf32, #tpu.memory_space<vmem>>
      tpu.enqueue_dma source(%dma_start3A_203 : memref<256xf32, #tpu.memory_space<vmem>>) target(%dma_start3A_201 : memref<256xf32, #tpu.memory_space<hbm>>) target_semaphore(%arg13 : memref<!tpu.dma_semaphore, #tpu.memory_space<semaphore_mem>>)
      %dma_start3A_204 = arith.constant 5 : i32
      %dma_start3A_205 = arith.constant 1320 : i32
      %dma_start3A_206 = tpu.memref_slice %arg7[%dma_start3A_205] : memref<16896xf32, #tpu.memory_space<vmem>> -> memref<256xf32, #tpu.memory_space<vmem>>
      %dma_start3A_207 = tpu.memref_slice %arg4[%select_n3A, %dma_start3A_204, %mul3A_158] : memref<16x64x50176xf32, #tpu.memory_space<hbm>> -> memref<1x1x256xf32, #tpu.memory_space<hbm>>
      %dma_start3A_208 = tpu.memref_squeeze %dma_start3A_207 : memref<1x1x256xf32, #tpu.memory_space<hbm>> -> memref<256xf32, #tpu.memory_space<hbm>>
      %dma_start3A_209 = tpu.memref_slice %arg4[%select_n3A, %dma_start3A_204, %mul3A_158] : memref<16x64x50176xf32, #tpu.memory_space<hbm>> -> memref<1x1x256xf32, #tpu.memory_space<hbm>>
      %dma_start3A_210 = tpu.memref_squeeze %dma_start3A_209 : memref<1x1x256xf32, #tpu.memory_space<hbm>> -> memref<256xf32, #tpu.memory_space<hbm>>
      %dma_start3A_211 = arith.constant 1320 : i32
      %dma_start3A_212 = tpu.memref_slice %arg7[%dma_start3A_211] : memref<16896xf32, #tpu.memory_space<vmem>> -> memref<256xf32, #tpu.memory_space<vmem>>
      tpu.enqueue_dma source(%dma_start3A_212 : memref<256xf32, #tpu.memory_space<vmem>>) target(%dma_start3A_210 : memref<256xf32, #tpu.memory_space<hbm>>) target_semaphore(%arg13 : memref<!tpu.dma_semaphore, #tpu.memory_space<semaphore_mem>>)
      %dma_start3A_213 = arith.constant 6 : i32
      %dma_start3A_214 = arith.constant 1584 : i32
      %dma_start3A_215 = tpu.memref_slice %arg7[%dma_start3A_214] : memref<16896xf32, #tpu.memory_space<vmem>> -> memref<256xf32, #tpu.memory_space<vmem>>
      %dma_start3A_216 = tpu.memref_slice %arg4[%select_n3A, %dma_start3A_213, %mul3A_158] : memref<16x64x50176xf32, #tpu.memory_space<hbm>> -> memref<1x1x256xf32, #tpu.memory_space<hbm>>
      %dma_start3A_217 = tpu.memref_squeeze %dma_start3A_216 : memref<1x1x256xf32, #tpu.memory_space<hbm>> -> memref<256xf32, #tpu.memory_space<hbm>>
      %dma_start3A_218 = tpu.memref_slice %arg4[%select_n3A, %dma_start3A_213, %mul3A_158] : memref<16x64x50176xf32, #tpu.memory_space<hbm>> -> memref<1x1x256xf32, #tpu.memory_space<hbm>>
      %dma_start3A_219 = tpu.memref_squeeze %dma_start3A_218 : memref<1x1x256xf32, #tpu.memory_space<hbm>> -> memref<256xf32, #tpu.memory_space<hbm>>
      %dma_start3A_220 = arith.constant 1584 : i32
      %dma_start3A_221 = tpu.memref_slice %arg7[%dma_start3A_220] : memref<16896xf32, #tpu.memory_space<vmem>> -> memref<256xf32, #tpu.memory_space<vmem>>
      tpu.enqueue_dma source(%dma_start3A_221 : memref<256xf32, #tpu.memory_space<vmem>>) target(%dma_start3A_219 : memref<256xf32, #tpu.memory_space<hbm>>) target_semaphore(%arg13 : memref<!tpu.dma_semaphore, #tpu.memory_space<semaphore_mem>>)
      %dma_start3A_222 = arith.constant 7 : i32
      %dma_start3A_223 = arith.constant 1848 : i32
      %dma_start3A_224 = tpu.memref_slice %arg7[%dma_start3A_223] : memref<16896xf32, #tpu.memory_space<vmem>> -> memref<256xf32, #tpu.memory_space<vmem>>
      %dma_start3A_225 = tpu.memref_slice %arg4[%select_n3A, %dma_start3A_222, %mul3A_158] : memref<16x64x50176xf32, #tpu.memory_space<hbm>> -> memref<1x1x256xf32, #tpu.memory_space<hbm>>
      %dma_start3A_226 = tpu.memref_squeeze %dma_start3A_225 : memref<1x1x256xf32, #tpu.memory_space<hbm>> -> memref<256xf32, #tpu.memory_space<hbm>>
      %dma_start3A_227 = tpu.memref_slice %arg4[%select_n3A, %dma_start3A_222, %mul3A_158] : memref<16x64x50176xf32, #tpu.memory_space<hbm>> -> memref<1x1x256xf32, #tpu.memory_space<hbm>>
      %dma_start3A_228 = tpu.memref_squeeze %dma_start3A_227 : memref<1x1x256xf32, #tpu.memory_space<hbm>> -> memref<256xf32, #tpu.memory_space<hbm>>
      %dma_start3A_229 = arith.constant 1848 : i32
      %dma_start3A_230 = tpu.memref_slice %arg7[%dma_start3A_229] : memref<16896xf32, #tpu.memory_space<vmem>> -> memref<256xf32, #tpu.memory_space<vmem>>
      tpu.enqueue_dma source(%dma_start3A_230 : memref<256xf32, #tpu.memory_space<vmem>>) target(%dma_start3A_228 : memref<256xf32, #tpu.memory_space<hbm>>) target_semaphore(%arg13 : memref<!tpu.dma_semaphore, #tpu.memory_space<semaphore_mem>>)
      %dma_start3A_231 = arith.constant 8 : i32
      %dma_start3A_232 = arith.constant 2112 : i32
      %dma_start3A_233 = tpu.memref_slice %arg7[%dma_start3A_232] : memref<16896xf32, #tpu.memory_space<vmem>> -> memref<256xf32, #tpu.memory_space<vmem>>
      %dma_start3A_234 = tpu.memref_slice %arg4[%select_n3A, %dma_start3A_231, %mul3A_158] : memref<16x64x50176xf32, #tpu.memory_space<hbm>> -> memref<1x1x256xf32, #tpu.memory_space<hbm>>
      %dma_start3A_235 = tpu.memref_squeeze %dma_start3A_234 : memref<1x1x256xf32, #tpu.memory_space<hbm>> -> memref<256xf32, #tpu.memory_space<hbm>>
      %dma_start3A_236 = tpu.memref_slice %arg4[%select_n3A, %dma_start3A_231, %mul3A_158] : memref<16x64x50176xf32, #tpu.memory_space<hbm>> -> memref<1x1x256xf32, #tpu.memory_space<hbm>>
      %dma_start3A_237 = tpu.memref_squeeze %dma_start3A_236 : memref<1x1x256xf32, #tpu.memory_space<hbm>> -> memref<256xf32, #tpu.memory_space<hbm>>
      %dma_start3A_238 = arith.constant 2112 : i32
      %dma_start3A_239 = tpu.memref_slice %arg7[%dma_start3A_238] : memref<16896xf32, #tpu.memory_space<vmem>> -> memref<256xf32, #tpu.memory_space<vmem>>
      tpu.enqueue_dma source(%dma_start3A_239 : memref<256xf32, #tpu.memory_space<vmem>>) target(%dma_start3A_237 : memref<256xf32, #tpu.memory_space<hbm>>) target_semaphore(%arg13 : memref<!tpu.dma_semaphore, #tpu.memory_space<semaphore_mem>>)
      %dma_start3A_240 = arith.constant 9 : i32
      %dma_start3A_241 = arith.constant 2376 : i32
      %dma_start3A_242 = tpu.memref_slice %arg7[%dma_start3A_241] : memref<16896xf32, #tpu.memory_space<vmem>> -> memref<256xf32, #tpu.memory_space<vmem>>
      %dma_start3A_243 = tpu.memref_slice %arg4[%select_n3A, %dma_start3A_240, %mul3A_158] : memref<16x64x50176xf32, #tpu.memory_space<hbm>> -> memref<1x1x256xf32, #tpu.memory_space<hbm>>
      %dma_start3A_244 = tpu.memref_squeeze %dma_start3A_243 : memref<1x1x256xf32, #tpu.memory_space<hbm>> -> memref<256xf32, #tpu.memory_space<hbm>>
      %dma_start3A_245 = tpu.memref_slice %arg4[%select_n3A, %dma_start3A_240, %mul3A_158] : memref<16x64x50176xf32, #tpu.memory_space<hbm>> -> memref<1x1x256xf32, #tpu.memory_space<hbm>>
      %dma_start3A_246 = tpu.memref_squeeze %dma_start3A_245 : memref<1x1x256xf32, #tpu.memory_space<hbm>> -> memref<256xf32, #tpu.memory_space<hbm>>
      %dma_start3A_247 = arith.constant 2376 : i32
      %dma_start3A_248 = tpu.memref_slice %arg7[%dma_start3A_247] : memref<16896xf32, #tpu.memory_space<vmem>> -> memref<256xf32, #tpu.memory_space<vmem>>
      tpu.enqueue_dma source(%dma_start3A_248 : memref<256xf32, #tpu.memory_space<vmem>>) target(%dma_start3A_246 : memref<256xf32, #tpu.memory_space<hbm>>) target_semaphore(%arg13 : memref<!tpu.dma_semaphore, #tpu.memory_space<semaphore_mem>>)
      %dma_start3A_249 = arith.constant 10 : i32
      %dma_start3A_250 = arith.constant 2640 : i32
      %dma_start3A_251 = tpu.memref_slice %arg7[%dma_start3A_250] : memref<16896xf32, #tpu.memory_space<vmem>> -> memref<256xf32, #tpu.memory_space<vmem>>
      %dma_start3A_252 = tpu.memref_slice %arg4[%select_n3A, %dma_start3A_249, %mul3A_158] : memref<16x64x50176xf32, #tpu.memory_space<hbm>> -> memref<1x1x256xf32, #tpu.memory_space<hbm>>
      %dma_start3A_253 = tpu.memref_squeeze %dma_start3A_252 : memref<1x1x256xf32, #tpu.memory_space<hbm>> -> memref<256xf32, #tpu.memory_space<hbm>>
      %dma_start3A_254 = tpu.memref_slice %arg4[%select_n3A, %dma_start3A_249, %mul3A_158] : memref<16x64x50176xf32, #tpu.memory_space<hbm>> -> memref<1x1x256xf32, #tpu.memory_space<hbm>>
      %dma_start3A_255 = tpu.memref_squeeze %dma_start3A_254 : memref<1x1x256xf32, #tpu.memory_space<hbm>> -> memref<256xf32, #tpu.memory_space<hbm>>
      %dma_start3A_256 = arith.constant 2640 : i32
      %dma_start3A_257 = tpu.memref_slice %arg7[%dma_start3A_256] : memref<16896xf32, #tpu.memory_space<vmem>> -> memref<256xf32, #tpu.memory_space<vmem>>
      tpu.enqueue_dma source(%dma_start3A_257 : memref<256xf32, #tpu.memory_space<vmem>>) target(%dma_start3A_255 : memref<256xf32, #tpu.memory_space<hbm>>) target_semaphore(%arg13 : memref<!tpu.dma_semaphore, #tpu.memory_space<semaphore_mem>>)
      %dma_start3A_258 = arith.constant 11 : i32
      %dma_start3A_259 = arith.constant 2904 : i32
      %dma_start3A_260 = tpu.memref_slice %arg7[%dma_start3A_259] : memref<16896xf32, #tpu.memory_space<vmem>> -> memref<256xf32, #tpu.memory_space<vmem>>
      %dma_start3A_261 = tpu.memref_slice %arg4[%select_n3A, %dma_start3A_258, %mul3A_158] : memref<16x64x50176xf32, #tpu.memory_space<hbm>> -> memref<1x1x256xf32, #tpu.memory_space<hbm>>
      %dma_start3A_262 = tpu.memref_squeeze %dma_start3A_261 : memref<1x1x256xf32, #tpu.memory_space<hbm>> -> memref<256xf32, #tpu.memory_space<hbm>>
      %dma_start3A_263 = tpu.memref_slice %arg4[%select_n3A, %dma_start3A_258, %mul3A_158] : memref<16x64x50176xf32, #tpu.memory_space<hbm>> -> memref<1x1x256xf32, #tpu.memory_space<hbm>>
      %dma_start3A_264 = tpu.memref_squeeze %dma_start3A_263 : memref<1x1x256xf32, #tpu.memory_space<hbm>> -> memref<256xf32, #tpu.memory_space<hbm>>
      %dma_start3A_265 = arith.constant 2904 : i32
      %dma_start3A_266 = tpu.memref_slice %arg7[%dma_start3A_265] : memref<16896xf32, #tpu.memory_space<vmem>> -> memref<256xf32, #tpu.memory_space<vmem>>
      tpu.enqueue_dma source(%dma_start3A_266 : memref<256xf32, #tpu.memory_space<vmem>>) target(%dma_start3A_264 : memref<256xf32, #tpu.memory_space<hbm>>) target_semaphore(%arg13 : memref<!tpu.dma_semaphore, #tpu.memory_space<semaphore_mem>>)
      %dma_start3A_267 = arith.constant 12 : i32
      %dma_start3A_268 = arith.constant 3168 : i32
      %dma_start3A_269 = tpu.memref_slice %arg7[%dma_start3A_268] : memref<16896xf32, #tpu.memory_space<vmem>> -> memref<256xf32, #tpu.memory_space<vmem>>
      %dma_start3A_270 = tpu.memref_slice %arg4[%select_n3A, %dma_start3A_267, %mul3A_158] : memref<16x64x50176xf32, #tpu.memory_space<hbm>> -> memref<1x1x256xf32, #tpu.memory_space<hbm>>
      %dma_start3A_271 = tpu.memref_squeeze %dma_start3A_270 : memref<1x1x256xf32, #tpu.memory_space<hbm>> -> memref<256xf32, #tpu.memory_space<hbm>>
      %dma_start3A_272 = tpu.memref_slice %arg4[%select_n3A, %dma_start3A_267, %mul3A_158] : memref<16x64x50176xf32, #tpu.memory_space<hbm>> -> memref<1x1x256xf32, #tpu.memory_space<hbm>>
      %dma_start3A_273 = tpu.memref_squeeze %dma_start3A_272 : memref<1x1x256xf32, #tpu.memory_space<hbm>> -> memref<256xf32, #tpu.memory_space<hbm>>
      %dma_start3A_274 = arith.constant 3168 : i32
      %dma_start3A_275 = tpu.memref_slice %arg7[%dma_start3A_274] : memref<16896xf32, #tpu.memory_space<vmem>> -> memref<256xf32, #tpu.memory_space<vmem>>
      tpu.enqueue_dma source(%dma_start3A_275 : memref<256xf32, #tpu.memory_space<vmem>>) target(%dma_start3A_273 : memref<256xf32, #tpu.memory_space<hbm>>) target_semaphore(%arg13 : memref<!tpu.dma_semaphore, #tpu.memory_space<semaphore_mem>>)
      %dma_start3A_276 = arith.constant 13 : i32
      %dma_start3A_277 = arith.constant 3432 : i32
      %dma_start3A_278 = tpu.memref_slice %arg7[%dma_start3A_277] : memref<16896xf32, #tpu.memory_space<vmem>> -> memref<256xf32, #tpu.memory_space<vmem>>
      %dma_start3A_279 = tpu.memref_slice %arg4[%select_n3A, %dma_start3A_276, %mul3A_158] : memref<16x64x50176xf32, #tpu.memory_space<hbm>> -> memref<1x1x256xf32, #tpu.memory_space<hbm>>
      %dma_start3A_280 = tpu.memref_squeeze %dma_start3A_279 : memref<1x1x256xf32, #tpu.memory_space<hbm>> -> memref<256xf32, #tpu.memory_space<hbm>>
      %dma_start3A_281 = tpu.memref_slice %arg4[%select_n3A, %dma_start3A_276, %mul3A_158] : memref<16x64x50176xf32, #tpu.memory_space<hbm>> -> memref<1x1x256xf32, #tpu.memory_space<hbm>>
      %dma_start3A_282 = tpu.memref_squeeze %dma_start3A_281 : memref<1x1x256xf32, #tpu.memory_space<hbm>> -> memref<256xf32, #tpu.memory_space<hbm>>
      %dma_start3A_283 = arith.constant 3432 : i32
      %dma_start3A_284 = tpu.memref_slice %arg7[%dma_start3A_283] : memref<16896xf32, #tpu.memory_space<vmem>> -> memref<256xf32, #tpu.memory_space<vmem>>
      tpu.enqueue_dma source(%dma_start3A_284 : memref<256xf32, #tpu.memory_space<vmem>>) target(%dma_start3A_282 : memref<256xf32, #tpu.memory_space<hbm>>) target_semaphore(%arg13 : memref<!tpu.dma_semaphore, #tpu.memory_space<semaphore_mem>>)
      %dma_start3A_285 = arith.constant 14 : i32
      %dma_start3A_286 = arith.constant 3696 : i32
      %dma_start3A_287 = tpu.memref_slice %arg7[%dma_start3A_286] : memref<16896xf32, #tpu.memory_space<vmem>> -> memref<256xf32, #tpu.memory_space<vmem>>
      %dma_start3A_288 = tpu.memref_slice %arg4[%select_n3A, %dma_start3A_285, %mul3A_158] : memref<16x64x50176xf32, #tpu.memory_space<hbm>> -> memref<1x1x256xf32, #tpu.memory_space<hbm>>
      %dma_start3A_289 = tpu.memref_squeeze %dma_start3A_288 : memref<1x1x256xf32, #tpu.memory_space<hbm>> -> memref<256xf32, #tpu.memory_space<hbm>>
      %dma_start3A_290 = tpu.memref_slice %arg4[%select_n3A, %dma_start3A_285, %mul3A_158] : memref<16x64x50176xf32, #tpu.memory_space<hbm>> -> memref<1x1x256xf32, #tpu.memory_space<hbm>>
      %dma_start3A_291 = tpu.memref_squeeze %dma_start3A_290 : memref<1x1x256xf32, #tpu.memory_space<hbm>> -> memref<256xf32, #tpu.memory_space<hbm>>
      %dma_start3A_292 = arith.constant 3696 : i32
      %dma_start3A_293 = tpu.memref_slice %arg7[%dma_start3A_292] : memref<16896xf32, #tpu.memory_space<vmem>> -> memref<256xf32, #tpu.memory_space<vmem>>
      tpu.enqueue_dma source(%dma_start3A_293 : memref<256xf32, #tpu.memory_space<vmem>>) target(%dma_start3A_291 : memref<256xf32, #tpu.memory_space<hbm>>) target_semaphore(%arg13 : memref<!tpu.dma_semaphore, #tpu.memory_space<semaphore_mem>>)
      %dma_start3A_294 = arith.constant 15 : i32
      %dma_start3A_295 = arith.constant 3960 : i32
      %dma_start3A_296 = tpu.memref_slice %arg7[%dma_start3A_295] : memref<16896xf32, #tpu.memory_space<vmem>> -> memref<256xf32, #tpu.memory_space<vmem>>
      %dma_start3A_297 = tpu.memref_slice %arg4[%select_n3A, %dma_start3A_294, %mul3A_158] : memref<16x64x50176xf32, #tpu.memory_space<hbm>> -> memref<1x1x256xf32, #tpu.memory_space<hbm>>
      %dma_start3A_298 = tpu.memref_squeeze %dma_start3A_297 : memref<1x1x256xf32, #tpu.memory_space<hbm>> -> memref<256xf32, #tpu.memory_space<hbm>>
      %dma_start3A_299 = tpu.memref_slice %arg4[%select_n3A, %dma_start3A_294, %mul3A_158] : memref<16x64x50176xf32, #tpu.memory_space<hbm>> -> memref<1x1x256xf32, #tpu.memory_space<hbm>>
      %dma_start3A_300 = tpu.memref_squeeze %dma_start3A_299 : memref<1x1x256xf32, #tpu.memory_space<hbm>> -> memref<256xf32, #tpu.memory_space<hbm>>
      %dma_start3A_301 = arith.constant 3960 : i32
      %dma_start3A_302 = tpu.memref_slice %arg7[%dma_start3A_301] : memref<16896xf32, #tpu.memory_space<vmem>> -> memref<256xf32, #tpu.memory_space<vmem>>
      tpu.enqueue_dma source(%dma_start3A_302 : memref<256xf32, #tpu.memory_space<vmem>>) target(%dma_start3A_300 : memref<256xf32, #tpu.memory_space<hbm>>) target_semaphore(%arg13 : memref<!tpu.dma_semaphore, #tpu.memory_space<semaphore_mem>>)
      %dma_start3A_303 = arith.constant 16 : i32
      %dma_start3A_304 = arith.constant 4224 : i32
      %dma_start3A_305 = tpu.memref_slice %arg7[%dma_start3A_304] : memref<16896xf32, #tpu.memory_space<vmem>> -> memref<256xf32, #tpu.memory_space<vmem>>
      %dma_start3A_306 = tpu.memref_slice %arg4[%select_n3A, %dma_start3A_303, %mul3A_158] : memref<16x64x50176xf32, #tpu.memory_space<hbm>> -> memref<1x1x256xf32, #tpu.memory_space<hbm>>
      %dma_start3A_307 = tpu.memref_squeeze %dma_start3A_306 : memref<1x1x256xf32, #tpu.memory_space<hbm>> -> memref<256xf32, #tpu.memory_space<hbm>>
      %dma_start3A_308 = tpu.memref_slice %arg4[%select_n3A, %dma_start3A_303, %mul3A_158] : memref<16x64x50176xf32, #tpu.memory_space<hbm>> -> memref<1x1x256xf32, #tpu.memory_space<hbm>>
      %dma_start3A_309 = tpu.memref_squeeze %dma_start3A_308 : memref<1x1x256xf32, #tpu.memory_space<hbm>> -> memref<256xf32, #tpu.memory_space<hbm>>
      %dma_start3A_310 = arith.constant 4224 : i32
      %dma_start3A_311 = tpu.memref_slice %arg7[%dma_start3A_310] : memref<16896xf32, #tpu.memory_space<vmem>> -> memref<256xf32, #tpu.memory_space<vmem>>
      tpu.enqueue_dma source(%dma_start3A_311 : memref<256xf32, #tpu.memory_space<vmem>>) target(%dma_start3A_309 : memref<256xf32, #tpu.memory_space<hbm>>) target_semaphore(%arg13 : memref<!tpu.dma_semaphore, #tpu.memory_space<semaphore_mem>>)
      %dma_start3A_312 = arith.constant 17 : i32
      %dma_start3A_313 = arith.constant 4488 : i32
      %dma_start3A_314 = tpu.memref_slice %arg7[%dma_start3A_313] : memref<16896xf32, #tpu.memory_space<vmem>> -> memref<256xf32, #tpu.memory_space<vmem>>
      %dma_start3A_315 = tpu.memref_slice %arg4[%select_n3A, %dma_start3A_312, %mul3A_158] : memref<16x64x50176xf32, #tpu.memory_space<hbm>> -> memref<1x1x256xf32, #tpu.memory_space<hbm>>
      %dma_start3A_316 = tpu.memref_squeeze %dma_start3A_315 : memref<1x1x256xf32, #tpu.memory_space<hbm>> -> memref<256xf32, #tpu.memory_space<hbm>>
      %dma_start3A_317 = tpu.memref_slice %arg4[%select_n3A, %dma_start3A_312, %mul3A_158] : memref<16x64x50176xf32, #tpu.memory_space<hbm>> -> memref<1x1x256xf32, #tpu.memory_space<hbm>>
      %dma_start3A_318 = tpu.memref_squeeze %dma_start3A_317 : memref<1x1x256xf32, #tpu.memory_space<hbm>> -> memref<256xf32, #tpu.memory_space<hbm>>
      %dma_start3A_319 = arith.constant 4488 : i32
      %dma_start3A_320 = tpu.memref_slice %arg7[%dma_start3A_319] : memref<16896xf32, #tpu.memory_space<vmem>> -> memref<256xf32, #tpu.memory_space<vmem>>
      tpu.enqueue_dma source(%dma_start3A_320 : memref<256xf32, #tpu.memory_space<vmem>>) target(%dma_start3A_318 : memref<256xf32, #tpu.memory_space<hbm>>) target_semaphore(%arg13 : memref<!tpu.dma_semaphore, #tpu.memory_space<semaphore_mem>>)
      %dma_start3A_321 = arith.constant 18 : i32
      %dma_start3A_322 = arith.constant 4752 : i32
      %dma_start3A_323 = tpu.memref_slice %arg7[%dma_start3A_322] : memref<16896xf32, #tpu.memory_space<vmem>> -> memref<256xf32, #tpu.memory_space<vmem>>
      %dma_start3A_324 = tpu.memref_slice %arg4[%select_n3A, %dma_start3A_321, %mul3A_158] : memref<16x64x50176xf32, #tpu.memory_space<hbm>> -> memref<1x1x256xf32, #tpu.memory_space<hbm>>
      %dma_start3A_325 = tpu.memref_squeeze %dma_start3A_324 : memref<1x1x256xf32, #tpu.memory_space<hbm>> -> memref<256xf32, #tpu.memory_space<hbm>>
      %dma_start3A_326 = tpu.memref_slice %arg4[%select_n3A, %dma_start3A_321, %mul3A_158] : memref<16x64x50176xf32, #tpu.memory_space<hbm>> -> memref<1x1x256xf32, #tpu.memory_space<hbm>>
      %dma_start3A_327 = tpu.memref_squeeze %dma_start3A_326 : memref<1x1x256xf32, #tpu.memory_space<hbm>> -> memref<256xf32, #tpu.memory_space<hbm>>
      %dma_start3A_328 = arith.constant 4752 : i32
      %dma_start3A_329 = tpu.memref_slice %arg7[%dma_start3A_328] : memref<16896xf32, #tpu.memory_space<vmem>> -> memref<256xf32, #tpu.memory_space<vmem>>
      tpu.enqueue_dma source(%dma_start3A_329 : memref<256xf32, #tpu.memory_space<vmem>>) target(%dma_start3A_327 : memref<256xf32, #tpu.memory_space<hbm>>) target_semaphore(%arg13 : memref<!tpu.dma_semaphore, #tpu.memory_space<semaphore_mem>>)
      %dma_start3A_330 = arith.constant 19 : i32
      %dma_start3A_331 = arith.constant 5016 : i32
      %dma_start3A_332 = tpu.memref_slice %arg7[%dma_start3A_331] : memref<16896xf32, #tpu.memory_space<vmem>> -> memref<256xf32, #tpu.memory_space<vmem>>
      %dma_start3A_333 = tpu.memref_slice %arg4[%select_n3A, %dma_start3A_330, %mul3A_158] : memref<16x64x50176xf32, #tpu.memory_space<hbm>> -> memref<1x1x256xf32, #tpu.memory_space<hbm>>
      %dma_start3A_334 = tpu.memref_squeeze %dma_start3A_333 : memref<1x1x256xf32, #tpu.memory_space<hbm>> -> memref<256xf32, #tpu.memory_space<hbm>>
      %dma_start3A_335 = tpu.memref_slice %arg4[%select_n3A, %dma_start3A_330, %mul3A_158] : memref<16x64x50176xf32, #tpu.memory_space<hbm>> -> memref<1x1x256xf32, #tpu.memory_space<hbm>>
      %dma_start3A_336 = tpu.memref_squeeze %dma_start3A_335 : memref<1x1x256xf32, #tpu.memory_space<hbm>> -> memref<256xf32, #tpu.memory_space<hbm>>
      %dma_start3A_337 = arith.constant 5016 : i32
      %dma_start3A_338 = tpu.memref_slice %arg7[%dma_start3A_337] : memref<16896xf32, #tpu.memory_space<vmem>> -> memref<256xf32, #tpu.memory_space<vmem>>
      tpu.enqueue_dma source(%dma_start3A_338 : memref<256xf32, #tpu.memory_space<vmem>>) target(%dma_start3A_336 : memref<256xf32, #tpu.memory_space<hbm>>) target_semaphore(%arg13 : memref<!tpu.dma_semaphore, #tpu.memory_space<semaphore_mem>>)
      %dma_start3A_339 = arith.constant 20 : i32
      %dma_start3A_340 = arith.constant 5280 : i32
      %dma_start3A_341 = tpu.memref_slice %arg7[%dma_start3A_340] : memref<16896xf32, #tpu.memory_space<vmem>> -> memref<256xf32, #tpu.memory_space<vmem>>
      %dma_start3A_342 = tpu.memref_slice %arg4[%select_n3A, %dma_start3A_339, %mul3A_158] : memref<16x64x50176xf32, #tpu.memory_space<hbm>> -> memref<1x1x256xf32, #tpu.memory_space<hbm>>
      %dma_start3A_343 = tpu.memref_squeeze %dma_start3A_342 : memref<1x1x256xf32, #tpu.memory_space<hbm>> -> memref<256xf32, #tpu.memory_space<hbm>>
      %dma_start3A_344 = tpu.memref_slice %arg4[%select_n3A, %dma_start3A_339, %mul3A_158] : memref<16x64x50176xf32, #tpu.memory_space<hbm>> -> memref<1x1x256xf32, #tpu.memory_space<hbm>>
      %dma_start3A_345 = tpu.memref_squeeze %dma_start3A_344 : memref<1x1x256xf32, #tpu.memory_space<hbm>> -> memref<256xf32, #tpu.memory_space<hbm>>
      %dma_start3A_346 = arith.constant 5280 : i32
      %dma_start3A_347 = tpu.memref_slice %arg7[%dma_start3A_346] : memref<16896xf32, #tpu.memory_space<vmem>> -> memref<256xf32, #tpu.memory_space<vmem>>
      tpu.enqueue_dma source(%dma_start3A_347 : memref<256xf32, #tpu.memory_space<vmem>>) target(%dma_start3A_345 : memref<256xf32, #tpu.memory_space<hbm>>) target_semaphore(%arg13 : memref<!tpu.dma_semaphore, #tpu.memory_space<semaphore_mem>>)
      %dma_start3A_348 = arith.constant 21 : i32
      %dma_start3A_349 = arith.constant 5544 : i32
      %dma_start3A_350 = tpu.memref_slice %arg7[%dma_start3A_349] : memref<16896xf32, #tpu.memory_space<vmem>> -> memref<256xf32, #tpu.memory_space<vmem>>
      %dma_start3A_351 = tpu.memref_slice %arg4[%select_n3A, %dma_start3A_348, %mul3A_158] : memref<16x64x50176xf32, #tpu.memory_space<hbm>> -> memref<1x1x256xf32, #tpu.memory_space<hbm>>
      %dma_start3A_352 = tpu.memref_squeeze %dma_start3A_351 : memref<1x1x256xf32, #tpu.memory_space<hbm>> -> memref<256xf32, #tpu.memory_space<hbm>>
      %dma_start3A_353 = tpu.memref_slice %arg4[%select_n3A, %dma_start3A_348, %mul3A_158] : memref<16x64x50176xf32, #tpu.memory_space<hbm>> -> memref<1x1x256xf32, #tpu.memory_space<hbm>>
      %dma_start3A_354 = tpu.memref_squeeze %dma_start3A_353 : memref<1x1x256xf32, #tpu.memory_space<hbm>> -> memref<256xf32, #tpu.memory_space<hbm>>
      %dma_start3A_355 = arith.constant 5544 : i32
      %dma_start3A_356 = tpu.memref_slice %arg7[%dma_start3A_355] : memref<16896xf32, #tpu.memory_space<vmem>> -> memref<256xf32, #tpu.memory_space<vmem>>
      tpu.enqueue_dma source(%dma_start3A_356 : memref<256xf32, #tpu.memory_space<vmem>>) target(%dma_start3A_354 : memref<256xf32, #tpu.memory_space<hbm>>) target_semaphore(%arg13 : memref<!tpu.dma_semaphore, #tpu.memory_space<semaphore_mem>>)
      %dma_start3A_357 = arith.constant 22 : i32
      %dma_start3A_358 = arith.constant 5808 : i32
      %dma_start3A_359 = tpu.memref_slice %arg7[%dma_start3A_358] : memref<16896xf32, #tpu.memory_space<vmem>> -> memref<256xf32, #tpu.memory_space<vmem>>
      %dma_start3A_360 = tpu.memref_slice %arg4[%select_n3A, %dma_start3A_357, %mul3A_158] : memref<16x64x50176xf32, #tpu.memory_space<hbm>> -> memref<1x1x256xf32, #tpu.memory_space<hbm>>
      %dma_start3A_361 = tpu.memref_squeeze %dma_start3A_360 : memref<1x1x256xf32, #tpu.memory_space<hbm>> -> memref<256xf32, #tpu.memory_space<hbm>>
      %dma_start3A_362 = tpu.memref_slice %arg4[%select_n3A, %dma_start3A_357, %mul3A_158] : memref<16x64x50176xf32, #tpu.memory_space<hbm>> -> memref<1x1x256xf32, #tpu.memory_space<hbm>>
      %dma_start3A_363 = tpu.memref_squeeze %dma_start3A_362 : memref<1x1x256xf32, #tpu.memory_space<hbm>> -> memref<256xf32, #tpu.memory_space<hbm>>
      %dma_start3A_364 = arith.constant 5808 : i32
      %dma_start3A_365 = tpu.memref_slice %arg7[%dma_start3A_364] : memref<16896xf32, #tpu.memory_space<vmem>> -> memref<256xf32, #tpu.memory_space<vmem>>
      tpu.enqueue_dma source(%dma_start3A_365 : memref<256xf32, #tpu.memory_space<vmem>>) target(%dma_start3A_363 : memref<256xf32, #tpu.memory_space<hbm>>) target_semaphore(%arg13 : memref<!tpu.dma_semaphore, #tpu.memory_space<semaphore_mem>>)
      %dma_start3A_366 = arith.constant 23 : i32
      %dma_start3A_367 = arith.constant 6072 : i32
      %dma_start3A_368 = tpu.memref_slice %arg7[%dma_start3A_367] : memref<16896xf32, #tpu.memory_space<vmem>> -> memref<256xf32, #tpu.memory_space<vmem>>
      %dma_start3A_369 = tpu.memref_slice %arg4[%select_n3A, %dma_start3A_366, %mul3A_158] : memref<16x64x50176xf32, #tpu.memory_space<hbm>> -> memref<1x1x256xf32, #tpu.memory_space<hbm>>
      %dma_start3A_370 = tpu.memref_squeeze %dma_start3A_369 : memref<1x1x256xf32, #tpu.memory_space<hbm>> -> memref<256xf32, #tpu.memory_space<hbm>>
      %dma_start3A_371 = tpu.memref_slice %arg4[%select_n3A, %dma_start3A_366, %mul3A_158] : memref<16x64x50176xf32, #tpu.memory_space<hbm>> -> memref<1x1x256xf32, #tpu.memory_space<hbm>>
      %dma_start3A_372 = tpu.memref_squeeze %dma_start3A_371 : memref<1x1x256xf32, #tpu.memory_space<hbm>> -> memref<256xf32, #tpu.memory_space<hbm>>
      %dma_start3A_373 = arith.constant 6072 : i32
      %dma_start3A_374 = tpu.memref_slice %arg7[%dma_start3A_373] : memref<16896xf32, #tpu.memory_space<vmem>> -> memref<256xf32, #tpu.memory_space<vmem>>
      tpu.enqueue_dma source(%dma_start3A_374 : memref<256xf32, #tpu.memory_space<vmem>>) target(%dma_start3A_372 : memref<256xf32, #tpu.memory_space<hbm>>) target_semaphore(%arg13 : memref<!tpu.dma_semaphore, #tpu.memory_space<semaphore_mem>>)
      %dma_start3A_375 = arith.constant 24 : i32
      %dma_start3A_376 = arith.constant 6336 : i32
      %dma_start3A_377 = tpu.memref_slice %arg7[%dma_start3A_376] : memref<16896xf32, #tpu.memory_space<vmem>> -> memref<256xf32, #tpu.memory_space<vmem>>
      %dma_start3A_378 = tpu.memref_slice %arg4[%select_n3A, %dma_start3A_375, %mul3A_158] : memref<16x64x50176xf32, #tpu.memory_space<hbm>> -> memref<1x1x256xf32, #tpu.memory_space<hbm>>
      %dma_start3A_379 = tpu.memref_squeeze %dma_start3A_378 : memref<1x1x256xf32, #tpu.memory_space<hbm>> -> memref<256xf32, #tpu.memory_space<hbm>>
      %dma_start3A_380 = tpu.memref_slice %arg4[%select_n3A, %dma_start3A_375, %mul3A_158] : memref<16x64x50176xf32, #tpu.memory_space<hbm>> -> memref<1x1x256xf32, #tpu.memory_space<hbm>>
      %dma_start3A_381 = tpu.memref_squeeze %dma_start3A_380 : memref<1x1x256xf32, #tpu.memory_space<hbm>> -> memref<256xf32, #tpu.memory_space<hbm>>
      %dma_start3A_382 = arith.constant 6336 : i32
      %dma_start3A_383 = tpu.memref_slice %arg7[%dma_start3A_382] : memref<16896xf32, #tpu.memory_space<vmem>> -> memref<256xf32, #tpu.memory_space<vmem>>
      tpu.enqueue_dma source(%dma_start3A_383 : memref<256xf32, #tpu.memory_space<vmem>>) target(%dma_start3A_381 : memref<256xf32, #tpu.memory_space<hbm>>) target_semaphore(%arg13 : memref<!tpu.dma_semaphore, #tpu.memory_space<semaphore_mem>>)
      %dma_start3A_384 = arith.constant 25 : i32
      %dma_start3A_385 = arith.constant 6600 : i32
      %dma_start3A_386 = tpu.memref_slice %arg7[%dma_start3A_385] : memref<16896xf32, #tpu.memory_space<vmem>> -> memref<256xf32, #tpu.memory_space<vmem>>
      %dma_start3A_387 = tpu.memref_slice %arg4[%select_n3A, %dma_start3A_384, %mul3A_158] : memref<16x64x50176xf32, #tpu.memory_space<hbm>> -> memref<1x1x256xf32, #tpu.memory_space<hbm>>
      %dma_start3A_388 = tpu.memref_squeeze %dma_start3A_387 : memref<1x1x256xf32, #tpu.memory_space<hbm>> -> memref<256xf32, #tpu.memory_space<hbm>>
      %dma_start3A_389 = tpu.memref_slice %arg4[%select_n3A, %dma_start3A_384, %mul3A_158] : memref<16x64x50176xf32, #tpu.memory_space<hbm>> -> memref<1x1x256xf32, #tpu.memory_space<hbm>>
      %dma_start3A_390 = tpu.memref_squeeze %dma_start3A_389 : memref<1x1x256xf32, #tpu.memory_space<hbm>> -> memref<256xf32, #tpu.memory_space<hbm>>
      %dma_start3A_391 = arith.constant 6600 : i32
      %dma_start3A_392 = tpu.memref_slice %arg7[%dma_start3A_391] : memref<16896xf32, #tpu.memory_space<vmem>> -> memref<256xf32, #tpu.memory_space<vmem>>
      tpu.enqueue_dma source(%dma_start3A_392 : memref<256xf32, #tpu.memory_space<vmem>>) target(%dma_start3A_390 : memref<256xf32, #tpu.memory_space<hbm>>) target_semaphore(%arg13 : memref<!tpu.dma_semaphore, #tpu.memory_space<semaphore_mem>>)
      %dma_start3A_393 = arith.constant 26 : i32
      %dma_start3A_394 = arith.constant 6864 : i32
      %dma_start3A_395 = tpu.memref_slice %arg7[%dma_start3A_394] : memref<16896xf32, #tpu.memory_space<vmem>> -> memref<256xf32, #tpu.memory_space<vmem>>
      %dma_start3A_396 = tpu.memref_slice %arg4[%select_n3A, %dma_start3A_393, %mul3A_158] : memref<16x64x50176xf32, #tpu.memory_space<hbm>> -> memref<1x1x256xf32, #tpu.memory_space<hbm>>
      %dma_start3A_397 = tpu.memref_squeeze %dma_start3A_396 : memref<1x1x256xf32, #tpu.memory_space<hbm>> -> memref<256xf32, #tpu.memory_space<hbm>>
      %dma_start3A_398 = tpu.memref_slice %arg4[%select_n3A, %dma_start3A_393, %mul3A_158] : memref<16x64x50176xf32, #tpu.memory_space<hbm>> -> memref<1x1x256xf32, #tpu.memory_space<hbm>>
      %dma_start3A_399 = tpu.memref_squeeze %dma_start3A_398 : memref<1x1x256xf32, #tpu.memory_space<hbm>> -> memref<256xf32, #tpu.memory_space<hbm>>
      %dma_start3A_400 = arith.constant 6864 : i32
      %dma_start3A_401 = tpu.memref_slice %arg7[%dma_start3A_400] : memref<16896xf32, #tpu.memory_space<vmem>> -> memref<256xf32, #tpu.memory_space<vmem>>
      tpu.enqueue_dma source(%dma_start3A_401 : memref<256xf32, #tpu.memory_space<vmem>>) target(%dma_start3A_399 : memref<256xf32, #tpu.memory_space<hbm>>) target_semaphore(%arg13 : memref<!tpu.dma_semaphore, #tpu.memory_space<semaphore_mem>>)
      %dma_start3A_402 = arith.constant 27 : i32
      %dma_start3A_403 = arith.constant 7128 : i32
      %dma_start3A_404 = tpu.memref_slice %arg7[%dma_start3A_403] : memref<16896xf32, #tpu.memory_space<vmem>> -> memref<256xf32, #tpu.memory_space<vmem>>
      %dma_start3A_405 = tpu.memref_slice %arg4[%select_n3A, %dma_start3A_402, %mul3A_158] : memref<16x64x50176xf32, #tpu.memory_space<hbm>> -> memref<1x1x256xf32, #tpu.memory_space<hbm>>
      %dma_start3A_406 = tpu.memref_squeeze %dma_start3A_405 : memref<1x1x256xf32, #tpu.memory_space<hbm>> -> memref<256xf32, #tpu.memory_space<hbm>>
      %dma_start3A_407 = tpu.memref_slice %arg4[%select_n3A, %dma_start3A_402, %mul3A_158] : memref<16x64x50176xf32, #tpu.memory_space<hbm>> -> memref<1x1x256xf32, #tpu.memory_space<hbm>>
      %dma_start3A_408 = tpu.memref_squeeze %dma_start3A_407 : memref<1x1x256xf32, #tpu.memory_space<hbm>> -> memref<256xf32, #tpu.memory_space<hbm>>
      %dma_start3A_409 = arith.constant 7128 : i32
      %dma_start3A_410 = tpu.memref_slice %arg7[%dma_start3A_409] : memref<16896xf32, #tpu.memory_space<vmem>> -> memref<256xf32, #tpu.memory_space<vmem>>
      tpu.enqueue_dma source(%dma_start3A_410 : memref<256xf32, #tpu.memory_space<vmem>>) target(%dma_start3A_408 : memref<256xf32, #tpu.memory_space<hbm>>) target_semaphore(%arg13 : memref<!tpu.dma_semaphore, #tpu.memory_space<semaphore_mem>>)
      %dma_start3A_411 = arith.constant 28 : i32
      %dma_start3A_412 = arith.constant 7392 : i32
      %dma_start3A_413 = tpu.memref_slice %arg7[%dma_start3A_412] : memref<16896xf32, #tpu.memory_space<vmem>> -> memref<256xf32, #tpu.memory_space<vmem>>
      %dma_start3A_414 = tpu.memref_slice %arg4[%select_n3A, %dma_start3A_411, %mul3A_158] : memref<16x64x50176xf32, #tpu.memory_space<hbm>> -> memref<1x1x256xf32, #tpu.memory_space<hbm>>
      %dma_start3A_415 = tpu.memref_squeeze %dma_start3A_414 : memref<1x1x256xf32, #tpu.memory_space<hbm>> -> memref<256xf32, #tpu.memory_space<hbm>>
      %dma_start3A_416 = tpu.memref_slice %arg4[%select_n3A, %dma_start3A_411, %mul3A_158] : memref<16x64x50176xf32, #tpu.memory_space<hbm>> -> memref<1x1x256xf32, #tpu.memory_space<hbm>>
      %dma_start3A_417 = tpu.memref_squeeze %dma_start3A_416 : memref<1x1x256xf32, #tpu.memory_space<hbm>> -> memref<256xf32, #tpu.memory_space<hbm>>
      %dma_start3A_418 = arith.constant 7392 : i32
      %dma_start3A_419 = tpu.memref_slice %arg7[%dma_start3A_418] : memref<16896xf32, #tpu.memory_space<vmem>> -> memref<256xf32, #tpu.memory_space<vmem>>
      tpu.enqueue_dma source(%dma_start3A_419 : memref<256xf32, #tpu.memory_space<vmem>>) target(%dma_start3A_417 : memref<256xf32, #tpu.memory_space<hbm>>) target_semaphore(%arg13 : memref<!tpu.dma_semaphore, #tpu.memory_space<semaphore_mem>>)
      %dma_start3A_420 = arith.constant 29 : i32
      %dma_start3A_421 = arith.constant 7656 : i32
      %dma_start3A_422 = tpu.memref_slice %arg7[%dma_start3A_421] : memref<16896xf32, #tpu.memory_space<vmem>> -> memref<256xf32, #tpu.memory_space<vmem>>
      %dma_start3A_423 = tpu.memref_slice %arg4[%select_n3A, %dma_start3A_420, %mul3A_158] : memref<16x64x50176xf32, #tpu.memory_space<hbm>> -> memref<1x1x256xf32, #tpu.memory_space<hbm>>
      %dma_start3A_424 = tpu.memref_squeeze %dma_start3A_423 : memref<1x1x256xf32, #tpu.memory_space<hbm>> -> memref<256xf32, #tpu.memory_space<hbm>>
      %dma_start3A_425 = tpu.memref_slice %arg4[%select_n3A, %dma_start3A_420, %mul3A_158] : memref<16x64x50176xf32, #tpu.memory_space<hbm>> -> memref<1x1x256xf32, #tpu.memory_space<hbm>>
      %dma_start3A_426 = tpu.memref_squeeze %dma_start3A_425 : memref<1x1x256xf32, #tpu.memory_space<hbm>> -> memref<256xf32, #tpu.memory_space<hbm>>
      %dma_start3A_427 = arith.constant 7656 : i32
      %dma_start3A_428 = tpu.memref_slice %arg7[%dma_start3A_427] : memref<16896xf32, #tpu.memory_space<vmem>> -> memref<256xf32, #tpu.memory_space<vmem>>
      tpu.enqueue_dma source(%dma_start3A_428 : memref<256xf32, #tpu.memory_space<vmem>>) target(%dma_start3A_426 : memref<256xf32, #tpu.memory_space<hbm>>) target_semaphore(%arg13 : memref<!tpu.dma_semaphore, #tpu.memory_space<semaphore_mem>>)
      %dma_start3A_429 = arith.constant 30 : i32
      %dma_start3A_430 = arith.constant 7920 : i32
      %dma_start3A_431 = tpu.memref_slice %arg7[%dma_start3A_430] : memref<16896xf32, #tpu.memory_space<vmem>> -> memref<256xf32, #tpu.memory_space<vmem>>
      %dma_start3A_432 = tpu.memref_slice %arg4[%select_n3A, %dma_start3A_429, %mul3A_158] : memref<16x64x50176xf32, #tpu.memory_space<hbm>> -> memref<1x1x256xf32, #tpu.memory_space<hbm>>
      %dma_start3A_433 = tpu.memref_squeeze %dma_start3A_432 : memref<1x1x256xf32, #tpu.memory_space<hbm>> -> memref<256xf32, #tpu.memory_space<hbm>>
      %dma_start3A_434 = tpu.memref_slice %arg4[%select_n3A, %dma_start3A_429, %mul3A_158] : memref<16x64x50176xf32, #tpu.memory_space<hbm>> -> memref<1x1x256xf32, #tpu.memory_space<hbm>>
      %dma_start3A_435 = tpu.memref_squeeze %dma_start3A_434 : memref<1x1x256xf32, #tpu.memory_space<hbm>> -> memref<256xf32, #tpu.memory_space<hbm>>
      %dma_start3A_436 = arith.constant 7920 : i32
      %dma_start3A_437 = tpu.memref_slice %arg7[%dma_start3A_436] : memref<16896xf32, #tpu.memory_space<vmem>> -> memref<256xf32, #tpu.memory_space<vmem>>
      tpu.enqueue_dma source(%dma_start3A_437 : memref<256xf32, #tpu.memory_space<vmem>>) target(%dma_start3A_435 : memref<256xf32, #tpu.memory_space<hbm>>) target_semaphore(%arg13 : memref<!tpu.dma_semaphore, #tpu.memory_space<semaphore_mem>>)
      %dma_start3A_438 = arith.constant 31 : i32
      %dma_start3A_439 = arith.constant 8184 : i32
      %dma_start3A_440 = tpu.memref_slice %arg7[%dma_start3A_439] : memref<16896xf32, #tpu.memory_space<vmem>> -> memref<256xf32, #tpu.memory_space<vmem>>
      %dma_start3A_441 = tpu.memref_slice %arg4[%select_n3A, %dma_start3A_438, %mul3A_158] : memref<16x64x50176xf32, #tpu.memory_space<hbm>> -> memref<1x1x256xf32, #tpu.memory_space<hbm>>
      %dma_start3A_442 = tpu.memref_squeeze %dma_start3A_441 : memref<1x1x256xf32, #tpu.memory_space<hbm>> -> memref<256xf32, #tpu.memory_space<hbm>>
      %dma_start3A_443 = tpu.memref_slice %arg4[%select_n3A, %dma_start3A_438, %mul3A_158] : memref<16x64x50176xf32, #tpu.memory_space<hbm>> -> memref<1x1x256xf32, #tpu.memory_space<hbm>>
      %dma_start3A_444 = tpu.memref_squeeze %dma_start3A_443 : memref<1x1x256xf32, #tpu.memory_space<hbm>> -> memref<256xf32, #tpu.memory_space<hbm>>
      %dma_start3A_445 = arith.constant 8184 : i32
      %dma_start3A_446 = tpu.memref_slice %arg7[%dma_start3A_445] : memref<16896xf32, #tpu.memory_space<vmem>> -> memref<256xf32, #tpu.memory_space<vmem>>
      tpu.enqueue_dma source(%dma_start3A_446 : memref<256xf32, #tpu.memory_space<vmem>>) target(%dma_start3A_444 : memref<256xf32, #tpu.memory_space<hbm>>) target_semaphore(%arg13 : memref<!tpu.dma_semaphore, #tpu.memory_space<semaphore_mem>>)
      %dma_start3A_447 = arith.constant 32 : i32
      %dma_start3A_448 = arith.constant 8448 : i32
      %dma_start3A_449 = tpu.memref_slice %arg7[%dma_start3A_448] : memref<16896xf32, #tpu.memory_space<vmem>> -> memref<256xf32, #tpu.memory_space<vmem>>
      %dma_start3A_450 = tpu.memref_slice %arg4[%select_n3A, %dma_start3A_447, %mul3A_158] : memref<16x64x50176xf32, #tpu.memory_space<hbm>> -> memref<1x1x256xf32, #tpu.memory_space<hbm>>
      %dma_start3A_451 = tpu.memref_squeeze %dma_start3A_450 : memref<1x1x256xf32, #tpu.memory_space<hbm>> -> memref<256xf32, #tpu.memory_space<hbm>>
      %dma_start3A_452 = tpu.memref_slice %arg4[%select_n3A, %dma_start3A_447, %mul3A_158] : memref<16x64x50176xf32, #tpu.memory_space<hbm>> -> memref<1x1x256xf32, #tpu.memory_space<hbm>>
      %dma_start3A_453 = tpu.memref_squeeze %dma_start3A_452 : memref<1x1x256xf32, #tpu.memory_space<hbm>> -> memref<256xf32, #tpu.memory_space<hbm>>
      %dma_start3A_454 = arith.constant 8448 : i32
      %dma_start3A_455 = tpu.memref_slice %arg7[%dma_start3A_454] : memref<16896xf32, #tpu.memory_space<vmem>> -> memref<256xf32, #tpu.memory_space<vmem>>
      tpu.enqueue_dma source(%dma_start3A_455 : memref<256xf32, #tpu.memory_space<vmem>>) target(%dma_start3A_453 : memref<256xf32, #tpu.memory_space<hbm>>) target_semaphore(%arg13 : memref<!tpu.dma_semaphore, #tpu.memory_space<semaphore_mem>>)
      %dma_start3A_456 = arith.constant 33 : i32
      %dma_start3A_457 = arith.constant 8712 : i32
      %dma_start3A_458 = tpu.memref_slice %arg7[%dma_start3A_457] : memref<16896xf32, #tpu.memory_space<vmem>> -> memref<256xf32, #tpu.memory_space<vmem>>
      %dma_start3A_459 = tpu.memref_slice %arg4[%select_n3A, %dma_start3A_456, %mul3A_158] : memref<16x64x50176xf32, #tpu.memory_space<hbm>> -> memref<1x1x256xf32, #tpu.memory_space<hbm>>
      %dma_start3A_460 = tpu.memref_squeeze %dma_start3A_459 : memref<1x1x256xf32, #tpu.memory_space<hbm>> -> memref<256xf32, #tpu.memory_space<hbm>>
      %dma_start3A_461 = tpu.memref_slice %arg4[%select_n3A, %dma_start3A_456, %mul3A_158] : memref<16x64x50176xf32, #tpu.memory_space<hbm>> -> memref<1x1x256xf32, #tpu.memory_space<hbm>>
      %dma_start3A_462 = tpu.memref_squeeze %dma_start3A_461 : memref<1x1x256xf32, #tpu.memory_space<hbm>> -> memref<256xf32, #tpu.memory_space<hbm>>
      %dma_start3A_463 = arith.constant 8712 : i32
      %dma_start3A_464 = tpu.memref_slice %arg7[%dma_start3A_463] : memref<16896xf32, #tpu.memory_space<vmem>> -> memref<256xf32, #tpu.memory_space<vmem>>
      tpu.enqueue_dma source(%dma_start3A_464 : memref<256xf32, #tpu.memory_space<vmem>>) target(%dma_start3A_462 : memref<256xf32, #tpu.memory_space<hbm>>) target_semaphore(%arg13 : memref<!tpu.dma_semaphore, #tpu.memory_space<semaphore_mem>>)
      %dma_start3A_465 = arith.constant 34 : i32
      %dma_start3A_466 = arith.constant 8976 : i32
      %dma_start3A_467 = tpu.memref_slice %arg7[%dma_start3A_466] : memref<16896xf32, #tpu.memory_space<vmem>> -> memref<256xf32, #tpu.memory_space<vmem>>
      %dma_start3A_468 = tpu.memref_slice %arg4[%select_n3A, %dma_start3A_465, %mul3A_158] : memref<16x64x50176xf32, #tpu.memory_space<hbm>> -> memref<1x1x256xf32, #tpu.memory_space<hbm>>
      %dma_start3A_469 = tpu.memref_squeeze %dma_start3A_468 : memref<1x1x256xf32, #tpu.memory_space<hbm>> -> memref<256xf32, #tpu.memory_space<hbm>>
      %dma_start3A_470 = tpu.memref_slice %arg4[%select_n3A, %dma_start3A_465, %mul3A_158] : memref<16x64x50176xf32, #tpu.memory_space<hbm>> -> memref<1x1x256xf32, #tpu.memory_space<hbm>>
      %dma_start3A_471 = tpu.memref_squeeze %dma_start3A_470 : memref<1x1x256xf32, #tpu.memory_space<hbm>> -> memref<256xf32, #tpu.memory_space<hbm>>
      %dma_start3A_472 = arith.constant 8976 : i32
      %dma_start3A_473 = tpu.memref_slice %arg7[%dma_start3A_472] : memref<16896xf32, #tpu.memory_space<vmem>> -> memref<256xf32, #tpu.memory_space<vmem>>
      tpu.enqueue_dma source(%dma_start3A_473 : memref<256xf32, #tpu.memory_space<vmem>>) target(%dma_start3A_471 : memref<256xf32, #tpu.memory_space<hbm>>) target_semaphore(%arg13 : memref<!tpu.dma_semaphore, #tpu.memory_space<semaphore_mem>>)
      %dma_start3A_474 = arith.constant 35 : i32
      %dma_start3A_475 = arith.constant 9240 : i32
      %dma_start3A_476 = tpu.memref_slice %arg7[%dma_start3A_475] : memref<16896xf32, #tpu.memory_space<vmem>> -> memref<256xf32, #tpu.memory_space<vmem>>
      %dma_start3A_477 = tpu.memref_slice %arg4[%select_n3A, %dma_start3A_474, %mul3A_158] : memref<16x64x50176xf32, #tpu.memory_space<hbm>> -> memref<1x1x256xf32, #tpu.memory_space<hbm>>
      %dma_start3A_478 = tpu.memref_squeeze %dma_start3A_477 : memref<1x1x256xf32, #tpu.memory_space<hbm>> -> memref<256xf32, #tpu.memory_space<hbm>>
      %dma_start3A_479 = tpu.memref_slice %arg4[%select_n3A, %dma_start3A_474, %mul3A_158] : memref<16x64x50176xf32, #tpu.memory_space<hbm>> -> memref<1x1x256xf32, #tpu.memory_space<hbm>>
      %dma_start3A_480 = tpu.memref_squeeze %dma_start3A_479 : memref<1x1x256xf32, #tpu.memory_space<hbm>> -> memref<256xf32, #tpu.memory_space<hbm>>
      %dma_start3A_481 = arith.constant 9240 : i32
      %dma_start3A_482 = tpu.memref_slice %arg7[%dma_start3A_481] : memref<16896xf32, #tpu.memory_space<vmem>> -> memref<256xf32, #tpu.memory_space<vmem>>
      tpu.enqueue_dma source(%dma_start3A_482 : memref<256xf32, #tpu.memory_space<vmem>>) target(%dma_start3A_480 : memref<256xf32, #tpu.memory_space<hbm>>) target_semaphore(%arg13 : memref<!tpu.dma_semaphore, #tpu.memory_space<semaphore_mem>>)
      %dma_start3A_483 = arith.constant 36 : i32
      %dma_start3A_484 = arith.constant 9504 : i32
      %dma_start3A_485 = tpu.memref_slice %arg7[%dma_start3A_484] : memref<16896xf32, #tpu.memory_space<vmem>> -> memref<256xf32, #tpu.memory_space<vmem>>
      %dma_start3A_486 = tpu.memref_slice %arg4[%select_n3A, %dma_start3A_483, %mul3A_158] : memref<16x64x50176xf32, #tpu.memory_space<hbm>> -> memref<1x1x256xf32, #tpu.memory_space<hbm>>
      %dma_start3A_487 = tpu.memref_squeeze %dma_start3A_486 : memref<1x1x256xf32, #tpu.memory_space<hbm>> -> memref<256xf32, #tpu.memory_space<hbm>>
      %dma_start3A_488 = tpu.memref_slice %arg4[%select_n3A, %dma_start3A_483, %mul3A_158] : memref<16x64x50176xf32, #tpu.memory_space<hbm>> -> memref<1x1x256xf32, #tpu.memory_space<hbm>>
      %dma_start3A_489 = tpu.memref_squeeze %dma_start3A_488 : memref<1x1x256xf32, #tpu.memory_space<hbm>> -> memref<256xf32, #tpu.memory_space<hbm>>
      %dma_start3A_490 = arith.constant 9504 : i32
      %dma_start3A_491 = tpu.memref_slice %arg7[%dma_start3A_490] : memref<16896xf32, #tpu.memory_space<vmem>> -> memref<256xf32, #tpu.memory_space<vmem>>
      tpu.enqueue_dma source(%dma_start3A_491 : memref<256xf32, #tpu.memory_space<vmem>>) target(%dma_start3A_489 : memref<256xf32, #tpu.memory_space<hbm>>) target_semaphore(%arg13 : memref<!tpu.dma_semaphore, #tpu.memory_space<semaphore_mem>>)
      %dma_start3A_492 = arith.constant 37 : i32
      %dma_start3A_493 = arith.constant 9768 : i32
      %dma_start3A_494 = tpu.memref_slice %arg7[%dma_start3A_493] : memref<16896xf32, #tpu.memory_space<vmem>> -> memref<256xf32, #tpu.memory_space<vmem>>
      %dma_start3A_495 = tpu.memref_slice %arg4[%select_n3A, %dma_start3A_492, %mul3A_158] : memref<16x64x50176xf32, #tpu.memory_space<hbm>> -> memref<1x1x256xf32, #tpu.memory_space<hbm>>
      %dma_start3A_496 = tpu.memref_squeeze %dma_start3A_495 : memref<1x1x256xf32, #tpu.memory_space<hbm>> -> memref<256xf32, #tpu.memory_space<hbm>>
      %dma_start3A_497 = tpu.memref_slice %arg4[%select_n3A, %dma_start3A_492, %mul3A_158] : memref<16x64x50176xf32, #tpu.memory_space<hbm>> -> memref<1x1x256xf32, #tpu.memory_space<hbm>>
      %dma_start3A_498 = tpu.memref_squeeze %dma_start3A_497 : memref<1x1x256xf32, #tpu.memory_space<hbm>> -> memref<256xf32, #tpu.memory_space<hbm>>
      %dma_start3A_499 = arith.constant 9768 : i32
      %dma_start3A_500 = tpu.memref_slice %arg7[%dma_start3A_499] : memref<16896xf32, #tpu.memory_space<vmem>> -> memref<256xf32, #tpu.memory_space<vmem>>
      tpu.enqueue_dma source(%dma_start3A_500 : memref<256xf32, #tpu.memory_space<vmem>>) target(%dma_start3A_498 : memref<256xf32, #tpu.memory_space<hbm>>) target_semaphore(%arg13 : memref<!tpu.dma_semaphore, #tpu.memory_space<semaphore_mem>>)
      %dma_start3A_501 = arith.constant 38 : i32
      %dma_start3A_502 = arith.constant 10032 : i32
      %dma_start3A_503 = tpu.memref_slice %arg7[%dma_start3A_502] : memref<16896xf32, #tpu.memory_space<vmem>> -> memref<256xf32, #tpu.memory_space<vmem>>
      %dma_start3A_504 = tpu.memref_slice %arg4[%select_n3A, %dma_start3A_501, %mul3A_158] : memref<16x64x50176xf32, #tpu.memory_space<hbm>> -> memref<1x1x256xf32, #tpu.memory_space<hbm>>
      %dma_start3A_505 = tpu.memref_squeeze %dma_start3A_504 : memref<1x1x256xf32, #tpu.memory_space<hbm>> -> memref<256xf32, #tpu.memory_space<hbm>>
      %dma_start3A_506 = tpu.memref_slice %arg4[%select_n3A, %dma_start3A_501, %mul3A_158] : memref<16x64x50176xf32, #tpu.memory_space<hbm>> -> memref<1x1x256xf32, #tpu.memory_space<hbm>>
      %dma_start3A_507 = tpu.memref_squeeze %dma_start3A_506 : memref<1x1x256xf32, #tpu.memory_space<hbm>> -> memref<256xf32, #tpu.memory_space<hbm>>
      %dma_start3A_508 = arith.constant 10032 : i32
      %dma_start3A_509 = tpu.memref_slice %arg7[%dma_start3A_508] : memref<16896xf32, #tpu.memory_space<vmem>> -> memref<256xf32, #tpu.memory_space<vmem>>
      tpu.enqueue_dma source(%dma_start3A_509 : memref<256xf32, #tpu.memory_space<vmem>>) target(%dma_start3A_507 : memref<256xf32, #tpu.memory_space<hbm>>) target_semaphore(%arg13 : memref<!tpu.dma_semaphore, #tpu.memory_space<semaphore_mem>>)
      %dma_start3A_510 = arith.constant 39 : i32
      %dma_start3A_511 = arith.constant 10296 : i32
      %dma_start3A_512 = tpu.memref_slice %arg7[%dma_start3A_511] : memref<16896xf32, #tpu.memory_space<vmem>> -> memref<256xf32, #tpu.memory_space<vmem>>
      %dma_start3A_513 = tpu.memref_slice %arg4[%select_n3A, %dma_start3A_510, %mul3A_158] : memref<16x64x50176xf32, #tpu.memory_space<hbm>> -> memref<1x1x256xf32, #tpu.memory_space<hbm>>
      %dma_start3A_514 = tpu.memref_squeeze %dma_start3A_513 : memref<1x1x256xf32, #tpu.memory_space<hbm>> -> memref<256xf32, #tpu.memory_space<hbm>>
      %dma_start3A_515 = tpu.memref_slice %arg4[%select_n3A, %dma_start3A_510, %mul3A_158] : memref<16x64x50176xf32, #tpu.memory_space<hbm>> -> memref<1x1x256xf32, #tpu.memory_space<hbm>>
      %dma_start3A_516 = tpu.memref_squeeze %dma_start3A_515 : memref<1x1x256xf32, #tpu.memory_space<hbm>> -> memref<256xf32, #tpu.memory_space<hbm>>
      %dma_start3A_517 = arith.constant 10296 : i32
      %dma_start3A_518 = tpu.memref_slice %arg7[%dma_start3A_517] : memref<16896xf32, #tpu.memory_space<vmem>> -> memref<256xf32, #tpu.memory_space<vmem>>
      tpu.enqueue_dma source(%dma_start3A_518 : memref<256xf32, #tpu.memory_space<vmem>>) target(%dma_start3A_516 : memref<256xf32, #tpu.memory_space<hbm>>) target_semaphore(%arg13 : memref<!tpu.dma_semaphore, #tpu.memory_space<semaphore_mem>>)
      %dma_start3A_519 = arith.constant 40 : i32
      %dma_start3A_520 = arith.constant 10560 : i32
      %dma_start3A_521 = tpu.memref_slice %arg7[%dma_start3A_520] : memref<16896xf32, #tpu.memory_space<vmem>> -> memref<256xf32, #tpu.memory_space<vmem>>
      %dma_start3A_522 = tpu.memref_slice %arg4[%select_n3A, %dma_start3A_519, %mul3A_158] : memref<16x64x50176xf32, #tpu.memory_space<hbm>> -> memref<1x1x256xf32, #tpu.memory_space<hbm>>
      %dma_start3A_523 = tpu.memref_squeeze %dma_start3A_522 : memref<1x1x256xf32, #tpu.memory_space<hbm>> -> memref<256xf32, #tpu.memory_space<hbm>>
      %dma_start3A_524 = tpu.memref_slice %arg4[%select_n3A, %dma_start3A_519, %mul3A_158] : memref<16x64x50176xf32, #tpu.memory_space<hbm>> -> memref<1x1x256xf32, #tpu.memory_space<hbm>>
      %dma_start3A_525 = tpu.memref_squeeze %dma_start3A_524 : memref<1x1x256xf32, #tpu.memory_space<hbm>> -> memref<256xf32, #tpu.memory_space<hbm>>
      %dma_start3A_526 = arith.constant 10560 : i32
      %dma_start3A_527 = tpu.memref_slice %arg7[%dma_start3A_526] : memref<16896xf32, #tpu.memory_space<vmem>> -> memref<256xf32, #tpu.memory_space<vmem>>
      tpu.enqueue_dma source(%dma_start3A_527 : memref<256xf32, #tpu.memory_space<vmem>>) target(%dma_start3A_525 : memref<256xf32, #tpu.memory_space<hbm>>) target_semaphore(%arg13 : memref<!tpu.dma_semaphore, #tpu.memory_space<semaphore_mem>>)
      %dma_start3A_528 = arith.constant 41 : i32
      %dma_start3A_529 = arith.constant 10824 : i32
      %dma_start3A_530 = tpu.memref_slice %arg7[%dma_start3A_529] : memref<16896xf32, #tpu.memory_space<vmem>> -> memref<256xf32, #tpu.memory_space<vmem>>
      %dma_start3A_531 = tpu.memref_slice %arg4[%select_n3A, %dma_start3A_528, %mul3A_158] : memref<16x64x50176xf32, #tpu.memory_space<hbm>> -> memref<1x1x256xf32, #tpu.memory_space<hbm>>
      %dma_start3A_532 = tpu.memref_squeeze %dma_start3A_531 : memref<1x1x256xf32, #tpu.memory_space<hbm>> -> memref<256xf32, #tpu.memory_space<hbm>>
      %dma_start3A_533 = tpu.memref_slice %arg4[%select_n3A, %dma_start3A_528, %mul3A_158] : memref<16x64x50176xf32, #tpu.memory_space<hbm>> -> memref<1x1x256xf32, #tpu.memory_space<hbm>>
      %dma_start3A_534 = tpu.memref_squeeze %dma_start3A_533 : memref<1x1x256xf32, #tpu.memory_space<hbm>> -> memref<256xf32, #tpu.memory_space<hbm>>
      %dma_start3A_535 = arith.constant 10824 : i32
      %dma_start3A_536 = tpu.memref_slice %arg7[%dma_start3A_535] : memref<16896xf32, #tpu.memory_space<vmem>> -> memref<256xf32, #tpu.memory_space<vmem>>
      tpu.enqueue_dma source(%dma_start3A_536 : memref<256xf32, #tpu.memory_space<vmem>>) target(%dma_start3A_534 : memref<256xf32, #tpu.memory_space<hbm>>) target_semaphore(%arg13 : memref<!tpu.dma_semaphore, #tpu.memory_space<semaphore_mem>>)
      %dma_start3A_537 = arith.constant 42 : i32
      %dma_start3A_538 = arith.constant 11088 : i32
      %dma_start3A_539 = tpu.memref_slice %arg7[%dma_start3A_538] : memref<16896xf32, #tpu.memory_space<vmem>> -> memref<256xf32, #tpu.memory_space<vmem>>
      %dma_start3A_540 = tpu.memref_slice %arg4[%select_n3A, %dma_start3A_537, %mul3A_158] : memref<16x64x50176xf32, #tpu.memory_space<hbm>> -> memref<1x1x256xf32, #tpu.memory_space<hbm>>
      %dma_start3A_541 = tpu.memref_squeeze %dma_start3A_540 : memref<1x1x256xf32, #tpu.memory_space<hbm>> -> memref<256xf32, #tpu.memory_space<hbm>>
      %dma_start3A_542 = tpu.memref_slice %arg4[%select_n3A, %dma_start3A_537, %mul3A_158] : memref<16x64x50176xf32, #tpu.memory_space<hbm>> -> memref<1x1x256xf32, #tpu.memory_space<hbm>>
      %dma_start3A_543 = tpu.memref_squeeze %dma_start3A_542 : memref<1x1x256xf32, #tpu.memory_space<hbm>> -> memref<256xf32, #tpu.memory_space<hbm>>
      %dma_start3A_544 = arith.constant 11088 : i32
      %dma_start3A_545 = tpu.memref_slice %arg7[%dma_start3A_544] : memref<16896xf32, #tpu.memory_space<vmem>> -> memref<256xf32, #tpu.memory_space<vmem>>
      tpu.enqueue_dma source(%dma_start3A_545 : memref<256xf32, #tpu.memory_space<vmem>>) target(%dma_start3A_543 : memref<256xf32, #tpu.memory_space<hbm>>) target_semaphore(%arg13 : memref<!tpu.dma_semaphore, #tpu.memory_space<semaphore_mem>>)
      %dma_start3A_546 = arith.constant 43 : i32
      %dma_start3A_547 = arith.constant 11352 : i32
      %dma_start3A_548 = tpu.memref_slice %arg7[%dma_start3A_547] : memref<16896xf32, #tpu.memory_space<vmem>> -> memref<256xf32, #tpu.memory_space<vmem>>
      %dma_start3A_549 = tpu.memref_slice %arg4[%select_n3A, %dma_start3A_546, %mul3A_158] : memref<16x64x50176xf32, #tpu.memory_space<hbm>> -> memref<1x1x256xf32, #tpu.memory_space<hbm>>
      %dma_start3A_550 = tpu.memref_squeeze %dma_start3A_549 : memref<1x1x256xf32, #tpu.memory_space<hbm>> -> memref<256xf32, #tpu.memory_space<hbm>>
      %dma_start3A_551 = tpu.memref_slice %arg4[%select_n3A, %dma_start3A_546, %mul3A_158] : memref<16x64x50176xf32, #tpu.memory_space<hbm>> -> memref<1x1x256xf32, #tpu.memory_space<hbm>>
      %dma_start3A_552 = tpu.memref_squeeze %dma_start3A_551 : memref<1x1x256xf32, #tpu.memory_space<hbm>> -> memref<256xf32, #tpu.memory_space<hbm>>
      %dma_start3A_553 = arith.constant 11352 : i32
      %dma_start3A_554 = tpu.memref_slice %arg7[%dma_start3A_553] : memref<16896xf32, #tpu.memory_space<vmem>> -> memref<256xf32, #tpu.memory_space<vmem>>
      tpu.enqueue_dma source(%dma_start3A_554 : memref<256xf32, #tpu.memory_space<vmem>>) target(%dma_start3A_552 : memref<256xf32, #tpu.memory_space<hbm>>) target_semaphore(%arg13 : memref<!tpu.dma_semaphore, #tpu.memory_space<semaphore_mem>>)
      %dma_start3A_555 = arith.constant 44 : i32
      %dma_start3A_556 = arith.constant 11616 : i32
      %dma_start3A_557 = tpu.memref_slice %arg7[%dma_start3A_556] : memref<16896xf32, #tpu.memory_space<vmem>> -> memref<256xf32, #tpu.memory_space<vmem>>
      %dma_start3A_558 = tpu.memref_slice %arg4[%select_n3A, %dma_start3A_555, %mul3A_158] : memref<16x64x50176xf32, #tpu.memory_space<hbm>> -> memref<1x1x256xf32, #tpu.memory_space<hbm>>
      %dma_start3A_559 = tpu.memref_squeeze %dma_start3A_558 : memref<1x1x256xf32, #tpu.memory_space<hbm>> -> memref<256xf32, #tpu.memory_space<hbm>>
      %dma_start3A_560 = tpu.memref_slice %arg4[%select_n3A, %dma_start3A_555, %mul3A_158] : memref<16x64x50176xf32, #tpu.memory_space<hbm>> -> memref<1x1x256xf32, #tpu.memory_space<hbm>>
      %dma_start3A_561 = tpu.memref_squeeze %dma_start3A_560 : memref<1x1x256xf32, #tpu.memory_space<hbm>> -> memref<256xf32, #tpu.memory_space<hbm>>
      %dma_start3A_562 = arith.constant 11616 : i32
      %dma_start3A_563 = tpu.memref_slice %arg7[%dma_start3A_562] : memref<16896xf32, #tpu.memory_space<vmem>> -> memref<256xf32, #tpu.memory_space<vmem>>
      tpu.enqueue_dma source(%dma_start3A_563 : memref<256xf32, #tpu.memory_space<vmem>>) target(%dma_start3A_561 : memref<256xf32, #tpu.memory_space<hbm>>) target_semaphore(%arg13 : memref<!tpu.dma_semaphore, #tpu.memory_space<semaphore_mem>>)
      %dma_start3A_564 = arith.constant 45 : i32
      %dma_start3A_565 = arith.constant 11880 : i32
      %dma_start3A_566 = tpu.memref_slice %arg7[%dma_start3A_565] : memref<16896xf32, #tpu.memory_space<vmem>> -> memref<256xf32, #tpu.memory_space<vmem>>
      %dma_start3A_567 = tpu.memref_slice %arg4[%select_n3A, %dma_start3A_564, %mul3A_158] : memref<16x64x50176xf32, #tpu.memory_space<hbm>> -> memref<1x1x256xf32, #tpu.memory_space<hbm>>
      %dma_start3A_568 = tpu.memref_squeeze %dma_start3A_567 : memref<1x1x256xf32, #tpu.memory_space<hbm>> -> memref<256xf32, #tpu.memory_space<hbm>>
      %dma_start3A_569 = tpu.memref_slice %arg4[%select_n3A, %dma_start3A_564, %mul3A_158] : memref<16x64x50176xf32, #tpu.memory_space<hbm>> -> memref<1x1x256xf32, #tpu.memory_space<hbm>>
      %dma_start3A_570 = tpu.memref_squeeze %dma_start3A_569 : memref<1x1x256xf32, #tpu.memory_space<hbm>> -> memref<256xf32, #tpu.memory_space<hbm>>
      %dma_start3A_571 = arith.constant 11880 : i32
      %dma_start3A_572 = tpu.memref_slice %arg7[%dma_start3A_571] : memref<16896xf32, #tpu.memory_space<vmem>> -> memref<256xf32, #tpu.memory_space<vmem>>
      tpu.enqueue_dma source(%dma_start3A_572 : memref<256xf32, #tpu.memory_space<vmem>>) target(%dma_start3A_570 : memref<256xf32, #tpu.memory_space<hbm>>) target_semaphore(%arg13 : memref<!tpu.dma_semaphore, #tpu.memory_space<semaphore_mem>>)
      %dma_start3A_573 = arith.constant 46 : i32
      %dma_start3A_574 = arith.constant 12144 : i32
      %dma_start3A_575 = tpu.memref_slice %arg7[%dma_start3A_574] : memref<16896xf32, #tpu.memory_space<vmem>> -> memref<256xf32, #tpu.memory_space<vmem>>
      %dma_start3A_576 = tpu.memref_slice %arg4[%select_n3A, %dma_start3A_573, %mul3A_158] : memref<16x64x50176xf32, #tpu.memory_space<hbm>> -> memref<1x1x256xf32, #tpu.memory_space<hbm>>
      %dma_start3A_577 = tpu.memref_squeeze %dma_start3A_576 : memref<1x1x256xf32, #tpu.memory_space<hbm>> -> memref<256xf32, #tpu.memory_space<hbm>>
      %dma_start3A_578 = tpu.memref_slice %arg4[%select_n3A, %dma_start3A_573, %mul3A_158] : memref<16x64x50176xf32, #tpu.memory_space<hbm>> -> memref<1x1x256xf32, #tpu.memory_space<hbm>>
      %dma_start3A_579 = tpu.memref_squeeze %dma_start3A_578 : memref<1x1x256xf32, #tpu.memory_space<hbm>> -> memref<256xf32, #tpu.memory_space<hbm>>
      %dma_start3A_580 = arith.constant 12144 : i32
      %dma_start3A_581 = tpu.memref_slice %arg7[%dma_start3A_580] : memref<16896xf32, #tpu.memory_space<vmem>> -> memref<256xf32, #tpu.memory_space<vmem>>
      tpu.enqueue_dma source(%dma_start3A_581 : memref<256xf32, #tpu.memory_space<vmem>>) target(%dma_start3A_579 : memref<256xf32, #tpu.memory_space<hbm>>) target_semaphore(%arg13 : memref<!tpu.dma_semaphore, #tpu.memory_space<semaphore_mem>>)
      %dma_start3A_582 = arith.constant 47 : i32
      %dma_start3A_583 = arith.constant 12408 : i32
      %dma_start3A_584 = tpu.memref_slice %arg7[%dma_start3A_583] : memref<16896xf32, #tpu.memory_space<vmem>> -> memref<256xf32, #tpu.memory_space<vmem>>
      %dma_start3A_585 = tpu.memref_slice %arg4[%select_n3A, %dma_start3A_582, %mul3A_158] : memref<16x64x50176xf32, #tpu.memory_space<hbm>> -> memref<1x1x256xf32, #tpu.memory_space<hbm>>
      %dma_start3A_586 = tpu.memref_squeeze %dma_start3A_585 : memref<1x1x256xf32, #tpu.memory_space<hbm>> -> memref<256xf32, #tpu.memory_space<hbm>>
      %dma_start3A_587 = tpu.memref_slice %arg4[%select_n3A, %dma_start3A_582, %mul3A_158] : memref<16x64x50176xf32, #tpu.memory_space<hbm>> -> memref<1x1x256xf32, #tpu.memory_space<hbm>>
      %dma_start3A_588 = tpu.memref_squeeze %dma_start3A_587 : memref<1x1x256xf32, #tpu.memory_space<hbm>> -> memref<256xf32, #tpu.memory_space<hbm>>
      %dma_start3A_589 = arith.constant 12408 : i32
      %dma_start3A_590 = tpu.memref_slice %arg7[%dma_start3A_589] : memref<16896xf32, #tpu.memory_space<vmem>> -> memref<256xf32, #tpu.memory_space<vmem>>
      tpu.enqueue_dma source(%dma_start3A_590 : memref<256xf32, #tpu.memory_space<vmem>>) target(%dma_start3A_588 : memref<256xf32, #tpu.memory_space<hbm>>) target_semaphore(%arg13 : memref<!tpu.dma_semaphore, #tpu.memory_space<semaphore_mem>>)
      %dma_start3A_591 = arith.constant 48 : i32
      %dma_start3A_592 = arith.constant 12672 : i32
      %dma_start3A_593 = tpu.memref_slice %arg7[%dma_start3A_592] : memref<16896xf32, #tpu.memory_space<vmem>> -> memref<256xf32, #tpu.memory_space<vmem>>
      %dma_start3A_594 = tpu.memref_slice %arg4[%select_n3A, %dma_start3A_591, %mul3A_158] : memref<16x64x50176xf32, #tpu.memory_space<hbm>> -> memref<1x1x256xf32, #tpu.memory_space<hbm>>
      %dma_start3A_595 = tpu.memref_squeeze %dma_start3A_594 : memref<1x1x256xf32, #tpu.memory_space<hbm>> -> memref<256xf32, #tpu.memory_space<hbm>>
      %dma_start3A_596 = tpu.memref_slice %arg4[%select_n3A, %dma_start3A_591, %mul3A_158] : memref<16x64x50176xf32, #tpu.memory_space<hbm>> -> memref<1x1x256xf32, #tpu.memory_space<hbm>>
      %dma_start3A_597 = tpu.memref_squeeze %dma_start3A_596 : memref<1x1x256xf32, #tpu.memory_space<hbm>> -> memref<256xf32, #tpu.memory_space<hbm>>
      %dma_start3A_598 = arith.constant 12672 : i32
      %dma_start3A_599 = tpu.memref_slice %arg7[%dma_start3A_598] : memref<16896xf32, #tpu.memory_space<vmem>> -> memref<256xf32, #tpu.memory_space<vmem>>
      tpu.enqueue_dma source(%dma_start3A_599 : memref<256xf32, #tpu.memory_space<vmem>>) target(%dma_start3A_597 : memref<256xf32, #tpu.memory_space<hbm>>) target_semaphore(%arg13 : memref<!tpu.dma_semaphore, #tpu.memory_space<semaphore_mem>>)
      %dma_start3A_600 = arith.constant 49 : i32
      %dma_start3A_601 = arith.constant 12936 : i32
      %dma_start3A_602 = tpu.memref_slice %arg7[%dma_start3A_601] : memref<16896xf32, #tpu.memory_space<vmem>> -> memref<256xf32, #tpu.memory_space<vmem>>
      %dma_start3A_603 = tpu.memref_slice %arg4[%select_n3A, %dma_start3A_600, %mul3A_158] : memref<16x64x50176xf32, #tpu.memory_space<hbm>> -> memref<1x1x256xf32, #tpu.memory_space<hbm>>
      %dma_start3A_604 = tpu.memref_squeeze %dma_start3A_603 : memref<1x1x256xf32, #tpu.memory_space<hbm>> -> memref<256xf32, #tpu.memory_space<hbm>>
      %dma_start3A_605 = tpu.memref_slice %arg4[%select_n3A, %dma_start3A_600, %mul3A_158] : memref<16x64x50176xf32, #tpu.memory_space<hbm>> -> memref<1x1x256xf32, #tpu.memory_space<hbm>>
      %dma_start3A_606 = tpu.memref_squeeze %dma_start3A_605 : memref<1x1x256xf32, #tpu.memory_space<hbm>> -> memref<256xf32, #tpu.memory_space<hbm>>
      %dma_start3A_607 = arith.constant 12936 : i32
      %dma_start3A_608 = tpu.memref_slice %arg7[%dma_start3A_607] : memref<16896xf32, #tpu.memory_space<vmem>> -> memref<256xf32, #tpu.memory_space<vmem>>
      tpu.enqueue_dma source(%dma_start3A_608 : memref<256xf32, #tpu.memory_space<vmem>>) target(%dma_start3A_606 : memref<256xf32, #tpu.memory_space<hbm>>) target_semaphore(%arg13 : memref<!tpu.dma_semaphore, #tpu.memory_space<semaphore_mem>>)
      %dma_start3A_609 = arith.constant 50 : i32
      %dma_start3A_610 = arith.constant 13200 : i32
      %dma_start3A_611 = tpu.memref_slice %arg7[%dma_start3A_610] : memref<16896xf32, #tpu.memory_space<vmem>> -> memref<256xf32, #tpu.memory_space<vmem>>
      %dma_start3A_612 = tpu.memref_slice %arg4[%select_n3A, %dma_start3A_609, %mul3A_158] : memref<16x64x50176xf32, #tpu.memory_space<hbm>> -> memref<1x1x256xf32, #tpu.memory_space<hbm>>
      %dma_start3A_613 = tpu.memref_squeeze %dma_start3A_612 : memref<1x1x256xf32, #tpu.memory_space<hbm>> -> memref<256xf32, #tpu.memory_space<hbm>>
      %dma_start3A_614 = tpu.memref_slice %arg4[%select_n3A, %dma_start3A_609, %mul3A_158] : memref<16x64x50176xf32, #tpu.memory_space<hbm>> -> memref<1x1x256xf32, #tpu.memory_space<hbm>>
      %dma_start3A_615 = tpu.memref_squeeze %dma_start3A_614 : memref<1x1x256xf32, #tpu.memory_space<hbm>> -> memref<256xf32, #tpu.memory_space<hbm>>
      %dma_start3A_616 = arith.constant 13200 : i32
      %dma_start3A_617 = tpu.memref_slice %arg7[%dma_start3A_616] : memref<16896xf32, #tpu.memory_space<vmem>> -> memref<256xf32, #tpu.memory_space<vmem>>
      tpu.enqueue_dma source(%dma_start3A_617 : memref<256xf32, #tpu.memory_space<vmem>>) target(%dma_start3A_615 : memref<256xf32, #tpu.memory_space<hbm>>) target_semaphore(%arg13 : memref<!tpu.dma_semaphore, #tpu.memory_space<semaphore_mem>>)
      %dma_start3A_618 = arith.constant 51 : i32
      %dma_start3A_619 = arith.constant 13464 : i32
      %dma_start3A_620 = tpu.memref_slice %arg7[%dma_start3A_619] : memref<16896xf32, #tpu.memory_space<vmem>> -> memref<256xf32, #tpu.memory_space<vmem>>
      %dma_start3A_621 = tpu.memref_slice %arg4[%select_n3A, %dma_start3A_618, %mul3A_158] : memref<16x64x50176xf32, #tpu.memory_space<hbm>> -> memref<1x1x256xf32, #tpu.memory_space<hbm>>
      %dma_start3A_622 = tpu.memref_squeeze %dma_start3A_621 : memref<1x1x256xf32, #tpu.memory_space<hbm>> -> memref<256xf32, #tpu.memory_space<hbm>>
      %dma_start3A_623 = tpu.memref_slice %arg4[%select_n3A, %dma_start3A_618, %mul3A_158] : memref<16x64x50176xf32, #tpu.memory_space<hbm>> -> memref<1x1x256xf32, #tpu.memory_space<hbm>>
      %dma_start3A_624 = tpu.memref_squeeze %dma_start3A_623 : memref<1x1x256xf32, #tpu.memory_space<hbm>> -> memref<256xf32, #tpu.memory_space<hbm>>
      %dma_start3A_625 = arith.constant 13464 : i32
      %dma_start3A_626 = tpu.memref_slice %arg7[%dma_start3A_625] : memref<16896xf32, #tpu.memory_space<vmem>> -> memref<256xf32, #tpu.memory_space<vmem>>
      tpu.enqueue_dma source(%dma_start3A_626 : memref<256xf32, #tpu.memory_space<vmem>>) target(%dma_start3A_624 : memref<256xf32, #tpu.memory_space<hbm>>) target_semaphore(%arg13 : memref<!tpu.dma_semaphore, #tpu.memory_space<semaphore_mem>>)
      %dma_start3A_627 = arith.constant 52 : i32
      %dma_start3A_628 = arith.constant 13728 : i32
      %dma_start3A_629 = tpu.memref_slice %arg7[%dma_start3A_628] : memref<16896xf32, #tpu.memory_space<vmem>> -> memref<256xf32, #tpu.memory_space<vmem>>
      %dma_start3A_630 = tpu.memref_slice %arg4[%select_n3A, %dma_start3A_627, %mul3A_158] : memref<16x64x50176xf32, #tpu.memory_space<hbm>> -> memref<1x1x256xf32, #tpu.memory_space<hbm>>
      %dma_start3A_631 = tpu.memref_squeeze %dma_start3A_630 : memref<1x1x256xf32, #tpu.memory_space<hbm>> -> memref<256xf32, #tpu.memory_space<hbm>>
      %dma_start3A_632 = tpu.memref_slice %arg4[%select_n3A, %dma_start3A_627, %mul3A_158] : memref<16x64x50176xf32, #tpu.memory_space<hbm>> -> memref<1x1x256xf32, #tpu.memory_space<hbm>>
      %dma_start3A_633 = tpu.memref_squeeze %dma_start3A_632 : memref<1x1x256xf32, #tpu.memory_space<hbm>> -> memref<256xf32, #tpu.memory_space<hbm>>
      %dma_start3A_634 = arith.constant 13728 : i32
      %dma_start3A_635 = tpu.memref_slice %arg7[%dma_start3A_634] : memref<16896xf32, #tpu.memory_space<vmem>> -> memref<256xf32, #tpu.memory_space<vmem>>
      tpu.enqueue_dma source(%dma_start3A_635 : memref<256xf32, #tpu.memory_space<vmem>>) target(%dma_start3A_633 : memref<256xf32, #tpu.memory_space<hbm>>) target_semaphore(%arg13 : memref<!tpu.dma_semaphore, #tpu.memory_space<semaphore_mem>>)
      %dma_start3A_636 = arith.constant 53 : i32
      %dma_start3A_637 = arith.constant 13992 : i32
      %dma_start3A_638 = tpu.memref_slice %arg7[%dma_start3A_637] : memref<16896xf32, #tpu.memory_space<vmem>> -> memref<256xf32, #tpu.memory_space<vmem>>
      %dma_start3A_639 = tpu.memref_slice %arg4[%select_n3A, %dma_start3A_636, %mul3A_158] : memref<16x64x50176xf32, #tpu.memory_space<hbm>> -> memref<1x1x256xf32, #tpu.memory_space<hbm>>
      %dma_start3A_640 = tpu.memref_squeeze %dma_start3A_639 : memref<1x1x256xf32, #tpu.memory_space<hbm>> -> memref<256xf32, #tpu.memory_space<hbm>>
      %dma_start3A_641 = tpu.memref_slice %arg4[%select_n3A, %dma_start3A_636, %mul3A_158] : memref<16x64x50176xf32, #tpu.memory_space<hbm>> -> memref<1x1x256xf32, #tpu.memory_space<hbm>>
      %dma_start3A_642 = tpu.memref_squeeze %dma_start3A_641 : memref<1x1x256xf32, #tpu.memory_space<hbm>> -> memref<256xf32, #tpu.memory_space<hbm>>
      %dma_start3A_643 = arith.constant 13992 : i32
      %dma_start3A_644 = tpu.memref_slice %arg7[%dma_start3A_643] : memref<16896xf32, #tpu.memory_space<vmem>> -> memref<256xf32, #tpu.memory_space<vmem>>
      tpu.enqueue_dma source(%dma_start3A_644 : memref<256xf32, #tpu.memory_space<vmem>>) target(%dma_start3A_642 : memref<256xf32, #tpu.memory_space<hbm>>) target_semaphore(%arg13 : memref<!tpu.dma_semaphore, #tpu.memory_space<semaphore_mem>>)
      %dma_start3A_645 = arith.constant 54 : i32
      %dma_start3A_646 = arith.constant 14256 : i32
      %dma_start3A_647 = tpu.memref_slice %arg7[%dma_start3A_646] : memref<16896xf32, #tpu.memory_space<vmem>> -> memref<256xf32, #tpu.memory_space<vmem>>
      %dma_start3A_648 = tpu.memref_slice %arg4[%select_n3A, %dma_start3A_645, %mul3A_158] : memref<16x64x50176xf32, #tpu.memory_space<hbm>> -> memref<1x1x256xf32, #tpu.memory_space<hbm>>
      %dma_start3A_649 = tpu.memref_squeeze %dma_start3A_648 : memref<1x1x256xf32, #tpu.memory_space<hbm>> -> memref<256xf32, #tpu.memory_space<hbm>>
      %dma_start3A_650 = tpu.memref_slice %arg4[%select_n3A, %dma_start3A_645, %mul3A_158] : memref<16x64x50176xf32, #tpu.memory_space<hbm>> -> memref<1x1x256xf32, #tpu.memory_space<hbm>>
      %dma_start3A_651 = tpu.memref_squeeze %dma_start3A_650 : memref<1x1x256xf32, #tpu.memory_space<hbm>> -> memref<256xf32, #tpu.memory_space<hbm>>
      %dma_start3A_652 = arith.constant 14256 : i32
      %dma_start3A_653 = tpu.memref_slice %arg7[%dma_start3A_652] : memref<16896xf32, #tpu.memory_space<vmem>> -> memref<256xf32, #tpu.memory_space<vmem>>
      tpu.enqueue_dma source(%dma_start3A_653 : memref<256xf32, #tpu.memory_space<vmem>>) target(%dma_start3A_651 : memref<256xf32, #tpu.memory_space<hbm>>) target_semaphore(%arg13 : memref<!tpu.dma_semaphore, #tpu.memory_space<semaphore_mem>>)
      %dma_start3A_654 = arith.constant 55 : i32
      %dma_start3A_655 = arith.constant 14520 : i32
      %dma_start3A_656 = tpu.memref_slice %arg7[%dma_start3A_655] : memref<16896xf32, #tpu.memory_space<vmem>> -> memref<256xf32, #tpu.memory_space<vmem>>
      %dma_start3A_657 = tpu.memref_slice %arg4[%select_n3A, %dma_start3A_654, %mul3A_158] : memref<16x64x50176xf32, #tpu.memory_space<hbm>> -> memref<1x1x256xf32, #tpu.memory_space<hbm>>
      %dma_start3A_658 = tpu.memref_squeeze %dma_start3A_657 : memref<1x1x256xf32, #tpu.memory_space<hbm>> -> memref<256xf32, #tpu.memory_space<hbm>>
      %dma_start3A_659 = tpu.memref_slice %arg4[%select_n3A, %dma_start3A_654, %mul3A_158] : memref<16x64x50176xf32, #tpu.memory_space<hbm>> -> memref<1x1x256xf32, #tpu.memory_space<hbm>>
      %dma_start3A_660 = tpu.memref_squeeze %dma_start3A_659 : memref<1x1x256xf32, #tpu.memory_space<hbm>> -> memref<256xf32, #tpu.memory_space<hbm>>
      %dma_start3A_661 = arith.constant 14520 : i32
      %dma_start3A_662 = tpu.memref_slice %arg7[%dma_start3A_661] : memref<16896xf32, #tpu.memory_space<vmem>> -> memref<256xf32, #tpu.memory_space<vmem>>
      tpu.enqueue_dma source(%dma_start3A_662 : memref<256xf32, #tpu.memory_space<vmem>>) target(%dma_start3A_660 : memref<256xf32, #tpu.memory_space<hbm>>) target_semaphore(%arg13 : memref<!tpu.dma_semaphore, #tpu.memory_space<semaphore_mem>>)
      %dma_start3A_663 = arith.constant 56 : i32
      %dma_start3A_664 = arith.constant 14784 : i32
      %dma_start3A_665 = tpu.memref_slice %arg7[%dma_start3A_664] : memref<16896xf32, #tpu.memory_space<vmem>> -> memref<256xf32, #tpu.memory_space<vmem>>
      %dma_start3A_666 = tpu.memref_slice %arg4[%select_n3A, %dma_start3A_663, %mul3A_158] : memref<16x64x50176xf32, #tpu.memory_space<hbm>> -> memref<1x1x256xf32, #tpu.memory_space<hbm>>
      %dma_start3A_667 = tpu.memref_squeeze %dma_start3A_666 : memref<1x1x256xf32, #tpu.memory_space<hbm>> -> memref<256xf32, #tpu.memory_space<hbm>>
      %dma_start3A_668 = tpu.memref_slice %arg4[%select_n3A, %dma_start3A_663, %mul3A_158] : memref<16x64x50176xf32, #tpu.memory_space<hbm>> -> memref<1x1x256xf32, #tpu.memory_space<hbm>>
      %dma_start3A_669 = tpu.memref_squeeze %dma_start3A_668 : memref<1x1x256xf32, #tpu.memory_space<hbm>> -> memref<256xf32, #tpu.memory_space<hbm>>
      %dma_start3A_670 = arith.constant 14784 : i32
      %dma_start3A_671 = tpu.memref_slice %arg7[%dma_start3A_670] : memref<16896xf32, #tpu.memory_space<vmem>> -> memref<256xf32, #tpu.memory_space<vmem>>
      tpu.enqueue_dma source(%dma_start3A_671 : memref<256xf32, #tpu.memory_space<vmem>>) target(%dma_start3A_669 : memref<256xf32, #tpu.memory_space<hbm>>) target_semaphore(%arg13 : memref<!tpu.dma_semaphore, #tpu.memory_space<semaphore_mem>>)
      %dma_start3A_672 = arith.constant 57 : i32
      %dma_start3A_673 = arith.constant 15048 : i32
      %dma_start3A_674 = tpu.memref_slice %arg7[%dma_start3A_673] : memref<16896xf32, #tpu.memory_space<vmem>> -> memref<256xf32, #tpu.memory_space<vmem>>
      %dma_start3A_675 = tpu.memref_slice %arg4[%select_n3A, %dma_start3A_672, %mul3A_158] : memref<16x64x50176xf32, #tpu.memory_space<hbm>> -> memref<1x1x256xf32, #tpu.memory_space<hbm>>
      %dma_start3A_676 = tpu.memref_squeeze %dma_start3A_675 : memref<1x1x256xf32, #tpu.memory_space<hbm>> -> memref<256xf32, #tpu.memory_space<hbm>>
      %dma_start3A_677 = tpu.memref_slice %arg4[%select_n3A, %dma_start3A_672, %mul3A_158] : memref<16x64x50176xf32, #tpu.memory_space<hbm>> -> memref<1x1x256xf32, #tpu.memory_space<hbm>>
      %dma_start3A_678 = tpu.memref_squeeze %dma_start3A_677 : memref<1x1x256xf32, #tpu.memory_space<hbm>> -> memref<256xf32, #tpu.memory_space<hbm>>
      %dma_start3A_679 = arith.constant 15048 : i32
      %dma_start3A_680 = tpu.memref_slice %arg7[%dma_start3A_679] : memref<16896xf32, #tpu.memory_space<vmem>> -> memref<256xf32, #tpu.memory_space<vmem>>
      tpu.enqueue_dma source(%dma_start3A_680 : memref<256xf32, #tpu.memory_space<vmem>>) target(%dma_start3A_678 : memref<256xf32, #tpu.memory_space<hbm>>) target_semaphore(%arg13 : memref<!tpu.dma_semaphore, #tpu.memory_space<semaphore_mem>>)
      %dma_start3A_681 = arith.constant 58 : i32
      %dma_start3A_682 = arith.constant 15312 : i32
      %dma_start3A_683 = tpu.memref_slice %arg7[%dma_start3A_682] : memref<16896xf32, #tpu.memory_space<vmem>> -> memref<256xf32, #tpu.memory_space<vmem>>
      %dma_start3A_684 = tpu.memref_slice %arg4[%select_n3A, %dma_start3A_681, %mul3A_158] : memref<16x64x50176xf32, #tpu.memory_space<hbm>> -> memref<1x1x256xf32, #tpu.memory_space<hbm>>
      %dma_start3A_685 = tpu.memref_squeeze %dma_start3A_684 : memref<1x1x256xf32, #tpu.memory_space<hbm>> -> memref<256xf32, #tpu.memory_space<hbm>>
      %dma_start3A_686 = tpu.memref_slice %arg4[%select_n3A, %dma_start3A_681, %mul3A_158] : memref<16x64x50176xf32, #tpu.memory_space<hbm>> -> memref<1x1x256xf32, #tpu.memory_space<hbm>>
      %dma_start3A_687 = tpu.memref_squeeze %dma_start3A_686 : memref<1x1x256xf32, #tpu.memory_space<hbm>> -> memref<256xf32, #tpu.memory_space<hbm>>
      %dma_start3A_688 = arith.constant 15312 : i32
      %dma_start3A_689 = tpu.memref_slice %arg7[%dma_start3A_688] : memref<16896xf32, #tpu.memory_space<vmem>> -> memref<256xf32, #tpu.memory_space<vmem>>
      tpu.enqueue_dma source(%dma_start3A_689 : memref<256xf32, #tpu.memory_space<vmem>>) target(%dma_start3A_687 : memref<256xf32, #tpu.memory_space<hbm>>) target_semaphore(%arg13 : memref<!tpu.dma_semaphore, #tpu.memory_space<semaphore_mem>>)
      %dma_start3A_690 = arith.constant 59 : i32
      %dma_start3A_691 = arith.constant 15576 : i32
      %dma_start3A_692 = tpu.memref_slice %arg7[%dma_start3A_691] : memref<16896xf32, #tpu.memory_space<vmem>> -> memref<256xf32, #tpu.memory_space<vmem>>
      %dma_start3A_693 = tpu.memref_slice %arg4[%select_n3A, %dma_start3A_690, %mul3A_158] : memref<16x64x50176xf32, #tpu.memory_space<hbm>> -> memref<1x1x256xf32, #tpu.memory_space<hbm>>
      %dma_start3A_694 = tpu.memref_squeeze %dma_start3A_693 : memref<1x1x256xf32, #tpu.memory_space<hbm>> -> memref<256xf32, #tpu.memory_space<hbm>>
      %dma_start3A_695 = tpu.memref_slice %arg4[%select_n3A, %dma_start3A_690, %mul3A_158] : memref<16x64x50176xf32, #tpu.memory_space<hbm>> -> memref<1x1x256xf32, #tpu.memory_space<hbm>>
      %dma_start3A_696 = tpu.memref_squeeze %dma_start3A_695 : memref<1x1x256xf32, #tpu.memory_space<hbm>> -> memref<256xf32, #tpu.memory_space<hbm>>
      %dma_start3A_697 = arith.constant 15576 : i32
      %dma_start3A_698 = tpu.memref_slice %arg7[%dma_start3A_697] : memref<16896xf32, #tpu.memory_space<vmem>> -> memref<256xf32, #tpu.memory_space<vmem>>
      tpu.enqueue_dma source(%dma_start3A_698 : memref<256xf32, #tpu.memory_space<vmem>>) target(%dma_start3A_696 : memref<256xf32, #tpu.memory_space<hbm>>) target_semaphore(%arg13 : memref<!tpu.dma_semaphore, #tpu.memory_space<semaphore_mem>>)
      %dma_start3A_699 = arith.constant 60 : i32
      %dma_start3A_700 = arith.constant 15840 : i32
      %dma_start3A_701 = tpu.memref_slice %arg7[%dma_start3A_700] : memref<16896xf32, #tpu.memory_space<vmem>> -> memref<256xf32, #tpu.memory_space<vmem>>
      %dma_start3A_702 = tpu.memref_slice %arg4[%select_n3A, %dma_start3A_699, %mul3A_158] : memref<16x64x50176xf32, #tpu.memory_space<hbm>> -> memref<1x1x256xf32, #tpu.memory_space<hbm>>
      %dma_start3A_703 = tpu.memref_squeeze %dma_start3A_702 : memref<1x1x256xf32, #tpu.memory_space<hbm>> -> memref<256xf32, #tpu.memory_space<hbm>>
      %dma_start3A_704 = tpu.memref_slice %arg4[%select_n3A, %dma_start3A_699, %mul3A_158] : memref<16x64x50176xf32, #tpu.memory_space<hbm>> -> memref<1x1x256xf32, #tpu.memory_space<hbm>>
      %dma_start3A_705 = tpu.memref_squeeze %dma_start3A_704 : memref<1x1x256xf32, #tpu.memory_space<hbm>> -> memref<256xf32, #tpu.memory_space<hbm>>
      %dma_start3A_706 = arith.constant 15840 : i32
      %dma_start3A_707 = tpu.memref_slice %arg7[%dma_start3A_706] : memref<16896xf32, #tpu.memory_space<vmem>> -> memref<256xf32, #tpu.memory_space<vmem>>
      tpu.enqueue_dma source(%dma_start3A_707 : memref<256xf32, #tpu.memory_space<vmem>>) target(%dma_start3A_705 : memref<256xf32, #tpu.memory_space<hbm>>) target_semaphore(%arg13 : memref<!tpu.dma_semaphore, #tpu.memory_space<semaphore_mem>>)
      %dma_start3A_708 = arith.constant 61 : i32
      %dma_start3A_709 = arith.constant 16104 : i32
      %dma_start3A_710 = tpu.memref_slice %arg7[%dma_start3A_709] : memref<16896xf32, #tpu.memory_space<vmem>> -> memref<256xf32, #tpu.memory_space<vmem>>
      %dma_start3A_711 = tpu.memref_slice %arg4[%select_n3A, %dma_start3A_708, %mul3A_158] : memref<16x64x50176xf32, #tpu.memory_space<hbm>> -> memref<1x1x256xf32, #tpu.memory_space<hbm>>
      %dma_start3A_712 = tpu.memref_squeeze %dma_start3A_711 : memref<1x1x256xf32, #tpu.memory_space<hbm>> -> memref<256xf32, #tpu.memory_space<hbm>>
      %dma_start3A_713 = tpu.memref_slice %arg4[%select_n3A, %dma_start3A_708, %mul3A_158] : memref<16x64x50176xf32, #tpu.memory_space<hbm>> -> memref<1x1x256xf32, #tpu.memory_space<hbm>>
      %dma_start3A_714 = tpu.memref_squeeze %dma_start3A_713 : memref<1x1x256xf32, #tpu.memory_space<hbm>> -> memref<256xf32, #tpu.memory_space<hbm>>
      %dma_start3A_715 = arith.constant 16104 : i32
      %dma_start3A_716 = tpu.memref_slice %arg7[%dma_start3A_715] : memref<16896xf32, #tpu.memory_space<vmem>> -> memref<256xf32, #tpu.memory_space<vmem>>
      tpu.enqueue_dma source(%dma_start3A_716 : memref<256xf32, #tpu.memory_space<vmem>>) target(%dma_start3A_714 : memref<256xf32, #tpu.memory_space<hbm>>) target_semaphore(%arg13 : memref<!tpu.dma_semaphore, #tpu.memory_space<semaphore_mem>>)
      %dma_start3A_717 = arith.constant 62 : i32
      %dma_start3A_718 = arith.constant 16368 : i32
      %dma_start3A_719 = tpu.memref_slice %arg7[%dma_start3A_718] : memref<16896xf32, #tpu.memory_space<vmem>> -> memref<256xf32, #tpu.memory_space<vmem>>
      %dma_start3A_720 = tpu.memref_slice %arg4[%select_n3A, %dma_start3A_717, %mul3A_158] : memref<16x64x50176xf32, #tpu.memory_space<hbm>> -> memref<1x1x256xf32, #tpu.memory_space<hbm>>
      %dma_start3A_721 = tpu.memref_squeeze %dma_start3A_720 : memref<1x1x256xf32, #tpu.memory_space<hbm>> -> memref<256xf32, #tpu.memory_space<hbm>>
      %dma_start3A_722 = tpu.memref_slice %arg4[%select_n3A, %dma_start3A_717, %mul3A_158] : memref<16x64x50176xf32, #tpu.memory_space<hbm>> -> memref<1x1x256xf32, #tpu.memory_space<hbm>>
      %dma_start3A_723 = tpu.memref_squeeze %dma_start3A_722 : memref<1x1x256xf32, #tpu.memory_space<hbm>> -> memref<256xf32, #tpu.memory_space<hbm>>
      %dma_start3A_724 = arith.constant 16368 : i32
      %dma_start3A_725 = tpu.memref_slice %arg7[%dma_start3A_724] : memref<16896xf32, #tpu.memory_space<vmem>> -> memref<256xf32, #tpu.memory_space<vmem>>
      tpu.enqueue_dma source(%dma_start3A_725 : memref<256xf32, #tpu.memory_space<vmem>>) target(%dma_start3A_723 : memref<256xf32, #tpu.memory_space<hbm>>) target_semaphore(%arg13 : memref<!tpu.dma_semaphore, #tpu.memory_space<semaphore_mem>>)
      %dma_start3A_726 = arith.constant 63 : i32
      %dma_start3A_727 = arith.constant 16632 : i32
      %dma_start3A_728 = tpu.memref_slice %arg7[%dma_start3A_727] : memref<16896xf32, #tpu.memory_space<vmem>> -> memref<256xf32, #tpu.memory_space<vmem>>
      %dma_start3A_729 = tpu.memref_slice %arg4[%select_n3A, %dma_start3A_726, %mul3A_158] : memref<16x64x50176xf32, #tpu.memory_space<hbm>> -> memref<1x1x256xf32, #tpu.memory_space<hbm>>
      %dma_start3A_730 = tpu.memref_squeeze %dma_start3A_729 : memref<1x1x256xf32, #tpu.memory_space<hbm>> -> memref<256xf32, #tpu.memory_space<hbm>>
      %dma_start3A_731 = tpu.memref_slice %arg4[%select_n3A, %dma_start3A_726, %mul3A_158] : memref<16x64x50176xf32, #tpu.memory_space<hbm>> -> memref<1x1x256xf32, #tpu.memory_space<hbm>>
      %dma_start3A_732 = tpu.memref_squeeze %dma_start3A_731 : memref<1x1x256xf32, #tpu.memory_space<hbm>> -> memref<256xf32, #tpu.memory_space<hbm>>
      %dma_start3A_733 = arith.constant 16632 : i32
      %dma_start3A_734 = tpu.memref_slice %arg7[%dma_start3A_733] : memref<16896xf32, #tpu.memory_space<vmem>> -> memref<256xf32, #tpu.memory_space<vmem>>
      tpu.enqueue_dma source(%dma_start3A_734 : memref<256xf32, #tpu.memory_space<vmem>>) target(%dma_start3A_732 : memref<256xf32, #tpu.memory_space<hbm>>) target_semaphore(%arg13 : memref<!tpu.dma_semaphore, #tpu.memory_space<semaphore_mem>>)
      %mul3A_735 = arith.constant 2 : i32
      %mul3A_736 = arith.muli %mul3A_735, %scan3A_112 : i32
      %add3A_737 = arith.constant 1 : i32
      %add3A_738 = arith.addi %mul3A_736, %add3A_737 : i32
      %add3A_739 = arith.constant 2 : i32
      %add3A_740 = arith.addi %add3A_738, %add3A_739 : i32
      %sub3A_741 = arith.constant 1 : i32
      %sub3A_742 = arith.subi %add3A_740, %sub3A_741 : i32
      %lt3A_743 = arith.constant 98 : i32
      %lt3A_744 = arith.cmpi slt, %sub3A_742, %lt3A_743 : i32
      %convert_element_type3A_745 = arith.extui %lt3A_744 : i1 to i32
      %cond3A_746 = arith.constant 0 : i32
      %cond3A_747 = arith.cmpi ne, %convert_element_type3A_745, %cond3A_746 : i32
      scf.if %cond3A_747 {
        %add3A_1361 = arith.constant 2 : i32
        %add3A_1362 = arith.addi %add3A_738, %add3A_1361 : i32
        %sub3A_1363 = arith.constant 1 : i32
        %sub3A_1364 = arith.subi %add3A_1362, %sub3A_1363 : i32
        %mul3A_1365 = arith.constant 2 : i32
        %mul3A_1366 = arith.muli %mul3A_1365, %sub3A_1364 : i32
        %add3A_1367 = arith.addi %mul3A_32, %mul3A_1366 : i32
        %add3A_1368 = arith.constant 0 : i32
        %add3A_1369 = arith.addi %add3A_1367, %add3A_1368 : i32
        %dma_start3A_1370 = arith.constant 0 : i32
        %dma_start3A_1371 = arith.constant 0 : i32
        %dma_start3A_1372 = arith.constant 0 : i32
        %dma_start3A_1373 = tpu.memref_slice %arg6[%dma_start3A_1370, %dma_start3A_1371, %dma_start3A_1372] : memref<2x256x64xf32, #tpu.memory_space<vmem>> -> memref<1x128x64xf32, #tpu.memory_space<vmem>>
        %dma_start3A_1374 = tpu.memref_squeeze %dma_start3A_1373 : memref<1x128x64xf32, #tpu.memory_space<vmem>> -> memref<128x64xf32, #tpu.memory_space<vmem>>
        %dma_start3A_1375 = arith.constant 0 : i32
        %dma_start3A_1376 = tpu.memref_slice %arg5[%add3A_1369, %dma_start3A_1375] : memref<200x128xi32, #tpu.memory_space<vmem>> -> memref<1x128xi32, #tpu.memory_space<vmem>>
        %dma_start3A_1377 = tpu.memref_squeeze %dma_start3A_1376 : memref<1x128xi32, #tpu.memory_space<vmem>> -> memref<128xi32, #tpu.memory_space<vmem>>
        %dma_start3A_1378 = arith.constant 0 : i32
        %dma_start3A_1379 = arith.constant 0 : i32
        %dma_start3A_1380 = tpu.memref_slice %arg3[%dma_start3A_1378, %dma_start3A_1379] : memref<100000x64xf32, #tpu.memory_space<hbm>> -> memref<100000x64xf32, #tpu.memory_space<hbm>>
        tpu.enqueue_indirect_dma source(%dma_start3A_1380 : memref<100000x64xf32, #tpu.memory_space<hbm>>) target(%dma_start3A_1374 : memref<128x64xf32, #tpu.memory_space<vmem>>) offsets(%dma_start3A_1377 : memref<128xi32, #tpu.memory_space<vmem>>) semaphore(%arg9 : memref<!tpu.dma_semaphore, #tpu.memory_space<semaphore_mem>>)
        %mul3A_1381 = arith.constant 2 : i32
        %mul3A_1382 = arith.muli %mul3A_1381, %sub3A_1364 : i32
        %add3A_1383 = arith.addi %mul3A_32, %mul3A_1382 : i32
        %add3A_1384 = arith.constant 1 : i32
        %add3A_1385 = arith.addi %add3A_1383, %add3A_1384 : i32
        %dma_start3A_1386 = arith.constant 0 : i32
        %dma_start3A_1387 = arith.constant 128 : i32
        %dma_start3A_1388 = arith.constant 0 : i32
        %dma_start3A_1389 = tpu.memref_slice %arg6[%dma_start3A_1386, %dma_start3A_1387, %dma_start3A_1388] : memref<2x256x64xf32, #tpu.memory_space<vmem>> -> memref<1x128x64xf32, #tpu.memory_space<vmem>>
        %dma_start3A_1390 = tpu.memref_squeeze %dma_start3A_1389 : memref<1x128x64xf32, #tpu.memory_space<vmem>> -> memref<128x64xf32, #tpu.memory_space<vmem>>
        %dma_start3A_1391 = arith.constant 0 : i32
        %dma_start3A_1392 = tpu.memref_slice %arg5[%add3A_1385, %dma_start3A_1391] : memref<200x128xi32, #tpu.memory_space<vmem>> -> memref<1x128xi32, #tpu.memory_space<vmem>>
        %dma_start3A_1393 = tpu.memref_squeeze %dma_start3A_1392 : memref<1x128xi32, #tpu.memory_space<vmem>> -> memref<128xi32, #tpu.memory_space<vmem>>
        %dma_start3A_1394 = arith.constant 0 : i32
        %dma_start3A_1395 = arith.constant 0 : i32
        %dma_start3A_1396 = tpu.memref_slice %arg3[%dma_start3A_1394, %dma_start3A_1395] : memref<100000x64xf32, #tpu.memory_space<hbm>> -> memref<100000x64xf32, #tpu.memory_space<hbm>>
        tpu.enqueue_indirect_dma source(%dma_start3A_1396 : memref<100000x64xf32, #tpu.memory_space<hbm>>) target(%dma_start3A_1390 : memref<128x64xf32, #tpu.memory_space<vmem>>) offsets(%dma_start3A_1393 : memref<128xi32, #tpu.memory_space<vmem>>) semaphore(%arg9 : memref<!tpu.dma_semaphore, #tpu.memory_space<semaphore_mem>>)
      } else {
      }
      %dma_wait3A_748 = arith.constant 0 : i32
      %dma_wait3A_749 = arith.constant 1 : i32
      %dma_wait3A_750 = arith.constant 0 : i32
      %dma_wait3A_751 = arith.constant 0 : i32
      %dma_wait3A_752 = tpu.memref_slice %arg6[%dma_wait3A_749, %dma_wait3A_750, %dma_wait3A_751] : memref<2x256x64xf32, #tpu.memory_space<vmem>> -> memref<1x128x64xf32, #tpu.memory_space<vmem>>
      %dma_wait3A_753 = tpu.memref_squeeze %dma_wait3A_752 : memref<1x128x64xf32, #tpu.memory_space<vmem>> -> memref<128x64xf32, #tpu.memory_space<vmem>>
      %dma_wait3A_754 = arith.constant 0 : i32
      %dma_wait3A_755 = tpu.memref_slice %arg5[%dma_wait3A_748, %dma_wait3A_754] : memref<200x128xi32, #tpu.memory_space<vmem>> -> memref<1x128xi32, #tpu.memory_space<vmem>>
      %dma_wait3A_756 = tpu.memref_squeeze %dma_wait3A_755 : memref<1x128xi32, #tpu.memory_space<vmem>> -> memref<128xi32, #tpu.memory_space<vmem>>
      %dma_wait3A_757 = arith.constant 0 : i32
      %dma_wait3A_758 = arith.constant 0 : i32
      %dma_wait3A_759 = tpu.memref_slice %arg3[%dma_wait3A_757, %dma_wait3A_758] : memref<100000x64xf32, #tpu.memory_space<hbm>> -> memref<100000x64xf32, #tpu.memory_space<hbm>>
      tpu.wait_indirect_dma semaphore(%arg10 : memref<!tpu.dma_semaphore, #tpu.memory_space<semaphore_mem>>) src(%dma_wait3A_759 : memref<100000x64xf32, #tpu.memory_space<hbm>>) dst(%dma_wait3A_753 : memref<128x64xf32, #tpu.memory_space<vmem>>)
      %dma_wait3A_760 = arith.constant 0 : i32
      %dma_wait3A_761 = arith.constant 1 : i32
      %dma_wait3A_762 = arith.constant 128 : i32
      %dma_wait3A_763 = arith.constant 0 : i32
      %dma_wait3A_764 = tpu.memref_slice %arg6[%dma_wait3A_761, %dma_wait3A_762, %dma_wait3A_763] : memref<2x256x64xf32, #tpu.memory_space<vmem>> -> memref<1x128x64xf32, #tpu.memory_space<vmem>>
      %dma_wait3A_765 = tpu.memref_squeeze %dma_wait3A_764 : memref<1x128x64xf32, #tpu.memory_space<vmem>> -> memref<128x64xf32, #tpu.memory_space<vmem>>
      %dma_wait3A_766 = arith.constant 0 : i32
      %dma_wait3A_767 = tpu.memref_slice %arg5[%dma_wait3A_760, %dma_wait3A_766] : memref<200x128xi32, #tpu.memory_space<vmem>> -> memref<1x128xi32, #tpu.memory_space<vmem>>
      %dma_wait3A_768 = tpu.memref_squeeze %dma_wait3A_767 : memref<1x128xi32, #tpu.memory_space<vmem>> -> memref<128xi32, #tpu.memory_space<vmem>>
      %dma_wait3A_769 = arith.constant 0 : i32
      %dma_wait3A_770 = arith.constant 0 : i32
      %dma_wait3A_771 = tpu.memref_slice %arg3[%dma_wait3A_769, %dma_wait3A_770] : memref<100000x64xf32, #tpu.memory_space<hbm>> -> memref<100000x64xf32, #tpu.memory_space<hbm>>
      tpu.wait_indirect_dma semaphore(%arg10 : memref<!tpu.dma_semaphore, #tpu.memory_space<semaphore_mem>>) src(%dma_wait3A_771 : memref<100000x64xf32, #tpu.memory_space<hbm>>) dst(%dma_wait3A_765 : memref<128x64xf32, #tpu.memory_space<vmem>>)
      %ge3A_772 = arith.constant 2 : i32
      %ge3A_773 = arith.cmpi sge, %add3A_738, %ge3A_772 : i32
      %convert_element_type3A_774 = arith.extui %ge3A_773 : i1 to i32
      %cond3A_775 = arith.constant 0 : i32
      %cond3A_776 = arith.cmpi ne, %convert_element_type3A_774, %cond3A_775 : i32
      scf.if %cond3A_776 {
        %dma_wait3A_1361 = arith.constant 0 : i32
        %dma_wait3A_1362 = arith.constant 0 : i32
        %dma_wait3A_1363 = arith.constant 0 : i32
        %dma_wait3A_1364 = arith.constant 0 : i32
        %dma_wait3A_1365 = tpu.memref_slice %arg4[%dma_wait3A_1362, %dma_wait3A_1363, %dma_wait3A_1364] : memref<16x64x50176xf32, #tpu.memory_space<hbm>> -> memref<1x64x256xf32, #tpu.memory_space<hbm>>
        %dma_wait3A_1366 = tpu.memref_squeeze %dma_wait3A_1365 : memref<1x64x256xf32, #tpu.memory_space<hbm>> -> memref<64x256xf32, #tpu.memory_space<hbm>>
        %dma_wait3A_1367 = arith.constant 0 : i32
        %dma_wait3A_1368 = arith.constant 0 : i32
        %dma_wait3A_1369 = tpu.memref_slice %arg4[%dma_wait3A_1361, %dma_wait3A_1367, %dma_wait3A_1368] : memref<16x64x50176xf32, #tpu.memory_space<hbm>> -> memref<1x64x256xf32, #tpu.memory_space<hbm>>
        %dma_wait3A_1370 = tpu.memref_squeeze %dma_wait3A_1369 : memref<1x64x256xf32, #tpu.memory_space<hbm>> -> memref<64x256xf32, #tpu.memory_space<hbm>>
        tpu.wait_dma2 semaphore(%arg14 : memref<!tpu.dma_semaphore, #tpu.memory_space<semaphore_mem>>) src(%dma_wait3A_1370 : memref<64x256xf32, #tpu.memory_space<hbm>>) dst(%dma_wait3A_1366 : memref<64x256xf32, #tpu.memory_space<hbm>>)
      } else {
      }
      %parallel_loop3A_777 = arith.constant 0 : i32
      %parallel_loop3A_778 = arith.constant 256 : i32
      %parallel_loop3A_779 = arith.constant 1 : i32
      scf.for %parallel_loop3A_1361 = %parallel_loop3A_777 to %parallel_loop3A_778 step %parallel_loop3A_779  : i32 {
        %parallel_loop3A_1362 = vector.broadcast %parallel_loop3A_1361 : i32 to vector<16xi32>
        %parallel_loop3A_1363 = arith.constant 1 : i32
        %parallel_loop3A_1364 = arith.index_cast %parallel_loop3A_1363 : i32 to index
        %parallel_loop3A_1365 = arith.index_cast %parallel_loop3A_1361 : i32 to index
        %parallel_loop3A_1366 = arith.constant 0 : index
        %parallel_loop3A_1367 = tpu.vector_load %arg6[%parallel_loop3A_1364, %parallel_loop3A_1365, %parallel_loop3A_1366] {strides = array<i32>} : memref<2x256x64xf32, #tpu.memory_space<vmem>>, vector<16xf32>,
        %parallel_loop3A_1368 = arith.addi %mul3A_41, %parallel_loop3A_1362 : vector<16xi32>
        tpu.vector_store_idx %arg8[%parallel_loop3A_1368], %parallel_loop3A_1367 : memref<16896xf32, #tpu.memory_space<vmem>>[vector<16xi32>], vector<16xf32>,
        %parallel_loop3A_1369 = arith.constant 1 : i32
        %parallel_loop3A_1370 = arith.index_cast %parallel_loop3A_1369 : i32 to index
        %parallel_loop3A_1371 = arith.index_cast %parallel_loop3A_1361 : i32 to index
        %parallel_loop3A_1372 = arith.constant 16 : index
        %parallel_loop3A_1373 = tpu.vector_load %arg6[%parallel_loop3A_1370, %parallel_loop3A_1371, %parallel_loop3A_1372] {strides = array<i32>} : memref<2x256x64xf32, #tpu.memory_space<vmem>>, vector<16xf32>,
        %parallel_loop3A_1374 = arith.addi %mul3A_47, %parallel_loop3A_1362 : vector<16xi32>
        tpu.vector_store_idx %arg8[%parallel_loop3A_1374], %parallel_loop3A_1373 : memref<16896xf32, #tpu.memory_space<vmem>>[vector<16xi32>], vector<16xf32>,
        %parallel_loop3A_1375 = arith.constant 1 : i32
        %parallel_loop3A_1376 = arith.index_cast %parallel_loop3A_1375 : i32 to index
        %parallel_loop3A_1377 = arith.index_cast %parallel_loop3A_1361 : i32 to index
        %parallel_loop3A_1378 = arith.constant 32 : index
        %parallel_loop3A_1379 = tpu.vector_load %arg6[%parallel_loop3A_1376, %parallel_loop3A_1377, %parallel_loop3A_1378] {strides = array<i32>} : memref<2x256x64xf32, #tpu.memory_space<vmem>>, vector<16xf32>,
        %parallel_loop3A_1380 = arith.addi %mul3A_53, %parallel_loop3A_1362 : vector<16xi32>
        tpu.vector_store_idx %arg8[%parallel_loop3A_1380], %parallel_loop3A_1379 : memref<16896xf32, #tpu.memory_space<vmem>>[vector<16xi32>], vector<16xf32>,
        %parallel_loop3A_1381 = arith.constant 1 : i32
        %parallel_loop3A_1382 = arith.index_cast %parallel_loop3A_1381 : i32 to index
        %parallel_loop3A_1383 = arith.index_cast %parallel_loop3A_1361 : i32 to index
        %parallel_loop3A_1384 = arith.constant 48 : index
        %parallel_loop3A_1385 = tpu.vector_load %arg6[%parallel_loop3A_1382, %parallel_loop3A_1383, %parallel_loop3A_1384] {strides = array<i32>} : memref<2x256x64xf32, #tpu.memory_space<vmem>>, vector<16xf32>,
        %parallel_loop3A_1386 = arith.addi %mul3A_59, %parallel_loop3A_1362 : vector<16xi32>
        tpu.vector_store_idx %arg8[%parallel_loop3A_1386], %parallel_loop3A_1385 : memref<16896xf32, #tpu.memory_space<vmem>>[vector<16xi32>], vector<16xf32>,
      } {sc.loop_unroll_factor = 16 : i64, sc.parallel_access}
      %mul3A_780 = arith.constant 98 : i32
      %mul3A_781 = arith.muli %select_n3A_30, %mul3A_780 : i32
      %add3A_782 = arith.addi %mul3A_781, %add3A_738 : i32
      %mul3A_783 = arith.constant 256 : i32
      %mul3A_784 = arith.muli %add3A_782, %mul3A_783 : i32
      %dma_start3A_785 = arith.constant 0 : i32
      %dma_start3A_786 = arith.constant 0 : i32
      %dma_start3A_787 = tpu.memref_slice %arg8[%dma_start3A_786] : memref<16896xf32, #tpu.memory_space<vmem>> -> memref<256xf32, #tpu.memory_space<vmem>>
      %dma_start3A_788 = tpu.memref_slice %arg4[%select_n3A, %dma_start3A_785, %mul3A_784] : memref<16x64x50176xf32, #tpu.memory_space<hbm>> -> memref<1x1x256xf32, #tpu.memory_space<hbm>>
      %dma_start3A_789 = tpu.memref_squeeze %dma_start3A_788 : memref<1x1x256xf32, #tpu.memory_space<hbm>> -> memref<256xf32, #tpu.memory_space<hbm>>
      %dma_start3A_790 = tpu.memref_slice %arg4[%select_n3A, %dma_start3A_785, %mul3A_784] : memref<16x64x50176xf32, #tpu.memory_space<hbm>> -> memref<1x1x256xf32, #tpu.memory_space<hbm>>
      %dma_start3A_791 = tpu.memref_squeeze %dma_start3A_790 : memref<1x1x256xf32, #tpu.memory_space<hbm>> -> memref<256xf32, #tpu.memory_space<hbm>>
      %dma_start3A_792 = arith.constant 0 : i32
      %dma_start3A_793 = tpu.memref_slice %arg8[%dma_start3A_792] : memref<16896xf32, #tpu.memory_space<vmem>> -> memref<256xf32, #tpu.memory_space<vmem>>
      tpu.enqueue_dma source(%dma_start3A_793 : memref<256xf32, #tpu.memory_space<vmem>>) target(%dma_start3A_791 : memref<256xf32, #tpu.memory_space<hbm>>) target_semaphore(%arg14 : memref<!tpu.dma_semaphore, #tpu.memory_space<semaphore_mem>>)
      %dma_start3A_794 = arith.constant 1 : i32
      %dma_start3A_795 = arith.constant 264 : i32
      %dma_start3A_796 = tpu.memref_slice %arg8[%dma_start3A_795] : memref<16896xf32, #tpu.memory_space<vmem>> -> memref<256xf32, #tpu.memory_space<vmem>>
      %dma_start3A_797 = tpu.memref_slice %arg4[%select_n3A, %dma_start3A_794, %mul3A_784] : memref<16x64x50176xf32, #tpu.memory_space<hbm>> -> memref<1x1x256xf32, #tpu.memory_space<hbm>>
      %dma_start3A_798 = tpu.memref_squeeze %dma_start3A_797 : memref<1x1x256xf32, #tpu.memory_space<hbm>> -> memref<256xf32, #tpu.memory_space<hbm>>
      %dma_start3A_799 = tpu.memref_slice %arg4[%select_n3A, %dma_start3A_794, %mul3A_784] : memref<16x64x50176xf32, #tpu.memory_space<hbm>> -> memref<1x1x256xf32, #tpu.memory_space<hbm>>
      %dma_start3A_800 = tpu.memref_squeeze %dma_start3A_799 : memref<1x1x256xf32, #tpu.memory_space<hbm>> -> memref<256xf32, #tpu.memory_space<hbm>>
      %dma_start3A_801 = arith.constant 264 : i32
      %dma_start3A_802 = tpu.memref_slice %arg8[%dma_start3A_801] : memref<16896xf32, #tpu.memory_space<vmem>> -> memref<256xf32, #tpu.memory_space<vmem>>
      tpu.enqueue_dma source(%dma_start3A_802 : memref<256xf32, #tpu.memory_space<vmem>>) target(%dma_start3A_800 : memref<256xf32, #tpu.memory_space<hbm>>) target_semaphore(%arg14 : memref<!tpu.dma_semaphore, #tpu.memory_space<semaphore_mem>>)
      %dma_start3A_803 = arith.constant 2 : i32
      %dma_start3A_804 = arith.constant 528 : i32
      %dma_start3A_805 = tpu.memref_slice %arg8[%dma_start3A_804] : memref<16896xf32, #tpu.memory_space<vmem>> -> memref<256xf32, #tpu.memory_space<vmem>>
      %dma_start3A_806 = tpu.memref_slice %arg4[%select_n3A, %dma_start3A_803, %mul3A_784] : memref<16x64x50176xf32, #tpu.memory_space<hbm>> -> memref<1x1x256xf32, #tpu.memory_space<hbm>>
      %dma_start3A_807 = tpu.memref_squeeze %dma_start3A_806 : memref<1x1x256xf32, #tpu.memory_space<hbm>> -> memref<256xf32, #tpu.memory_space<hbm>>
      %dma_start3A_808 = tpu.memref_slice %arg4[%select_n3A, %dma_start3A_803, %mul3A_784] : memref<16x64x50176xf32, #tpu.memory_space<hbm>> -> memref<1x1x256xf32, #tpu.memory_space<hbm>>
      %dma_start3A_809 = tpu.memref_squeeze %dma_start3A_808 : memref<1x1x256xf32, #tpu.memory_space<hbm>> -> memref<256xf32, #tpu.memory_space<hbm>>
      %dma_start3A_810 = arith.constant 528 : i32
      %dma_start3A_811 = tpu.memref_slice %arg8[%dma_start3A_810] : memref<16896xf32, #tpu.memory_space<vmem>> -> memref<256xf32, #tpu.memory_space<vmem>>
      tpu.enqueue_dma source(%dma_start3A_811 : memref<256xf32, #tpu.memory_space<vmem>>) target(%dma_start3A_809 : memref<256xf32, #tpu.memory_space<hbm>>) target_semaphore(%arg14 : memref<!tpu.dma_semaphore, #tpu.memory_space<semaphore_mem>>)
      %dma_start3A_812 = arith.constant 3 : i32
      %dma_start3A_813 = arith.constant 792 : i32
      %dma_start3A_814 = tpu.memref_slice %arg8[%dma_start3A_813] : memref<16896xf32, #tpu.memory_space<vmem>> -> memref<256xf32, #tpu.memory_space<vmem>>
      %dma_start3A_815 = tpu.memref_slice %arg4[%select_n3A, %dma_start3A_812, %mul3A_784] : memref<16x64x50176xf32, #tpu.memory_space<hbm>> -> memref<1x1x256xf32, #tpu.memory_space<hbm>>
      %dma_start3A_816 = tpu.memref_squeeze %dma_start3A_815 : memref<1x1x256xf32, #tpu.memory_space<hbm>> -> memref<256xf32, #tpu.memory_space<hbm>>
      %dma_start3A_817 = tpu.memref_slice %arg4[%select_n3A, %dma_start3A_812, %mul3A_784] : memref<16x64x50176xf32, #tpu.memory_space<hbm>> -> memref<1x1x256xf32, #tpu.memory_space<hbm>>
      %dma_start3A_818 = tpu.memref_squeeze %dma_start3A_817 : memref<1x1x256xf32, #tpu.memory_space<hbm>> -> memref<256xf32, #tpu.memory_space<hbm>>
      %dma_start3A_819 = arith.constant 792 : i32
      %dma_start3A_820 = tpu.memref_slice %arg8[%dma_start3A_819] : memref<16896xf32, #tpu.memory_space<vmem>> -> memref<256xf32, #tpu.memory_space<vmem>>
      tpu.enqueue_dma source(%dma_start3A_820 : memref<256xf32, #tpu.memory_space<vmem>>) target(%dma_start3A_818 : memref<256xf32, #tpu.memory_space<hbm>>) target_semaphore(%arg14 : memref<!tpu.dma_semaphore, #tpu.memory_space<semaphore_mem>>)
      %dma_start3A_821 = arith.constant 4 : i32
      %dma_start3A_822 = arith.constant 1056 : i32
      %dma_start3A_823 = tpu.memref_slice %arg8[%dma_start3A_822] : memref<16896xf32, #tpu.memory_space<vmem>> -> memref<256xf32, #tpu.memory_space<vmem>>
      %dma_start3A_824 = tpu.memref_slice %arg4[%select_n3A, %dma_start3A_821, %mul3A_784] : memref<16x64x50176xf32, #tpu.memory_space<hbm>> -> memref<1x1x256xf32, #tpu.memory_space<hbm>>
      %dma_start3A_825 = tpu.memref_squeeze %dma_start3A_824 : memref<1x1x256xf32, #tpu.memory_space<hbm>> -> memref<256xf32, #tpu.memory_space<hbm>>
      %dma_start3A_826 = tpu.memref_slice %arg4[%select_n3A, %dma_start3A_821, %mul3A_784] : memref<16x64x50176xf32, #tpu.memory_space<hbm>> -> memref<1x1x256xf32, #tpu.memory_space<hbm>>
      %dma_start3A_827 = tpu.memref_squeeze %dma_start3A_826 : memref<1x1x256xf32, #tpu.memory_space<hbm>> -> memref<256xf32, #tpu.memory_space<hbm>>
      %dma_start3A_828 = arith.constant 1056 : i32
      %dma_start3A_829 = tpu.memref_slice %arg8[%dma_start3A_828] : memref<16896xf32, #tpu.memory_space<vmem>> -> memref<256xf32, #tpu.memory_space<vmem>>
      tpu.enqueue_dma source(%dma_start3A_829 : memref<256xf32, #tpu.memory_space<vmem>>) target(%dma_start3A_827 : memref<256xf32, #tpu.memory_space<hbm>>) target_semaphore(%arg14 : memref<!tpu.dma_semaphore, #tpu.memory_space<semaphore_mem>>)
      %dma_start3A_830 = arith.constant 5 : i32
      %dma_start3A_831 = arith.constant 1320 : i32
      %dma_start3A_832 = tpu.memref_slice %arg8[%dma_start3A_831] : memref<16896xf32, #tpu.memory_space<vmem>> -> memref<256xf32, #tpu.memory_space<vmem>>
      %dma_start3A_833 = tpu.memref_slice %arg4[%select_n3A, %dma_start3A_830, %mul3A_784] : memref<16x64x50176xf32, #tpu.memory_space<hbm>> -> memref<1x1x256xf32, #tpu.memory_space<hbm>>
      %dma_start3A_834 = tpu.memref_squeeze %dma_start3A_833 : memref<1x1x256xf32, #tpu.memory_space<hbm>> -> memref<256xf32, #tpu.memory_space<hbm>>
      %dma_start3A_835 = tpu.memref_slice %arg4[%select_n3A, %dma_start3A_830, %mul3A_784] : memref<16x64x50176xf32, #tpu.memory_space<hbm>> -> memref<1x1x256xf32, #tpu.memory_space<hbm>>
      %dma_start3A_836 = tpu.memref_squeeze %dma_start3A_835 : memref<1x1x256xf32, #tpu.memory_space<hbm>> -> memref<256xf32, #tpu.memory_space<hbm>>
      %dma_start3A_837 = arith.constant 1320 : i32
      %dma_start3A_838 = tpu.memref_slice %arg8[%dma_start3A_837] : memref<16896xf32, #tpu.memory_space<vmem>> -> memref<256xf32, #tpu.memory_space<vmem>>
      tpu.enqueue_dma source(%dma_start3A_838 : memref<256xf32, #tpu.memory_space<vmem>>) target(%dma_start3A_836 : memref<256xf32, #tpu.memory_space<hbm>>) target_semaphore(%arg14 : memref<!tpu.dma_semaphore, #tpu.memory_space<semaphore_mem>>)
      %dma_start3A_839 = arith.constant 6 : i32
      %dma_start3A_840 = arith.constant 1584 : i32
      %dma_start3A_841 = tpu.memref_slice %arg8[%dma_start3A_840] : memref<16896xf32, #tpu.memory_space<vmem>> -> memref<256xf32, #tpu.memory_space<vmem>>
      %dma_start3A_842 = tpu.memref_slice %arg4[%select_n3A, %dma_start3A_839, %mul3A_784] : memref<16x64x50176xf32, #tpu.memory_space<hbm>> -> memref<1x1x256xf32, #tpu.memory_space<hbm>>
      %dma_start3A_843 = tpu.memref_squeeze %dma_start3A_842 : memref<1x1x256xf32, #tpu.memory_space<hbm>> -> memref<256xf32, #tpu.memory_space<hbm>>
      %dma_start3A_844 = tpu.memref_slice %arg4[%select_n3A, %dma_start3A_839, %mul3A_784] : memref<16x64x50176xf32, #tpu.memory_space<hbm>> -> memref<1x1x256xf32, #tpu.memory_space<hbm>>
      %dma_start3A_845 = tpu.memref_squeeze %dma_start3A_844 : memref<1x1x256xf32, #tpu.memory_space<hbm>> -> memref<256xf32, #tpu.memory_space<hbm>>
      %dma_start3A_846 = arith.constant 1584 : i32
      %dma_start3A_847 = tpu.memref_slice %arg8[%dma_start3A_846] : memref<16896xf32, #tpu.memory_space<vmem>> -> memref<256xf32, #tpu.memory_space<vmem>>
      tpu.enqueue_dma source(%dma_start3A_847 : memref<256xf32, #tpu.memory_space<vmem>>) target(%dma_start3A_845 : memref<256xf32, #tpu.memory_space<hbm>>) target_semaphore(%arg14 : memref<!tpu.dma_semaphore, #tpu.memory_space<semaphore_mem>>)
      %dma_start3A_848 = arith.constant 7 : i32
      %dma_start3A_849 = arith.constant 1848 : i32
      %dma_start3A_850 = tpu.memref_slice %arg8[%dma_start3A_849] : memref<16896xf32, #tpu.memory_space<vmem>> -> memref<256xf32, #tpu.memory_space<vmem>>
      %dma_start3A_851 = tpu.memref_slice %arg4[%select_n3A, %dma_start3A_848, %mul3A_784] : memref<16x64x50176xf32, #tpu.memory_space<hbm>> -> memref<1x1x256xf32, #tpu.memory_space<hbm>>
      %dma_start3A_852 = tpu.memref_squeeze %dma_start3A_851 : memref<1x1x256xf32, #tpu.memory_space<hbm>> -> memref<256xf32, #tpu.memory_space<hbm>>
      %dma_start3A_853 = tpu.memref_slice %arg4[%select_n3A, %dma_start3A_848, %mul3A_784] : memref<16x64x50176xf32, #tpu.memory_space<hbm>> -> memref<1x1x256xf32, #tpu.memory_space<hbm>>
      %dma_start3A_854 = tpu.memref_squeeze %dma_start3A_853 : memref<1x1x256xf32, #tpu.memory_space<hbm>> -> memref<256xf32, #tpu.memory_space<hbm>>
      %dma_start3A_855 = arith.constant 1848 : i32
      %dma_start3A_856 = tpu.memref_slice %arg8[%dma_start3A_855] : memref<16896xf32, #tpu.memory_space<vmem>> -> memref<256xf32, #tpu.memory_space<vmem>>
      tpu.enqueue_dma source(%dma_start3A_856 : memref<256xf32, #tpu.memory_space<vmem>>) target(%dma_start3A_854 : memref<256xf32, #tpu.memory_space<hbm>>) target_semaphore(%arg14 : memref<!tpu.dma_semaphore, #tpu.memory_space<semaphore_mem>>)
      %dma_start3A_857 = arith.constant 8 : i32
      %dma_start3A_858 = arith.constant 2112 : i32
      %dma_start3A_859 = tpu.memref_slice %arg8[%dma_start3A_858] : memref<16896xf32, #tpu.memory_space<vmem>> -> memref<256xf32, #tpu.memory_space<vmem>>
      %dma_start3A_860 = tpu.memref_slice %arg4[%select_n3A, %dma_start3A_857, %mul3A_784] : memref<16x64x50176xf32, #tpu.memory_space<hbm>> -> memref<1x1x256xf32, #tpu.memory_space<hbm>>
      %dma_start3A_861 = tpu.memref_squeeze %dma_start3A_860 : memref<1x1x256xf32, #tpu.memory_space<hbm>> -> memref<256xf32, #tpu.memory_space<hbm>>
      %dma_start3A_862 = tpu.memref_slice %arg4[%select_n3A, %dma_start3A_857, %mul3A_784] : memref<16x64x50176xf32, #tpu.memory_space<hbm>> -> memref<1x1x256xf32, #tpu.memory_space<hbm>>
      %dma_start3A_863 = tpu.memref_squeeze %dma_start3A_862 : memref<1x1x256xf32, #tpu.memory_space<hbm>> -> memref<256xf32, #tpu.memory_space<hbm>>
      %dma_start3A_864 = arith.constant 2112 : i32
      %dma_start3A_865 = tpu.memref_slice %arg8[%dma_start3A_864] : memref<16896xf32, #tpu.memory_space<vmem>> -> memref<256xf32, #tpu.memory_space<vmem>>
      tpu.enqueue_dma source(%dma_start3A_865 : memref<256xf32, #tpu.memory_space<vmem>>) target(%dma_start3A_863 : memref<256xf32, #tpu.memory_space<hbm>>) target_semaphore(%arg14 : memref<!tpu.dma_semaphore, #tpu.memory_space<semaphore_mem>>)
      %dma_start3A_866 = arith.constant 9 : i32
      %dma_start3A_867 = arith.constant 2376 : i32
      %dma_start3A_868 = tpu.memref_slice %arg8[%dma_start3A_867] : memref<16896xf32, #tpu.memory_space<vmem>> -> memref<256xf32, #tpu.memory_space<vmem>>
      %dma_start3A_869 = tpu.memref_slice %arg4[%select_n3A, %dma_start3A_866, %mul3A_784] : memref<16x64x50176xf32, #tpu.memory_space<hbm>> -> memref<1x1x256xf32, #tpu.memory_space<hbm>>
      %dma_start3A_870 = tpu.memref_squeeze %dma_start3A_869 : memref<1x1x256xf32, #tpu.memory_space<hbm>> -> memref<256xf32, #tpu.memory_space<hbm>>
      %dma_start3A_871 = tpu.memref_slice %arg4[%select_n3A, %dma_start3A_866, %mul3A_784] : memref<16x64x50176xf32, #tpu.memory_space<hbm>> -> memref<1x1x256xf32, #tpu.memory_space<hbm>>
      %dma_start3A_872 = tpu.memref_squeeze %dma_start3A_871 : memref<1x1x256xf32, #tpu.memory_space<hbm>> -> memref<256xf32, #tpu.memory_space<hbm>>
      %dma_start3A_873 = arith.constant 2376 : i32
      %dma_start3A_874 = tpu.memref_slice %arg8[%dma_start3A_873] : memref<16896xf32, #tpu.memory_space<vmem>> -> memref<256xf32, #tpu.memory_space<vmem>>
      tpu.enqueue_dma source(%dma_start3A_874 : memref<256xf32, #tpu.memory_space<vmem>>) target(%dma_start3A_872 : memref<256xf32, #tpu.memory_space<hbm>>) target_semaphore(%arg14 : memref<!tpu.dma_semaphore, #tpu.memory_space<semaphore_mem>>)
      %dma_start3A_875 = arith.constant 10 : i32
      %dma_start3A_876 = arith.constant 2640 : i32
      %dma_start3A_877 = tpu.memref_slice %arg8[%dma_start3A_876] : memref<16896xf32, #tpu.memory_space<vmem>> -> memref<256xf32, #tpu.memory_space<vmem>>
      %dma_start3A_878 = tpu.memref_slice %arg4[%select_n3A, %dma_start3A_875, %mul3A_784] : memref<16x64x50176xf32, #tpu.memory_space<hbm>> -> memref<1x1x256xf32, #tpu.memory_space<hbm>>
      %dma_start3A_879 = tpu.memref_squeeze %dma_start3A_878 : memref<1x1x256xf32, #tpu.memory_space<hbm>> -> memref<256xf32, #tpu.memory_space<hbm>>
      %dma_start3A_880 = tpu.memref_slice %arg4[%select_n3A, %dma_start3A_875, %mul3A_784] : memref<16x64x50176xf32, #tpu.memory_space<hbm>> -> memref<1x1x256xf32, #tpu.memory_space<hbm>>
      %dma_start3A_881 = tpu.memref_squeeze %dma_start3A_880 : memref<1x1x256xf32, #tpu.memory_space<hbm>> -> memref<256xf32, #tpu.memory_space<hbm>>
      %dma_start3A_882 = arith.constant 2640 : i32
      %dma_start3A_883 = tpu.memref_slice %arg8[%dma_start3A_882] : memref<16896xf32, #tpu.memory_space<vmem>> -> memref<256xf32, #tpu.memory_space<vmem>>
      tpu.enqueue_dma source(%dma_start3A_883 : memref<256xf32, #tpu.memory_space<vmem>>) target(%dma_start3A_881 : memref<256xf32, #tpu.memory_space<hbm>>) target_semaphore(%arg14 : memref<!tpu.dma_semaphore, #tpu.memory_space<semaphore_mem>>)
      %dma_start3A_884 = arith.constant 11 : i32
      %dma_start3A_885 = arith.constant 2904 : i32
      %dma_start3A_886 = tpu.memref_slice %arg8[%dma_start3A_885] : memref<16896xf32, #tpu.memory_space<vmem>> -> memref<256xf32, #tpu.memory_space<vmem>>
      %dma_start3A_887 = tpu.memref_slice %arg4[%select_n3A, %dma_start3A_884, %mul3A_784] : memref<16x64x50176xf32, #tpu.memory_space<hbm>> -> memref<1x1x256xf32, #tpu.memory_space<hbm>>
      %dma_start3A_888 = tpu.memref_squeeze %dma_start3A_887 : memref<1x1x256xf32, #tpu.memory_space<hbm>> -> memref<256xf32, #tpu.memory_space<hbm>>
      %dma_start3A_889 = tpu.memref_slice %arg4[%select_n3A, %dma_start3A_884, %mul3A_784] : memref<16x64x50176xf32, #tpu.memory_space<hbm>> -> memref<1x1x256xf32, #tpu.memory_space<hbm>>
      %dma_start3A_890 = tpu.memref_squeeze %dma_start3A_889 : memref<1x1x256xf32, #tpu.memory_space<hbm>> -> memref<256xf32, #tpu.memory_space<hbm>>
      %dma_start3A_891 = arith.constant 2904 : i32
      %dma_start3A_892 = tpu.memref_slice %arg8[%dma_start3A_891] : memref<16896xf32, #tpu.memory_space<vmem>> -> memref<256xf32, #tpu.memory_space<vmem>>
      tpu.enqueue_dma source(%dma_start3A_892 : memref<256xf32, #tpu.memory_space<vmem>>) target(%dma_start3A_890 : memref<256xf32, #tpu.memory_space<hbm>>) target_semaphore(%arg14 : memref<!tpu.dma_semaphore, #tpu.memory_space<semaphore_mem>>)
      %dma_start3A_893 = arith.constant 12 : i32
      %dma_start3A_894 = arith.constant 3168 : i32
      %dma_start3A_895 = tpu.memref_slice %arg8[%dma_start3A_894] : memref<16896xf32, #tpu.memory_space<vmem>> -> memref<256xf32, #tpu.memory_space<vmem>>
      %dma_start3A_896 = tpu.memref_slice %arg4[%select_n3A, %dma_start3A_893, %mul3A_784] : memref<16x64x50176xf32, #tpu.memory_space<hbm>> -> memref<1x1x256xf32, #tpu.memory_space<hbm>>
      %dma_start3A_897 = tpu.memref_squeeze %dma_start3A_896 : memref<1x1x256xf32, #tpu.memory_space<hbm>> -> memref<256xf32, #tpu.memory_space<hbm>>
      %dma_start3A_898 = tpu.memref_slice %arg4[%select_n3A, %dma_start3A_893, %mul3A_784] : memref<16x64x50176xf32, #tpu.memory_space<hbm>> -> memref<1x1x256xf32, #tpu.memory_space<hbm>>
      %dma_start3A_899 = tpu.memref_squeeze %dma_start3A_898 : memref<1x1x256xf32, #tpu.memory_space<hbm>> -> memref<256xf32, #tpu.memory_space<hbm>>
      %dma_start3A_900 = arith.constant 3168 : i32
      %dma_start3A_901 = tpu.memref_slice %arg8[%dma_start3A_900] : memref<16896xf32, #tpu.memory_space<vmem>> -> memref<256xf32, #tpu.memory_space<vmem>>
      tpu.enqueue_dma source(%dma_start3A_901 : memref<256xf32, #tpu.memory_space<vmem>>) target(%dma_start3A_899 : memref<256xf32, #tpu.memory_space<hbm>>) target_semaphore(%arg14 : memref<!tpu.dma_semaphore, #tpu.memory_space<semaphore_mem>>)
      %dma_start3A_902 = arith.constant 13 : i32
      %dma_start3A_903 = arith.constant 3432 : i32
      %dma_start3A_904 = tpu.memref_slice %arg8[%dma_start3A_903] : memref<16896xf32, #tpu.memory_space<vmem>> -> memref<256xf32, #tpu.memory_space<vmem>>
      %dma_start3A_905 = tpu.memref_slice %arg4[%select_n3A, %dma_start3A_902, %mul3A_784] : memref<16x64x50176xf32, #tpu.memory_space<hbm>> -> memref<1x1x256xf32, #tpu.memory_space<hbm>>
      %dma_start3A_906 = tpu.memref_squeeze %dma_start3A_905 : memref<1x1x256xf32, #tpu.memory_space<hbm>> -> memref<256xf32, #tpu.memory_space<hbm>>
      %dma_start3A_907 = tpu.memref_slice %arg4[%select_n3A, %dma_start3A_902, %mul3A_784] : memref<16x64x50176xf32, #tpu.memory_space<hbm>> -> memref<1x1x256xf32, #tpu.memory_space<hbm>>
      %dma_start3A_908 = tpu.memref_squeeze %dma_start3A_907 : memref<1x1x256xf32, #tpu.memory_space<hbm>> -> memref<256xf32, #tpu.memory_space<hbm>>
      %dma_start3A_909 = arith.constant 3432 : i32
      %dma_start3A_910 = tpu.memref_slice %arg8[%dma_start3A_909] : memref<16896xf32, #tpu.memory_space<vmem>> -> memref<256xf32, #tpu.memory_space<vmem>>
      tpu.enqueue_dma source(%dma_start3A_910 : memref<256xf32, #tpu.memory_space<vmem>>) target(%dma_start3A_908 : memref<256xf32, #tpu.memory_space<hbm>>) target_semaphore(%arg14 : memref<!tpu.dma_semaphore, #tpu.memory_space<semaphore_mem>>)
      %dma_start3A_911 = arith.constant 14 : i32
      %dma_start3A_912 = arith.constant 3696 : i32
      %dma_start3A_913 = tpu.memref_slice %arg8[%dma_start3A_912] : memref<16896xf32, #tpu.memory_space<vmem>> -> memref<256xf32, #tpu.memory_space<vmem>>
      %dma_start3A_914 = tpu.memref_slice %arg4[%select_n3A, %dma_start3A_911, %mul3A_784] : memref<16x64x50176xf32, #tpu.memory_space<hbm>> -> memref<1x1x256xf32, #tpu.memory_space<hbm>>
      %dma_start3A_915 = tpu.memref_squeeze %dma_start3A_914 : memref<1x1x256xf32, #tpu.memory_space<hbm>> -> memref<256xf32, #tpu.memory_space<hbm>>
      %dma_start3A_916 = tpu.memref_slice %arg4[%select_n3A, %dma_start3A_911, %mul3A_784] : memref<16x64x50176xf32, #tpu.memory_space<hbm>> -> memref<1x1x256xf32, #tpu.memory_space<hbm>>
      %dma_start3A_917 = tpu.memref_squeeze %dma_start3A_916 : memref<1x1x256xf32, #tpu.memory_space<hbm>> -> memref<256xf32, #tpu.memory_space<hbm>>
      %dma_start3A_918 = arith.constant 3696 : i32
      %dma_start3A_919 = tpu.memref_slice %arg8[%dma_start3A_918] : memref<16896xf32, #tpu.memory_space<vmem>> -> memref<256xf32, #tpu.memory_space<vmem>>
      tpu.enqueue_dma source(%dma_start3A_919 : memref<256xf32, #tpu.memory_space<vmem>>) target(%dma_start3A_917 : memref<256xf32, #tpu.memory_space<hbm>>) target_semaphore(%arg14 : memref<!tpu.dma_semaphore, #tpu.memory_space<semaphore_mem>>)
      %dma_start3A_920 = arith.constant 15 : i32
      %dma_start3A_921 = arith.constant 3960 : i32
      %dma_start3A_922 = tpu.memref_slice %arg8[%dma_start3A_921] : memref<16896xf32, #tpu.memory_space<vmem>> -> memref<256xf32, #tpu.memory_space<vmem>>
      %dma_start3A_923 = tpu.memref_slice %arg4[%select_n3A, %dma_start3A_920, %mul3A_784] : memref<16x64x50176xf32, #tpu.memory_space<hbm>> -> memref<1x1x256xf32, #tpu.memory_space<hbm>>
      %dma_start3A_924 = tpu.memref_squeeze %dma_start3A_923 : memref<1x1x256xf32, #tpu.memory_space<hbm>> -> memref<256xf32, #tpu.memory_space<hbm>>
      %dma_start3A_925 = tpu.memref_slice %arg4[%select_n3A, %dma_start3A_920, %mul3A_784] : memref<16x64x50176xf32, #tpu.memory_space<hbm>> -> memref<1x1x256xf32, #tpu.memory_space<hbm>>
      %dma_start3A_926 = tpu.memref_squeeze %dma_start3A_925 : memref<1x1x256xf32, #tpu.memory_space<hbm>> -> memref<256xf32, #tpu.memory_space<hbm>>
      %dma_start3A_927 = arith.constant 3960 : i32
      %dma_start3A_928 = tpu.memref_slice %arg8[%dma_start3A_927] : memref<16896xf32, #tpu.memory_space<vmem>> -> memref<256xf32, #tpu.memory_space<vmem>>
      tpu.enqueue_dma source(%dma_start3A_928 : memref<256xf32, #tpu.memory_space<vmem>>) target(%dma_start3A_926 : memref<256xf32, #tpu.memory_space<hbm>>) target_semaphore(%arg14 : memref<!tpu.dma_semaphore, #tpu.memory_space<semaphore_mem>>)
      %dma_start3A_929 = arith.constant 16 : i32
      %dma_start3A_930 = arith.constant 4224 : i32
      %dma_start3A_931 = tpu.memref_slice %arg8[%dma_start3A_930] : memref<16896xf32, #tpu.memory_space<vmem>> -> memref<256xf32, #tpu.memory_space<vmem>>
      %dma_start3A_932 = tpu.memref_slice %arg4[%select_n3A, %dma_start3A_929, %mul3A_784] : memref<16x64x50176xf32, #tpu.memory_space<hbm>> -> memref<1x1x256xf32, #tpu.memory_space<hbm>>
      %dma_start3A_933 = tpu.memref_squeeze %dma_start3A_932 : memref<1x1x256xf32, #tpu.memory_space<hbm>> -> memref<256xf32, #tpu.memory_space<hbm>>
      %dma_start3A_934 = tpu.memref_slice %arg4[%select_n3A, %dma_start3A_929, %mul3A_784] : memref<16x64x50176xf32, #tpu.memory_space<hbm>> -> memref<1x1x256xf32, #tpu.memory_space<hbm>>
      %dma_start3A_935 = tpu.memref_squeeze %dma_start3A_934 : memref<1x1x256xf32, #tpu.memory_space<hbm>> -> memref<256xf32, #tpu.memory_space<hbm>>
      %dma_start3A_936 = arith.constant 4224 : i32
      %dma_start3A_937 = tpu.memref_slice %arg8[%dma_start3A_936] : memref<16896xf32, #tpu.memory_space<vmem>> -> memref<256xf32, #tpu.memory_space<vmem>>
      tpu.enqueue_dma source(%dma_start3A_937 : memref<256xf32, #tpu.memory_space<vmem>>) target(%dma_start3A_935 : memref<256xf32, #tpu.memory_space<hbm>>) target_semaphore(%arg14 : memref<!tpu.dma_semaphore, #tpu.memory_space<semaphore_mem>>)
      %dma_start3A_938 = arith.constant 17 : i32
      %dma_start3A_939 = arith.constant 4488 : i32
      %dma_start3A_940 = tpu.memref_slice %arg8[%dma_start3A_939] : memref<16896xf32, #tpu.memory_space<vmem>> -> memref<256xf32, #tpu.memory_space<vmem>>
      %dma_start3A_941 = tpu.memref_slice %arg4[%select_n3A, %dma_start3A_938, %mul3A_784] : memref<16x64x50176xf32, #tpu.memory_space<hbm>> -> memref<1x1x256xf32, #tpu.memory_space<hbm>>
      %dma_start3A_942 = tpu.memref_squeeze %dma_start3A_941 : memref<1x1x256xf32, #tpu.memory_space<hbm>> -> memref<256xf32, #tpu.memory_space<hbm>>
      %dma_start3A_943 = tpu.memref_slice %arg4[%select_n3A, %dma_start3A_938, %mul3A_784] : memref<16x64x50176xf32, #tpu.memory_space<hbm>> -> memref<1x1x256xf32, #tpu.memory_space<hbm>>
      %dma_start3A_944 = tpu.memref_squeeze %dma_start3A_943 : memref<1x1x256xf32, #tpu.memory_space<hbm>> -> memref<256xf32, #tpu.memory_space<hbm>>
      %dma_start3A_945 = arith.constant 4488 : i32
      %dma_start3A_946 = tpu.memref_slice %arg8[%dma_start3A_945] : memref<16896xf32, #tpu.memory_space<vmem>> -> memref<256xf32, #tpu.memory_space<vmem>>
      tpu.enqueue_dma source(%dma_start3A_946 : memref<256xf32, #tpu.memory_space<vmem>>) target(%dma_start3A_944 : memref<256xf32, #tpu.memory_space<hbm>>) target_semaphore(%arg14 : memref<!tpu.dma_semaphore, #tpu.memory_space<semaphore_mem>>)
      %dma_start3A_947 = arith.constant 18 : i32
      %dma_start3A_948 = arith.constant 4752 : i32
      %dma_start3A_949 = tpu.memref_slice %arg8[%dma_start3A_948] : memref<16896xf32, #tpu.memory_space<vmem>> -> memref<256xf32, #tpu.memory_space<vmem>>
      %dma_start3A_950 = tpu.memref_slice %arg4[%select_n3A, %dma_start3A_947, %mul3A_784] : memref<16x64x50176xf32, #tpu.memory_space<hbm>> -> memref<1x1x256xf32, #tpu.memory_space<hbm>>
      %dma_start3A_951 = tpu.memref_squeeze %dma_start3A_950 : memref<1x1x256xf32, #tpu.memory_space<hbm>> -> memref<256xf32, #tpu.memory_space<hbm>>
      %dma_start3A_952 = tpu.memref_slice %arg4[%select_n3A, %dma_start3A_947, %mul3A_784] : memref<16x64x50176xf32, #tpu.memory_space<hbm>> -> memref<1x1x256xf32, #tpu.memory_space<hbm>>
      %dma_start3A_953 = tpu.memref_squeeze %dma_start3A_952 : memref<1x1x256xf32, #tpu.memory_space<hbm>> -> memref<256xf32, #tpu.memory_space<hbm>>
      %dma_start3A_954 = arith.constant 4752 : i32
      %dma_start3A_955 = tpu.memref_slice %arg8[%dma_start3A_954] : memref<16896xf32, #tpu.memory_space<vmem>> -> memref<256xf32, #tpu.memory_space<vmem>>
      tpu.enqueue_dma source(%dma_start3A_955 : memref<256xf32, #tpu.memory_space<vmem>>) target(%dma_start3A_953 : memref<256xf32, #tpu.memory_space<hbm>>) target_semaphore(%arg14 : memref<!tpu.dma_semaphore, #tpu.memory_space<semaphore_mem>>)
      %dma_start3A_956 = arith.constant 19 : i32
      %dma_start3A_957 = arith.constant 5016 : i32
      %dma_start3A_958 = tpu.memref_slice %arg8[%dma_start3A_957] : memref<16896xf32, #tpu.memory_space<vmem>> -> memref<256xf32, #tpu.memory_space<vmem>>
      %dma_start3A_959 = tpu.memref_slice %arg4[%select_n3A, %dma_start3A_956, %mul3A_784] : memref<16x64x50176xf32, #tpu.memory_space<hbm>> -> memref<1x1x256xf32, #tpu.memory_space<hbm>>
      %dma_start3A_960 = tpu.memref_squeeze %dma_start3A_959 : memref<1x1x256xf32, #tpu.memory_space<hbm>> -> memref<256xf32, #tpu.memory_space<hbm>>
      %dma_start3A_961 = tpu.memref_slice %arg4[%select_n3A, %dma_start3A_956, %mul3A_784] : memref<16x64x50176xf32, #tpu.memory_space<hbm>> -> memref<1x1x256xf32, #tpu.memory_space<hbm>>
      %dma_start3A_962 = tpu.memref_squeeze %dma_start3A_961 : memref<1x1x256xf32, #tpu.memory_space<hbm>> -> memref<256xf32, #tpu.memory_space<hbm>>
      %dma_start3A_963 = arith.constant 5016 : i32
      %dma_start3A_964 = tpu.memref_slice %arg8[%dma_start3A_963] : memref<16896xf32, #tpu.memory_space<vmem>> -> memref<256xf32, #tpu.memory_space<vmem>>
      tpu.enqueue_dma source(%dma_start3A_964 : memref<256xf32, #tpu.memory_space<vmem>>) target(%dma_start3A_962 : memref<256xf32, #tpu.memory_space<hbm>>) target_semaphore(%arg14 : memref<!tpu.dma_semaphore, #tpu.memory_space<semaphore_mem>>)
      %dma_start3A_965 = arith.constant 20 : i32
      %dma_start3A_966 = arith.constant 5280 : i32
      %dma_start3A_967 = tpu.memref_slice %arg8[%dma_start3A_966] : memref<16896xf32, #tpu.memory_space<vmem>> -> memref<256xf32, #tpu.memory_space<vmem>>
      %dma_start3A_968 = tpu.memref_slice %arg4[%select_n3A, %dma_start3A_965, %mul3A_784] : memref<16x64x50176xf32, #tpu.memory_space<hbm>> -> memref<1x1x256xf32, #tpu.memory_space<hbm>>
      %dma_start3A_969 = tpu.memref_squeeze %dma_start3A_968 : memref<1x1x256xf32, #tpu.memory_space<hbm>> -> memref<256xf32, #tpu.memory_space<hbm>>
      %dma_start3A_970 = tpu.memref_slice %arg4[%select_n3A, %dma_start3A_965, %mul3A_784] : memref<16x64x50176xf32, #tpu.memory_space<hbm>> -> memref<1x1x256xf32, #tpu.memory_space<hbm>>
      %dma_start3A_971 = tpu.memref_squeeze %dma_start3A_970 : memref<1x1x256xf32, #tpu.memory_space<hbm>> -> memref<256xf32, #tpu.memory_space<hbm>>
      %dma_start3A_972 = arith.constant 5280 : i32
      %dma_start3A_973 = tpu.memref_slice %arg8[%dma_start3A_972] : memref<16896xf32, #tpu.memory_space<vmem>> -> memref<256xf32, #tpu.memory_space<vmem>>
      tpu.enqueue_dma source(%dma_start3A_973 : memref<256xf32, #tpu.memory_space<vmem>>) target(%dma_start3A_971 : memref<256xf32, #tpu.memory_space<hbm>>) target_semaphore(%arg14 : memref<!tpu.dma_semaphore, #tpu.memory_space<semaphore_mem>>)
      %dma_start3A_974 = arith.constant 21 : i32
      %dma_start3A_975 = arith.constant 5544 : i32
      %dma_start3A_976 = tpu.memref_slice %arg8[%dma_start3A_975] : memref<16896xf32, #tpu.memory_space<vmem>> -> memref<256xf32, #tpu.memory_space<vmem>>
      %dma_start3A_977 = tpu.memref_slice %arg4[%select_n3A, %dma_start3A_974, %mul3A_784] : memref<16x64x50176xf32, #tpu.memory_space<hbm>> -> memref<1x1x256xf32, #tpu.memory_space<hbm>>
      %dma_start3A_978 = tpu.memref_squeeze %dma_start3A_977 : memref<1x1x256xf32, #tpu.memory_space<hbm>> -> memref<256xf32, #tpu.memory_space<hbm>>
      %dma_start3A_979 = tpu.memref_slice %arg4[%select_n3A, %dma_start3A_974, %mul3A_784] : memref<16x64x50176xf32, #tpu.memory_space<hbm>> -> memref<1x1x256xf32, #tpu.memory_space<hbm>>
      %dma_start3A_980 = tpu.memref_squeeze %dma_start3A_979 : memref<1x1x256xf32, #tpu.memory_space<hbm>> -> memref<256xf32, #tpu.memory_space<hbm>>
      %dma_start3A_981 = arith.constant 5544 : i32
      %dma_start3A_982 = tpu.memref_slice %arg8[%dma_start3A_981] : memref<16896xf32, #tpu.memory_space<vmem>> -> memref<256xf32, #tpu.memory_space<vmem>>
      tpu.enqueue_dma source(%dma_start3A_982 : memref<256xf32, #tpu.memory_space<vmem>>) target(%dma_start3A_980 : memref<256xf32, #tpu.memory_space<hbm>>) target_semaphore(%arg14 : memref<!tpu.dma_semaphore, #tpu.memory_space<semaphore_mem>>)
      %dma_start3A_983 = arith.constant 22 : i32
      %dma_start3A_984 = arith.constant 5808 : i32
      %dma_start3A_985 = tpu.memref_slice %arg8[%dma_start3A_984] : memref<16896xf32, #tpu.memory_space<vmem>> -> memref<256xf32, #tpu.memory_space<vmem>>
      %dma_start3A_986 = tpu.memref_slice %arg4[%select_n3A, %dma_start3A_983, %mul3A_784] : memref<16x64x50176xf32, #tpu.memory_space<hbm>> -> memref<1x1x256xf32, #tpu.memory_space<hbm>>
      %dma_start3A_987 = tpu.memref_squeeze %dma_start3A_986 : memref<1x1x256xf32, #tpu.memory_space<hbm>> -> memref<256xf32, #tpu.memory_space<hbm>>
      %dma_start3A_988 = tpu.memref_slice %arg4[%select_n3A, %dma_start3A_983, %mul3A_784] : memref<16x64x50176xf32, #tpu.memory_space<hbm>> -> memref<1x1x256xf32, #tpu.memory_space<hbm>>
      %dma_start3A_989 = tpu.memref_squeeze %dma_start3A_988 : memref<1x1x256xf32, #tpu.memory_space<hbm>> -> memref<256xf32, #tpu.memory_space<hbm>>
      %dma_start3A_990 = arith.constant 5808 : i32
      %dma_start3A_991 = tpu.memref_slice %arg8[%dma_start3A_990] : memref<16896xf32, #tpu.memory_space<vmem>> -> memref<256xf32, #tpu.memory_space<vmem>>
      tpu.enqueue_dma source(%dma_start3A_991 : memref<256xf32, #tpu.memory_space<vmem>>) target(%dma_start3A_989 : memref<256xf32, #tpu.memory_space<hbm>>) target_semaphore(%arg14 : memref<!tpu.dma_semaphore, #tpu.memory_space<semaphore_mem>>)
      %dma_start3A_992 = arith.constant 23 : i32
      %dma_start3A_993 = arith.constant 6072 : i32
      %dma_start3A_994 = tpu.memref_slice %arg8[%dma_start3A_993] : memref<16896xf32, #tpu.memory_space<vmem>> -> memref<256xf32, #tpu.memory_space<vmem>>
      %dma_start3A_995 = tpu.memref_slice %arg4[%select_n3A, %dma_start3A_992, %mul3A_784] : memref<16x64x50176xf32, #tpu.memory_space<hbm>> -> memref<1x1x256xf32, #tpu.memory_space<hbm>>
      %dma_start3A_996 = tpu.memref_squeeze %dma_start3A_995 : memref<1x1x256xf32, #tpu.memory_space<hbm>> -> memref<256xf32, #tpu.memory_space<hbm>>
      %dma_start3A_997 = tpu.memref_slice %arg4[%select_n3A, %dma_start3A_992, %mul3A_784] : memref<16x64x50176xf32, #tpu.memory_space<hbm>> -> memref<1x1x256xf32, #tpu.memory_space<hbm>>
      %dma_start3A_998 = tpu.memref_squeeze %dma_start3A_997 : memref<1x1x256xf32, #tpu.memory_space<hbm>> -> memref<256xf32, #tpu.memory_space<hbm>>
      %dma_start3A_999 = arith.constant 6072 : i32
      %dma_start3A_1000 = tpu.memref_slice %arg8[%dma_start3A_999] : memref<16896xf32, #tpu.memory_space<vmem>> -> memref<256xf32, #tpu.memory_space<vmem>>
      tpu.enqueue_dma source(%dma_start3A_1000 : memref<256xf32, #tpu.memory_space<vmem>>) target(%dma_start3A_998 : memref<256xf32, #tpu.memory_space<hbm>>) target_semaphore(%arg14 : memref<!tpu.dma_semaphore, #tpu.memory_space<semaphore_mem>>)
      %dma_start3A_1001 = arith.constant 24 : i32
      %dma_start3A_1002 = arith.constant 6336 : i32
      %dma_start3A_1003 = tpu.memref_slice %arg8[%dma_start3A_1002] : memref<16896xf32, #tpu.memory_space<vmem>> -> memref<256xf32, #tpu.memory_space<vmem>>
      %dma_start3A_1004 = tpu.memref_slice %arg4[%select_n3A, %dma_start3A_1001, %mul3A_784] : memref<16x64x50176xf32, #tpu.memory_space<hbm>> -> memref<1x1x256xf32, #tpu.memory_space<hbm>>
      %dma_start3A_1005 = tpu.memref_squeeze %dma_start3A_1004 : memref<1x1x256xf32, #tpu.memory_space<hbm>> -> memref<256xf32, #tpu.memory_space<hbm>>
      %dma_start3A_1006 = tpu.memref_slice %arg4[%select_n3A, %dma_start3A_1001, %mul3A_784] : memref<16x64x50176xf32, #tpu.memory_space<hbm>> -> memref<1x1x256xf32, #tpu.memory_space<hbm>>
      %dma_start3A_1007 = tpu.memref_squeeze %dma_start3A_1006 : memref<1x1x256xf32, #tpu.memory_space<hbm>> -> memref<256xf32, #tpu.memory_space<hbm>>
      %dma_start3A_1008 = arith.constant 6336 : i32
      %dma_start3A_1009 = tpu.memref_slice %arg8[%dma_start3A_1008] : memref<16896xf32, #tpu.memory_space<vmem>> -> memref<256xf32, #tpu.memory_space<vmem>>
      tpu.enqueue_dma source(%dma_start3A_1009 : memref<256xf32, #tpu.memory_space<vmem>>) target(%dma_start3A_1007 : memref<256xf32, #tpu.memory_space<hbm>>) target_semaphore(%arg14 : memref<!tpu.dma_semaphore, #tpu.memory_space<semaphore_mem>>)
      %dma_start3A_1010 = arith.constant 25 : i32
      %dma_start3A_1011 = arith.constant 6600 : i32
      %dma_start3A_1012 = tpu.memref_slice %arg8[%dma_start3A_1011] : memref<16896xf32, #tpu.memory_space<vmem>> -> memref<256xf32, #tpu.memory_space<vmem>>
      %dma_start3A_1013 = tpu.memref_slice %arg4[%select_n3A, %dma_start3A_1010, %mul3A_784] : memref<16x64x50176xf32, #tpu.memory_space<hbm>> -> memref<1x1x256xf32, #tpu.memory_space<hbm>>
      %dma_start3A_1014 = tpu.memref_squeeze %dma_start3A_1013 : memref<1x1x256xf32, #tpu.memory_space<hbm>> -> memref<256xf32, #tpu.memory_space<hbm>>
      %dma_start3A_1015 = tpu.memref_slice %arg4[%select_n3A, %dma_start3A_1010, %mul3A_784] : memref<16x64x50176xf32, #tpu.memory_space<hbm>> -> memref<1x1x256xf32, #tpu.memory_space<hbm>>
      %dma_start3A_1016 = tpu.memref_squeeze %dma_start3A_1015 : memref<1x1x256xf32, #tpu.memory_space<hbm>> -> memref<256xf32, #tpu.memory_space<hbm>>
      %dma_start3A_1017 = arith.constant 6600 : i32
      %dma_start3A_1018 = tpu.memref_slice %arg8[%dma_start3A_1017] : memref<16896xf32, #tpu.memory_space<vmem>> -> memref<256xf32, #tpu.memory_space<vmem>>
      tpu.enqueue_dma source(%dma_start3A_1018 : memref<256xf32, #tpu.memory_space<vmem>>) target(%dma_start3A_1016 : memref<256xf32, #tpu.memory_space<hbm>>) target_semaphore(%arg14 : memref<!tpu.dma_semaphore, #tpu.memory_space<semaphore_mem>>)
      %dma_start3A_1019 = arith.constant 26 : i32
      %dma_start3A_1020 = arith.constant 6864 : i32
      %dma_start3A_1021 = tpu.memref_slice %arg8[%dma_start3A_1020] : memref<16896xf32, #tpu.memory_space<vmem>> -> memref<256xf32, #tpu.memory_space<vmem>>
      %dma_start3A_1022 = tpu.memref_slice %arg4[%select_n3A, %dma_start3A_1019, %mul3A_784] : memref<16x64x50176xf32, #tpu.memory_space<hbm>> -> memref<1x1x256xf32, #tpu.memory_space<hbm>>
      %dma_start3A_1023 = tpu.memref_squeeze %dma_start3A_1022 : memref<1x1x256xf32, #tpu.memory_space<hbm>> -> memref<256xf32, #tpu.memory_space<hbm>>
      %dma_start3A_1024 = tpu.memref_slice %arg4[%select_n3A, %dma_start3A_1019, %mul3A_784] : memref<16x64x50176xf32, #tpu.memory_space<hbm>> -> memref<1x1x256xf32, #tpu.memory_space<hbm>>
      %dma_start3A_1025 = tpu.memref_squeeze %dma_start3A_1024 : memref<1x1x256xf32, #tpu.memory_space<hbm>> -> memref<256xf32, #tpu.memory_space<hbm>>
      %dma_start3A_1026 = arith.constant 6864 : i32
      %dma_start3A_1027 = tpu.memref_slice %arg8[%dma_start3A_1026] : memref<16896xf32, #tpu.memory_space<vmem>> -> memref<256xf32, #tpu.memory_space<vmem>>
      tpu.enqueue_dma source(%dma_start3A_1027 : memref<256xf32, #tpu.memory_space<vmem>>) target(%dma_start3A_1025 : memref<256xf32, #tpu.memory_space<hbm>>) target_semaphore(%arg14 : memref<!tpu.dma_semaphore, #tpu.memory_space<semaphore_mem>>)
      %dma_start3A_1028 = arith.constant 27 : i32
      %dma_start3A_1029 = arith.constant 7128 : i32
      %dma_start3A_1030 = tpu.memref_slice %arg8[%dma_start3A_1029] : memref<16896xf32, #tpu.memory_space<vmem>> -> memref<256xf32, #tpu.memory_space<vmem>>
      %dma_start3A_1031 = tpu.memref_slice %arg4[%select_n3A, %dma_start3A_1028, %mul3A_784] : memref<16x64x50176xf32, #tpu.memory_space<hbm>> -> memref<1x1x256xf32, #tpu.memory_space<hbm>>
      %dma_start3A_1032 = tpu.memref_squeeze %dma_start3A_1031 : memref<1x1x256xf32, #tpu.memory_space<hbm>> -> memref<256xf32, #tpu.memory_space<hbm>>
      %dma_start3A_1033 = tpu.memref_slice %arg4[%select_n3A, %dma_start3A_1028, %mul3A_784] : memref<16x64x50176xf32, #tpu.memory_space<hbm>> -> memref<1x1x256xf32, #tpu.memory_space<hbm>>
      %dma_start3A_1034 = tpu.memref_squeeze %dma_start3A_1033 : memref<1x1x256xf32, #tpu.memory_space<hbm>> -> memref<256xf32, #tpu.memory_space<hbm>>
      %dma_start3A_1035 = arith.constant 7128 : i32
      %dma_start3A_1036 = tpu.memref_slice %arg8[%dma_start3A_1035] : memref<16896xf32, #tpu.memory_space<vmem>> -> memref<256xf32, #tpu.memory_space<vmem>>
      tpu.enqueue_dma source(%dma_start3A_1036 : memref<256xf32, #tpu.memory_space<vmem>>) target(%dma_start3A_1034 : memref<256xf32, #tpu.memory_space<hbm>>) target_semaphore(%arg14 : memref<!tpu.dma_semaphore, #tpu.memory_space<semaphore_mem>>)
      %dma_start3A_1037 = arith.constant 28 : i32
      %dma_start3A_1038 = arith.constant 7392 : i32
      %dma_start3A_1039 = tpu.memref_slice %arg8[%dma_start3A_1038] : memref<16896xf32, #tpu.memory_space<vmem>> -> memref<256xf32, #tpu.memory_space<vmem>>
      %dma_start3A_1040 = tpu.memref_slice %arg4[%select_n3A, %dma_start3A_1037, %mul3A_784] : memref<16x64x50176xf32, #tpu.memory_space<hbm>> -> memref<1x1x256xf32, #tpu.memory_space<hbm>>
      %dma_start3A_1041 = tpu.memref_squeeze %dma_start3A_1040 : memref<1x1x256xf32, #tpu.memory_space<hbm>> -> memref<256xf32, #tpu.memory_space<hbm>>
      %dma_start3A_1042 = tpu.memref_slice %arg4[%select_n3A, %dma_start3A_1037, %mul3A_784] : memref<16x64x50176xf32, #tpu.memory_space<hbm>> -> memref<1x1x256xf32, #tpu.memory_space<hbm>>
      %dma_start3A_1043 = tpu.memref_squeeze %dma_start3A_1042 : memref<1x1x256xf32, #tpu.memory_space<hbm>> -> memref<256xf32, #tpu.memory_space<hbm>>
      %dma_start3A_1044 = arith.constant 7392 : i32
      %dma_start3A_1045 = tpu.memref_slice %arg8[%dma_start3A_1044] : memref<16896xf32, #tpu.memory_space<vmem>> -> memref<256xf32, #tpu.memory_space<vmem>>
      tpu.enqueue_dma source(%dma_start3A_1045 : memref<256xf32, #tpu.memory_space<vmem>>) target(%dma_start3A_1043 : memref<256xf32, #tpu.memory_space<hbm>>) target_semaphore(%arg14 : memref<!tpu.dma_semaphore, #tpu.memory_space<semaphore_mem>>)
      %dma_start3A_1046 = arith.constant 29 : i32
      %dma_start3A_1047 = arith.constant 7656 : i32
      %dma_start3A_1048 = tpu.memref_slice %arg8[%dma_start3A_1047] : memref<16896xf32, #tpu.memory_space<vmem>> -> memref<256xf32, #tpu.memory_space<vmem>>
      %dma_start3A_1049 = tpu.memref_slice %arg4[%select_n3A, %dma_start3A_1046, %mul3A_784] : memref<16x64x50176xf32, #tpu.memory_space<hbm>> -> memref<1x1x256xf32, #tpu.memory_space<hbm>>
      %dma_start3A_1050 = tpu.memref_squeeze %dma_start3A_1049 : memref<1x1x256xf32, #tpu.memory_space<hbm>> -> memref<256xf32, #tpu.memory_space<hbm>>
      %dma_start3A_1051 = tpu.memref_slice %arg4[%select_n3A, %dma_start3A_1046, %mul3A_784] : memref<16x64x50176xf32, #tpu.memory_space<hbm>> -> memref<1x1x256xf32, #tpu.memory_space<hbm>>
      %dma_start3A_1052 = tpu.memref_squeeze %dma_start3A_1051 : memref<1x1x256xf32, #tpu.memory_space<hbm>> -> memref<256xf32, #tpu.memory_space<hbm>>
      %dma_start3A_1053 = arith.constant 7656 : i32
      %dma_start3A_1054 = tpu.memref_slice %arg8[%dma_start3A_1053] : memref<16896xf32, #tpu.memory_space<vmem>> -> memref<256xf32, #tpu.memory_space<vmem>>
      tpu.enqueue_dma source(%dma_start3A_1054 : memref<256xf32, #tpu.memory_space<vmem>>) target(%dma_start3A_1052 : memref<256xf32, #tpu.memory_space<hbm>>) target_semaphore(%arg14 : memref<!tpu.dma_semaphore, #tpu.memory_space<semaphore_mem>>)
      %dma_start3A_1055 = arith.constant 30 : i32
      %dma_start3A_1056 = arith.constant 7920 : i32
      %dma_start3A_1057 = tpu.memref_slice %arg8[%dma_start3A_1056] : memref<16896xf32, #tpu.memory_space<vmem>> -> memref<256xf32, #tpu.memory_space<vmem>>
      %dma_start3A_1058 = tpu.memref_slice %arg4[%select_n3A, %dma_start3A_1055, %mul3A_784] : memref<16x64x50176xf32, #tpu.memory_space<hbm>> -> memref<1x1x256xf32, #tpu.memory_space<hbm>>
      %dma_start3A_1059 = tpu.memref_squeeze %dma_start3A_1058 : memref<1x1x256xf32, #tpu.memory_space<hbm>> -> memref<256xf32, #tpu.memory_space<hbm>>
      %dma_start3A_1060 = tpu.memref_slice %arg4[%select_n3A, %dma_start3A_1055, %mul3A_784] : memref<16x64x50176xf32, #tpu.memory_space<hbm>> -> memref<1x1x256xf32, #tpu.memory_space<hbm>>
      %dma_start3A_1061 = tpu.memref_squeeze %dma_start3A_1060 : memref<1x1x256xf32, #tpu.memory_space<hbm>> -> memref<256xf32, #tpu.memory_space<hbm>>
      %dma_start3A_1062 = arith.constant 7920 : i32
      %dma_start3A_1063 = tpu.memref_slice %arg8[%dma_start3A_1062] : memref<16896xf32, #tpu.memory_space<vmem>> -> memref<256xf32, #tpu.memory_space<vmem>>
      tpu.enqueue_dma source(%dma_start3A_1063 : memref<256xf32, #tpu.memory_space<vmem>>) target(%dma_start3A_1061 : memref<256xf32, #tpu.memory_space<hbm>>) target_semaphore(%arg14 : memref<!tpu.dma_semaphore, #tpu.memory_space<semaphore_mem>>)
      %dma_start3A_1064 = arith.constant 31 : i32
      %dma_start3A_1065 = arith.constant 8184 : i32
      %dma_start3A_1066 = tpu.memref_slice %arg8[%dma_start3A_1065] : memref<16896xf32, #tpu.memory_space<vmem>> -> memref<256xf32, #tpu.memory_space<vmem>>
      %dma_start3A_1067 = tpu.memref_slice %arg4[%select_n3A, %dma_start3A_1064, %mul3A_784] : memref<16x64x50176xf32, #tpu.memory_space<hbm>> -> memref<1x1x256xf32, #tpu.memory_space<hbm>>
      %dma_start3A_1068 = tpu.memref_squeeze %dma_start3A_1067 : memref<1x1x256xf32, #tpu.memory_space<hbm>> -> memref<256xf32, #tpu.memory_space<hbm>>
      %dma_start3A_1069 = tpu.memref_slice %arg4[%select_n3A, %dma_start3A_1064, %mul3A_784] : memref<16x64x50176xf32, #tpu.memory_space<hbm>> -> memref<1x1x256xf32, #tpu.memory_space<hbm>>
      %dma_start3A_1070 = tpu.memref_squeeze %dma_start3A_1069 : memref<1x1x256xf32, #tpu.memory_space<hbm>> -> memref<256xf32, #tpu.memory_space<hbm>>
      %dma_start3A_1071 = arith.constant 8184 : i32
      %dma_start3A_1072 = tpu.memref_slice %arg8[%dma_start3A_1071] : memref<16896xf32, #tpu.memory_space<vmem>> -> memref<256xf32, #tpu.memory_space<vmem>>
      tpu.enqueue_dma source(%dma_start3A_1072 : memref<256xf32, #tpu.memory_space<vmem>>) target(%dma_start3A_1070 : memref<256xf32, #tpu.memory_space<hbm>>) target_semaphore(%arg14 : memref<!tpu.dma_semaphore, #tpu.memory_space<semaphore_mem>>)
      %dma_start3A_1073 = arith.constant 32 : i32
      %dma_start3A_1074 = arith.constant 8448 : i32
      %dma_start3A_1075 = tpu.memref_slice %arg8[%dma_start3A_1074] : memref<16896xf32, #tpu.memory_space<vmem>> -> memref<256xf32, #tpu.memory_space<vmem>>
      %dma_start3A_1076 = tpu.memref_slice %arg4[%select_n3A, %dma_start3A_1073, %mul3A_784] : memref<16x64x50176xf32, #tpu.memory_space<hbm>> -> memref<1x1x256xf32, #tpu.memory_space<hbm>>
      %dma_start3A_1077 = tpu.memref_squeeze %dma_start3A_1076 : memref<1x1x256xf32, #tpu.memory_space<hbm>> -> memref<256xf32, #tpu.memory_space<hbm>>
      %dma_start3A_1078 = tpu.memref_slice %arg4[%select_n3A, %dma_start3A_1073, %mul3A_784] : memref<16x64x50176xf32, #tpu.memory_space<hbm>> -> memref<1x1x256xf32, #tpu.memory_space<hbm>>
      %dma_start3A_1079 = tpu.memref_squeeze %dma_start3A_1078 : memref<1x1x256xf32, #tpu.memory_space<hbm>> -> memref<256xf32, #tpu.memory_space<hbm>>
      %dma_start3A_1080 = arith.constant 8448 : i32
      %dma_start3A_1081 = tpu.memref_slice %arg8[%dma_start3A_1080] : memref<16896xf32, #tpu.memory_space<vmem>> -> memref<256xf32, #tpu.memory_space<vmem>>
      tpu.enqueue_dma source(%dma_start3A_1081 : memref<256xf32, #tpu.memory_space<vmem>>) target(%dma_start3A_1079 : memref<256xf32, #tpu.memory_space<hbm>>) target_semaphore(%arg14 : memref<!tpu.dma_semaphore, #tpu.memory_space<semaphore_mem>>)
      %dma_start3A_1082 = arith.constant 33 : i32
      %dma_start3A_1083 = arith.constant 8712 : i32
      %dma_start3A_1084 = tpu.memref_slice %arg8[%dma_start3A_1083] : memref<16896xf32, #tpu.memory_space<vmem>> -> memref<256xf32, #tpu.memory_space<vmem>>
      %dma_start3A_1085 = tpu.memref_slice %arg4[%select_n3A, %dma_start3A_1082, %mul3A_784] : memref<16x64x50176xf32, #tpu.memory_space<hbm>> -> memref<1x1x256xf32, #tpu.memory_space<hbm>>
      %dma_start3A_1086 = tpu.memref_squeeze %dma_start3A_1085 : memref<1x1x256xf32, #tpu.memory_space<hbm>> -> memref<256xf32, #tpu.memory_space<hbm>>
      %dma_start3A_1087 = tpu.memref_slice %arg4[%select_n3A, %dma_start3A_1082, %mul3A_784] : memref<16x64x50176xf32, #tpu.memory_space<hbm>> -> memref<1x1x256xf32, #tpu.memory_space<hbm>>
      %dma_start3A_1088 = tpu.memref_squeeze %dma_start3A_1087 : memref<1x1x256xf32, #tpu.memory_space<hbm>> -> memref<256xf32, #tpu.memory_space<hbm>>
      %dma_start3A_1089 = arith.constant 8712 : i32
      %dma_start3A_1090 = tpu.memref_slice %arg8[%dma_start3A_1089] : memref<16896xf32, #tpu.memory_space<vmem>> -> memref<256xf32, #tpu.memory_space<vmem>>
      tpu.enqueue_dma source(%dma_start3A_1090 : memref<256xf32, #tpu.memory_space<vmem>>) target(%dma_start3A_1088 : memref<256xf32, #tpu.memory_space<hbm>>) target_semaphore(%arg14 : memref<!tpu.dma_semaphore, #tpu.memory_space<semaphore_mem>>)
      %dma_start3A_1091 = arith.constant 34 : i32
      %dma_start3A_1092 = arith.constant 8976 : i32
      %dma_start3A_1093 = tpu.memref_slice %arg8[%dma_start3A_1092] : memref<16896xf32, #tpu.memory_space<vmem>> -> memref<256xf32, #tpu.memory_space<vmem>>
      %dma_start3A_1094 = tpu.memref_slice %arg4[%select_n3A, %dma_start3A_1091, %mul3A_784] : memref<16x64x50176xf32, #tpu.memory_space<hbm>> -> memref<1x1x256xf32, #tpu.memory_space<hbm>>
      %dma_start3A_1095 = tpu.memref_squeeze %dma_start3A_1094 : memref<1x1x256xf32, #tpu.memory_space<hbm>> -> memref<256xf32, #tpu.memory_space<hbm>>
      %dma_start3A_1096 = tpu.memref_slice %arg4[%select_n3A, %dma_start3A_1091, %mul3A_784] : memref<16x64x50176xf32, #tpu.memory_space<hbm>> -> memref<1x1x256xf32, #tpu.memory_space<hbm>>
      %dma_start3A_1097 = tpu.memref_squeeze %dma_start3A_1096 : memref<1x1x256xf32, #tpu.memory_space<hbm>> -> memref<256xf32, #tpu.memory_space<hbm>>
      %dma_start3A_1098 = arith.constant 8976 : i32
      %dma_start3A_1099 = tpu.memref_slice %arg8[%dma_start3A_1098] : memref<16896xf32, #tpu.memory_space<vmem>> -> memref<256xf32, #tpu.memory_space<vmem>>
      tpu.enqueue_dma source(%dma_start3A_1099 : memref<256xf32, #tpu.memory_space<vmem>>) target(%dma_start3A_1097 : memref<256xf32, #tpu.memory_space<hbm>>) target_semaphore(%arg14 : memref<!tpu.dma_semaphore, #tpu.memory_space<semaphore_mem>>)
      %dma_start3A_1100 = arith.constant 35 : i32
      %dma_start3A_1101 = arith.constant 9240 : i32
      %dma_start3A_1102 = tpu.memref_slice %arg8[%dma_start3A_1101] : memref<16896xf32, #tpu.memory_space<vmem>> -> memref<256xf32, #tpu.memory_space<vmem>>
      %dma_start3A_1103 = tpu.memref_slice %arg4[%select_n3A, %dma_start3A_1100, %mul3A_784] : memref<16x64x50176xf32, #tpu.memory_space<hbm>> -> memref<1x1x256xf32, #tpu.memory_space<hbm>>
      %dma_start3A_1104 = tpu.memref_squeeze %dma_start3A_1103 : memref<1x1x256xf32, #tpu.memory_space<hbm>> -> memref<256xf32, #tpu.memory_space<hbm>>
      %dma_start3A_1105 = tpu.memref_slice %arg4[%select_n3A, %dma_start3A_1100, %mul3A_784] : memref<16x64x50176xf32, #tpu.memory_space<hbm>> -> memref<1x1x256xf32, #tpu.memory_space<hbm>>
      %dma_start3A_1106 = tpu.memref_squeeze %dma_start3A_1105 : memref<1x1x256xf32, #tpu.memory_space<hbm>> -> memref<256xf32, #tpu.memory_space<hbm>>
      %dma_start3A_1107 = arith.constant 9240 : i32
      %dma_start3A_1108 = tpu.memref_slice %arg8[%dma_start3A_1107] : memref<16896xf32, #tpu.memory_space<vmem>> -> memref<256xf32, #tpu.memory_space<vmem>>
      tpu.enqueue_dma source(%dma_start3A_1108 : memref<256xf32, #tpu.memory_space<vmem>>) target(%dma_start3A_1106 : memref<256xf32, #tpu.memory_space<hbm>>) target_semaphore(%arg14 : memref<!tpu.dma_semaphore, #tpu.memory_space<semaphore_mem>>)
      %dma_start3A_1109 = arith.constant 36 : i32
      %dma_start3A_1110 = arith.constant 9504 : i32
      %dma_start3A_1111 = tpu.memref_slice %arg8[%dma_start3A_1110] : memref<16896xf32, #tpu.memory_space<vmem>> -> memref<256xf32, #tpu.memory_space<vmem>>
      %dma_start3A_1112 = tpu.memref_slice %arg4[%select_n3A, %dma_start3A_1109, %mul3A_784] : memref<16x64x50176xf32, #tpu.memory_space<hbm>> -> memref<1x1x256xf32, #tpu.memory_space<hbm>>
      %dma_start3A_1113 = tpu.memref_squeeze %dma_start3A_1112 : memref<1x1x256xf32, #tpu.memory_space<hbm>> -> memref<256xf32, #tpu.memory_space<hbm>>
      %dma_start3A_1114 = tpu.memref_slice %arg4[%select_n3A, %dma_start3A_1109, %mul3A_784] : memref<16x64x50176xf32, #tpu.memory_space<hbm>> -> memref<1x1x256xf32, #tpu.memory_space<hbm>>
      %dma_start3A_1115 = tpu.memref_squeeze %dma_start3A_1114 : memref<1x1x256xf32, #tpu.memory_space<hbm>> -> memref<256xf32, #tpu.memory_space<hbm>>
      %dma_start3A_1116 = arith.constant 9504 : i32
      %dma_start3A_1117 = tpu.memref_slice %arg8[%dma_start3A_1116] : memref<16896xf32, #tpu.memory_space<vmem>> -> memref<256xf32, #tpu.memory_space<vmem>>
      tpu.enqueue_dma source(%dma_start3A_1117 : memref<256xf32, #tpu.memory_space<vmem>>) target(%dma_start3A_1115 : memref<256xf32, #tpu.memory_space<hbm>>) target_semaphore(%arg14 : memref<!tpu.dma_semaphore, #tpu.memory_space<semaphore_mem>>)
      %dma_start3A_1118 = arith.constant 37 : i32
      %dma_start3A_1119 = arith.constant 9768 : i32
      %dma_start3A_1120 = tpu.memref_slice %arg8[%dma_start3A_1119] : memref<16896xf32, #tpu.memory_space<vmem>> -> memref<256xf32, #tpu.memory_space<vmem>>
      %dma_start3A_1121 = tpu.memref_slice %arg4[%select_n3A, %dma_start3A_1118, %mul3A_784] : memref<16x64x50176xf32, #tpu.memory_space<hbm>> -> memref<1x1x256xf32, #tpu.memory_space<hbm>>
      %dma_start3A_1122 = tpu.memref_squeeze %dma_start3A_1121 : memref<1x1x256xf32, #tpu.memory_space<hbm>> -> memref<256xf32, #tpu.memory_space<hbm>>
      %dma_start3A_1123 = tpu.memref_slice %arg4[%select_n3A, %dma_start3A_1118, %mul3A_784] : memref<16x64x50176xf32, #tpu.memory_space<hbm>> -> memref<1x1x256xf32, #tpu.memory_space<hbm>>
      %dma_start3A_1124 = tpu.memref_squeeze %dma_start3A_1123 : memref<1x1x256xf32, #tpu.memory_space<hbm>> -> memref<256xf32, #tpu.memory_space<hbm>>
      %dma_start3A_1125 = arith.constant 9768 : i32
      %dma_start3A_1126 = tpu.memref_slice %arg8[%dma_start3A_1125] : memref<16896xf32, #tpu.memory_space<vmem>> -> memref<256xf32, #tpu.memory_space<vmem>>
      tpu.enqueue_dma source(%dma_start3A_1126 : memref<256xf32, #tpu.memory_space<vmem>>) target(%dma_start3A_1124 : memref<256xf32, #tpu.memory_space<hbm>>) target_semaphore(%arg14 : memref<!tpu.dma_semaphore, #tpu.memory_space<semaphore_mem>>)
      %dma_start3A_1127 = arith.constant 38 : i32
      %dma_start3A_1128 = arith.constant 10032 : i32
      %dma_start3A_1129 = tpu.memref_slice %arg8[%dma_start3A_1128] : memref<16896xf32, #tpu.memory_space<vmem>> -> memref<256xf32, #tpu.memory_space<vmem>>
      %dma_start3A_1130 = tpu.memref_slice %arg4[%select_n3A, %dma_start3A_1127, %mul3A_784] : memref<16x64x50176xf32, #tpu.memory_space<hbm>> -> memref<1x1x256xf32, #tpu.memory_space<hbm>>
      %dma_start3A_1131 = tpu.memref_squeeze %dma_start3A_1130 : memref<1x1x256xf32, #tpu.memory_space<hbm>> -> memref<256xf32, #tpu.memory_space<hbm>>
      %dma_start3A_1132 = tpu.memref_slice %arg4[%select_n3A, %dma_start3A_1127, %mul3A_784] : memref<16x64x50176xf32, #tpu.memory_space<hbm>> -> memref<1x1x256xf32, #tpu.memory_space<hbm>>
      %dma_start3A_1133 = tpu.memref_squeeze %dma_start3A_1132 : memref<1x1x256xf32, #tpu.memory_space<hbm>> -> memref<256xf32, #tpu.memory_space<hbm>>
      %dma_start3A_1134 = arith.constant 10032 : i32
      %dma_start3A_1135 = tpu.memref_slice %arg8[%dma_start3A_1134] : memref<16896xf32, #tpu.memory_space<vmem>> -> memref<256xf32, #tpu.memory_space<vmem>>
      tpu.enqueue_dma source(%dma_start3A_1135 : memref<256xf32, #tpu.memory_space<vmem>>) target(%dma_start3A_1133 : memref<256xf32, #tpu.memory_space<hbm>>) target_semaphore(%arg14 : memref<!tpu.dma_semaphore, #tpu.memory_space<semaphore_mem>>)
      %dma_start3A_1136 = arith.constant 39 : i32
      %dma_start3A_1137 = arith.constant 10296 : i32
      %dma_start3A_1138 = tpu.memref_slice %arg8[%dma_start3A_1137] : memref<16896xf32, #tpu.memory_space<vmem>> -> memref<256xf32, #tpu.memory_space<vmem>>
      %dma_start3A_1139 = tpu.memref_slice %arg4[%select_n3A, %dma_start3A_1136, %mul3A_784] : memref<16x64x50176xf32, #tpu.memory_space<hbm>> -> memref<1x1x256xf32, #tpu.memory_space<hbm>>
      %dma_start3A_1140 = tpu.memref_squeeze %dma_start3A_1139 : memref<1x1x256xf32, #tpu.memory_space<hbm>> -> memref<256xf32, #tpu.memory_space<hbm>>
      %dma_start3A_1141 = tpu.memref_slice %arg4[%select_n3A, %dma_start3A_1136, %mul3A_784] : memref<16x64x50176xf32, #tpu.memory_space<hbm>> -> memref<1x1x256xf32, #tpu.memory_space<hbm>>
      %dma_start3A_1142 = tpu.memref_squeeze %dma_start3A_1141 : memref<1x1x256xf32, #tpu.memory_space<hbm>> -> memref<256xf32, #tpu.memory_space<hbm>>
      %dma_start3A_1143 = arith.constant 10296 : i32
      %dma_start3A_1144 = tpu.memref_slice %arg8[%dma_start3A_1143] : memref<16896xf32, #tpu.memory_space<vmem>> -> memref<256xf32, #tpu.memory_space<vmem>>
      tpu.enqueue_dma source(%dma_start3A_1144 : memref<256xf32, #tpu.memory_space<vmem>>) target(%dma_start3A_1142 : memref<256xf32, #tpu.memory_space<hbm>>) target_semaphore(%arg14 : memref<!tpu.dma_semaphore, #tpu.memory_space<semaphore_mem>>)
      %dma_start3A_1145 = arith.constant 40 : i32
      %dma_start3A_1146 = arith.constant 10560 : i32
      %dma_start3A_1147 = tpu.memref_slice %arg8[%dma_start3A_1146] : memref<16896xf32, #tpu.memory_space<vmem>> -> memref<256xf32, #tpu.memory_space<vmem>>
      %dma_start3A_1148 = tpu.memref_slice %arg4[%select_n3A, %dma_start3A_1145, %mul3A_784] : memref<16x64x50176xf32, #tpu.memory_space<hbm>> -> memref<1x1x256xf32, #tpu.memory_space<hbm>>
      %dma_start3A_1149 = tpu.memref_squeeze %dma_start3A_1148 : memref<1x1x256xf32, #tpu.memory_space<hbm>> -> memref<256xf32, #tpu.memory_space<hbm>>
      %dma_start3A_1150 = tpu.memref_slice %arg4[%select_n3A, %dma_start3A_1145, %mul3A_784] : memref<16x64x50176xf32, #tpu.memory_space<hbm>> -> memref<1x1x256xf32, #tpu.memory_space<hbm>>
      %dma_start3A_1151 = tpu.memref_squeeze %dma_start3A_1150 : memref<1x1x256xf32, #tpu.memory_space<hbm>> -> memref<256xf32, #tpu.memory_space<hbm>>
      %dma_start3A_1152 = arith.constant 10560 : i32
      %dma_start3A_1153 = tpu.memref_slice %arg8[%dma_start3A_1152] : memref<16896xf32, #tpu.memory_space<vmem>> -> memref<256xf32, #tpu.memory_space<vmem>>
      tpu.enqueue_dma source(%dma_start3A_1153 : memref<256xf32, #tpu.memory_space<vmem>>) target(%dma_start3A_1151 : memref<256xf32, #tpu.memory_space<hbm>>) target_semaphore(%arg14 : memref<!tpu.dma_semaphore, #tpu.memory_space<semaphore_mem>>)
      %dma_start3A_1154 = arith.constant 41 : i32
      %dma_start3A_1155 = arith.constant 10824 : i32
      %dma_start3A_1156 = tpu.memref_slice %arg8[%dma_start3A_1155] : memref<16896xf32, #tpu.memory_space<vmem>> -> memref<256xf32, #tpu.memory_space<vmem>>
      %dma_start3A_1157 = tpu.memref_slice %arg4[%select_n3A, %dma_start3A_1154, %mul3A_784] : memref<16x64x50176xf32, #tpu.memory_space<hbm>> -> memref<1x1x256xf32, #tpu.memory_space<hbm>>
      %dma_start3A_1158 = tpu.memref_squeeze %dma_start3A_1157 : memref<1x1x256xf32, #tpu.memory_space<hbm>> -> memref<256xf32, #tpu.memory_space<hbm>>
      %dma_start3A_1159 = tpu.memref_slice %arg4[%select_n3A, %dma_start3A_1154, %mul3A_784] : memref<16x64x50176xf32, #tpu.memory_space<hbm>> -> memref<1x1x256xf32, #tpu.memory_space<hbm>>
      %dma_start3A_1160 = tpu.memref_squeeze %dma_start3A_1159 : memref<1x1x256xf32, #tpu.memory_space<hbm>> -> memref<256xf32, #tpu.memory_space<hbm>>
      %dma_start3A_1161 = arith.constant 10824 : i32
      %dma_start3A_1162 = tpu.memref_slice %arg8[%dma_start3A_1161] : memref<16896xf32, #tpu.memory_space<vmem>> -> memref<256xf32, #tpu.memory_space<vmem>>
      tpu.enqueue_dma source(%dma_start3A_1162 : memref<256xf32, #tpu.memory_space<vmem>>) target(%dma_start3A_1160 : memref<256xf32, #tpu.memory_space<hbm>>) target_semaphore(%arg14 : memref<!tpu.dma_semaphore, #tpu.memory_space<semaphore_mem>>)
      %dma_start3A_1163 = arith.constant 42 : i32
      %dma_start3A_1164 = arith.constant 11088 : i32
      %dma_start3A_1165 = tpu.memref_slice %arg8[%dma_start3A_1164] : memref<16896xf32, #tpu.memory_space<vmem>> -> memref<256xf32, #tpu.memory_space<vmem>>
      %dma_start3A_1166 = tpu.memref_slice %arg4[%select_n3A, %dma_start3A_1163, %mul3A_784] : memref<16x64x50176xf32, #tpu.memory_space<hbm>> -> memref<1x1x256xf32, #tpu.memory_space<hbm>>
      %dma_start3A_1167 = tpu.memref_squeeze %dma_start3A_1166 : memref<1x1x256xf32, #tpu.memory_space<hbm>> -> memref<256xf32, #tpu.memory_space<hbm>>
      %dma_start3A_1168 = tpu.memref_slice %arg4[%select_n3A, %dma_start3A_1163, %mul3A_784] : memref<16x64x50176xf32, #tpu.memory_space<hbm>> -> memref<1x1x256xf32, #tpu.memory_space<hbm>>
      %dma_start3A_1169 = tpu.memref_squeeze %dma_start3A_1168 : memref<1x1x256xf32, #tpu.memory_space<hbm>> -> memref<256xf32, #tpu.memory_space<hbm>>
      %dma_start3A_1170 = arith.constant 11088 : i32
      %dma_start3A_1171 = tpu.memref_slice %arg8[%dma_start3A_1170] : memref<16896xf32, #tpu.memory_space<vmem>> -> memref<256xf32, #tpu.memory_space<vmem>>
      tpu.enqueue_dma source(%dma_start3A_1171 : memref<256xf32, #tpu.memory_space<vmem>>) target(%dma_start3A_1169 : memref<256xf32, #tpu.memory_space<hbm>>) target_semaphore(%arg14 : memref<!tpu.dma_semaphore, #tpu.memory_space<semaphore_mem>>)
      %dma_start3A_1172 = arith.constant 43 : i32
      %dma_start3A_1173 = arith.constant 11352 : i32
      %dma_start3A_1174 = tpu.memref_slice %arg8[%dma_start3A_1173] : memref<16896xf32, #tpu.memory_space<vmem>> -> memref<256xf32, #tpu.memory_space<vmem>>
      %dma_start3A_1175 = tpu.memref_slice %arg4[%select_n3A, %dma_start3A_1172, %mul3A_784] : memref<16x64x50176xf32, #tpu.memory_space<hbm>> -> memref<1x1x256xf32, #tpu.memory_space<hbm>>
      %dma_start3A_1176 = tpu.memref_squeeze %dma_start3A_1175 : memref<1x1x256xf32, #tpu.memory_space<hbm>> -> memref<256xf32, #tpu.memory_space<hbm>>
      %dma_start3A_1177 = tpu.memref_slice %arg4[%select_n3A, %dma_start3A_1172, %mul3A_784] : memref<16x64x50176xf32, #tpu.memory_space<hbm>> -> memref<1x1x256xf32, #tpu.memory_space<hbm>>
      %dma_start3A_1178 = tpu.memref_squeeze %dma_start3A_1177 : memref<1x1x256xf32, #tpu.memory_space<hbm>> -> memref<256xf32, #tpu.memory_space<hbm>>
      %dma_start3A_1179 = arith.constant 11352 : i32
      %dma_start3A_1180 = tpu.memref_slice %arg8[%dma_start3A_1179] : memref<16896xf32, #tpu.memory_space<vmem>> -> memref<256xf32, #tpu.memory_space<vmem>>
      tpu.enqueue_dma source(%dma_start3A_1180 : memref<256xf32, #tpu.memory_space<vmem>>) target(%dma_start3A_1178 : memref<256xf32, #tpu.memory_space<hbm>>) target_semaphore(%arg14 : memref<!tpu.dma_semaphore, #tpu.memory_space<semaphore_mem>>)
      %dma_start3A_1181 = arith.constant 44 : i32
      %dma_start3A_1182 = arith.constant 11616 : i32
      %dma_start3A_1183 = tpu.memref_slice %arg8[%dma_start3A_1182] : memref<16896xf32, #tpu.memory_space<vmem>> -> memref<256xf32, #tpu.memory_space<vmem>>
      %dma_start3A_1184 = tpu.memref_slice %arg4[%select_n3A, %dma_start3A_1181, %mul3A_784] : memref<16x64x50176xf32, #tpu.memory_space<hbm>> -> memref<1x1x256xf32, #tpu.memory_space<hbm>>
      %dma_start3A_1185 = tpu.memref_squeeze %dma_start3A_1184 : memref<1x1x256xf32, #tpu.memory_space<hbm>> -> memref<256xf32, #tpu.memory_space<hbm>>
      %dma_start3A_1186 = tpu.memref_slice %arg4[%select_n3A, %dma_start3A_1181, %mul3A_784] : memref<16x64x50176xf32, #tpu.memory_space<hbm>> -> memref<1x1x256xf32, #tpu.memory_space<hbm>>
      %dma_start3A_1187 = tpu.memref_squeeze %dma_start3A_1186 : memref<1x1x256xf32, #tpu.memory_space<hbm>> -> memref<256xf32, #tpu.memory_space<hbm>>
      %dma_start3A_1188 = arith.constant 11616 : i32
      %dma_start3A_1189 = tpu.memref_slice %arg8[%dma_start3A_1188] : memref<16896xf32, #tpu.memory_space<vmem>> -> memref<256xf32, #tpu.memory_space<vmem>>
      tpu.enqueue_dma source(%dma_start3A_1189 : memref<256xf32, #tpu.memory_space<vmem>>) target(%dma_start3A_1187 : memref<256xf32, #tpu.memory_space<hbm>>) target_semaphore(%arg14 : memref<!tpu.dma_semaphore, #tpu.memory_space<semaphore_mem>>)
      %dma_start3A_1190 = arith.constant 45 : i32
      %dma_start3A_1191 = arith.constant 11880 : i32
      %dma_start3A_1192 = tpu.memref_slice %arg8[%dma_start3A_1191] : memref<16896xf32, #tpu.memory_space<vmem>> -> memref<256xf32, #tpu.memory_space<vmem>>
      %dma_start3A_1193 = tpu.memref_slice %arg4[%select_n3A, %dma_start3A_1190, %mul3A_784] : memref<16x64x50176xf32, #tpu.memory_space<hbm>> -> memref<1x1x256xf32, #tpu.memory_space<hbm>>
      %dma_start3A_1194 = tpu.memref_squeeze %dma_start3A_1193 : memref<1x1x256xf32, #tpu.memory_space<hbm>> -> memref<256xf32, #tpu.memory_space<hbm>>
      %dma_start3A_1195 = tpu.memref_slice %arg4[%select_n3A, %dma_start3A_1190, %mul3A_784] : memref<16x64x50176xf32, #tpu.memory_space<hbm>> -> memref<1x1x256xf32, #tpu.memory_space<hbm>>
      %dma_start3A_1196 = tpu.memref_squeeze %dma_start3A_1195 : memref<1x1x256xf32, #tpu.memory_space<hbm>> -> memref<256xf32, #tpu.memory_space<hbm>>
      %dma_start3A_1197 = arith.constant 11880 : i32
      %dma_start3A_1198 = tpu.memref_slice %arg8[%dma_start3A_1197] : memref<16896xf32, #tpu.memory_space<vmem>> -> memref<256xf32, #tpu.memory_space<vmem>>
      tpu.enqueue_dma source(%dma_start3A_1198 : memref<256xf32, #tpu.memory_space<vmem>>) target(%dma_start3A_1196 : memref<256xf32, #tpu.memory_space<hbm>>) target_semaphore(%arg14 : memref<!tpu.dma_semaphore, #tpu.memory_space<semaphore_mem>>)
      %dma_start3A_1199 = arith.constant 46 : i32
      %dma_start3A_1200 = arith.constant 12144 : i32
      %dma_start3A_1201 = tpu.memref_slice %arg8[%dma_start3A_1200] : memref<16896xf32, #tpu.memory_space<vmem>> -> memref<256xf32, #tpu.memory_space<vmem>>
      %dma_start3A_1202 = tpu.memref_slice %arg4[%select_n3A, %dma_start3A_1199, %mul3A_784] : memref<16x64x50176xf32, #tpu.memory_space<hbm>> -> memref<1x1x256xf32, #tpu.memory_space<hbm>>
      %dma_start3A_1203 = tpu.memref_squeeze %dma_start3A_1202 : memref<1x1x256xf32, #tpu.memory_space<hbm>> -> memref<256xf32, #tpu.memory_space<hbm>>
      %dma_start3A_1204 = tpu.memref_slice %arg4[%select_n3A, %dma_start3A_1199, %mul3A_784] : memref<16x64x50176xf32, #tpu.memory_space<hbm>> -> memref<1x1x256xf32, #tpu.memory_space<hbm>>
      %dma_start3A_1205 = tpu.memref_squeeze %dma_start3A_1204 : memref<1x1x256xf32, #tpu.memory_space<hbm>> -> memref<256xf32, #tpu.memory_space<hbm>>
      %dma_start3A_1206 = arith.constant 12144 : i32
      %dma_start3A_1207 = tpu.memref_slice %arg8[%dma_start3A_1206] : memref<16896xf32, #tpu.memory_space<vmem>> -> memref<256xf32, #tpu.memory_space<vmem>>
      tpu.enqueue_dma source(%dma_start3A_1207 : memref<256xf32, #tpu.memory_space<vmem>>) target(%dma_start3A_1205 : memref<256xf32, #tpu.memory_space<hbm>>) target_semaphore(%arg14 : memref<!tpu.dma_semaphore, #tpu.memory_space<semaphore_mem>>)
      %dma_start3A_1208 = arith.constant 47 : i32
      %dma_start3A_1209 = arith.constant 12408 : i32
      %dma_start3A_1210 = tpu.memref_slice %arg8[%dma_start3A_1209] : memref<16896xf32, #tpu.memory_space<vmem>> -> memref<256xf32, #tpu.memory_space<vmem>>
      %dma_start3A_1211 = tpu.memref_slice %arg4[%select_n3A, %dma_start3A_1208, %mul3A_784] : memref<16x64x50176xf32, #tpu.memory_space<hbm>> -> memref<1x1x256xf32, #tpu.memory_space<hbm>>
      %dma_start3A_1212 = tpu.memref_squeeze %dma_start3A_1211 : memref<1x1x256xf32, #tpu.memory_space<hbm>> -> memref<256xf32, #tpu.memory_space<hbm>>
      %dma_start3A_1213 = tpu.memref_slice %arg4[%select_n3A, %dma_start3A_1208, %mul3A_784] : memref<16x64x50176xf32, #tpu.memory_space<hbm>> -> memref<1x1x256xf32, #tpu.memory_space<hbm>>
      %dma_start3A_1214 = tpu.memref_squeeze %dma_start3A_1213 : memref<1x1x256xf32, #tpu.memory_space<hbm>> -> memref<256xf32, #tpu.memory_space<hbm>>
      %dma_start3A_1215 = arith.constant 12408 : i32
      %dma_start3A_1216 = tpu.memref_slice %arg8[%dma_start3A_1215] : memref<16896xf32, #tpu.memory_space<vmem>> -> memref<256xf32, #tpu.memory_space<vmem>>
      tpu.enqueue_dma source(%dma_start3A_1216 : memref<256xf32, #tpu.memory_space<vmem>>) target(%dma_start3A_1214 : memref<256xf32, #tpu.memory_space<hbm>>) target_semaphore(%arg14 : memref<!tpu.dma_semaphore, #tpu.memory_space<semaphore_mem>>)
      %dma_start3A_1217 = arith.constant 48 : i32
      %dma_start3A_1218 = arith.constant 12672 : i32
      %dma_start3A_1219 = tpu.memref_slice %arg8[%dma_start3A_1218] : memref<16896xf32, #tpu.memory_space<vmem>> -> memref<256xf32, #tpu.memory_space<vmem>>
      %dma_start3A_1220 = tpu.memref_slice %arg4[%select_n3A, %dma_start3A_1217, %mul3A_784] : memref<16x64x50176xf32, #tpu.memory_space<hbm>> -> memref<1x1x256xf32, #tpu.memory_space<hbm>>
      %dma_start3A_1221 = tpu.memref_squeeze %dma_start3A_1220 : memref<1x1x256xf32, #tpu.memory_space<hbm>> -> memref<256xf32, #tpu.memory_space<hbm>>
      %dma_start3A_1222 = tpu.memref_slice %arg4[%select_n3A, %dma_start3A_1217, %mul3A_784] : memref<16x64x50176xf32, #tpu.memory_space<hbm>> -> memref<1x1x256xf32, #tpu.memory_space<hbm>>
      %dma_start3A_1223 = tpu.memref_squeeze %dma_start3A_1222 : memref<1x1x256xf32, #tpu.memory_space<hbm>> -> memref<256xf32, #tpu.memory_space<hbm>>
      %dma_start3A_1224 = arith.constant 12672 : i32
      %dma_start3A_1225 = tpu.memref_slice %arg8[%dma_start3A_1224] : memref<16896xf32, #tpu.memory_space<vmem>> -> memref<256xf32, #tpu.memory_space<vmem>>
      tpu.enqueue_dma source(%dma_start3A_1225 : memref<256xf32, #tpu.memory_space<vmem>>) target(%dma_start3A_1223 : memref<256xf32, #tpu.memory_space<hbm>>) target_semaphore(%arg14 : memref<!tpu.dma_semaphore, #tpu.memory_space<semaphore_mem>>)
      %dma_start3A_1226 = arith.constant 49 : i32
      %dma_start3A_1227 = arith.constant 12936 : i32
      %dma_start3A_1228 = tpu.memref_slice %arg8[%dma_start3A_1227] : memref<16896xf32, #tpu.memory_space<vmem>> -> memref<256xf32, #tpu.memory_space<vmem>>
      %dma_start3A_1229 = tpu.memref_slice %arg4[%select_n3A, %dma_start3A_1226, %mul3A_784] : memref<16x64x50176xf32, #tpu.memory_space<hbm>> -> memref<1x1x256xf32, #tpu.memory_space<hbm>>
      %dma_start3A_1230 = tpu.memref_squeeze %dma_start3A_1229 : memref<1x1x256xf32, #tpu.memory_space<hbm>> -> memref<256xf32, #tpu.memory_space<hbm>>
      %dma_start3A_1231 = tpu.memref_slice %arg4[%select_n3A, %dma_start3A_1226, %mul3A_784] : memref<16x64x50176xf32, #tpu.memory_space<hbm>> -> memref<1x1x256xf32, #tpu.memory_space<hbm>>
      %dma_start3A_1232 = tpu.memref_squeeze %dma_start3A_1231 : memref<1x1x256xf32, #tpu.memory_space<hbm>> -> memref<256xf32, #tpu.memory_space<hbm>>
      %dma_start3A_1233 = arith.constant 12936 : i32
      %dma_start3A_1234 = tpu.memref_slice %arg8[%dma_start3A_1233] : memref<16896xf32, #tpu.memory_space<vmem>> -> memref<256xf32, #tpu.memory_space<vmem>>
      tpu.enqueue_dma source(%dma_start3A_1234 : memref<256xf32, #tpu.memory_space<vmem>>) target(%dma_start3A_1232 : memref<256xf32, #tpu.memory_space<hbm>>) target_semaphore(%arg14 : memref<!tpu.dma_semaphore, #tpu.memory_space<semaphore_mem>>)
      %dma_start3A_1235 = arith.constant 50 : i32
      %dma_start3A_1236 = arith.constant 13200 : i32
      %dma_start3A_1237 = tpu.memref_slice %arg8[%dma_start3A_1236] : memref<16896xf32, #tpu.memory_space<vmem>> -> memref<256xf32, #tpu.memory_space<vmem>>
      %dma_start3A_1238 = tpu.memref_slice %arg4[%select_n3A, %dma_start3A_1235, %mul3A_784] : memref<16x64x50176xf32, #tpu.memory_space<hbm>> -> memref<1x1x256xf32, #tpu.memory_space<hbm>>
      %dma_start3A_1239 = tpu.memref_squeeze %dma_start3A_1238 : memref<1x1x256xf32, #tpu.memory_space<hbm>> -> memref<256xf32, #tpu.memory_space<hbm>>
      %dma_start3A_1240 = tpu.memref_slice %arg4[%select_n3A, %dma_start3A_1235, %mul3A_784] : memref<16x64x50176xf32, #tpu.memory_space<hbm>> -> memref<1x1x256xf32, #tpu.memory_space<hbm>>
      %dma_start3A_1241 = tpu.memref_squeeze %dma_start3A_1240 : memref<1x1x256xf32, #tpu.memory_space<hbm>> -> memref<256xf32, #tpu.memory_space<hbm>>
      %dma_start3A_1242 = arith.constant 13200 : i32
      %dma_start3A_1243 = tpu.memref_slice %arg8[%dma_start3A_1242] : memref<16896xf32, #tpu.memory_space<vmem>> -> memref<256xf32, #tpu.memory_space<vmem>>
      tpu.enqueue_dma source(%dma_start3A_1243 : memref<256xf32, #tpu.memory_space<vmem>>) target(%dma_start3A_1241 : memref<256xf32, #tpu.memory_space<hbm>>) target_semaphore(%arg14 : memref<!tpu.dma_semaphore, #tpu.memory_space<semaphore_mem>>)
      %dma_start3A_1244 = arith.constant 51 : i32
      %dma_start3A_1245 = arith.constant 13464 : i32
      %dma_start3A_1246 = tpu.memref_slice %arg8[%dma_start3A_1245] : memref<16896xf32, #tpu.memory_space<vmem>> -> memref<256xf32, #tpu.memory_space<vmem>>
      %dma_start3A_1247 = tpu.memref_slice %arg4[%select_n3A, %dma_start3A_1244, %mul3A_784] : memref<16x64x50176xf32, #tpu.memory_space<hbm>> -> memref<1x1x256xf32, #tpu.memory_space<hbm>>
      %dma_start3A_1248 = tpu.memref_squeeze %dma_start3A_1247 : memref<1x1x256xf32, #tpu.memory_space<hbm>> -> memref<256xf32, #tpu.memory_space<hbm>>
      %dma_start3A_1249 = tpu.memref_slice %arg4[%select_n3A, %dma_start3A_1244, %mul3A_784] : memref<16x64x50176xf32, #tpu.memory_space<hbm>> -> memref<1x1x256xf32, #tpu.memory_space<hbm>>
      %dma_start3A_1250 = tpu.memref_squeeze %dma_start3A_1249 : memref<1x1x256xf32, #tpu.memory_space<hbm>> -> memref<256xf32, #tpu.memory_space<hbm>>
      %dma_start3A_1251 = arith.constant 13464 : i32
      %dma_start3A_1252 = tpu.memref_slice %arg8[%dma_start3A_1251] : memref<16896xf32, #tpu.memory_space<vmem>> -> memref<256xf32, #tpu.memory_space<vmem>>
      tpu.enqueue_dma source(%dma_start3A_1252 : memref<256xf32, #tpu.memory_space<vmem>>) target(%dma_start3A_1250 : memref<256xf32, #tpu.memory_space<hbm>>) target_semaphore(%arg14 : memref<!tpu.dma_semaphore, #tpu.memory_space<semaphore_mem>>)
      %dma_start3A_1253 = arith.constant 52 : i32
      %dma_start3A_1254 = arith.constant 13728 : i32
      %dma_start3A_1255 = tpu.memref_slice %arg8[%dma_start3A_1254] : memref<16896xf32, #tpu.memory_space<vmem>> -> memref<256xf32, #tpu.memory_space<vmem>>
      %dma_start3A_1256 = tpu.memref_slice %arg4[%select_n3A, %dma_start3A_1253, %mul3A_784] : memref<16x64x50176xf32, #tpu.memory_space<hbm>> -> memref<1x1x256xf32, #tpu.memory_space<hbm>>
      %dma_start3A_1257 = tpu.memref_squeeze %dma_start3A_1256 : memref<1x1x256xf32, #tpu.memory_space<hbm>> -> memref<256xf32, #tpu.memory_space<hbm>>
      %dma_start3A_1258 = tpu.memref_slice %arg4[%select_n3A, %dma_start3A_1253, %mul3A_784] : memref<16x64x50176xf32, #tpu.memory_space<hbm>> -> memref<1x1x256xf32, #tpu.memory_space<hbm>>
      %dma_start3A_1259 = tpu.memref_squeeze %dma_start3A_1258 : memref<1x1x256xf32, #tpu.memory_space<hbm>> -> memref<256xf32, #tpu.memory_space<hbm>>
      %dma_start3A_1260 = arith.constant 13728 : i32
      %dma_start3A_1261 = tpu.memref_slice %arg8[%dma_start3A_1260] : memref<16896xf32, #tpu.memory_space<vmem>> -> memref<256xf32, #tpu.memory_space<vmem>>
      tpu.enqueue_dma source(%dma_start3A_1261 : memref<256xf32, #tpu.memory_space<vmem>>) target(%dma_start3A_1259 : memref<256xf32, #tpu.memory_space<hbm>>) target_semaphore(%arg14 : memref<!tpu.dma_semaphore, #tpu.memory_space<semaphore_mem>>)
      %dma_start3A_1262 = arith.constant 53 : i32
      %dma_start3A_1263 = arith.constant 13992 : i32
      %dma_start3A_1264 = tpu.memref_slice %arg8[%dma_start3A_1263] : memref<16896xf32, #tpu.memory_space<vmem>> -> memref<256xf32, #tpu.memory_space<vmem>>
      %dma_start3A_1265 = tpu.memref_slice %arg4[%select_n3A, %dma_start3A_1262, %mul3A_784] : memref<16x64x50176xf32, #tpu.memory_space<hbm>> -> memref<1x1x256xf32, #tpu.memory_space<hbm>>
      %dma_start3A_1266 = tpu.memref_squeeze %dma_start3A_1265 : memref<1x1x256xf32, #tpu.memory_space<hbm>> -> memref<256xf32, #tpu.memory_space<hbm>>
      %dma_start3A_1267 = tpu.memref_slice %arg4[%select_n3A, %dma_start3A_1262, %mul3A_784] : memref<16x64x50176xf32, #tpu.memory_space<hbm>> -> memref<1x1x256xf32, #tpu.memory_space<hbm>>
      %dma_start3A_1268 = tpu.memref_squeeze %dma_start3A_1267 : memref<1x1x256xf32, #tpu.memory_space<hbm>> -> memref<256xf32, #tpu.memory_space<hbm>>
      %dma_start3A_1269 = arith.constant 13992 : i32
      %dma_start3A_1270 = tpu.memref_slice %arg8[%dma_start3A_1269] : memref<16896xf32, #tpu.memory_space<vmem>> -> memref<256xf32, #tpu.memory_space<vmem>>
      tpu.enqueue_dma source(%dma_start3A_1270 : memref<256xf32, #tpu.memory_space<vmem>>) target(%dma_start3A_1268 : memref<256xf32, #tpu.memory_space<hbm>>) target_semaphore(%arg14 : memref<!tpu.dma_semaphore, #tpu.memory_space<semaphore_mem>>)
      %dma_start3A_1271 = arith.constant 54 : i32
      %dma_start3A_1272 = arith.constant 14256 : i32
      %dma_start3A_1273 = tpu.memref_slice %arg8[%dma_start3A_1272] : memref<16896xf32, #tpu.memory_space<vmem>> -> memref<256xf32, #tpu.memory_space<vmem>>
      %dma_start3A_1274 = tpu.memref_slice %arg4[%select_n3A, %dma_start3A_1271, %mul3A_784] : memref<16x64x50176xf32, #tpu.memory_space<hbm>> -> memref<1x1x256xf32, #tpu.memory_space<hbm>>
      %dma_start3A_1275 = tpu.memref_squeeze %dma_start3A_1274 : memref<1x1x256xf32, #tpu.memory_space<hbm>> -> memref<256xf32, #tpu.memory_space<hbm>>
      %dma_start3A_1276 = tpu.memref_slice %arg4[%select_n3A, %dma_start3A_1271, %mul3A_784] : memref<16x64x50176xf32, #tpu.memory_space<hbm>> -> memref<1x1x256xf32, #tpu.memory_space<hbm>>
      %dma_start3A_1277 = tpu.memref_squeeze %dma_start3A_1276 : memref<1x1x256xf32, #tpu.memory_space<hbm>> -> memref<256xf32, #tpu.memory_space<hbm>>
      %dma_start3A_1278 = arith.constant 14256 : i32
      %dma_start3A_1279 = tpu.memref_slice %arg8[%dma_start3A_1278] : memref<16896xf32, #tpu.memory_space<vmem>> -> memref<256xf32, #tpu.memory_space<vmem>>
      tpu.enqueue_dma source(%dma_start3A_1279 : memref<256xf32, #tpu.memory_space<vmem>>) target(%dma_start3A_1277 : memref<256xf32, #tpu.memory_space<hbm>>) target_semaphore(%arg14 : memref<!tpu.dma_semaphore, #tpu.memory_space<semaphore_mem>>)
      %dma_start3A_1280 = arith.constant 55 : i32
      %dma_start3A_1281 = arith.constant 14520 : i32
      %dma_start3A_1282 = tpu.memref_slice %arg8[%dma_start3A_1281] : memref<16896xf32, #tpu.memory_space<vmem>> -> memref<256xf32, #tpu.memory_space<vmem>>
      %dma_start3A_1283 = tpu.memref_slice %arg4[%select_n3A, %dma_start3A_1280, %mul3A_784] : memref<16x64x50176xf32, #tpu.memory_space<hbm>> -> memref<1x1x256xf32, #tpu.memory_space<hbm>>
      %dma_start3A_1284 = tpu.memref_squeeze %dma_start3A_1283 : memref<1x1x256xf32, #tpu.memory_space<hbm>> -> memref<256xf32, #tpu.memory_space<hbm>>
      %dma_start3A_1285 = tpu.memref_slice %arg4[%select_n3A, %dma_start3A_1280, %mul3A_784] : memref<16x64x50176xf32, #tpu.memory_space<hbm>> -> memref<1x1x256xf32, #tpu.memory_space<hbm>>
      %dma_start3A_1286 = tpu.memref_squeeze %dma_start3A_1285 : memref<1x1x256xf32, #tpu.memory_space<hbm>> -> memref<256xf32, #tpu.memory_space<hbm>>
      %dma_start3A_1287 = arith.constant 14520 : i32
      %dma_start3A_1288 = tpu.memref_slice %arg8[%dma_start3A_1287] : memref<16896xf32, #tpu.memory_space<vmem>> -> memref<256xf32, #tpu.memory_space<vmem>>
      tpu.enqueue_dma source(%dma_start3A_1288 : memref<256xf32, #tpu.memory_space<vmem>>) target(%dma_start3A_1286 : memref<256xf32, #tpu.memory_space<hbm>>) target_semaphore(%arg14 : memref<!tpu.dma_semaphore, #tpu.memory_space<semaphore_mem>>)
      %dma_start3A_1289 = arith.constant 56 : i32
      %dma_start3A_1290 = arith.constant 14784 : i32
      %dma_start3A_1291 = tpu.memref_slice %arg8[%dma_start3A_1290] : memref<16896xf32, #tpu.memory_space<vmem>> -> memref<256xf32, #tpu.memory_space<vmem>>
      %dma_start3A_1292 = tpu.memref_slice %arg4[%select_n3A, %dma_start3A_1289, %mul3A_784] : memref<16x64x50176xf32, #tpu.memory_space<hbm>> -> memref<1x1x256xf32, #tpu.memory_space<hbm>>
      %dma_start3A_1293 = tpu.memref_squeeze %dma_start3A_1292 : memref<1x1x256xf32, #tpu.memory_space<hbm>> -> memref<256xf32, #tpu.memory_space<hbm>>
      %dma_start3A_1294 = tpu.memref_slice %arg4[%select_n3A, %dma_start3A_1289, %mul3A_784] : memref<16x64x50176xf32, #tpu.memory_space<hbm>> -> memref<1x1x256xf32, #tpu.memory_space<hbm>>
      %dma_start3A_1295 = tpu.memref_squeeze %dma_start3A_1294 : memref<1x1x256xf32, #tpu.memory_space<hbm>> -> memref<256xf32, #tpu.memory_space<hbm>>
      %dma_start3A_1296 = arith.constant 14784 : i32
      %dma_start3A_1297 = tpu.memref_slice %arg8[%dma_start3A_1296] : memref<16896xf32, #tpu.memory_space<vmem>> -> memref<256xf32, #tpu.memory_space<vmem>>
      tpu.enqueue_dma source(%dma_start3A_1297 : memref<256xf32, #tpu.memory_space<vmem>>) target(%dma_start3A_1295 : memref<256xf32, #tpu.memory_space<hbm>>) target_semaphore(%arg14 : memref<!tpu.dma_semaphore, #tpu.memory_space<semaphore_mem>>)
      %dma_start3A_1298 = arith.constant 57 : i32
      %dma_start3A_1299 = arith.constant 15048 : i32
      %dma_start3A_1300 = tpu.memref_slice %arg8[%dma_start3A_1299] : memref<16896xf32, #tpu.memory_space<vmem>> -> memref<256xf32, #tpu.memory_space<vmem>>
      %dma_start3A_1301 = tpu.memref_slice %arg4[%select_n3A, %dma_start3A_1298, %mul3A_784] : memref<16x64x50176xf32, #tpu.memory_space<hbm>> -> memref<1x1x256xf32, #tpu.memory_space<hbm>>
      %dma_start3A_1302 = tpu.memref_squeeze %dma_start3A_1301 : memref<1x1x256xf32, #tpu.memory_space<hbm>> -> memref<256xf32, #tpu.memory_space<hbm>>
      %dma_start3A_1303 = tpu.memref_slice %arg4[%select_n3A, %dma_start3A_1298, %mul3A_784] : memref<16x64x50176xf32, #tpu.memory_space<hbm>> -> memref<1x1x256xf32, #tpu.memory_space<hbm>>
      %dma_start3A_1304 = tpu.memref_squeeze %dma_start3A_1303 : memref<1x1x256xf32, #tpu.memory_space<hbm>> -> memref<256xf32, #tpu.memory_space<hbm>>
      %dma_start3A_1305 = arith.constant 15048 : i32
      %dma_start3A_1306 = tpu.memref_slice %arg8[%dma_start3A_1305] : memref<16896xf32, #tpu.memory_space<vmem>> -> memref<256xf32, #tpu.memory_space<vmem>>
      tpu.enqueue_dma source(%dma_start3A_1306 : memref<256xf32, #tpu.memory_space<vmem>>) target(%dma_start3A_1304 : memref<256xf32, #tpu.memory_space<hbm>>) target_semaphore(%arg14 : memref<!tpu.dma_semaphore, #tpu.memory_space<semaphore_mem>>)
      %dma_start3A_1307 = arith.constant 58 : i32
      %dma_start3A_1308 = arith.constant 15312 : i32
      %dma_start3A_1309 = tpu.memref_slice %arg8[%dma_start3A_1308] : memref<16896xf32, #tpu.memory_space<vmem>> -> memref<256xf32, #tpu.memory_space<vmem>>
      %dma_start3A_1310 = tpu.memref_slice %arg4[%select_n3A, %dma_start3A_1307, %mul3A_784] : memref<16x64x50176xf32, #tpu.memory_space<hbm>> -> memref<1x1x256xf32, #tpu.memory_space<hbm>>
      %dma_start3A_1311 = tpu.memref_squeeze %dma_start3A_1310 : memref<1x1x256xf32, #tpu.memory_space<hbm>> -> memref<256xf32, #tpu.memory_space<hbm>>
      %dma_start3A_1312 = tpu.memref_slice %arg4[%select_n3A, %dma_start3A_1307, %mul3A_784] : memref<16x64x50176xf32, #tpu.memory_space<hbm>> -> memref<1x1x256xf32, #tpu.memory_space<hbm>>
      %dma_start3A_1313 = tpu.memref_squeeze %dma_start3A_1312 : memref<1x1x256xf32, #tpu.memory_space<hbm>> -> memref<256xf32, #tpu.memory_space<hbm>>
      %dma_start3A_1314 = arith.constant 15312 : i32
      %dma_start3A_1315 = tpu.memref_slice %arg8[%dma_start3A_1314] : memref<16896xf32, #tpu.memory_space<vmem>> -> memref<256xf32, #tpu.memory_space<vmem>>
      tpu.enqueue_dma source(%dma_start3A_1315 : memref<256xf32, #tpu.memory_space<vmem>>) target(%dma_start3A_1313 : memref<256xf32, #tpu.memory_space<hbm>>) target_semaphore(%arg14 : memref<!tpu.dma_semaphore, #tpu.memory_space<semaphore_mem>>)
      %dma_start3A_1316 = arith.constant 59 : i32
      %dma_start3A_1317 = arith.constant 15576 : i32
      %dma_start3A_1318 = tpu.memref_slice %arg8[%dma_start3A_1317] : memref<16896xf32, #tpu.memory_space<vmem>> -> memref<256xf32, #tpu.memory_space<vmem>>
      %dma_start3A_1319 = tpu.memref_slice %arg4[%select_n3A, %dma_start3A_1316, %mul3A_784] : memref<16x64x50176xf32, #tpu.memory_space<hbm>> -> memref<1x1x256xf32, #tpu.memory_space<hbm>>
      %dma_start3A_1320 = tpu.memref_squeeze %dma_start3A_1319 : memref<1x1x256xf32, #tpu.memory_space<hbm>> -> memref<256xf32, #tpu.memory_space<hbm>>
      %dma_start3A_1321 = tpu.memref_slice %arg4[%select_n3A, %dma_start3A_1316, %mul3A_784] : memref<16x64x50176xf32, #tpu.memory_space<hbm>> -> memref<1x1x256xf32, #tpu.memory_space<hbm>>
      %dma_start3A_1322 = tpu.memref_squeeze %dma_start3A_1321 : memref<1x1x256xf32, #tpu.memory_space<hbm>> -> memref<256xf32, #tpu.memory_space<hbm>>
      %dma_start3A_1323 = arith.constant 15576 : i32
      %dma_start3A_1324 = tpu.memref_slice %arg8[%dma_start3A_1323] : memref<16896xf32, #tpu.memory_space<vmem>> -> memref<256xf32, #tpu.memory_space<vmem>>
      tpu.enqueue_dma source(%dma_start3A_1324 : memref<256xf32, #tpu.memory_space<vmem>>) target(%dma_start3A_1322 : memref<256xf32, #tpu.memory_space<hbm>>) target_semaphore(%arg14 : memref<!tpu.dma_semaphore, #tpu.memory_space<semaphore_mem>>)
      %dma_start3A_1325 = arith.constant 60 : i32
      %dma_start3A_1326 = arith.constant 15840 : i32
      %dma_start3A_1327 = tpu.memref_slice %arg8[%dma_start3A_1326] : memref<16896xf32, #tpu.memory_space<vmem>> -> memref<256xf32, #tpu.memory_space<vmem>>
      %dma_start3A_1328 = tpu.memref_slice %arg4[%select_n3A, %dma_start3A_1325, %mul3A_784] : memref<16x64x50176xf32, #tpu.memory_space<hbm>> -> memref<1x1x256xf32, #tpu.memory_space<hbm>>
      %dma_start3A_1329 = tpu.memref_squeeze %dma_start3A_1328 : memref<1x1x256xf32, #tpu.memory_space<hbm>> -> memref<256xf32, #tpu.memory_space<hbm>>
      %dma_start3A_1330 = tpu.memref_slice %arg4[%select_n3A, %dma_start3A_1325, %mul3A_784] : memref<16x64x50176xf32, #tpu.memory_space<hbm>> -> memref<1x1x256xf32, #tpu.memory_space<hbm>>
      %dma_start3A_1331 = tpu.memref_squeeze %dma_start3A_1330 : memref<1x1x256xf32, #tpu.memory_space<hbm>> -> memref<256xf32, #tpu.memory_space<hbm>>
      %dma_start3A_1332 = arith.constant 15840 : i32
      %dma_start3A_1333 = tpu.memref_slice %arg8[%dma_start3A_1332] : memref<16896xf32, #tpu.memory_space<vmem>> -> memref<256xf32, #tpu.memory_space<vmem>>
      tpu.enqueue_dma source(%dma_start3A_1333 : memref<256xf32, #tpu.memory_space<vmem>>) target(%dma_start3A_1331 : memref<256xf32, #tpu.memory_space<hbm>>) target_semaphore(%arg14 : memref<!tpu.dma_semaphore, #tpu.memory_space<semaphore_mem>>)
      %dma_start3A_1334 = arith.constant 61 : i32
      %dma_start3A_1335 = arith.constant 16104 : i32
      %dma_start3A_1336 = tpu.memref_slice %arg8[%dma_start3A_1335] : memref<16896xf32, #tpu.memory_space<vmem>> -> memref<256xf32, #tpu.memory_space<vmem>>
      %dma_start3A_1337 = tpu.memref_slice %arg4[%select_n3A, %dma_start3A_1334, %mul3A_784] : memref<16x64x50176xf32, #tpu.memory_space<hbm>> -> memref<1x1x256xf32, #tpu.memory_space<hbm>>
      %dma_start3A_1338 = tpu.memref_squeeze %dma_start3A_1337 : memref<1x1x256xf32, #tpu.memory_space<hbm>> -> memref<256xf32, #tpu.memory_space<hbm>>
      %dma_start3A_1339 = tpu.memref_slice %arg4[%select_n3A, %dma_start3A_1334, %mul3A_784] : memref<16x64x50176xf32, #tpu.memory_space<hbm>> -> memref<1x1x256xf32, #tpu.memory_space<hbm>>
      %dma_start3A_1340 = tpu.memref_squeeze %dma_start3A_1339 : memref<1x1x256xf32, #tpu.memory_space<hbm>> -> memref<256xf32, #tpu.memory_space<hbm>>
      %dma_start3A_1341 = arith.constant 16104 : i32
      %dma_start3A_1342 = tpu.memref_slice %arg8[%dma_start3A_1341] : memref<16896xf32, #tpu.memory_space<vmem>> -> memref<256xf32, #tpu.memory_space<vmem>>
      tpu.enqueue_dma source(%dma_start3A_1342 : memref<256xf32, #tpu.memory_space<vmem>>) target(%dma_start3A_1340 : memref<256xf32, #tpu.memory_space<hbm>>) target_semaphore(%arg14 : memref<!tpu.dma_semaphore, #tpu.memory_space<semaphore_mem>>)
      %dma_start3A_1343 = arith.constant 62 : i32
      %dma_start3A_1344 = arith.constant 16368 : i32
      %dma_start3A_1345 = tpu.memref_slice %arg8[%dma_start3A_1344] : memref<16896xf32, #tpu.memory_space<vmem>> -> memref<256xf32, #tpu.memory_space<vmem>>
      %dma_start3A_1346 = tpu.memref_slice %arg4[%select_n3A, %dma_start3A_1343, %mul3A_784] : memref<16x64x50176xf32, #tpu.memory_space<hbm>> -> memref<1x1x256xf32, #tpu.memory_space<hbm>>
      %dma_start3A_1347 = tpu.memref_squeeze %dma_start3A_1346 : memref<1x1x256xf32, #tpu.memory_space<hbm>> -> memref<256xf32, #tpu.memory_space<hbm>>
      %dma_start3A_1348 = tpu.memref_slice %arg4[%select_n3A, %dma_start3A_1343, %mul3A_784] : memref<16x64x50176xf32, #tpu.memory_space<hbm>> -> memref<1x1x256xf32, #tpu.memory_space<hbm>>
      %dma_start3A_1349 = tpu.memref_squeeze %dma_start3A_1348 : memref<1x1x256xf32, #tpu.memory_space<hbm>> -> memref<256xf32, #tpu.memory_space<hbm>>
      %dma_start3A_1350 = arith.constant 16368 : i32
      %dma_start3A_1351 = tpu.memref_slice %arg8[%dma_start3A_1350] : memref<16896xf32, #tpu.memory_space<vmem>> -> memref<256xf32, #tpu.memory_space<vmem>>
      tpu.enqueue_dma source(%dma_start3A_1351 : memref<256xf32, #tpu.memory_space<vmem>>) target(%dma_start3A_1349 : memref<256xf32, #tpu.memory_space<hbm>>) target_semaphore(%arg14 : memref<!tpu.dma_semaphore, #tpu.memory_space<semaphore_mem>>)
      %dma_start3A_1352 = arith.constant 63 : i32
      %dma_start3A_1353 = arith.constant 16632 : i32
      %dma_start3A_1354 = tpu.memref_slice %arg8[%dma_start3A_1353] : memref<16896xf32, #tpu.memory_space<vmem>> -> memref<256xf32, #tpu.memory_space<vmem>>
      %dma_start3A_1355 = tpu.memref_slice %arg4[%select_n3A, %dma_start3A_1352, %mul3A_784] : memref<16x64x50176xf32, #tpu.memory_space<hbm>> -> memref<1x1x256xf32, #tpu.memory_space<hbm>>
      %dma_start3A_1356 = tpu.memref_squeeze %dma_start3A_1355 : memref<1x1x256xf32, #tpu.memory_space<hbm>> -> memref<256xf32, #tpu.memory_space<hbm>>
      %dma_start3A_1357 = tpu.memref_slice %arg4[%select_n3A, %dma_start3A_1352, %mul3A_784] : memref<16x64x50176xf32, #tpu.memory_space<hbm>> -> memref<1x1x256xf32, #tpu.memory_space<hbm>>
      %dma_start3A_1358 = tpu.memref_squeeze %dma_start3A_1357 : memref<1x1x256xf32, #tpu.memory_space<hbm>> -> memref<256xf32, #tpu.memory_space<hbm>>
      %dma_start3A_1359 = arith.constant 16632 : i32
      %dma_start3A_1360 = tpu.memref_slice %arg8[%dma_start3A_1359] : memref<16896xf32, #tpu.memory_space<vmem>> -> memref<256xf32, #tpu.memory_space<vmem>>
      tpu.enqueue_dma source(%dma_start3A_1360 : memref<256xf32, #tpu.memory_space<vmem>>) target(%dma_start3A_1358 : memref<256xf32, #tpu.memory_space<hbm>>) target_semaphore(%arg14 : memref<!tpu.dma_semaphore, #tpu.memory_space<semaphore_mem>>)
    }
    %scan3A_92 = arith.constant 49 : i32
    %dma_wait3A = arith.constant 0 : i32
    %dma_wait3A_93 = arith.constant 0 : i32
    %dma_wait3A_94 = arith.constant 0 : i32
    %dma_wait3A_95 = arith.constant 0 : i32
    %dma_wait3A_96 = tpu.memref_slice %arg4[%dma_wait3A_93, %dma_wait3A_94, %dma_wait3A_95] : memref<16x64x50176xf32, #tpu.memory_space<hbm>> -> memref<1x64x256xf32, #tpu.memory_space<hbm>>
    %dma_wait3A_97 = tpu.memref_squeeze %dma_wait3A_96 : memref<1x64x256xf32, #tpu.memory_space<hbm>> -> memref<64x256xf32, #tpu.memory_space<hbm>>
    %dma_wait3A_98 = arith.constant 0 : i32
    %dma_wait3A_99 = arith.constant 0 : i32
    %dma_wait3A_100 = tpu.memref_slice %arg4[%dma_wait3A, %dma_wait3A_98, %dma_wait3A_99] : memref<16x64x50176xf32, #tpu.memory_space<hbm>> -> memref<1x64x256xf32, #tpu.memory_space<hbm>>
    %dma_wait3A_101 = tpu.memref_squeeze %dma_wait3A_100 : memref<1x64x256xf32, #tpu.memory_space<hbm>> -> memref<64x256xf32, #tpu.memory_space<hbm>>
    tpu.wait_dma2 semaphore(%arg13 : memref<!tpu.dma_semaphore, #tpu.memory_space<semaphore_mem>>) src(%dma_wait3A_101 : memref<64x256xf32, #tpu.memory_space<hbm>>) dst(%dma_wait3A_97 : memref<64x256xf32, #tpu.memory_space<hbm>>)
    %dma_wait3A_102 = arith.constant 0 : i32
    %dma_wait3A_103 = arith.constant 0 : i32
    %dma_wait3A_104 = arith.constant 0 : i32
    %dma_wait3A_105 = arith.constant 0 : i32
    %dma_wait3A_106 = tpu.memref_slice %arg4[%dma_wait3A_103, %dma_wait3A_104, %dma_wait3A_105] : memref<16x64x50176xf32, #tpu.memory_space<hbm>> -> memref<1x64x256xf32, #tpu.memory_space<hbm>>
    %dma_wait3A_107 = tpu.memref_squeeze %dma_wait3A_106 : memref<1x64x256xf32, #tpu.memory_space<hbm>> -> memref<64x256xf32, #tpu.memory_space<hbm>>
    %dma_wait3A_108 = arith.constant 0 : i32
    %dma_wait3A_109 = arith.constant 0 : i32
    %dma_wait3A_110 = tpu.memref_slice %arg4[%dma_wait3A_102, %dma_wait3A_108, %dma_wait3A_109] : memref<16x64x50176xf32, #tpu.memory_space<hbm>> -> memref<1x64x256xf32, #tpu.memory_space<hbm>>
    %dma_wait3A_111 = tpu.memref_squeeze %dma_wait3A_110 : memref<1x64x256xf32, #tpu.memory_space<hbm>> -> memref<64x256xf32, #tpu.memory_space<hbm>>
    tpu.wait_dma2 semaphore(%arg14 : memref<!tpu.dma_semaphore, #tpu.memory_space<semaphore_mem>>) src(%dma_wait3A_111 : memref<64x256xf32, #tpu.memory_space<hbm>>) dst(%dma_wait3A_107 : memref<64x256xf32, #tpu.memory_space<hbm>>)
    return
  }
}

</mosaic_0001>

<sc_bundles>
// kernel: _run.3.cloned.1.call-start
scs
__scs_entry_jumppad:
0x0: {  	(pc) =	sbr.rel $0x88, $3  }
0x1: {  	(tag) =	ssettag $0x0;
	lr =	simm.s32 $0x1  }
0x2: {  	[smem:$0x3F9F] =	sst lr;
	_ =	strace $0xD0000000  }
0x3: {  	_ = 	snop  }
0x4: {  	_ = 	snop  }
0x5: {  	_ = 	snop  }
0x6: {  	_ = 	snop  }
0x7: {  	_ = 	snop  }
__scs_overlays_trampoline_lowered:
0x8: {  	[smem:$0x3FAE] =	sst s0  }
0x9: {  	[smem:$0x3FAF] =	sst s1  }
0xa: {  	[smem:$0x3FB0] =	sst s2  }
0xb: {  	[smem:$0x3FB1] =	sst s3  }
0xc: {  	[smem:$0x3FB2] =	sst s4  }
0xd: {  	[smem:$0x3FB3] =	sst s5  }
0xe: {  	[smem:$0x3FB4] =	sst s6  }
0xf: {  	[smem:$0x3FB5] =	sst s7  }
0x10: {  	[smem:$0x3FB6] =	sst s8  }
0x11: {  	[smem:$0x3FB7] =	sst s9;
	s0 =	simm.s32 @!p0 $0x0  }
0x12: {  	s1 =	sld [smem:$0x3F9D];
	s0 =	simm.s32 @p0 $0x1  }
0x13: {  	[smem:$0x3FB8] =	sst s0;
	s0 =	simm.s32 @!p1 $0x0  }
0x14: {  	s2 =	sld [smem:$0x3F9C];
	s0 =	simm.s32 @p1 $0x1  }
0x15: {  	[smem:$0x3FB9] =	sst s0;
	s0 =	simm.s32 @!p2 $0x0  }
0x16: {  	s3 =	sld [smem:$0x3FDB];
	s0 =	simm.s32 @p2 $0x1  }
0x17: {  	s4 =	simm.s32 $0x1BF5;
	[smem:$0x3FBB] =	sst s0  }
0x18: {  	s0 =	sld [smem:$0x3F9E];
	_ =	swait.ge [sflag:s4], $0x0  }
0x19: {  	s7 =	sld [smem:$0x3F9F]  }
0x1a: {  	s8 =	sadd.s32 $0xFFFFE003, lr  }
0x1b: {  	s9 =	sadd.s32 $0xFFFFFEF7, lr;
	s5 =	simm.s32 $0xFFFFFFFF;
	p2 =	slt.u32 s8, $0xFFFFF086  }
0x1c: {  	p1 =	slt.u32 s9, $0xF7A;
	s5 =	simm.s32 @!p2 $0x0  }
0x1d: {  	s5 =	simm.s32 @p1 $0x1;
	p0 =	seq.s32 s7, s2  }
0x1e: {  	s7 =	smul.u32 @!p0 $0xF7A, s2;
	p2 =	seq.s32 @!p0 s5, $0x0  }
0x1f: {  	s9 =	smul.u32 $0xF7A, s1;
	s8 =	simm.s32 @!p0 $0x1BF5;
	p2 =	por !p2, p0  }
0x20: {  	[sflag:s8] =	ssyncset.s32 @!p0 $0xFFFFF086;
	s6 =	sadd.s32 @!p0 s3, s7;
	s7 =	simm.s32 @!p0 $0x108  }
0x21: {  	s3 =	sadd.s32 s3, s9;
	s6 =	sadd.s32 @!p0 $0x88, s6;
	s7 =	simm.s32 @p2 $0x1082  }
0x22: {  	[simem:s7], [sflag:s8] =	dma.local @!p0 [hbm:s6], $0xF7A  }
0x23: {  	s9 =	sor.u32 $0xD0000000, s2;
	s6 =	simm.s32 $0x108;
	_ =	swait.ge @!p0 [sflag:s8], $0x0  }
0x24: {  	s3 =	sadd.s32 $0x88, s3;
	s6 =	simm.s32 @!p1 $0x1082;
	[sflag:s4] =	ssyncset.s32 $0xFFFFF086  }
0x25: {  	[simem:s6], [sflag:s4] =	dma.local [hbm:s3], $0xF7A  }
0x26: {  	[smem:$0x3F9F] =	sst s1;
	(tag) =	ssettag s2;
	_ =	strace s9  }
0x27: {  	s1 =	sld [smem:$0x3FAF]  }
0x28: {  	s2 =	sld [smem:$0x3FB0]  }
0x29: {  	s4 =	sld [smem:$0x3FB2]  }
0x2a: {  	p0 =	seq.s32 s5, $0x0;
	s5 =	sld [smem:$0x3FB3]  }
0x2b: {  	s6 =	sld [smem:$0x3FB4]  }
0x2c: {  	s7 =	sld [smem:$0x3FB5]  }
0x2d: {  	s3 =	simm.s32 $0x108;
	s8 =	sld [smem:$0x3FB6]  }
0x2e: {  	s3 =	simm.s32 @!p0 $0x1082;
	s9 =	sld [smem:$0x3FB7]  }
0x2f: {  	lr =	sadd.s32 s0, s3;
	s0 =	sld [smem:$0x3FAE]  }
0x30: {  	s3 =	sld [smem:$0x3FB1]  }
0x31: {  	[smem:$0x3FBA] =	sst s10  }
0x32: {  	s10 =	sld [smem:$0x3FB8];
	_ =	sdelay $0x3  }
0x33: {  	p0 =	seq.s32 s10, $0x1;
	s10 =	sld [smem:$0x3FBA];
	_ =	sdelay $0x3  }
0x34: {  	[smem:$0x3FBA] =	sst s10  }
0x35: {  	s10 =	sld [smem:$0x3FB9];
	_ =	sdelay $0x3  }
0x36: {  	p1 =	seq.s32 s10, $0x1;
	s10 =	sld [smem:$0x3FBA];
	_ =	sdelay $0x3  }
0x37: {  	[smem:$0x3FBA] =	sst s10  }
0x38: {  	s10 =	sld [smem:$0x3FBB]  }
0x39: {  	_ = 	snop;
	(pc) =	sbr.ind lr, $3  }
0x3a: {  	_ = 	snop  }
0x3b: {  	_ = 	snop  }
0x3c: {  	p2 =	seq.s32 s10, $0x1;
	s10 =	sld [smem:$0x3FBA]  }
0x3d: {  	_ =	shalt  }
0x3e: {  	_ =	shalt  }
0x3f: {  	_ =	shalt  }
0x40: {  	_ =	shalt  }
0x41: {  	_ =	shalt  }
0x42: {  	_ =	shalt  }
0x43: {  	_ =	shalt  }
0x44: {  	_ =	shalt  }
0x45: {  	_ =	shalt  }
0x46: {  	_ =	shalt  }
0x47: {  	_ =	shalt  }
0x48: {  	_ =	shalt  }
0x49: {  	_ =	shalt  }
0x4a: {  	_ =	shalt  }
0x4b: {  	_ =	shalt  }
0x4c: {  	_ =	shalt  }
0x4d: {  	_ =	shalt  }
0x4e: {  	_ =	shalt  }
0x4f: {  	_ =	shalt  }
0x50: {  	_ =	shalt  }
0x51: {  	_ =	shalt  }
0x52: {  	_ =	shalt  }
0x53: {  	_ =	shalt  }
0x54: {  	_ =	shalt  }
0x55: {  	_ =	shalt  }
0x56: {  	_ =	shalt  }
0x57: {  	_ =	shalt  }
0x58: {  	_ =	shalt  }
0x59: {  	_ =	shalt  }
0x5a: {  	_ =	shalt  }
0x5b: {  	_ =	shalt  }
0x5c: {  	_ =	shalt  }
0x5d: {  	_ =	shalt  }
0x5e: {  	_ =	shalt  }
0x5f: {  	_ =	shalt  }
0x60: {  	_ =	shalt  }
0x61: {  	_ =	shalt  }
0x62: {  	_ =	shalt  }
0x63: {  	_ =	shalt  }
0x64: {  	_ =	shalt  }
0x65: {  	_ =	shalt  }
0x66: {  	_ =	shalt  }
0x67: {  	_ =	shalt  }
0x68: {  	_ =	shalt  }
0x69: {  	_ =	shalt  }
0x6a: {  	_ =	shalt  }
0x6b: {  	_ =	shalt  }
0x6c: {  	_ =	shalt  }
0x6d: {  	_ =	shalt  }
0x6e: {  	_ =	shalt  }
0x6f: {  	_ =	shalt  }
0x70: {  	_ =	shalt  }
0x71: {  	_ =	shalt  }
0x72: {  	_ =	shalt  }
0x73: {  	_ =	shalt  }
0x74: {  	_ =	shalt  }
0x75: {  	_ =	shalt  }
0x76: {  	_ =	shalt  }
0x77: {  	_ =	shalt  }
0x78: {  	_ =	shalt  }
0x79: {  	_ =	shalt  }
0x7a: {  	_ =	shalt  }
0x7b: {  	_ =	shalt  }
0x7c: {  	_ =	shalt  }
0x7d: {  	_ =	shalt  }
0x7e: {  	_ =	shalt  }
0x7f: {  	_ =	shalt  }
0x80: {  	_ =	shalt  }
0x81: {  	_ =	shalt  }
0x82: {  	_ =	shalt  }
0x83: {  	_ =	shalt  }
0x84: {  	_ =	shalt  }
0x85: {  	_ =	shalt  }
0x86: {  	_ =	shalt  }
0x87: {  	_ =	shalt  }
.Lfunc_end0:
.L_simem_size_0:
called_computation_lowered:
.L_overlay_start_0:
0x88: {  	s2 =	sld [smem:$0x3FD9]  }
0x89: {  	s3 =	sld [smem:$0x3FFE];
	_ =	sdelay $0x1  }
0x8a: {  	s1 =	srdreg.scid  }
0x8b: {  	s0 =	sand.u32 $0x1, s1  }
0x8c: {  	s17 =	sshll.u32 s0, $0xA;
	s2 =	sadd.s32 s3, s2  }
0x8d: {  	s2 =	sadd.s32 s2, s17  }
0x8e: {  	[smem:$0x3FC6] =	sst s2  }
0x8f: {  	_ = 	snop  }
0x90: {  	s2 =	sld [smem:$0x3FC9];
	(tm) =	ssettm $0x1  }
0x91: {  	s18 =	sld [smem:$0x3FFB];
	_ =	sdelay $0x3  }
0x92: {  	_ =	strace s18  }
0x93: {  	s3 =	sld [smem:$0x3FFC];
	_ =	sdelay $0x3  }
0x94: {  	_ =	strace s3  }
0x95: {  	s3 =	sld [smem:$0x3FFD];
	_ =	sdelay $0x3  }
0x96: {  	_ =	strace s3  }
0x97: {  	_ =	strace $0x8FFFFFFF  }
0x98: {  	s19 =	sld [smem:$0x3FDB];
	_ =	sdelay $0x1  }
0x99: {  	s4 =	simm.s32 $_scs_section_size  }
0x9a: {  	s5 =	simm.s32 $_size__tile_overlayer_lowered;
	s6 =	simm.s32 $_tile_overlayer_lowered  }
0x9b: {  	s22 =	simm.s32 $0x1BFF;
	s21 =	sshll.u32 s6, $0x1;
	s3 =	sadd.s32 s4, s19  }
0x9c: {  	s7 =	simm.s32 $0x0;
	s20 =	sshll.u32 s5, $0x1;
	s5 =	sadd.s32 s21, s3  }
0x9d: {  	[timem:s7], [sflag:s22] =	dma.local [hbm:s5], s20  }
0x9e: {  	_ =	swait.ge [sflag:s22], s20  }
0x9f: {  	s4 =	ssub.s32 $0x0, s20;
	[sflag:s22] =	ssyncset.done $0x0  }
0xa0: {  	[sflag:s22] =	ssyncadd.s32 s4;
	_ =	sdelay $0x1  }
0xa1: {  	s23 =	simm.s32 $0x1B8B  }
0xa2: {  	_ =	swait.ge [sflag:s23], $0x1  }
0xa3: {  	[sflag:s23] =	ssyncset.done $0x0  }
0xa4: {  	s25 =	simm.s32 $0x1B8E;
	s24 =	sld [smem:$0x3FFE];
	[sflag:s23] =	ssyncadd.s32 $0xFFFFFFFF  }
0xa5: {  	s26 =	simm.s32 $execute0_lowered;
	[smem:$0x3FD2] =	sst s25  }
0xa6: {  	s5 =	sshll.u32 s26, $0x1;
	_ =	strace $0x80000046;
	[dreg:$0x1] =	wrdreg $0xFFFFFFFF  }
0xa7: {  	s28 =	simm.s32 $_size_execute0_lowered;
	s3 =	sadd.s32 s3, s5;
	[dreg:$0x0] =	wrdreg $0x0  }
0xa8: {  	s5 =	sshll.u32 s28, $0x1;
	[dreg:$0x2] =	wrdreg s3  }
0xa9: {  	[dreg:$0x3] =	wrdreg s5  }
0xaa: {  	[dreg:$0x4] =	wrdreg $0xC0  }
0xab: {  	_ =	task [dreg:s7], $0x5FFFF  }
0xac: {  	[dreg:$0x1] =	wrdreg $0xFFFFFFFF  }
0xad: {  	[dreg:$0x0] =	wrdreg $0x60  }
0xae: {  	[dreg:$0x2] =	wrdreg s2  }
0xaf: {  	[dreg:$0x3] =	wrdreg s24  }
0xb0: {  	[dreg:$0x4] =	wrdreg $0x9  }
0xb1: {  	_ =	task.clear_ibuf [dreg:s7], $0x5FFFF;
	_ =	strace $0x90000046  }
0xb2: {  	s29 =	simm.s32 $0x9;
	_ =	strace $0x80000048  }
0xb3: {  	_ =	swait.ge [sflag:s29], $0x1  }
0xb4: {  	[sflag:s29] =	ssyncadd.s32 $0xFFFFFFFF  }
0xb5: {  	_ =	strace $0x90000048  }
0xb6: {  	_ =	sfence  }
0xb7: {  	s30 =	sld [smem:$0x0];
	_ =	sdelay $0x2  }
0xb8: {  	s31 =	sshll.u32 s1, $0xD;
	s1 =	sshrl.u32 s1, $0x2  }
0xb9: {  	s3 =	sand.u32 $0x4000, s31;
	s1 =	sadd.s32 s1, s30  }
0xba: {  	s0 =	sor.u32 s3, s0;
	s1 =	sshll.u32 s1, $0x11  }
0xbb: {  	s0 =	sor.u32 s1, s0  }
0xbc: {  	s0 =	sadd.s32 $0x8F2B, s0  }
0xbd: {  	[sflag:s0] =	ssyncadd.remote.s32 $0x1  }
0xbe: {  	_ =	sfence.sel $0xFFFF  }
0xbf: {  	[dreg:$0x0] =	wrdreg $0xFFFFFFFF;
	(pc) =	sbr.abs _section_cstart, $3  }
0xc0: {  	[dreg:$0x1] =	wrdreg $0xFFFFFFFF  }
0xc1: {  	_ =	task.clear_ibuf [dreg:s7], $0x2FFFF;
	_ =	strace $0x9FFFFFFF  }
0xc2: {  	(tm) =	ssettm $0x7FFFFFFF  }
0xc3: {  	_ =	shalt  }
tec
execute0_lowered:
.L_overlay_start_1:
0x0: {  	(tag) =	ssettag $0x1  }
0x1: {  	s0 =	rddreg [dreg:$0x0]  }
0x2: {  	s1 =	rddreg [dreg:$0x1];
	s2 =	simm.s32 $0x0  }
0x3: {  	s3 =	srdreg.scid;
	s9 =	stileid.u32;
	s7 =	simm.s32 $0x1  }
0x4: {  	s19 =	simm.s32 $0xE400;
	s20 =	simm.s32 $0x2;
	s21 =	simm.s32 $0x12600  }
0x5: {  	[smem:$0x7FF] =	sst s2;
	s10 =	sand.u32 $0x1, s3;
	s26 =	sshll.u32 s9, $0x1  }
0x6: {  	s4 =	sadd.s32 $0x400, s1;
	s5 =	sadd.s32 $0xC3A00, s1;
	_ =	strace $0x80000047  }
0x7: {  	s28 =	sor.u32 s10, s26;
	s29 =	ssub.s32 $0x2, s10;
	p1 =	seq.s32 s10, $0x1  }
0x8: {  	s8 =	sshll.u32 s10, $0x6;
	s30 =	sshll.u32 s10, $0x9;
	[dreg:$0x3] =	wrdreg s10  }
0x9: {  	p0 =	seq.s32 s28, $0x0;
	s6 =	sshrl.u32 s29, $0x1;
	s1 =	smul.u32 $0xC40, s28  }
0xa: {  	[dreg:$0x5] =	wrdreg s30;
	p0 =	por !p0, !p1;
	s3 =	ssub.s32 s29, s6  }
0xb: {  	s6 =	simm.s32 $0x1;
	p0 =	por !p0, !p0;
	s1 =	ssub.s32 s1, s8  }
0xc: {  	v0 =	vlaneseq.u32;
	s31 =	smax.u32 s3, $0x1;
	s7 =	simm.s32 @!p0 $0x0;
	s1 =	sand.u32 $0x1FFFFFC0, s1  }
0xd: {  	v0 =	vmul.u32 $0x108, v0;
	[dreg:$0x7] =	wrdreg s31;
	s7 =	ssub.s32 s9, s7;
	s0 =	sadd.s32 s0, s1  }
0xe: {  	s9 =	smul.u32 $0x62, s10;
	[dreg:$0x4] =	wrdreg s0;
	s0 =	sor.u32 $0x80, s30  }
0xf: {  	v1 =	vadd.s32 $0x1080, v0;
	v2 =	vadd.s32 $0x2100, v0;
	v3 =	vadd.s32 $0x3180, v0;
	s3 =	simm.s32 $0x0;
	s11 =	smul.u32 $0x310000, s7;
	[dreg:$0x6] =	wrdreg s0  }
.LBB2_1:
0x10: {  	[dreg:$0x8] =	wrdreg s3  }
0x11: {  	s0 =	rddreg [dreg:$0x4];
	s25 =	simm.s32 $0x5  }
0x12: {  	[tilespmem:s2], [sflag:$0x5] =	stream.linear.gather [hbm4b:s0+s2], $0x6400, $0x38;
	[tilespmem:$0x16800] =	vst v63  }
0x13: {  	_ =	swait.ge [sflag:s25], $0x6400  }
0x14: {  	s1 =	simm.s32 $0x80;
	[sflag:s25] =	ssyncset.done $0x0  }
0x15: {  	s28 =	simm.s32 $0x6400;
	s26 =	rddreg [dreg:$0x5];
	[sflag:s25] =	ssyncadd.s32 $0xFFFF9C00  }
0x16: {  	[tilespmem:s28], [sflag:$0x1] =	stream.indirect.gather [hbm4b:s4+s1], $0x40, s26, s1, $0xb8;
	[tilespmem:$0x16800] =	vst v63  }
0x17: {  	s31 =	simm.s32 $0x8400;
	s29 =	simm.s32 $0x0;
	s30 =	rddreg [dreg:$0x6]  }
0x18: {  	[tilespmem:s31], [sflag:$0x1] =	stream.indirect.gather [hbm4b:s4+s1], $0x40, s30, s1, $0xb8;
	[tilespmem:$0x16800] =	vst v63  }
.LBB2_2:
0x19: {  	s30 =	sshllo.u32 s29, $0x1  }
0x1a: {  	s0 =	sshll.u32 s30, $0x8  }
0x1b: {  	s1 =	rddreg [dreg:$0x5];
	s0 =	sand.u32 $0x3FFFFF00, s0  }
0x1c: {  	s24 =	simm.s32 $0x80;
	s3 =	simm.s32 $0xA400;
	s0 =	sadd.s32 s0, s1  }
0x1d: {  	[tilespmem:s3], [sflag:$0x2] =	stream.indirect.gather [hbm4b:s4+s24], $0x40, s0, s24, $0xb8;
	[tilespmem:$0x16800] =	vst v63  }
0x1e: {  	s25 =	simm.s32 $0xC400;
	s0 =	sadd.s32 $0x80, s0  }
0x1f: {  	[tilespmem:s25], [sflag:$0x2] =	stream.indirect.gather [hbm4b:s4+s24], $0x40, s0, s24, $0xb8;
	[tilespmem:$0x16800] =	vst v63  }
0x20: {  	_ =	swait.ge [sflag:s6], $0x2000  }
0x21: {  	[sflag:s6] =	ssyncset.done $0x0  }
0x22: {  	[sflag:s6] =	ssyncadd.s32 $0xFFFFE000  }
0x23: {  	_ =	swait.ge [sflag:s6], $0x2000  }
0x24: {  	p0 =	seq.s32 s29, $0x0;
	[sflag:s6] =	ssyncset.done $0x0  }
0x25: {  	s0 =	simm.s32 @!p0 $0x3;
	[sflag:s6] =	ssyncadd.s32 $0xFFFFE000  }
0x26: {  	_ =	swait.ge @!p0 [sflag:s0], $0x800  }
0x27: {  	[sflag:s0] =	ssyncset.done @!p0 $0x0  }
0x28: {  	s1 =	simm.s32 $0x6600;
	s25 =	simm.s32 $0xF;
	[sflag:s0] =	ssyncadd.s32 @!p0 $0xFFFFF800  }
0x29: {  	s26 =	simm.s32 $0x1;
	v5 =	vadd.s32 s25, v0;
	v4 =	vld [tilespmem:s1+$0x1C0]  }
0x2a: {  	s28 =	simm.s32 $0x2;
	v7 =	vadd.s32 s26, v0;
	v6 =	vld [tilespmem:s1+$0xFFFFFE40]  }
0x2b: {  	s7 =	simm.s32 $0x3;
	v9 =	vadd.s32 s28, v0;
	v8 =	vld [tilespmem:s1+$0xFFFFFE80]  }
0x2c: {  	s8 =	simm.s32 $0x4;
	v11 =	vadd.s32 s7, v0;
	v10 =	vld [tilespmem:s1+$0xFFFFFEC0]  }
0x2d: {  	s10 =	simm.s32 $0x5;
	v13 =	vadd.s32 s8, v0;
	v12 =	vld [tilespmem:s1+$0xFFFFFF00]  }
0x2e: {  	s12 =	simm.s32 $0x6;
	v15 =	vadd.s32 s10, v0;
	v14 =	vld [tilespmem:s1+$0xFFFFFF40];
	[tilespmem:v5+s19+$0x0] =	vst.idx.msk $0xffff, v4  }
0x2f: {  	s13 =	simm.s32 $0x7;
	[tilespmem:v7+s19+$0x0] =	vst.idx.msk $0xffff, v6;
	v6 =	vld [tilespmem:s1+$0xFFFFFF80];
	v7 =	vadd.s32 s12, v0  }
0x30: {  	s14 =	simm.s32 $0x8;
	[tilespmem:v9+s19+$0x0] =	vst.idx.msk $0xffff, v8;
	v8 =	vld [tilespmem:s1+$0xFFFFFFC0];
	v9 =	vadd.s32 s13, v0  }
0x31: {  	[tilespmem:v11+s19+$0x0] =	vst.idx.msk $0xffff, v10;
	v10 =	vld [tilespmem:s1+$0x0];
	v11 =	vadd.s32 s14, v0  }
0x32: {  	s16 =	simm.s32 $0x9;
	v5 =	vadd.s32 s25, v1;
	[tilespmem:v13+s19+$0x0] =	vst.idx.msk $0xffff, v12;
	v4 =	vld [tilespmem:s1+$0x1D0]  }
0x33: {  	s18 =	simm.s32 $0xA;
	[tilespmem:v15+s19+$0x0] =	vst.idx.msk $0xffff, v14;
	v12 =	vld [tilespmem:s1+$0x40];
	v13 =	vadd.s32 s16, v0  }
0x34: {  	s15 =	simm.s32 $0xB;
	v14 =	vld [tilespmem:s1+$0x80];
	v15 =	vadd.s32 s18, v0;
	[tilespmem:v7+s19+$0x0] =	vst.idx.msk $0xffff, v6  }
0x35: {  	s22 =	simm.s32 $0xC;
	[tilespmem:v9+s19+$0x0] =	vst.idx.msk $0xffff, v8;
	v6 =	vld [tilespmem:s1+$0xC0];
	v7 =	vadd.s32 s15, v0  }
0x36: {  	s23 =	simm.s32 $0xD;
	[tilespmem:v11+s19+$0x0] =	vst.idx.msk $0xffff, v10;
	v8 =	vld [tilespmem:s1+$0x100];
	v9 =	vadd.s32 s22, v0  }
0x37: {  	v10 =	vld [tilespmem:s1+$0x140];
	v11 =	vadd.s32 s23, v0;
	[tilespmem:v5+s19+$0x0] =	vst.idx.msk $0xffff, v4  }
0x38: {  	s24 =	simm.s32 $0xE;
	[tilespmem:v13+s19+$0x0] =	vst.idx.msk $0xffff, v12;
	v5 =	vadd.s32 s25, v2;
	v4 =	vld [tilespmem:s1+$0x1E0]  }
0x39: {  	s17 =	simm.s32 $0x0;
	[tilespmem:v15+s19+$0x0] =	vst.idx.msk $0xffff, v14;
	v12 =	vld [tilespmem:s1+$0x180];
	v13 =	vadd.s32 s24, v0  }
0x3a: {  	v14 =	vld [tilespmem:s1+$0xFFFFFE00];
	v15 =	vadd.s32 s17, v0;
	[tilespmem:v7+s19+$0x0] =	vst.idx.msk $0xffff, v6  }
0x3b: {  	v6 =	vld [tilespmem:s1+$0xFFFFFE50];
	v7 =	vadd.s32 s26, v1;
	[tilespmem:v9+s19+$0x0] =	vst.idx.msk $0xffff, v8  }
0x3c: {  	v8 =	vld [tilespmem:s1+$0xFFFFFE90];
	v9 =	vadd.s32 s28, v1;
	[tilespmem:v11+s19+$0x0] =	vst.idx.msk $0xffff, v10  }
0x3d: {  	v10 =	vld [tilespmem:s1+$0xFFFFFED0];
	v11 =	vadd.s32 s7, v1;
	[tilespmem:v5+s19+$0x0] =	vst.idx.msk $0xffff, v4  }
0x3e: {  	[tilespmem:v13+s19+$0x0] =	vst.idx.msk $0xffff, v12;
	v4 =	vadd.s32 s25, v3;
	v5 =	vld [tilespmem:s1+$0x1F0]  }
0x3f: {  	[tilespmem:v15+s19+$0x0] =	vst.idx.msk $0xffff, v14;
	v12 =	vld [tilespmem:s1+$0xFFFFFF10];
	v13 =	vadd.s32 s8, v1  }
0x40: {  	v14 =	vld [tilespmem:s1+$0xFFFFFF50];
	v15 =	vadd.s32 s10, v1;
	[tilespmem:v7+s19+$0x0] =	vst.idx.msk $0xffff, v6  }
0x41: {  	[tilespmem:v9+s19+$0x0] =	vst.idx.msk $0xffff, v8;
	v6 =	vld [tilespmem:s1+$0xFFFFFFD0];
	v7 =	vadd.s32 s13, v1  }
0x42: {  	[tilespmem:v11+s19+$0x0] =	vst.idx.msk $0xffff, v10;
	v8 =	vld [tilespmem:s1+$0x10];
	v9 =	vadd.s32 s14, v1  }
0x43: {  	[tilespmem:v4+s19+$0x0] =	vst.idx.msk $0xffff, v5;
	v4 =	vld [tilespmem:s1+$0xFFFFFF90];
	v5 =	vadd.s32 s12, v1  }
0x44: {  	[tilespmem:v13+s19+$0x0] =	vst.idx.msk $0xffff, v12;
	v10 =	vld [tilespmem:s1+$0x50];
	v11 =	vadd.s32 s16, v1  }
0x45: {  	[tilespmem:v15+s19+$0x0] =	vst.idx.msk $0xffff, v14;
	v12 =	vld [tilespmem:s1+$0x90];
	v13 =	vadd.s32 s18, v1  }
0x46: {  	v14 =	vld [tilespmem:s1+$0xFFFFFE10];
	v15 =	vadd.s32 s17, v1;
	[tilespmem:v7+s19+$0x0] =	vst.idx.msk $0xffff, v6  }
0x47: {  	v6 =	vld [tilespmem:s1+$0x110];
	v7 =	vadd.s32 s22, v1;
	[tilespmem:v9+s19+$0x0] =	vst.idx.msk $0xffff, v8  }
0x48: {  	[tilespmem:v5+s19+$0x0] =	vst.idx.msk $0xffff, v4;
	v4 =	vld [tilespmem:s1+$0xD0];
	v5 =	vadd.s32 s15, v1  }
0x49: {  	v8 =	vld [tilespmem:s1+$0x150];
	v9 =	vadd.s32 s23, v1;
	[tilespmem:v11+s19+$0x0] =	vst.idx.msk $0xffff, v10  }
0x4a: {  	v10 =	vld [tilespmem:s1+$0x190];
	v11 =	vadd.s32 s24, v1;
	[tilespmem:v13+s19+$0x0] =	vst.idx.msk $0xffff, v12  }
0x4b: {  	v12 =	vld [tilespmem:s1+$0xFFFFFE60];
	v13 =	vadd.s32 s26, v2;
	[tilespmem:v15+s19+$0x0] =	vst.idx.msk $0xffff, v14  }
0x4c: {  	v15 =	vadd.s32 s17, v2;
	v14 =	vld [tilespmem:s1+$0xFFFFFE20];
	[tilespmem:v7+s19+$0x0] =	vst.idx.msk $0xffff, v6  }
0x4d: {  	[tilespmem:v5+s19+$0x0] =	vst.idx.msk $0xffff, v4;
	v4 =	vld [tilespmem:s1+$0xFFFFFEA0];
	v5 =	vadd.s32 s28, v2  }
0x4e: {  	v6 =	vld [tilespmem:s1+$0xFFFFFEE0];
	v7 =	vadd.s32 s7, v2;
	[tilespmem:v9+s19+$0x0] =	vst.idx.msk $0xffff, v8  }
0x4f: {  	v8 =	vld [tilespmem:s1+$0xFFFFFF20];
	v9 =	vadd.s32 s8, v2;
	[tilespmem:v11+s19+$0x0] =	vst.idx.msk $0xffff, v10  }
0x50: {  	v10 =	vld [tilespmem:s1+$0xFFFFFF60];
	v11 =	vadd.s32 s10, v2;
	[tilespmem:v13+s19+$0x0] =	vst.idx.msk $0xffff, v12  }
0x51: {  	v12 =	vld [tilespmem:s1+$0xFFFFFFA0];
	v13 =	vadd.s32 s12, v2;
	[tilespmem:v15+s19+$0x0] =	vst.idx.msk $0xffff, v14  }
0x52: {  	[tilespmem:v5+s19+$0x0] =	vst.idx.msk $0xffff, v4;
	v4 =	vld [tilespmem:s1+$0xFFFFFFE0];
	v5 =	vadd.s32 s13, v2  }
0x53: {  	[tilespmem:v7+s19+$0x0] =	vst.idx.msk $0xffff, v6;
	v6 =	vld [tilespmem:s1+$0x20];
	v7 =	vadd.s32 s14, v2  }
0x54: {  	[tilespmem:v9+s19+$0x0] =	vst.idx.msk $0xffff, v8;
	v8 =	vld [tilespmem:s1+$0x60];
	v9 =	vadd.s32 s16, v2  }
0x55: {  	[tilespmem:v11+s19+$0x0] =	vst.idx.msk $0xffff, v10;
	v10 =	vld [tilespmem:s1+$0xA0];
	v11 =	vadd.s32 s18, v2  }
0x56: {  	[tilespmem:v13+s19+$0x0] =	vst.idx.msk $0xffff, v12;
	v12 =	vld [tilespmem:s1+$0xE0];
	v13 =	vadd.s32 s15, v2  }
0x57: {  	[tilespmem:v5+s19+$0x0] =	vst.idx.msk $0xffff, v4;
	v4 =	vld [tilespmem:s1+$0x120];
	v5 =	vadd.s32 s22, v2  }
0x58: {  	[tilespmem:v7+s19+$0x0] =	vst.idx.msk $0xffff, v6;
	v6 =	vld [tilespmem:s1+$0x160];
	v7 =	vadd.s32 s23, v2  }
0x59: {  	[tilespmem:v9+s19+$0x0] =	vst.idx.msk $0xffff, v8;
	v8 =	vld [tilespmem:s1+$0x1A0];
	v9 =	vadd.s32 s24, v2  }
0x5a: {  	[tilespmem:v11+s19+$0x0] =	vst.idx.msk $0xffff, v10;
	v10 =	vadd.s32 s26, v3;
	v11 =	vld [tilespmem:s1+$0xFFFFFE70]  }
0x5b: {  	[tilespmem:v13+s19+$0x0] =	vst.idx.msk $0xffff, v12;
	v12 =	vadd.s32 s28, v3;
	v13 =	vld [tilespmem:s1+$0xFFFFFEB0]  }
0x5c: {  	[tilespmem:v5+s19+$0x0] =	vst.idx.msk $0xffff, v4;
	v4 =	vadd.s32 s7, v3;
	v5 =	vld [tilespmem:s1+$0xFFFFFEF0]  }
0x5d: {  	[tilespmem:v7+s19+$0x0] =	vst.idx.msk $0xffff, v6;
	v6 =	vadd.s32 s8, v3;
	v7 =	vld [tilespmem:s1+$0xFFFFFF30]  }
0x5e: {  	[tilespmem:v9+s19+$0x0] =	vst.idx.msk $0xffff, v8;
	v8 =	vadd.s32 s10, v3;
	v9 =	vld [tilespmem:s1+$0xFFFFFF70]  }
0x5f: {  	v14 =	vadd.s32 s12, v3;
	[tilespmem:v10+s19+$0x0] =	vst.idx.msk $0xffff, v11;
	v10 =	vld [tilespmem:s1+$0xFFFFFFB0]  }
0x60: {  	v15 =	vadd.s32 s13, v3;
	[tilespmem:v12+s19+$0x0] =	vst.idx.msk $0xffff, v13;
	v12 =	vld [tilespmem:s1+$0xFFFFFFF0]  }
0x61: {  	v16 =	vadd.s32 s14, v3;
	[tilespmem:v4+s19+$0x0] =	vst.idx.msk $0xffff, v5;
	v4 =	vld [tilespmem:s1+$0x30]  }
0x62: {  	[tilespmem:v6+s19+$0x0] =	vst.idx.msk $0xffff, v7;
	v6 =	vld [tilespmem:s1+$0x70];
	v5 =	vadd.s32 s16, v3  }
0x63: {  	v17 =	vadd.s32 s18, v3;
	v18 =	vld [tilespmem:s1+$0xB0];
	[tilespmem:v8+s19+$0x0] =	vst.idx.msk $0xffff, v9  }
0x64: {  	v11 =	vld [tilespmem:s1+$0xF0];
	v13 =	vadd.s32 s15, v3;
	[tilespmem:v14+s19+$0x0] =	vst.idx.msk $0xffff, v10  }
0x65: {  	[tilespmem:v15+s19+$0x0] =	vst.idx.msk $0xffff, v12;
	v7 =	vld [tilespmem:s1+$0x130];
	v12 =	vadd.s32 s22, v3  }
0x66: {  	v10 =	vadd.s32 s23, v3;
	[tilespmem:v16+s19+$0x0] =	vst.idx.msk $0xffff, v4;
	v4 =	vld [tilespmem:s1+$0x170]  }
0x67: {  	s31 =	sshll.u32 s29, $0x1;
	s0 =	simm.s32 $0x10;
	v8 =	vadd.s32 s24, v3;
	[tilespmem:v5+s19+$0x0] =	vst.idx.msk $0xffff, v6;
	v6 =	vld [tilespmem:s1+$0x1B0]  }
0x68: {  	s14 =	simm.s32 $0x1F;
	s15 =	simm.s32 $0x20;
	[tilespmem:v17+s19+$0x0] =	vst.idx.msk $0xffff, v18;
	v9 =	vadd.s32 s17, v3;
	v5 =	vld [tilespmem:s1+$0xFFFFFE30];
	s1 =	simm.s32 $0x6A00  }
.LBB2_3:
0x69: {  	p1 =	slt.u32 s15, $0xF0;
	s7 =	sadd.s32 $0x1, s0;
	v14 =	vld [tilespmem:s1+$0x1C0];
	v15 =	vadd.s32 s14, v0;
	[tilespmem:v13+s19+$0x0] =	vst.idx.msk $0xffff, v11;
	s16 =	smov.u32 s0  }
0x6a: {  	s0 =	smov.u32 s15;
	v11 =	vld [tilespmem:s1+$0xFFFFFE40];
	v13 =	vadd.s32 s7, v0;
	s10 =	sadd.s32 $0x2, s16;
	[tilespmem:v12+s19+$0x0] =	vst.idx.msk $0xffff, v7  }
0x6b: {  	s12 =	sadd.s32 $0x3, s16;
	v7 =	vld [tilespmem:s1+$0xFFFFFE80];
	v12 =	vadd.s32 s10, v0;
	[tilespmem:v10+s19+$0x0] =	vst.idx.msk $0xffff, v4  }
0x6c: {  	s13 =	sadd.s32 $0x4, s16;
	v10 =	vadd.s32 s12, v0;
	v4 =	vld [tilespmem:s1+$0xFFFFFEC0];
	[tilespmem:v8+s19+$0x0] =	vst.idx.msk $0xffff, v6  }
0x6d: {  	s17 =	sadd.s32 $0x5, s16;
	v8 =	vadd.s32 s13, v0;
	v6 =	vld [tilespmem:s1+$0xFFFFFF00];
	[tilespmem:v9+s19+$0x0] =	vst.idx.msk $0xffff, v5  }
0x6e: {  	v9 =	vadd.s32 s17, v0;
	v5 =	vld [tilespmem:s1+$0xFFFFFF40];
	[tilespmem:v15+s19+$0x0] =	vst.idx.msk $0xffff, v14  }
0x6f: {  	s18 =	sadd.s32 $0x6, s16;
	[tilespmem:v13+s19+$0x0] =	vst.idx.msk $0xffff, v11;
	v11 =	vld [tilespmem:s1+$0x1D0];
	v13 =	vadd.s32 s14, v1  }
0x70: {  	s22 =	sadd.s32 $0x7, s16;
	[tilespmem:v12+s19+$0x0] =	vst.idx.msk $0xffff, v7;
	v7 =	vld [tilespmem:s1+$0xFFFFFF80];
	v12 =	vadd.s32 s18, v0  }
0x71: {  	s23 =	sadd.s32 $0x8, s16;
	[tilespmem:v10+s19+$0x0] =	vst.idx.msk $0xffff, v4;
	v4 =	vld [tilespmem:s1+$0xFFFFFFC0];
	v10 =	vadd.s32 s22, v0  }
0x72: {  	s24 =	sadd.s32 $0x9, s16;
	[tilespmem:v8+s19+$0x0] =	vst.idx.msk $0xffff, v6;
	v6 =	vld [tilespmem:s1+$0x0];
	v8 =	vadd.s32 s23, v0  }
0x73: {  	s25 =	sadd.s32 $0xA, s16;
	[tilespmem:v9+s19+$0x0] =	vst.idx.msk $0xffff, v5;
	v5 =	vld [tilespmem:s1+$0x40];
	v9 =	vadd.s32 s24, v0  }
0x74: {  	v15 =	vadd.s32 s25, v0;
	v14 =	vld [tilespmem:s1+$0x80];
	[tilespmem:v13+s19+$0x0] =	vst.idx.msk $0xffff, v11  }
0x75: {  	s26 =	sadd.s32 $0xB, s16;
	v11 =	vadd.s32 s14, v2;
	[tilespmem:v12+s19+$0x0] =	vst.idx.msk $0xffff, v7;
	v7 =	vld [tilespmem:s1+$0x1E0]  }
0x76: {  	s28 =	sadd.s32 $0xC, s16;
	[tilespmem:v10+s19+$0x0] =	vst.idx.msk $0xffff, v4;
	v4 =	vld [tilespmem:s1+$0xC0];
	v10 =	vadd.s32 s26, v0  }
0x77: {  	s3 =	sadd.s32 $0xD, s16;
	[tilespmem:v8+s19+$0x0] =	vst.idx.msk $0xffff, v6;
	v6 =	vld [tilespmem:s1+$0x100];
	v8 =	vadd.s32 s28, v0  }
0x78: {  	s8 =	sadd.s32 $0xE, s16;
	[tilespmem:v9+s19+$0x0] =	vst.idx.msk $0xffff, v5;
	v5 =	vld [tilespmem:s1+$0x140];
	v9 =	vadd.s32 s3, v0  }
0x79: {  	v13 =	vadd.s32 s8, v0;
	[tilespmem:v15+s19+$0x0] =	vst.idx.msk $0xffff, v14;
	v12 =	vld [tilespmem:s1+$0x180]  }
0x7a: {  	v15 =	vadd.s32 s16, v0;
	v14 =	vld [tilespmem:s1+$0xFFFFFE00];
	[tilespmem:v11+s19+$0x0] =	vst.idx.msk $0xffff, v7  }
0x7b: {  	v7 =	vadd.s32 s14, v3;
	[tilespmem:v10+s19+$0x0] =	vst.idx.msk $0xffff, v4;
	v4 =	vld [tilespmem:s1+$0x1F0]  }
0x7c: {  	v11 =	vadd.s32 s7, v1;
	v10 =	vld [tilespmem:s1+$0xFFFFFE50];
	[tilespmem:v8+s19+$0x0] =	vst.idx.msk $0xffff, v6  }
0x7d: {  	v8 =	vadd.s32 s10, v1;
	v6 =	vld [tilespmem:s1+$0xFFFFFE90];
	[tilespmem:v9+s19+$0x0] =	vst.idx.msk $0xffff, v5  }
0x7e: {  	v9 =	vadd.s32 s12, v1;
	v5 =	vld [tilespmem:s1+$0xFFFFFED0];
	[tilespmem:v13+s19+$0x0] =	vst.idx.msk $0xffff, v12  }
0x7f: {  	v13 =	vadd.s32 s13, v1;
	[tilespmem:v15+s19+$0x0] =	vst.idx.msk $0xffff, v14;
	v12 =	vld [tilespmem:s1+$0xFFFFFF10]  }
0x80: {  	v15 =	vadd.s32 s17, v1;
	v14 =	vld [tilespmem:s1+$0xFFFFFF50];
	[tilespmem:v7+s19+$0x0] =	vst.idx.msk $0xffff, v4  }
0x81: {  	v7 =	vadd.s32 s18, v1;
	[tilespmem:v11+s19+$0x0] =	vst.idx.msk $0xffff, v10;
	v4 =	vld [tilespmem:s1+$0xFFFFFF90]  }
0x82: {  	[tilespmem:v8+s19+$0x0] =	vst.idx.msk $0xffff, v6;
	v6 =	vld [tilespmem:s1+$0xFFFFFFD0];
	v8 =	vadd.s32 s22, v1  }
0x83: {  	[tilespmem:v9+s19+$0x0] =	vst.idx.msk $0xffff, v5;
	v5 =	vld [tilespmem:s1+$0x10];
	v9 =	vadd.s32 s23, v1  }
0x84: {  	v11 =	vadd.s32 s24, v1;
	[tilespmem:v13+s19+$0x0] =	vst.idx.msk $0xffff, v12;
	v10 =	vld [tilespmem:s1+$0x50]  }
0x85: {  	v13 =	vadd.s32 s25, v1;
	[tilespmem:v15+s19+$0x0] =	vst.idx.msk $0xffff, v14;
	v12 =	vld [tilespmem:s1+$0x90]  }
0x86: {  	[tilespmem:v7+s19+$0x0] =	vst.idx.msk $0xffff, v4;
	v4 =	vld [tilespmem:s1+$0xD0];
	v7 =	vadd.s32 s26, v1  }
0x87: {  	[tilespmem:v8+s19+$0x0] =	vst.idx.msk $0xffff, v6;
	v6 =	vld [tilespmem:s1+$0x110];
	v8 =	vadd.s32 s28, v1  }
0x88: {  	[tilespmem:v9+s19+$0x0] =	vst.idx.msk $0xffff, v5;
	v5 =	vld [tilespmem:s1+$0x150];
	v9 =	vadd.s32 s3, v1  }
0x89: {  	[tilespmem:v11+s19+$0x0] =	vst.idx.msk $0xffff, v10;
	v10 =	vld [tilespmem:s1+$0x190];
	v11 =	vadd.s32 s8, v1  }
0x8a: {  	v15 =	vadd.s32 s16, v1;
	v14 =	vld [tilespmem:s1+$0xFFFFFE10];
	[tilespmem:v13+s19+$0x0] =	vst.idx.msk $0xffff, v12  }
0x8b: {  	v13 =	vadd.s32 s7, v2;
	v12 =	vld [tilespmem:s1+$0xFFFFFE60];
	[tilespmem:v7+s19+$0x0] =	vst.idx.msk $0xffff, v4  }
0x8c: {  	v7 =	vadd.s32 s10, v2;
	v4 =	vld [tilespmem:s1+$0xFFFFFEA0];
	[tilespmem:v8+s19+$0x0] =	vst.idx.msk $0xffff, v6  }
0x8d: {  	v8 =	vadd.s32 s12, v2;
	v6 =	vld [tilespmem:s1+$0xFFFFFEE0];
	[tilespmem:v9+s19+$0x0] =	vst.idx.msk $0xffff, v5  }
0x8e: {  	v9 =	vadd.s32 s13, v2;
	v5 =	vld [tilespmem:s1+$0xFFFFFF20];
	[tilespmem:v11+s19+$0x0] =	vst.idx.msk $0xffff, v10  }
0x8f: {  	v11 =	vadd.s32 s17, v2;
	[tilespmem:v15+s19+$0x0] =	vst.idx.msk $0xffff, v14;
	v10 =	vld [tilespmem:s1+$0xFFFFFF60]  }
0x90: {  	[tilespmem:v13+s19+$0x0] =	vst.idx.msk $0xffff, v12;
	v12 =	vld [tilespmem:s1+$0xFFFFFFA0];
	v13 =	vadd.s32 s18, v2  }
0x91: {  	[tilespmem:v7+s19+$0x0] =	vst.idx.msk $0xffff, v4;
	v4 =	vld [tilespmem:s1+$0xFFFFFFE0];
	v7 =	vadd.s32 s22, v2  }
0x92: {  	[tilespmem:v8+s19+$0x0] =	vst.idx.msk $0xffff, v6;
	v6 =	vld [tilespmem:s1+$0x20];
	v8 =	vadd.s32 s23, v2  }
0x93: {  	[tilespmem:v9+s19+$0x0] =	vst.idx.msk $0xffff, v5;
	v5 =	vld [tilespmem:s1+$0x60];
	v9 =	vadd.s32 s24, v2  }
0x94: {  	[tilespmem:v11+s19+$0x0] =	vst.idx.msk $0xffff, v10;
	v10 =	vld [tilespmem:s1+$0xA0];
	v11 =	vadd.s32 s25, v2  }
0x95: {  	[tilespmem:v13+s19+$0x0] =	vst.idx.msk $0xffff, v12;
	v12 =	vld [tilespmem:s1+$0xE0];
	v13 =	vadd.s32 s26, v2  }
0x96: {  	[tilespmem:v7+s19+$0x0] =	vst.idx.msk $0xffff, v4;
	v4 =	vld [tilespmem:s1+$0x120];
	v7 =	vadd.s32 s28, v2  }
0x97: {  	[tilespmem:v8+s19+$0x0] =	vst.idx.msk $0xffff, v6;
	v6 =	vld [tilespmem:s1+$0x160];
	v8 =	vadd.s32 s3, v2  }
0x98: {  	[tilespmem:v9+s19+$0x0] =	vst.idx.msk $0xffff, v5;
	v5 =	vld [tilespmem:s1+$0x1A0];
	v9 =	vadd.s32 s8, v2  }
0x99: {  	v15 =	vadd.s32 s16, v2;
	v14 =	vld [tilespmem:s1+$0xFFFFFE20];
	[tilespmem:v11+s19+$0x0] =	vst.idx.msk $0xffff, v10  }
0x9a: {  	v11 =	vadd.s32 s7, v3;
	v10 =	vld [tilespmem:s1+$0xFFFFFE70];
	[tilespmem:v13+s19+$0x0] =	vst.idx.msk $0xffff, v12  }
0x9b: {  	v13 =	vadd.s32 s10, v3;
	v12 =	vld [tilespmem:s1+$0xFFFFFEB0];
	[tilespmem:v7+s19+$0x0] =	vst.idx.msk $0xffff, v4  }
0x9c: {  	v7 =	vadd.s32 s12, v3;
	v4 =	vld [tilespmem:s1+$0xFFFFFEF0];
	[tilespmem:v8+s19+$0x0] =	vst.idx.msk $0xffff, v6  }
0x9d: {  	v8 =	vadd.s32 s13, v3;
	v6 =	vld [tilespmem:s1+$0xFFFFFF30];
	[tilespmem:v9+s19+$0x0] =	vst.idx.msk $0xffff, v5  }
0x9e: {  	v9 =	vadd.s32 s17, v3;
	[tilespmem:v15+s19+$0x0] =	vst.idx.msk $0xffff, v14;
	v5 =	vld [tilespmem:s1+$0xFFFFFF70]  }
0x9f: {  	[tilespmem:v11+s19+$0x0] =	vst.idx.msk $0xffff, v10;
	v10 =	vld [tilespmem:s1+$0xFFFFFFB0];
	v11 =	vadd.s32 s18, v3  }
0xa0: {  	v14 =	vadd.s32 s22, v3;
	[tilespmem:v13+s19+$0x0] =	vst.idx.msk $0xffff, v12;
	v12 =	vld [tilespmem:s1+$0xFFFFFFF0]  }
0xa1: {  	v15 =	vadd.s32 s23, v3;
	[tilespmem:v7+s19+$0x0] =	vst.idx.msk $0xffff, v4;
	v4 =	vld [tilespmem:s1+$0x30]  }
0xa2: {  	[tilespmem:v8+s19+$0x0] =	vst.idx.msk $0xffff, v6;
	v6 =	vld [tilespmem:s1+$0x70];
	v8 =	vadd.s32 s24, v3  }
0xa3: {  	v17 =	vadd.s32 s25, v3;
	[tilespmem:v9+s19+$0x0] =	vst.idx.msk $0xffff, v5;
	v16 =	vld [tilespmem:s1+$0xB0]  }
.Ltmp0:
0xa4: {  	v13 =	vadd.s32 s26, v3;
	[tilespmem:v11+s19+$0x0] =	vst.idx.msk $0xffff, v10;
	v11 =	vld [tilespmem:s1+$0xF0];
	(pc) =	sbr.rel @p1 .LBB2_3-.Ltmp0, $4  }
0xa5: {  	[tilespmem:v14+s19+$0x0] =	vst.idx.msk $0xffff, v12;
	v7 =	vld [tilespmem:s1+$0x130];
	v12 =	vadd.s32 s28, v3  }
0xa6: {  	v10 =	vadd.s32 s3, v3;
	[tilespmem:v15+s19+$0x0] =	vst.idx.msk $0xffff, v4;
	v4 =	vld [tilespmem:s1+$0x170]  }
0xa7: {  	[tilespmem:v8+s19+$0x0] =	vst.idx.msk $0xffff, v6;
	v6 =	vld [tilespmem:s1+$0x1B0];
	v8 =	vadd.s32 s8, v3  }
0xa8: {  	s15 =	sadd.s32 $0x10, s15;
	s14 =	sadd.s32 $0xF, s0;
	v9 =	vadd.s32 s16, v3;
	v5 =	vld [tilespmem:s1+$0xFFFFFE30];
	[tilespmem:v17+s19+$0x0] =	vst.idx.msk $0xffff, v16;
	s1 =	sadd.s32 $0x400, s1  }
0xa9: {  	_ =	sdelay $0x3  }
0xaa: {  	s3 =	sadd.s32 $0x1, s0;
	v14 =	vld [tilespmem:s1+$0x1C0];
	v15 =	vadd.s32 s14, v0;
	[tilespmem:v13+s19+$0x0] =	vst.idx.msk $0xffff, v11  }
0xab: {  	v11 =	vld [tilespmem:s1+$0xFFFFFE40];
	s7 =	sadd.s32 $0x2, s0;
	v13 =	vadd.s32 s3, v0;
	[tilespmem:v12+s19+$0x0] =	vst.idx.msk $0xffff, v7  }
0xac: {  	s8 =	sadd.s32 $0x3, s0;
	v7 =	vld [tilespmem:s1+$0xFFFFFE80];
	v12 =	vadd.s32 s7, v0;
	[tilespmem:v10+s19+$0x0] =	vst.idx.msk $0xffff, v4  }
0xad: {  	s10 =	sadd.s32 $0x4, s0;
	v4 =	vld [tilespmem:s1+$0xFFFFFEC0];
	v10 =	vadd.s32 s8, v0;
	[tilespmem:v8+s19+$0x0] =	vst.idx.msk $0xffff, v6  }
0xae: {  	s12 =	sadd.s32 $0x5, s0;
	v6 =	vld [tilespmem:s1+$0xFFFFFF00];
	v8 =	vadd.s32 s10, v0;
	[tilespmem:v9+s19+$0x0] =	vst.idx.msk $0xffff, v5  }
0xaf: {  	s18 =	sadd.s32 $0xA, s0;
	v5 =	vld [tilespmem:s1+$0xFFFFFF40];
	v9 =	vadd.s32 s12, v0;
	[tilespmem:v15+s19+$0x0] =	vst.idx.msk $0xffff, v14  }
0xb0: {  	v14 =	vld [tilespmem:s1+$0x80];
	v15 =	vadd.s32 s18, v0;
	[tilespmem:v13+s19+$0x0] =	vst.idx.msk $0xffff, v11  }
0xb1: {  	s13 =	sadd.s32 $0x6, s0;
	v11 =	vld [tilespmem:s1+$0x1D0];
	v13 =	vadd.s32 s14, v1;
	[tilespmem:v12+s19+$0x0] =	vst.idx.msk $0xffff, v7  }
0xb2: {  	s15 =	sadd.s32 $0x7, s0;
	v7 =	vld [tilespmem:s1+$0xFFFFFF80];
	v12 =	vadd.s32 s13, v0;
	[tilespmem:v10+s19+$0x0] =	vst.idx.msk $0xffff, v4  }
0xb3: {  	s16 =	sadd.s32 $0x8, s0;
	v4 =	vld [tilespmem:s1+$0xFFFFFFC0];
	v10 =	vadd.s32 s15, v0;
	[tilespmem:v8+s19+$0x0] =	vst.idx.msk $0xffff, v6  }
0xb4: {  	s17 =	sadd.s32 $0x9, s0;
	v6 =	vld [tilespmem:s1+$0x0];
	v8 =	vadd.s32 s16, v0;
	[tilespmem:v9+s19+$0x0] =	vst.idx.msk $0xffff, v5  }
0xb5: {  	v5 =	vld [tilespmem:s1+$0x40];
	v9 =	vadd.s32 s17, v0;
	[tilespmem:v15+s19+$0x0] =	vst.idx.msk $0xffff, v14  }
0xb6: {  	s25 =	sadd.s32 $0xE, s0;
	v14 =	vld [tilespmem:s1+$0xFFFFFE00];
	v15 =	vadd.s32 s0, v0;
	[tilespmem:v13+s19+$0x0] =	vst.idx.msk $0xffff, v11  }
0xb7: {  	[tilespmem:v12+s19+$0x0] =	vst.idx.msk $0xffff, v7;
	v12 =	vld [tilespmem:s1+$0x180];
	v13 =	vadd.s32 s25, v0  }
0xb8: {  	s22 =	sadd.s32 $0xB, s0;
	v11 =	vadd.s32 s14, v2;
	v7 =	vld [tilespmem:s1+$0x1E0];
	[tilespmem:v10+s19+$0x0] =	vst.idx.msk $0xffff, v4  }
0xb9: {  	s23 =	sadd.s32 $0xC, s0;
	v4 =	vld [tilespmem:s1+$0xC0];
	v10 =	vadd.s32 s22, v0;
	[tilespmem:v8+s19+$0x0] =	vst.idx.msk $0xffff, v6  }
0xba: {  	s24 =	sadd.s32 $0xD, s0;
	v6 =	vld [tilespmem:s1+$0x100];
	v8 =	vadd.s32 s23, v0;
	[tilespmem:v9+s19+$0x0] =	vst.idx.msk $0xffff, v5  }
0xbb: {  	v5 =	vld [tilespmem:s1+$0x140];
	v9 =	vadd.s32 s24, v0;
	[tilespmem:v15+s19+$0x0] =	vst.idx.msk $0xffff, v14  }
0xbc: {  	v14 =	vld [tilespmem:s1+$0xFFFFFF50];
	v15 =	vadd.s32 s12, v1;
	[tilespmem:v13+s19+$0x0] =	vst.idx.msk $0xffff, v12  }
0xbd: {  	v12 =	vld [tilespmem:s1+$0xFFFFFF10];
	v13 =	vadd.s32 s10, v1;
	[tilespmem:v11+s19+$0x0] =	vst.idx.msk $0xffff, v7  }
0xbe: {  	[tilespmem:v10+s19+$0x0] =	vst.idx.msk $0xffff, v4;
	v10 =	vld [tilespmem:s1+$0xFFFFFE50];
	v11 =	vadd.s32 s3, v1  }
0xbf: {  	v7 =	vadd.s32 s14, v3;
	v4 =	vld [tilespmem:s1+$0x1F0];
	[tilespmem:v8+s19+$0x0] =	vst.idx.msk $0xffff, v6  }
0xc0: {  	v6 =	vld [tilespmem:s1+$0xFFFFFE90];
	v8 =	vadd.s32 s7, v1;
	[tilespmem:v9+s19+$0x0] =	vst.idx.msk $0xffff, v5  }
0xc1: {  	v5 =	vld [tilespmem:s1+$0xFFFFFED0];
	v9 =	vadd.s32 s8, v1;
	[tilespmem:v15+s19+$0x0] =	vst.idx.msk $0xffff, v14  }
0xc2: {  	v14 =	vld [tilespmem:s1+$0xFFFFFE10];
	v15 =	vadd.s32 s0, v1;
	[tilespmem:v13+s19+$0x0] =	vst.idx.msk $0xffff, v12  }
0xc3: {  	v12 =	vld [tilespmem:s1+$0x90];
	v13 =	vadd.s32 s18, v1;
	[tilespmem:v11+s19+$0x0] =	vst.idx.msk $0xffff, v10  }
0xc4: {  	v10 =	vld [tilespmem:s1+$0x50];
	v11 =	vadd.s32 s17, v1;
	[tilespmem:v7+s19+$0x0] =	vst.idx.msk $0xffff, v4  }
0xc5: {  	v4 =	vld [tilespmem:s1+$0xFFFFFF90];
	v7 =	vadd.s32 s13, v1;
	[tilespmem:v8+s19+$0x0] =	vst.idx.msk $0xffff, v6  }
0xc6: {  	v6 =	vld [tilespmem:s1+$0xFFFFFFD0];
	v8 =	vadd.s32 s15, v1;
	[tilespmem:v9+s19+$0x0] =	vst.idx.msk $0xffff, v5  }
0xc7: {  	v5 =	vld [tilespmem:s1+$0x10];
	v9 =	vadd.s32 s16, v1;
	[tilespmem:v15+s19+$0x0] =	vst.idx.msk $0xffff, v14  }
0xc8: {  	[tilespmem:v13+s19+$0x0] =	vst.idx.msk $0xffff, v12;
	v12 =	vld [tilespmem:s1+$0xFFFFFE60];
	v13 =	vadd.s32 s3, v2  }
0xc9: {  	v15 =	vadd.s32 s0, v2;
	v14 =	vld [tilespmem:s1+$0xFFFFFE20];
	[tilespmem:v11+s19+$0x0] =	vst.idx.msk $0xffff, v10  }
0xca: {  	[tilespmem:v7+s19+$0x0] =	vst.idx.msk $0xffff, v4;
	v4 =	vld [tilespmem:s1+$0xD0];
	v7 =	vadd.s32 s22, v1  }
0xcb: {  	[tilespmem:v8+s19+$0x0] =	vst.idx.msk $0xffff, v6;
	v6 =	vld [tilespmem:s1+$0x110];
	v8 =	vadd.s32 s23, v1  }
0xcc: {  	v10 =	vld [tilespmem:s1+$0x190];
	v11 =	vadd.s32 s25, v1;
	[tilespmem:v9+s19+$0x0] =	vst.idx.msk $0xffff, v5  }
0xcd: {  	v5 =	vld [tilespmem:s1+$0x150];
	v9 =	vadd.s32 s24, v1;
	[tilespmem:v13+s19+$0x0] =	vst.idx.msk $0xffff, v12  }
0xce: {  	v12 =	vld [tilespmem:s1+$0xFFFFFFA0];
	v13 =	vadd.s32 s13, v2;
	[tilespmem:v15+s19+$0x0] =	vst.idx.msk $0xffff, v14  }
0xcf: {  	[tilespmem:v7+s19+$0x0] =	vst.idx.msk $0xffff, v4;
	v4 =	vld [tilespmem:s1+$0xFFFFFEA0];
	v7 =	vadd.s32 s7, v2  }
0xd0: {  	[tilespmem:v8+s19+$0x0] =	vst.idx.msk $0xffff, v6;
	v6 =	vld [tilespmem:s1+$0xFFFFFEE0];
	v8 =	vadd.s32 s8, v2  }
0xd1: {  	[tilespmem:v11+s19+$0x0] =	vst.idx.msk $0xffff, v10;
	v10 =	vld [tilespmem:s1+$0xFFFFFF60];
	v11 =	vadd.s32 s12, v2  }
0xd2: {  	v15 =	vadd.s32 s0, v3;
	v14 =	vld [tilespmem:s1+$0xFFFFFE30];
	[tilespmem:v9+s19+$0x0] =	vst.idx.msk $0xffff, v5  }
0xd3: {  	v5 =	vld [tilespmem:s1+$0xFFFFFF20];
	v9 =	vadd.s32 s10, v2;
	[tilespmem:v13+s19+$0x0] =	vst.idx.msk $0xffff, v12  }
0xd4: {  	[tilespmem:v7+s19+$0x0] =	vst.idx.msk $0xffff, v4;
	v4 =	vld [tilespmem:s1+$0xFFFFFFE0];
	v7 =	vadd.s32 s15, v2  }
0xd5: {  	[tilespmem:v8+s19+$0x0] =	vst.idx.msk $0xffff, v6;
	v6 =	vld [tilespmem:s1+$0x20];
	v8 =	vadd.s32 s16, v2  }
0xd6: {  	v12 =	vld [tilespmem:s1+$0xE0];
	v13 =	vadd.s32 s22, v2;
	[tilespmem:v11+s19+$0x0] =	vst.idx.msk $0xffff, v10  }
0xd7: {  	v10 =	vld [tilespmem:s1+$0xA0];
	v11 =	vadd.s32 s18, v2;
	[tilespmem:v15+s19+$0x0] =	vst.idx.msk $0xffff, v14  }
0xd8: {  	[tilespmem:v9+s19+$0x0] =	vst.idx.msk $0xffff, v5;
	v5 =	vld [tilespmem:s1+$0x60];
	v9 =	vadd.s32 s17, v2  }
0xd9: {  	[tilespmem:v7+s19+$0x0] =	vst.idx.msk $0xffff, v4;
	v4 =	vld [tilespmem:s1+$0x120];
	v7 =	vadd.s32 s23, v2  }
0xda: {  	[tilespmem:v8+s19+$0x0] =	vst.idx.msk $0xffff, v6;
	v6 =	vld [tilespmem:s1+$0x160];
	v8 =	vadd.s32 s24, v2  }
0xdb: {  	[tilespmem:v13+s19+$0x0] =	vst.idx.msk $0xffff, v12;
	v12 =	vld [tilespmem:s1+$0xFFFFFEB0];
	v13 =	vadd.s32 s7, v3  }
0xdc: {  	[tilespmem:v11+s19+$0x0] =	vst.idx.msk $0xffff, v10;
	v10 =	vld [tilespmem:s1+$0xFFFFFE70];
	v11 =	vadd.s32 s3, v3  }
0xdd: {  	[tilespmem:v9+s19+$0x0] =	vst.idx.msk $0xffff, v5;
	v5 =	vld [tilespmem:s1+$0x1A0];
	v9 =	vadd.s32 s25, v2  }
0xde: {  	[tilespmem:v7+s19+$0x0] =	vst.idx.msk $0xffff, v4;
	v4 =	vld [tilespmem:s1+$0xFFFFFEF0];
	v7 =	vadd.s32 s8, v3  }
0xdf: {  	[tilespmem:v8+s19+$0x0] =	vst.idx.msk $0xffff, v6;
	v6 =	vld [tilespmem:s1+$0xFFFFFF30];
	v8 =	vadd.s32 s10, v3  }
0xe0: {  	[tilespmem:v13+s19+$0x0] =	vst.idx.msk $0xffff, v12;
	v12 =	vld [tilespmem:s1+$0xFFFFFFF0];
	v13 =	vadd.s32 s15, v3  }
0xe1: {  	[tilespmem:v11+s19+$0x0] =	vst.idx.msk $0xffff, v10;
	v10 =	vld [tilespmem:s1+$0xFFFFFFB0];
	v11 =	vadd.s32 s13, v3  }
0xe2: {  	[tilespmem:v9+s19+$0x0] =	vst.idx.msk $0xffff, v5;
	v5 =	vld [tilespmem:s1+$0xFFFFFF70];
	v9 =	vadd.s32 s12, v3  }
0xe3: {  	[tilespmem:v7+s19+$0x0] =	vst.idx.msk $0xffff, v4;
	v4 =	vld [tilespmem:s1+$0x30];
	v7 =	vadd.s32 s16, v3  }
0xe4: {  	[tilespmem:v8+s19+$0x0] =	vst.idx.msk $0xffff, v6;
	v6 =	vld [tilespmem:s1+$0x70];
	v8 =	vadd.s32 s17, v3  }
0xe5: {  	[tilespmem:v13+s19+$0x0] =	vst.idx.msk $0xffff, v12;
	v12 =	vld [tilespmem:s1+$0x130];
	v13 =	vadd.s32 s23, v3  }
0xe6: {  	[tilespmem:v11+s19+$0x0] =	vst.idx.msk $0xffff, v10;
	v10 =	vld [tilespmem:s1+$0xF0];
	v11 =	vadd.s32 s22, v3  }
0xe7: {  	[tilespmem:v9+s19+$0x0] =	vst.idx.msk $0xffff, v5;
	v5 =	vld [tilespmem:s1+$0xB0];
	v9 =	vadd.s32 s18, v3  }
0xe8: {  	[tilespmem:v7+s19+$0x0] =	vst.idx.msk $0xffff, v4;
	v4 =	vld [tilespmem:s1+$0x170];
	v7 =	vadd.s32 s24, v3  }
0xe9: {  	[tilespmem:v8+s19+$0x0] =	vst.idx.msk $0xffff, v6;
	v6 =	vld [tilespmem:s1+$0x1B0];
	v8 =	vadd.s32 s25, v3  }
0xea: {  	s3 =	sadd.s32 s9, s31;
	[tilespmem:v13+s19+$0x0] =	vst.idx.msk $0xffff, v12  }
0xeb: {  	s0 =	sshll.u32 s3, $0x8;
	[tilespmem:v11+s19+$0x0] =	vst.idx.msk $0xffff, v10  }
0xec: {  	s0 =	sadd.s32 s11, s0;
	[tilespmem:v9+s19+$0x0] =	vst.idx.msk $0xffff, v5  }
0xed: {  	s7 =	sshrl.u32 s0, $0x3;
	[tilespmem:v7+s19+$0x0] =	vst.idx.msk $0xffff, v4  }
0xee: {  	s8 =	sadd.s32 $0xC400, s0;
	s1 =	sadd.s32 s5, s7;
	[tilespmem:v8+s19+$0x0] =	vst.idx.msk $0xffff, v6  }
0xef: {  	[hbm4b:s1+s2] =	stream.linear.scatter [tilespmem:s19], [sflag:$0x3], $0x100, $0x38;
	[tilespmem:$0x16800] =	vst v63  }
0xf0: {  	s1 =	sshrl.u32 s8, $0x3  }
0xf1: {  	s10 =	simm.s32 $0xE508;
	s12 =	sadd.s32 $0x18800, s0;
	s1 =	sadd.s32 s5, s1  }
0xf2: {  	[hbm4b:s1+s2] =	stream.linear.scatter [tilespmem:s10], [sflag:$0x3], $0x100, $0x38;
	[tilespmem:$0x16800] =	vst v63  }
0xf3: {  	s1 =	sshrl.u32 s12, $0x3  }
0xf4: {  	s14 =	sadd.s32 $0x24C00, s0;
	s13 =	simm.s32 $0xE610;
	s1 =	sadd.s32 s5, s1  }
0xf5: {  	[hbm4b:s1+s2] =	stream.linear.scatter [tilespmem:s13], [sflag:$0x3], $0x100, $0x38;
	[tilespmem:$0x16800] =	vst v63  }
0xf6: {  	s1 =	sshrl.u32 s14, $0x3  }
0xf7: {  	s15 =	simm.s32 $0xE718;
	s16 =	sadd.s32 $0x31000, s0;
	s1 =	sadd.s32 s5, s1  }
0xf8: {  	[hbm4b:s1+s2] =	stream.linear.scatter [tilespmem:s15], [sflag:$0x3], $0x100, $0x38;
	[tilespmem:$0x16800] =	vst v63  }
0xf9: {  	s1 =	sshrl.u32 s16, $0x3  }
0xfa: {  	s17 =	simm.s32 $0xE820;
	s18 =	sadd.s32 $0x3D400, s0;
	s1 =	sadd.s32 s5, s1  }
0xfb: {  	[hbm4b:s1+s2] =	stream.linear.scatter [tilespmem:s17], [sflag:$0x3], $0x100, $0x38;
	[tilespmem:$0x16800] =	vst v63  }
0xfc: {  	s1 =	sshrl.u32 s18, $0x3  }
0xfd: {  	s23 =	sadd.s32 $0x49800, s0;
	s22 =	simm.s32 $0xE928;
	s1 =	sadd.s32 s5, s1  }
0xfe: {  	[hbm4b:s1+s2] =	stream.linear.scatter [tilespmem:s22], [sflag:$0x3], $0x100, $0x38;
	[tilespmem:$0x16800] =	vst v63  }
0xff: {  	s1 =	sshrl.u32 s23, $0x3  }
0x100: {  	s24 =	simm.s32 $0xEA30;
	s25 =	sadd.s32 $0x55C00, s0;
	s1 =	sadd.s32 s5, s1  }
0x101: {  	[hbm4b:s1+s2] =	stream.linear.scatter [tilespmem:s24], [sflag:$0x3], $0x100, $0x38;
	[tilespmem:$0x16800] =	vst v63  }
0x102: {  	s1 =	sshrl.u32 s25, $0x3  }
0x103: {  	s26 =	simm.s32 $0xEB38;
	s28 =	sadd.s32 $0x62000, s0;
	s1 =	sadd.s32 s5, s1  }
0x104: {  	[hbm4b:s1+s2] =	stream.linear.scatter [tilespmem:s26], [sflag:$0x3], $0x100, $0x38;
	[tilespmem:$0x16800] =	vst v63  }
0x105: {  	s1 =	sshrl.u32 s28, $0x3  }
0x106: {  	s31 =	simm.s32 $0xEC40;
	s3 =	sadd.s32 $0x6E400, s0;
	s1 =	sadd.s32 s5, s1  }
0x107: {  	[hbm4b:s1+s2] =	stream.linear.scatter [tilespmem:s31], [sflag:$0x3], $0x100, $0x38;
	[tilespmem:$0x16800] =	vst v63  }
0x108: {  	s1 =	sshrl.u32 s3, $0x3  }
0x109: {  	s7 =	simm.s32 $0xED48;
	s8 =	sadd.s32 $0x7A800, s0;
	s1 =	sadd.s32 s5, s1  }
0x10a: {  	[hbm4b:s1+s2] =	stream.linear.scatter [tilespmem:s7], [sflag:$0x3], $0x100, $0x38;
	[tilespmem:$0x16800] =	vst v63  }
0x10b: {  	s1 =	sshrl.u32 s8, $0x3  }
0x10c: {  	s10 =	simm.s32 $0xEE50;
	s12 =	sadd.s32 $0x86C00, s0;
	s1 =	sadd.s32 s5, s1  }
0x10d: {  	[hbm4b:s1+s2] =	stream.linear.scatter [tilespmem:s10], [sflag:$0x3], $0x100, $0x38;
	[tilespmem:$0x16800] =	vst v63  }
0x10e: {  	s1 =	sshrl.u32 s12, $0x3  }
0x10f: {  	s13 =	simm.s32 $0xEF58;
	s14 =	sadd.s32 $0x93000, s0;
	s1 =	sadd.s32 s5, s1  }
0x110: {  	[hbm4b:s1+s2] =	stream.linear.scatter [tilespmem:s13], [sflag:$0x3], $0x100, $0x38;
	[tilespmem:$0x16800] =	vst v63  }
0x111: {  	s1 =	sshrl.u32 s14, $0x3  }
0x112: {  	s15 =	simm.s32 $0xF060;
	s16 =	sadd.s32 $0x9F400, s0;
	s1 =	sadd.s32 s5, s1  }
0x113: {  	[hbm4b:s1+s2] =	stream.linear.scatter [tilespmem:s15], [sflag:$0x3], $0x100, $0x38;
	[tilespmem:$0x16800] =	vst v63  }
0x114: {  	s1 =	sshrl.u32 s16, $0x3  }
0x115: {  	s17 =	simm.s32 $0xF168;
	s18 =	sadd.s32 $0xAB800, s0;
	s1 =	sadd.s32 s5, s1  }
0x116: {  	[hbm4b:s1+s2] =	stream.linear.scatter [tilespmem:s17], [sflag:$0x3], $0x100, $0x38;
	[tilespmem:$0x16800] =	vst v63  }
0x117: {  	s1 =	sshrl.u32 s18, $0x3  }
0x118: {  	s22 =	simm.s32 $0xF270;
	s23 =	sadd.s32 $0xB7C00, s0;
	s1 =	sadd.s32 s5, s1  }
0x119: {  	[hbm4b:s1+s2] =	stream.linear.scatter [tilespmem:s22], [sflag:$0x3], $0x100, $0x38;
	[tilespmem:$0x16800] =	vst v63  }
0x11a: {  	s1 =	sshrl.u32 s23, $0x3  }
0x11b: {  	s24 =	simm.s32 $0xF378;
	s25 =	sadd.s32 $0xC4000, s0;
	s1 =	sadd.s32 s5, s1  }
0x11c: {  	[hbm4b:s1+s2] =	stream.linear.scatter [tilespmem:s24], [sflag:$0x3], $0x100, $0x38;
	[tilespmem:$0x16800] =	vst v63  }
0x11d: {  	s1 =	sshrl.u32 s25, $0x3  }
0x11e: {  	s26 =	simm.s32 $0xF480;
	s28 =	sadd.s32 $0xD0400, s0;
	s1 =	sadd.s32 s5, s1  }
0x11f: {  	[hbm4b:s1+s2] =	stream.linear.scatter [tilespmem:s26], [sflag:$0x3], $0x100, $0x38;
	[tilespmem:$0x16800] =	vst v63  }
0x120: {  	s1 =	sshrl.u32 s28, $0x3  }
0x121: {  	s31 =	simm.s32 $0xF588;
	s3 =	sadd.s32 $0xDC800, s0;
	s1 =	sadd.s32 s5, s1  }
0x122: {  	[hbm4b:s1+s2] =	stream.linear.scatter [tilespmem:s31], [sflag:$0x3], $0x100, $0x38;
	[tilespmem:$0x16800] =	vst v63  }
0x123: {  	s1 =	sshrl.u32 s3, $0x3  }
0x124: {  	s7 =	simm.s32 $0xF690;
	s8 =	sadd.s32 $0xE8C00, s0;
	s1 =	sadd.s32 s5, s1  }
0x125: {  	[hbm4b:s1+s2] =	stream.linear.scatter [tilespmem:s7], [sflag:$0x3], $0x100, $0x38;
	[tilespmem:$0x16800] =	vst v63  }
0x126: {  	s1 =	sshrl.u32 s8, $0x3  }
0x127: {  	s10 =	simm.s32 $0xF798;
	s12 =	sadd.s32 $0xF5000, s0;
	s1 =	sadd.s32 s5, s1  }
0x128: {  	[hbm4b:s1+s2] =	stream.linear.scatter [tilespmem:s10], [sflag:$0x3], $0x100, $0x38;
	[tilespmem:$0x16800] =	vst v63  }
0x129: {  	s1 =	sshrl.u32 s12, $0x3  }
0x12a: {  	s13 =	simm.s32 $0xF8A0;
	s14 =	sadd.s32 $0x101400, s0;
	s1 =	sadd.s32 s5, s1  }
0x12b: {  	[hbm4b:s1+s2] =	stream.linear.scatter [tilespmem:s13], [sflag:$0x3], $0x100, $0x38;
	[tilespmem:$0x16800] =	vst v63  }
0x12c: {  	s1 =	sshrl.u32 s14, $0x3  }
0x12d: {  	s15 =	simm.s32 $0xF9A8;
	s16 =	sadd.s32 $0x10D800, s0;
	s1 =	sadd.s32 s5, s1  }
0x12e: {  	[hbm4b:s1+s2] =	stream.linear.scatter [tilespmem:s15], [sflag:$0x3], $0x100, $0x38;
	[tilespmem:$0x16800] =	vst v63  }
0x12f: {  	s1 =	sshrl.u32 s16, $0x3  }
0x130: {  	s17 =	simm.s32 $0xFAB0;
	s18 =	sadd.s32 $0x119C00, s0;
	s1 =	sadd.s32 s5, s1  }
0x131: {  	[hbm4b:s1+s2] =	stream.linear.scatter [tilespmem:s17], [sflag:$0x3], $0x100, $0x38;
	[tilespmem:$0x16800] =	vst v63  }
0x132: {  	s1 =	sshrl.u32 s18, $0x3  }
0x133: {  	s22 =	simm.s32 $0xFBB8;
	s23 =	sadd.s32 $0x126000, s0;
	s1 =	sadd.s32 s5, s1  }
0x134: {  	[hbm4b:s1+s2] =	stream.linear.scatter [tilespmem:s22], [sflag:$0x3], $0x100, $0x38;
	[tilespmem:$0x16800] =	vst v63  }
0x135: {  	s1 =	sshrl.u32 s23, $0x3  }
0x136: {  	s24 =	simm.s32 $0xFCC0;
	s25 =	sadd.s32 $0x132400, s0;
	s1 =	sadd.s32 s5, s1  }
0x137: {  	[hbm4b:s1+s2] =	stream.linear.scatter [tilespmem:s24], [sflag:$0x3], $0x100, $0x38;
	[tilespmem:$0x16800] =	vst v63  }
0x138: {  	s1 =	sshrl.u32 s25, $0x3  }
0x139: {  	s26 =	simm.s32 $0xFDC8;
	s28 =	sadd.s32 $0x13E800, s0;
	s1 =	sadd.s32 s5, s1  }
0x13a: {  	[hbm4b:s1+s2] =	stream.linear.scatter [tilespmem:s26], [sflag:$0x3], $0x100, $0x38;
	[tilespmem:$0x16800] =	vst v63  }
0x13b: {  	s1 =	sshrl.u32 s28, $0x3  }
0x13c: {  	s31 =	simm.s32 $0xFED0;
	s3 =	sadd.s32 $0x14AC00, s0;
	s1 =	sadd.s32 s5, s1  }
0x13d: {  	[hbm4b:s1+s2] =	stream.linear.scatter [tilespmem:s31], [sflag:$0x3], $0x100, $0x38;
	[tilespmem:$0x16800] =	vst v63  }
0x13e: {  	s1 =	sshrl.u32 s3, $0x3  }
0x13f: {  	s7 =	simm.s32 $0xFFD8;
	s8 =	sadd.s32 $0x157000, s0;
	s1 =	sadd.s32 s5, s1  }
0x140: {  	[hbm4b:s1+s2] =	stream.linear.scatter [tilespmem:s7], [sflag:$0x3], $0x100, $0x38;
	[tilespmem:$0x16800] =	vst v63  }
0x141: {  	s1 =	sshrl.u32 s8, $0x3  }
0x142: {  	s10 =	simm.s32 $0x100E0;
	s12 =	sadd.s32 $0x163400, s0;
	s1 =	sadd.s32 s5, s1  }
0x143: {  	[hbm4b:s1+s2] =	stream.linear.scatter [tilespmem:s10], [sflag:$0x3], $0x100, $0x38;
	[tilespmem:$0x16800] =	vst v63  }
0x144: {  	s1 =	sshrl.u32 s12, $0x3  }
0x145: {  	s13 =	simm.s32 $0x101E8;
	s14 =	sadd.s32 $0x16F800, s0;
	s1 =	sadd.s32 s5, s1  }
0x146: {  	[hbm4b:s1+s2] =	stream.linear.scatter [tilespmem:s13], [sflag:$0x3], $0x100, $0x38;
	[tilespmem:$0x16800] =	vst v63  }
0x147: {  	s1 =	sshrl.u32 s14, $0x3  }
0x148: {  	s15 =	simm.s32 $0x102F0;
	s16 =	sadd.s32 $0x17BC00, s0;
	s1 =	sadd.s32 s5, s1  }
0x149: {  	[hbm4b:s1+s2] =	stream.linear.scatter [tilespmem:s15], [sflag:$0x3], $0x100, $0x38;
	[tilespmem:$0x16800] =	vst v63  }
0x14a: {  	s1 =	sshrl.u32 s16, $0x3  }
0x14b: {  	s17 =	simm.s32 $0x103F8;
	s18 =	sadd.s32 $0x188000, s0;
	s1 =	sadd.s32 s5, s1  }
0x14c: {  	[hbm4b:s1+s2] =	stream.linear.scatter [tilespmem:s17], [sflag:$0x3], $0x100, $0x38;
	[tilespmem:$0x16800] =	vst v63  }
0x14d: {  	s1 =	sshrl.u32 s18, $0x3  }
0x14e: {  	s22 =	simm.s32 $0x10500;
	s23 =	sadd.s32 $0x194400, s0;
	s1 =	sadd.s32 s5, s1  }
0x14f: {  	[hbm4b:s1+s2] =	stream.linear.scatter [tilespmem:s22], [sflag:$0x3], $0x100, $0x38;
	[tilespmem:$0x16800] =	vst v63  }
0x150: {  	s1 =	sshrl.u32 s23, $0x3  }
0x151: {  	s24 =	simm.s32 $0x10608;
	s25 =	sadd.s32 $0x1A0800, s0;
	s1 =	sadd.s32 s5, s1  }
0x152: {  	[hbm4b:s1+s2] =	stream.linear.scatter [tilespmem:s24], [sflag:$0x3], $0x100, $0x38;
	[tilespmem:$0x16800] =	vst v63  }
0x153: {  	s1 =	sshrl.u32 s25, $0x3  }
0x154: {  	s26 =	simm.s32 $0x10710;
	s28 =	sadd.s32 $0x1ACC00, s0;
	s1 =	sadd.s32 s5, s1  }
0x155: {  	[hbm4b:s1+s2] =	stream.linear.scatter [tilespmem:s26], [sflag:$0x3], $0x100, $0x38;
	[tilespmem:$0x16800] =	vst v63  }
0x156: {  	s1 =	sshrl.u32 s28, $0x3  }
0x157: {  	s31 =	simm.s32 $0x10818;
	s3 =	sadd.s32 $0x1B9000, s0;
	s1 =	sadd.s32 s5, s1  }
0x158: {  	[hbm4b:s1+s2] =	stream.linear.scatter [tilespmem:s31], [sflag:$0x3], $0x100, $0x38;
	[tilespmem:$0x16800] =	vst v63  }
0x159: {  	s1 =	sshrl.u32 s3, $0x3  }
0x15a: {  	s7 =	simm.s32 $0x10920;
	s8 =	sadd.s32 $0x1C5400, s0;
	s1 =	sadd.s32 s5, s1  }
0x15b: {  	[hbm4b:s1+s2] =	stream.linear.scatter [tilespmem:s7], [sflag:$0x3], $0x100, $0x38;
	[tilespmem:$0x16800] =	vst v63  }
0x15c: {  	s1 =	sshrl.u32 s8, $0x3  }
0x15d: {  	s10 =	simm.s32 $0x10A28;
	s12 =	sadd.s32 $0x1D1800, s0;
	s1 =	sadd.s32 s5, s1  }
0x15e: {  	[hbm4b:s1+s2] =	stream.linear.scatter [tilespmem:s10], [sflag:$0x3], $0x100, $0x38;
	[tilespmem:$0x16800] =	vst v63  }
0x15f: {  	s1 =	sshrl.u32 s12, $0x3  }
0x160: {  	s13 =	simm.s32 $0x10B30;
	s14 =	sadd.s32 $0x1DDC00, s0;
	s1 =	sadd.s32 s5, s1  }
0x161: {  	[hbm4b:s1+s2] =	stream.linear.scatter [tilespmem:s13], [sflag:$0x3], $0x100, $0x38;
	[tilespmem:$0x16800] =	vst v63  }
0x162: {  	s1 =	sshrl.u32 s14, $0x3  }
0x163: {  	s15 =	simm.s32 $0x10C38;
	s16 =	sadd.s32 $0x1EA000, s0;
	s1 =	sadd.s32 s5, s1  }
0x164: {  	[hbm4b:s1+s2] =	stream.linear.scatter [tilespmem:s15], [sflag:$0x3], $0x100, $0x38;
	[tilespmem:$0x16800] =	vst v63  }
0x165: {  	s1 =	sshrl.u32 s16, $0x3  }
0x166: {  	s17 =	simm.s32 $0x10D40;
	s18 =	sadd.s32 $0x1F6400, s0;
	s1 =	sadd.s32 s5, s1  }
0x167: {  	[hbm4b:s1+s2] =	stream.linear.scatter [tilespmem:s17], [sflag:$0x3], $0x100, $0x38;
	[tilespmem:$0x16800] =	vst v63  }
0x168: {  	s1 =	sshrl.u32 s18, $0x3  }
0x169: {  	s22 =	simm.s32 $0x10E48;
	s23 =	sadd.s32 $0x202800, s0;
	s1 =	sadd.s32 s5, s1  }
0x16a: {  	[hbm4b:s1+s2] =	stream.linear.scatter [tilespmem:s22], [sflag:$0x3], $0x100, $0x38;
	[tilespmem:$0x16800] =	vst v63  }
0x16b: {  	s1 =	sshrl.u32 s23, $0x3  }
0x16c: {  	s24 =	simm.s32 $0x10F50;
	s25 =	sadd.s32 $0x20EC00, s0;
	s1 =	sadd.s32 s5, s1  }
0x16d: {  	[hbm4b:s1+s2] =	stream.linear.scatter [tilespmem:s24], [sflag:$0x3], $0x100, $0x38;
	[tilespmem:$0x16800] =	vst v63  }
0x16e: {  	s1 =	sshrl.u32 s25, $0x3  }
0x16f: {  	s26 =	simm.s32 $0x11058;
	s28 =	sadd.s32 $0x21B000, s0;
	s1 =	sadd.s32 s5, s1  }
0x170: {  	[hbm4b:s1+s2] =	stream.linear.scatter [tilespmem:s26], [sflag:$0x3], $0x100, $0x38;
	[tilespmem:$0x16800] =	vst v63  }
0x171: {  	s1 =	sshrl.u32 s28, $0x3  }
0x172: {  	s31 =	simm.s32 $0x11160;
	s3 =	sadd.s32 $0x227400, s0;
	s1 =	sadd.s32 s5, s1  }
0x173: {  	[hbm4b:s1+s2] =	stream.linear.scatter [tilespmem:s31], [sflag:$0x3], $0x100, $0x38;
	[tilespmem:$0x16800] =	vst v63  }
0x174: {  	s1 =	sshrl.u32 s3, $0x3  }
0x175: {  	s7 =	simm.s32 $0x11268;
	s8 =	sadd.s32 $0x233800, s0;
	s1 =	sadd.s32 s5, s1  }
0x176: {  	[hbm4b:s1+s2] =	stream.linear.scatter [tilespmem:s7], [sflag:$0x3], $0x100, $0x38;
	[tilespmem:$0x16800] =	vst v63  }
0x177: {  	s1 =	sshrl.u32 s8, $0x3  }
0x178: {  	s10 =	simm.s32 $0x11370;
	s12 =	sadd.s32 $0x23FC00, s0;
	s1 =	sadd.s32 s5, s1  }
0x179: {  	[hbm4b:s1+s2] =	stream.linear.scatter [tilespmem:s10], [sflag:$0x3], $0x100, $0x38;
	[tilespmem:$0x16800] =	vst v63  }
0x17a: {  	s1 =	sshrl.u32 s12, $0x3  }
0x17b: {  	s13 =	simm.s32 $0x11478;
	s14 =	sadd.s32 $0x24C000, s0;
	s1 =	sadd.s32 s5, s1  }
0x17c: {  	[hbm4b:s1+s2] =	stream.linear.scatter [tilespmem:s13], [sflag:$0x3], $0x100, $0x38;
	[tilespmem:$0x16800] =	vst v63  }
0x17d: {  	s1 =	sshrl.u32 s14, $0x3  }
0x17e: {  	s15 =	simm.s32 $0x11580;
	s16 =	sadd.s32 $0x258400, s0;
	s1 =	sadd.s32 s5, s1  }
0x17f: {  	[hbm4b:s1+s2] =	stream.linear.scatter [tilespmem:s15], [sflag:$0x3], $0x100, $0x38;
	[tilespmem:$0x16800] =	vst v63  }
0x180: {  	s1 =	sshrl.u32 s16, $0x3  }
0x181: {  	s17 =	simm.s32 $0x11688;
	s18 =	sadd.s32 $0x264800, s0;
	s1 =	sadd.s32 s5, s1  }
0x182: {  	[hbm4b:s1+s2] =	stream.linear.scatter [tilespmem:s17], [sflag:$0x3], $0x100, $0x38;
	[tilespmem:$0x16800] =	vst v63  }
0x183: {  	s1 =	sshrl.u32 s18, $0x3  }
0x184: {  	s22 =	simm.s32 $0x11790;
	s23 =	sadd.s32 $0x270C00, s0;
	s1 =	sadd.s32 s5, s1  }
0x185: {  	[hbm4b:s1+s2] =	stream.linear.scatter [tilespmem:s22], [sflag:$0x3], $0x100, $0x38;
	[tilespmem:$0x16800] =	vst v63  }
0x186: {  	s1 =	sshrl.u32 s23, $0x3  }
0x187: {  	s24 =	simm.s32 $0x11898;
	s25 =	sadd.s32 $0x27D000, s0;
	s1 =	sadd.s32 s5, s1  }
0x188: {  	[hbm4b:s1+s2] =	stream.linear.scatter [tilespmem:s24], [sflag:$0x3], $0x100, $0x38;
	[tilespmem:$0x16800] =	vst v63  }
0x189: {  	s1 =	sshrl.u32 s25, $0x3  }
0x18a: {  	s26 =	simm.s32 $0x119A0;
	s28 =	sadd.s32 $0x289400, s0;
	s1 =	sadd.s32 s5, s1  }
0x18b: {  	[hbm4b:s1+s2] =	stream.linear.scatter [tilespmem:s26], [sflag:$0x3], $0x100, $0x38;
	[tilespmem:$0x16800] =	vst v63  }
0x18c: {  	s1 =	sshrl.u32 s28, $0x3  }
0x18d: {  	s31 =	simm.s32 $0x11AA8;
	s3 =	sadd.s32 $0x295800, s0;
	s1 =	sadd.s32 s5, s1  }
0x18e: {  	[hbm4b:s1+s2] =	stream.linear.scatter [tilespmem:s31], [sflag:$0x3], $0x100, $0x38;
	[tilespmem:$0x16800] =	vst v63  }
0x18f: {  	s1 =	sshrl.u32 s3, $0x3  }
0x190: {  	s7 =	simm.s32 $0x11BB0;
	s8 =	sadd.s32 $0x2A1C00, s0;
	s1 =	sadd.s32 s5, s1  }
0x191: {  	[hbm4b:s1+s2] =	stream.linear.scatter [tilespmem:s7], [sflag:$0x3], $0x100, $0x38;
	[tilespmem:$0x16800] =	vst v63  }
0x192: {  	s1 =	sshrl.u32 s8, $0x3  }
0x193: {  	s10 =	simm.s32 $0x11CB8;
	s12 =	sadd.s32 $0x2AE000, s0;
	s1 =	sadd.s32 s5, s1  }
0x194: {  	[hbm4b:s1+s2] =	stream.linear.scatter [tilespmem:s10], [sflag:$0x3], $0x100, $0x38;
	[tilespmem:$0x16800] =	vst v63  }
0x195: {  	s1 =	sshrl.u32 s12, $0x3  }
0x196: {  	s13 =	simm.s32 $0x11DC0;
	s14 =	sadd.s32 $0x2BA400, s0;
	s1 =	sadd.s32 s5, s1  }
0x197: {  	[hbm4b:s1+s2] =	stream.linear.scatter [tilespmem:s13], [sflag:$0x3], $0x100, $0x38;
	[tilespmem:$0x16800] =	vst v63  }
0x198: {  	s1 =	sshrl.u32 s14, $0x3  }
0x199: {  	s15 =	simm.s32 $0x11EC8;
	s16 =	sadd.s32 $0x2C6800, s0;
	s1 =	sadd.s32 s5, s1  }
0x19a: {  	[hbm4b:s1+s2] =	stream.linear.scatter [tilespmem:s15], [sflag:$0x3], $0x100, $0x38;
	[tilespmem:$0x16800] =	vst v63  }
0x19b: {  	s1 =	sshrl.u32 s16, $0x3  }
0x19c: {  	s17 =	simm.s32 $0x11FD0;
	s18 =	sadd.s32 $0x2D2C00, s0;
	s1 =	sadd.s32 s5, s1  }
0x19d: {  	[hbm4b:s1+s2] =	stream.linear.scatter [tilespmem:s17], [sflag:$0x3], $0x100, $0x38;
	[tilespmem:$0x16800] =	vst v63  }
0x19e: {  	s1 =	sshrl.u32 s18, $0x3  }
0x19f: {  	s22 =	simm.s32 $0x120D8;
	s23 =	sadd.s32 $0x2DF000, s0;
	s1 =	sadd.s32 s5, s1  }
0x1a0: {  	[hbm4b:s1+s2] =	stream.linear.scatter [tilespmem:s22], [sflag:$0x3], $0x100, $0x38;
	[tilespmem:$0x16800] =	vst v63  }
0x1a1: {  	s1 =	sshrl.u32 s23, $0x3  }
0x1a2: {  	s24 =	simm.s32 $0x121E0;
	s25 =	sadd.s32 $0x2EB400, s0;
	s1 =	sadd.s32 s5, s1  }
0x1a3: {  	[hbm4b:s1+s2] =	stream.linear.scatter [tilespmem:s24], [sflag:$0x3], $0x100, $0x38;
	[tilespmem:$0x16800] =	vst v63  }
0x1a4: {  	s1 =	sshrl.u32 s25, $0x3  }
0x1a5: {  	s26 =	simm.s32 $0x122E8;
	s28 =	sadd.s32 $0x2F7800, s0;
	s1 =	sadd.s32 s5, s1  }
0x1a6: {  	[hbm4b:s1+s2] =	stream.linear.scatter [tilespmem:s26], [sflag:$0x3], $0x100, $0x38;
	[tilespmem:$0x16800] =	vst v63  }
0x1a7: {  	s0 =	sadd.s32 $0x303C00, s0;
	s1 =	sshrl.u32 s28, $0x3  }
0x1a8: {  	s0 =	sshrl.u32 s0, $0x3;
	s31 =	simm.s32 $0x123F0;
	s1 =	sadd.s32 s5, s1  }
0x1a9: {  	[hbm4b:s1+s2] =	stream.linear.scatter [tilespmem:s31], [sflag:$0x3], $0x100, $0x38;
	[tilespmem:$0x16800] =	vst v63  }
0x1aa: {  	s0 =	sadd.s32 s5, s0;
	s3 =	simm.s32 $0x124F8  }
0x1ab: {  	[hbm4b:s0+s2] =	stream.linear.scatter [tilespmem:s3], [sflag:$0x3], $0x100, $0x38;
	[tilespmem:$0x16800] =	vst v63  }
0x1ac: {  	p1 =	seq.s32 s29, $0x30;
	s0 =	rddreg [dreg:$0x3]  }
0x1ad: {  	s0 =	sadd.s32 @!p1 s29, s0  }
0x1ae: {  	s0 =	sshll.u32 @!p1 s0, $0xB  }
0x1af: {  	s0 =	sshra.s32 @!p1 s0, $0x2  }
0x1b0: {  	s7 =	simm.s32 @!p1 $0x6400;
	s3 =	simm.s32 @!p1 $0x80;
	s1 =	sadd.s32 @!p1 $0x200, s0  }
0x1b1: {  	[tilespmem:s7], [sflag:$0x1] =	stream.indirect.gather @!p1 [hbm4b:s4+s3], $0x40, s1, s3, $0xb8;
	[tilespmem:$0x16800] =	vst v63  }
0x1b2: {  	s0 =	sadd.s32 @!p1 $0x280, s0;
	s1 =	simm.s32 @!p1 $0x8400  }
0x1b3: {  	[tilespmem:s1], [sflag:$0x1] =	stream.indirect.gather @!p1 [hbm4b:s4+s3], $0x40, s0, s3, $0xb8;
	[tilespmem:$0x16800] =	vst v63  }
0x1b4: {  	_ =	swait.ge [sflag:s20], $0x2000  }
0x1b5: {  	[sflag:s20] =	ssyncset.done $0x0  }
0x1b6: {  	[sflag:s20] =	ssyncadd.s32 $0xFFFFE000  }
0x1b7: {  	_ =	swait.ge [sflag:s20], $0x2000  }
0x1b8: {  	[sflag:s20] =	ssyncset.done $0x0  }
0x1b9: {  	s0 =	simm.s32 @!p0 $0x4;
	[sflag:s20] =	ssyncadd.s32 $0xFFFFE000  }
0x1ba: {  	_ =	swait.ge @!p0 [sflag:s0], $0x800  }
0x1bb: {  	[sflag:s0] =	ssyncset.done @!p0 $0x0  }
0x1bc: {  	s7 =	simm.s32 $0xF;
	s1 =	simm.s32 $0xA7F0;
	[sflag:s0] =	ssyncadd.s32 @!p0 $0xFFFFF800  }
0x1bd: {  	s8 =	simm.s32 $0x1;
	v5 =	vadd.s32 s7, v0;
	v4 =	vld [tilespmem:s1+$0xFFFFFFD0]  }
0x1be: {  	v7 =	vadd.s32 s8, v0;
	s10 =	simm.s32 $0x2;
	v6 =	vld [tilespmem:s1+$0xFFFFFC50]  }
0x1bf: {  	s12 =	simm.s32 $0x3;
	v9 =	vadd.s32 s10, v0;
	v8 =	vld [tilespmem:s1+$0xFFFFFC90]  }
0x1c0: {  	v11 =	vadd.s32 s12, v0;
	s13 =	simm.s32 $0x4;
	v10 =	vld [tilespmem:s1+$0xFFFFFCD0]  }
0x1c1: {  	s14 =	simm.s32 $0x5;
	v13 =	vadd.s32 s13, v0;
	v12 =	vld [tilespmem:s1+$0xFFFFFD10]  }
0x1c2: {  	v15 =	vadd.s32 s14, v0;
	s15 =	simm.s32 $0x6;
	v14 =	vld [tilespmem:s1+$0xFFFFFD50];
	[tilespmem:v5+s21+$0x0] =	vst.idx.msk $0xffff, v4  }
0x1c3: {  	s16 =	simm.s32 $0x7;
	[tilespmem:v7+s21+$0x0] =	vst.idx.msk $0xffff, v6;
	v6 =	vld [tilespmem:s1+$0xFFFFFD90];
	v7 =	vadd.s32 s15, v0  }
0x1c4: {  	s17 =	simm.s32 $0x8;
	[tilespmem:v9+s21+$0x0] =	vst.idx.msk $0xffff, v8;
	v8 =	vld [tilespmem:s1+$0xFFFFFDD0];
	v9 =	vadd.s32 s16, v0  }
0x1c5: {  	s18 =	simm.s32 $0x9;
	[tilespmem:v11+s21+$0x0] =	vst.idx.msk $0xffff, v10;
	v10 =	vld [tilespmem:s1+$0xFFFFFE10];
	v11 =	vadd.s32 s17, v0  }
0x1c6: {  	s22 =	simm.s32 $0xA;
	[tilespmem:v13+s21+$0x0] =	vst.idx.msk $0xffff, v12;
	v12 =	vld [tilespmem:s1+$0xFFFFFE50];
	v13 =	vadd.s32 s18, v0  }
0x1c7: {  	[tilespmem:v15+s21+$0x0] =	vst.idx.msk $0xffff, v14;
	v14 =	vld [tilespmem:s1+$0xFFFFFE90];
	v15 =	vadd.s32 s22, v0  }
0x1c8: {  	s23 =	simm.s32 $0xB;
	v5 =	vadd.s32 s7, v1;
	v4 =	vld [tilespmem:s1+$0xFFFFFFE0];
	[tilespmem:v7+s21+$0x0] =	vst.idx.msk $0xffff, v6  }
0x1c9: {  	s24 =	simm.s32 $0xC;
	[tilespmem:v9+s21+$0x0] =	vst.idx.msk $0xffff, v8;
	v6 =	vld [tilespmem:s1+$0xFFFFFED0];
	v7 =	vadd.s32 s23, v0  }
0x1ca: {  	s26 =	simm.s32 $0xD;
	[tilespmem:v11+s21+$0x0] =	vst.idx.msk $0xffff, v10;
	v8 =	vld [tilespmem:s1+$0xFFFFFF10];
	v9 =	vadd.s32 s24, v0  }
0x1cb: {  	s28 =	simm.s32 $0xE;
	[tilespmem:v13+s21+$0x0] =	vst.idx.msk $0xffff, v12;
	v10 =	vld [tilespmem:s1+$0xFFFFFF50];
	v11 =	vadd.s32 s26, v0  }
0x1cc: {  	s31 =	simm.s32 $0x0;
	[tilespmem:v15+s21+$0x0] =	vst.idx.msk $0xffff, v14;
	v12 =	vld [tilespmem:s1+$0xFFFFFF90];
	v13 =	vadd.s32 s28, v0  }
0x1cd: {  	v14 =	vld [tilespmem:s1+$0xFFFFFC10];
	v15 =	vadd.s32 s31, v0;
	[tilespmem:v5+s21+$0x0] =	vst.idx.msk $0xffff, v4  }
0x1ce: {  	v5 =	vadd.s32 s7, v2;
	v4 =	vld [tilespmem:s1+$0xFFFFFFF0];
	[tilespmem:v7+s21+$0x0] =	vst.idx.msk $0xffff, v6  }
0x1cf: {  	v6 =	vld [tilespmem:s1+$0xFFFFFC60];
	v7 =	vadd.s32 s8, v1;
	[tilespmem:v9+s21+$0x0] =	vst.idx.msk $0xffff, v8  }
0x1d0: {  	v8 =	vld [tilespmem:s1+$0xFFFFFCA0];
	v9 =	vadd.s32 s10, v1;
	[tilespmem:v11+s21+$0x0] =	vst.idx.msk $0xffff, v10  }
0x1d1: {  	v10 =	vld [tilespmem:s1+$0xFFFFFCE0];
	v11 =	vadd.s32 s12, v1;
	[tilespmem:v13+s21+$0x0] =	vst.idx.msk $0xffff, v12  }
0x1d2: {  	[tilespmem:v15+s21+$0x0] =	vst.idx.msk $0xffff, v14;
	v12 =	vld [tilespmem:s1+$0xFFFFFD20];
	v13 =	vadd.s32 s13, v1  }
0x1d3: {  	v14 =	vld [tilespmem:s1+$0xFFFFFD60];
	v15 =	vadd.s32 s14, v1;
	[tilespmem:v5+s21+$0x0] =	vst.idx.msk $0xffff, v4  }
0x1d4: {  	v4 =	vadd.s32 s7, v3;
	v5 =	vld [tilespmem:s1+$0x0];
	[tilespmem:v7+s21+$0x0] =	vst.idx.msk $0xffff, v6  }
0x1d5: {  	[tilespmem:v9+s21+$0x0] =	vst.idx.msk $0xffff, v8;
	v6 =	vld [tilespmem:s1+$0xFFFFFDE0];
	v7 =	vadd.s32 s16, v1  }
0x1d6: {  	[tilespmem:v11+s21+$0x0] =	vst.idx.msk $0xffff, v10;
	v8 =	vld [tilespmem:s1+$0xFFFFFE20];
	v9 =	vadd.s32 s17, v1  }
0x1d7: {  	[tilespmem:v13+s21+$0x0] =	vst.idx.msk $0xffff, v12;
	v10 =	vld [tilespmem:s1+$0xFFFFFE60];
	v11 =	vadd.s32 s18, v1  }
0x1d8: {  	[tilespmem:v15+s21+$0x0] =	vst.idx.msk $0xffff, v14;
	v12 =	vld [tilespmem:s1+$0xFFFFFEA0];
	v13 =	vadd.s32 s22, v1  }
0x1d9: {  	[tilespmem:v4+s21+$0x0] =	vst.idx.msk $0xffff, v5;
	v4 =	vld [tilespmem:s1+$0xFFFFFDA0];
	v5 =	vadd.s32 s15, v1  }
0x1da: {  	v14 =	vld [tilespmem:s1+$0xFFFFFC20];
	v15 =	vadd.s32 s31, v1;
	[tilespmem:v7+s21+$0x0] =	vst.idx.msk $0xffff, v6  }
0x1db: {  	v6 =	vld [tilespmem:s1+$0xFFFFFF20];
	v7 =	vadd.s32 s24, v1;
	[tilespmem:v9+s21+$0x0] =	vst.idx.msk $0xffff, v8  }
0x1dc: {  	v8 =	vld [tilespmem:s1+$0xFFFFFF60];
	v9 =	vadd.s32 s26, v1;
	[tilespmem:v11+s21+$0x0] =	vst.idx.msk $0xffff, v10  }
0x1dd: {  	v10 =	vld [tilespmem:s1+$0xFFFFFFA0];
	v11 =	vadd.s32 s28, v1;
	[tilespmem:v13+s21+$0x0] =	vst.idx.msk $0xffff, v12  }
0x1de: {  	[tilespmem:v5+s21+$0x0] =	vst.idx.msk $0xffff, v4;
	v4 =	vld [tilespmem:s1+$0xFFFFFEE0];
	v5 =	vadd.s32 s23, v1  }
0x1df: {  	v12 =	vld [tilespmem:s1+$0xFFFFFC70];
	v13 =	vadd.s32 s8, v2;
	[tilespmem:v15+s21+$0x0] =	vst.idx.msk $0xffff, v14  }
0x1e0: {  	v15 =	vadd.s32 s31, v2;
	v14 =	vld [tilespmem:s1+$0xFFFFFC30];
	[tilespmem:v7+s21+$0x0] =	vst.idx.msk $0xffff, v6  }
0x1e1: {  	v6 =	vld [tilespmem:s1+$0xFFFFFCF0];
	v7 =	vadd.s32 s12, v2;
	[tilespmem:v9+s21+$0x0] =	vst.idx.msk $0xffff, v8  }
0x1e2: {  	v8 =	vld [tilespmem:s1+$0xFFFFFD30];
	v9 =	vadd.s32 s13, v2;
	[tilespmem:v11+s21+$0x0] =	vst.idx.msk $0xffff, v10  }
0x1e3: {  	[tilespmem:v5+s21+$0x0] =	vst.idx.msk $0xffff, v4;
	v4 =	vld [tilespmem:s1+$0xFFFFFCB0];
	v5 =	vadd.s32 s10, v2  }
0x1e4: {  	v10 =	vld [tilespmem:s1+$0xFFFFFD70];
	v11 =	vadd.s32 s14, v2;
	[tilespmem:v13+s21+$0x0] =	vst.idx.msk $0xffff, v12  }
0x1e5: {  	v12 =	vld [tilespmem:s1+$0xFFFFFDB0];
	v13 =	vadd.s32 s15, v2;
	[tilespmem:v15+s21+$0x0] =	vst.idx.msk $0xffff, v14  }
0x1e6: {  	[tilespmem:v7+s21+$0x0] =	vst.idx.msk $0xffff, v6;
	v6 =	vld [tilespmem:s1+$0xFFFFFE30];
	v7 =	vadd.s32 s17, v2  }
0x1e7: {  	[tilespmem:v9+s21+$0x0] =	vst.idx.msk $0xffff, v8;
	v8 =	vld [tilespmem:s1+$0xFFFFFE70];
	v9 =	vadd.s32 s18, v2  }
0x1e8: {  	[tilespmem:v5+s21+$0x0] =	vst.idx.msk $0xffff, v4;
	v4 =	vld [tilespmem:s1+$0xFFFFFDF0];
	v5 =	vadd.s32 s16, v2  }
0x1e9: {  	[tilespmem:v11+s21+$0x0] =	vst.idx.msk $0xffff, v10;
	v10 =	vld [tilespmem:s1+$0xFFFFFEB0];
	v11 =	vadd.s32 s22, v2  }
0x1ea: {  	[tilespmem:v13+s21+$0x0] =	vst.idx.msk $0xffff, v12;
	v12 =	vld [tilespmem:s1+$0xFFFFFEF0];
	v13 =	vadd.s32 s23, v2  }
0x1eb: {  	[tilespmem:v7+s21+$0x0] =	vst.idx.msk $0xffff, v6;
	v6 =	vld [tilespmem:s1+$0xFFFFFF70];
	v7 =	vadd.s32 s26, v2  }
0x1ec: {  	[tilespmem:v9+s21+$0x0] =	vst.idx.msk $0xffff, v8;
	v8 =	vld [tilespmem:s1+$0xFFFFFFB0];
	v9 =	vadd.s32 s28, v2  }
0x1ed: {  	[tilespmem:v5+s21+$0x0] =	vst.idx.msk $0xffff, v4;
	v4 =	vld [tilespmem:s1+$0xFFFFFF30];
	v5 =	vadd.s32 s24, v2  }
0x1ee: {  	[tilespmem:v11+s21+$0x0] =	vst.idx.msk $0xffff, v10;
	v10 =	vadd.s32 s8, v3;
	v11 =	vld [tilespmem:s1+$0xFFFFFC80]  }
0x1ef: {  	[tilespmem:v13+s21+$0x0] =	vst.idx.msk $0xffff, v12;
	v12 =	vadd.s32 s10, v3;
	v13 =	vld [tilespmem:s1+$0xFFFFFCC0]  }
0x1f0: {  	v18 =	vadd.s32 s22, v3;
	v19 =	vld [tilespmem:s1+$0xFFFFFEC0];
	[tilespmem:v7+s21+$0x0] =	vst.idx.msk $0xffff, v6  }
0x1f1: {  	v6 =	vadd.s32 s13, v3;
	v7 =	vld [tilespmem:s1+$0xFFFFFD40];
	[tilespmem:v9+s21+$0x0] =	vst.idx.msk $0xffff, v8  }
0x1f2: {  	[tilespmem:v5+s21+$0x0] =	vst.idx.msk $0xffff, v4;
	v4 =	vadd.s32 s12, v3;
	v5 =	vld [tilespmem:s1+$0xFFFFFD00]  }
0x1f3: {  	v8 =	vadd.s32 s14, v3;
	v9 =	vld [tilespmem:s1+$0xFFFFFD80];
	[tilespmem:v10+s21+$0x0] =	vst.idx.msk $0xffff, v11  }
0x1f4: {  	v15 =	vadd.s32 s16, v3;
	[tilespmem:v12+s21+$0x0] =	vst.idx.msk $0xffff, v13;
	v12 =	vld [tilespmem:s1+$0xFFFFFE00]  }
0x1f5: {  	v14 =	vadd.s32 s15, v3;
	v10 =	vld [tilespmem:s1+$0xFFFFFDC0];
	[tilespmem:v18+s21+$0x0] =	vst.idx.msk $0xffff, v19  }
0x1f6: {  	v17 =	vadd.s32 s18, v3;
	[tilespmem:v6+s21+$0x0] =	vst.idx.msk $0xffff, v7;
	v6 =	vld [tilespmem:s1+$0xFFFFFE80]  }
0x1f7: {  	v16 =	vadd.s32 s17, v3;
	[tilespmem:v4+s21+$0x0] =	vst.idx.msk $0xffff, v5;
	v4 =	vld [tilespmem:s1+$0xFFFFFE40]  }
0x1f8: {  	v11 =	vld [tilespmem:s1+$0xFFFFFF00];
	v13 =	vadd.s32 s23, v3;
	[tilespmem:v8+s21+$0x0] =	vst.idx.msk $0xffff, v9  }
0x1f9: {  	[tilespmem:v15+s21+$0x0] =	vst.idx.msk $0xffff, v12;
	v9 =	vld [tilespmem:s1+$0xFFFFFF40];
	v12 =	vadd.s32 s24, v3  }
0x1fa: {  	[tilespmem:v14+s21+$0x0] =	vst.idx.msk $0xffff, v10;
	v10 =	vadd.s32 s26, v3;
	v5 =	vld [tilespmem:s1+$0xFFFFFF80]  }
0x1fb: {  	s0 =	simm.s32 $0x10;
	v7 =	vadd.s32 s28, v3;
	[tilespmem:v17+s21+$0x0] =	vst.idx.msk $0xffff, v6;
	v6 =	vld [tilespmem:s1+$0xFFFFFFC0]  }
0x1fc: {  	s15 =	simm.s32 $0x20;
	s14 =	simm.s32 $0x1F;
	v8 =	vadd.s32 s31, v3;
	[tilespmem:v16+s21+$0x0] =	vst.idx.msk $0xffff, v4;
	v4 =	vld [tilespmem:s1+$0xFFFFFC40];
	s1 =	simm.s32 $0xABF0  }
.LBB2_5:
0x1fd: {  	p0 =	slt.u32 s15, $0xF0;
	s7 =	sadd.s32 $0x1, s0;
	v14 =	vld [tilespmem:s1+$0xFFFFFFD0];
	v15 =	vadd.s32 s14, v0;
	[tilespmem:v13+s21+$0x0] =	vst.idx.msk $0xffff, v11;
	s16 =	smov.u32 s0  }
0x1fe: {  	s0 =	smov.u32 s15;
	v11 =	vld [tilespmem:s1+$0xFFFFFC50];
	v13 =	vadd.s32 s7, v0;
	s10 =	sadd.s32 $0x2, s16;
	[tilespmem:v12+s21+$0x0] =	vst.idx.msk $0xffff, v9  }
0x1ff: {  	s12 =	sadd.s32 $0x3, s16;
	v9 =	vld [tilespmem:s1+$0xFFFFFC90];
	v12 =	vadd.s32 s10, v0;
	[tilespmem:v10+s21+$0x0] =	vst.idx.msk $0xffff, v5  }
0x200: {  	s13 =	sadd.s32 $0x4, s16;
	v10 =	vadd.s32 s12, v0;
	v5 =	vld [tilespmem:s1+$0xFFFFFCD0];
	[tilespmem:v7+s21+$0x0] =	vst.idx.msk $0xffff, v6  }
0x201: {  	s17 =	sadd.s32 $0x5, s16;
	v7 =	vadd.s32 s13, v0;
	v6 =	vld [tilespmem:s1+$0xFFFFFD10];
	[tilespmem:v8+s21+$0x0] =	vst.idx.msk $0xffff, v4  }
0x202: {  	v8 =	vadd.s32 s17, v0;
	v4 =	vld [tilespmem:s1+$0xFFFFFD50];
	[tilespmem:v15+s21+$0x0] =	vst.idx.msk $0xffff, v14  }
0x203: {  	s18 =	sadd.s32 $0x6, s16;
	[tilespmem:v13+s21+$0x0] =	vst.idx.msk $0xffff, v11;
	v11 =	vld [tilespmem:s1+$0xFFFFFFE0];
	v13 =	vadd.s32 s14, v1  }
0x204: {  	s22 =	sadd.s32 $0x7, s16;
	[tilespmem:v12+s21+$0x0] =	vst.idx.msk $0xffff, v9;
	v9 =	vld [tilespmem:s1+$0xFFFFFD90];
	v12 =	vadd.s32 s18, v0  }
0x205: {  	s23 =	sadd.s32 $0x8, s16;
	[tilespmem:v10+s21+$0x0] =	vst.idx.msk $0xffff, v5;
	v5 =	vld [tilespmem:s1+$0xFFFFFDD0];
	v10 =	vadd.s32 s22, v0  }
0x206: {  	s24 =	sadd.s32 $0x9, s16;
	[tilespmem:v7+s21+$0x0] =	vst.idx.msk $0xffff, v6;
	v6 =	vld [tilespmem:s1+$0xFFFFFE10];
	v7 =	vadd.s32 s23, v0  }
0x207: {  	s25 =	sadd.s32 $0xA, s16;
	[tilespmem:v8+s21+$0x0] =	vst.idx.msk $0xffff, v4;
	v4 =	vld [tilespmem:s1+$0xFFFFFE50];
	v8 =	vadd.s32 s24, v0  }
0x208: {  	v15 =	vadd.s32 s25, v0;
	v14 =	vld [tilespmem:s1+$0xFFFFFE90];
	[tilespmem:v13+s21+$0x0] =	vst.idx.msk $0xffff, v11  }
0x209: {  	s26 =	sadd.s32 $0xB, s16;
	v11 =	vadd.s32 s14, v2;
	[tilespmem:v12+s21+$0x0] =	vst.idx.msk $0xffff, v9;
	v9 =	vld [tilespmem:s1+$0xFFFFFFF0]  }
0x20a: {  	s28 =	sadd.s32 $0xC, s16;
	[tilespmem:v10+s21+$0x0] =	vst.idx.msk $0xffff, v5;
	v5 =	vld [tilespmem:s1+$0xFFFFFED0];
	v10 =	vadd.s32 s26, v0  }
0x20b: {  	s3 =	sadd.s32 $0xD, s16;
	[tilespmem:v7+s21+$0x0] =	vst.idx.msk $0xffff, v6;
	v6 =	vld [tilespmem:s1+$0xFFFFFF10];
	v7 =	vadd.s32 s28, v0  }
0x20c: {  	s8 =	sadd.s32 $0xE, s16;
	[tilespmem:v8+s21+$0x0] =	vst.idx.msk $0xffff, v4;
	v4 =	vld [tilespmem:s1+$0xFFFFFF50];
	v8 =	vadd.s32 s3, v0  }
0x20d: {  	v13 =	vadd.s32 s8, v0;
	[tilespmem:v15+s21+$0x0] =	vst.idx.msk $0xffff, v14;
	v12 =	vld [tilespmem:s1+$0xFFFFFF90]  }
0x20e: {  	v15 =	vadd.s32 s16, v0;
	v14 =	vld [tilespmem:s1+$0xFFFFFC10];
	[tilespmem:v11+s21+$0x0] =	vst.idx.msk $0xffff, v9  }
0x20f: {  	v9 =	vadd.s32 s14, v3;
	[tilespmem:v10+s21+$0x0] =	vst.idx.msk $0xffff, v5;
	v5 =	vld [tilespmem:s1+$0x0]  }
0x210: {  	v11 =	vadd.s32 s7, v1;
	v10 =	vld [tilespmem:s1+$0xFFFFFC60];
	[tilespmem:v7+s21+$0x0] =	vst.idx.msk $0xffff, v6  }
0x211: {  	v7 =	vadd.s32 s10, v1;
	v6 =	vld [tilespmem:s1+$0xFFFFFCA0];
	[tilespmem:v8+s21+$0x0] =	vst.idx.msk $0xffff, v4  }
0x212: {  	v8 =	vadd.s32 s12, v1;
	v4 =	vld [tilespmem:s1+$0xFFFFFCE0];
	[tilespmem:v13+s21+$0x0] =	vst.idx.msk $0xffff, v12  }
0x213: {  	v13 =	vadd.s32 s13, v1;
	[tilespmem:v15+s21+$0x0] =	vst.idx.msk $0xffff, v14;
	v12 =	vld [tilespmem:s1+$0xFFFFFD20]  }
0x214: {  	v15 =	vadd.s32 s17, v1;
	v14 =	vld [tilespmem:s1+$0xFFFFFD60];
	[tilespmem:v9+s21+$0x0] =	vst.idx.msk $0xffff, v5  }
0x215: {  	v9 =	vadd.s32 s18, v1;
	[tilespmem:v11+s21+$0x0] =	vst.idx.msk $0xffff, v10;
	v5 =	vld [tilespmem:s1+$0xFFFFFDA0]  }
0x216: {  	[tilespmem:v7+s21+$0x0] =	vst.idx.msk $0xffff, v6;
	v6 =	vld [tilespmem:s1+$0xFFFFFDE0];
	v7 =	vadd.s32 s22, v1  }
0x217: {  	[tilespmem:v8+s21+$0x0] =	vst.idx.msk $0xffff, v4;
	v4 =	vld [tilespmem:s1+$0xFFFFFE20];
	v8 =	vadd.s32 s23, v1  }
0x218: {  	v11 =	vadd.s32 s24, v1;
	[tilespmem:v13+s21+$0x0] =	vst.idx.msk $0xffff, v12;
	v10 =	vld [tilespmem:s1+$0xFFFFFE60]  }
0x219: {  	v13 =	vadd.s32 s25, v1;
	[tilespmem:v15+s21+$0x0] =	vst.idx.msk $0xffff, v14;
	v12 =	vld [tilespmem:s1+$0xFFFFFEA0]  }
0x21a: {  	[tilespmem:v9+s21+$0x0] =	vst.idx.msk $0xffff, v5;
	v5 =	vld [tilespmem:s1+$0xFFFFFEE0];
	v9 =	vadd.s32 s26, v1  }
0x21b: {  	[tilespmem:v7+s21+$0x0] =	vst.idx.msk $0xffff, v6;
	v6 =	vld [tilespmem:s1+$0xFFFFFF20];
	v7 =	vadd.s32 s28, v1  }
0x21c: {  	[tilespmem:v8+s21+$0x0] =	vst.idx.msk $0xffff, v4;
	v4 =	vld [tilespmem:s1+$0xFFFFFF60];
	v8 =	vadd.s32 s3, v1  }
0x21d: {  	[tilespmem:v11+s21+$0x0] =	vst.idx.msk $0xffff, v10;
	v10 =	vld [tilespmem:s1+$0xFFFFFFA0];
	v11 =	vadd.s32 s8, v1  }
0x21e: {  	v15 =	vadd.s32 s16, v1;
	v14 =	vld [tilespmem:s1+$0xFFFFFC20];
	[tilespmem:v13+s21+$0x0] =	vst.idx.msk $0xffff, v12  }
0x21f: {  	v13 =	vadd.s32 s7, v2;
	v12 =	vld [tilespmem:s1+$0xFFFFFC70];
	[tilespmem:v9+s21+$0x0] =	vst.idx.msk $0xffff, v5  }
0x220: {  	v9 =	vadd.s32 s10, v2;
	v5 =	vld [tilespmem:s1+$0xFFFFFCB0];
	[tilespmem:v7+s21+$0x0] =	vst.idx.msk $0xffff, v6  }
0x221: {  	v7 =	vadd.s32 s12, v2;
	v6 =	vld [tilespmem:s1+$0xFFFFFCF0];
	[tilespmem:v8+s21+$0x0] =	vst.idx.msk $0xffff, v4  }
0x222: {  	v8 =	vadd.s32 s13, v2;
	v4 =	vld [tilespmem:s1+$0xFFFFFD30];
	[tilespmem:v11+s21+$0x0] =	vst.idx.msk $0xffff, v10  }
0x223: {  	v11 =	vadd.s32 s17, v2;
	[tilespmem:v15+s21+$0x0] =	vst.idx.msk $0xffff, v14;
	v10 =	vld [tilespmem:s1+$0xFFFFFD70]  }
0x224: {  	[tilespmem:v13+s21+$0x0] =	vst.idx.msk $0xffff, v12;
	v12 =	vld [tilespmem:s1+$0xFFFFFDB0];
	v13 =	vadd.s32 s18, v2  }
0x225: {  	[tilespmem:v9+s21+$0x0] =	vst.idx.msk $0xffff, v5;
	v5 =	vld [tilespmem:s1+$0xFFFFFDF0];
	v9 =	vadd.s32 s22, v2  }
0x226: {  	[tilespmem:v7+s21+$0x0] =	vst.idx.msk $0xffff, v6;
	v6 =	vld [tilespmem:s1+$0xFFFFFE30];
	v7 =	vadd.s32 s23, v2  }
0x227: {  	[tilespmem:v8+s21+$0x0] =	vst.idx.msk $0xffff, v4;
	v4 =	vld [tilespmem:s1+$0xFFFFFE70];
	v8 =	vadd.s32 s24, v2  }
0x228: {  	[tilespmem:v11+s21+$0x0] =	vst.idx.msk $0xffff, v10;
	v10 =	vld [tilespmem:s1+$0xFFFFFEB0];
	v11 =	vadd.s32 s25, v2  }
0x229: {  	[tilespmem:v13+s21+$0x0] =	vst.idx.msk $0xffff, v12;
	v12 =	vld [tilespmem:s1+$0xFFFFFEF0];
	v13 =	vadd.s32 s26, v2  }
0x22a: {  	[tilespmem:v9+s21+$0x0] =	vst.idx.msk $0xffff, v5;
	v5 =	vld [tilespmem:s1+$0xFFFFFF30];
	v9 =	vadd.s32 s28, v2  }
0x22b: {  	[tilespmem:v7+s21+$0x0] =	vst.idx.msk $0xffff, v6;
	v6 =	vld [tilespmem:s1+$0xFFFFFF70];
	v7 =	vadd.s32 s3, v2  }
0x22c: {  	[tilespmem:v8+s21+$0x0] =	vst.idx.msk $0xffff, v4;
	v4 =	vld [tilespmem:s1+$0xFFFFFFB0];
	v8 =	vadd.s32 s8, v2  }
0x22d: {  	v15 =	vadd.s32 s16, v2;
	v14 =	vld [tilespmem:s1+$0xFFFFFC30];
	[tilespmem:v11+s21+$0x0] =	vst.idx.msk $0xffff, v10  }
0x22e: {  	v11 =	vadd.s32 s7, v3;
	v10 =	vld [tilespmem:s1+$0xFFFFFC80];
	[tilespmem:v13+s21+$0x0] =	vst.idx.msk $0xffff, v12  }
0x22f: {  	v13 =	vadd.s32 s10, v3;
	v12 =	vld [tilespmem:s1+$0xFFFFFCC0];
	[tilespmem:v9+s21+$0x0] =	vst.idx.msk $0xffff, v5  }
0x230: {  	v9 =	vadd.s32 s12, v3;
	v5 =	vld [tilespmem:s1+$0xFFFFFD00];
	[tilespmem:v7+s21+$0x0] =	vst.idx.msk $0xffff, v6  }
0x231: {  	v7 =	vadd.s32 s13, v3;
	v6 =	vld [tilespmem:s1+$0xFFFFFD40];
	[tilespmem:v8+s21+$0x0] =	vst.idx.msk $0xffff, v4  }
0x232: {  	v8 =	vadd.s32 s17, v3;
	[tilespmem:v15+s21+$0x0] =	vst.idx.msk $0xffff, v14;
	v4 =	vld [tilespmem:s1+$0xFFFFFD80]  }
0x233: {  	[tilespmem:v11+s21+$0x0] =	vst.idx.msk $0xffff, v10;
	v10 =	vld [tilespmem:s1+$0xFFFFFDC0];
	v11 =	vadd.s32 s18, v3  }
0x234: {  	v14 =	vadd.s32 s22, v3;
	[tilespmem:v13+s21+$0x0] =	vst.idx.msk $0xffff, v12;
	v12 =	vld [tilespmem:s1+$0xFFFFFE00]  }
0x235: {  	v15 =	vadd.s32 s23, v3;
	[tilespmem:v9+s21+$0x0] =	vst.idx.msk $0xffff, v5;
	v5 =	vld [tilespmem:s1+$0xFFFFFE40]  }
0x236: {  	[tilespmem:v7+s21+$0x0] =	vst.idx.msk $0xffff, v6;
	v6 =	vld [tilespmem:s1+$0xFFFFFE80];
	v7 =	vadd.s32 s24, v3  }
0x237: {  	v17 =	vadd.s32 s25, v3;
	[tilespmem:v8+s21+$0x0] =	vst.idx.msk $0xffff, v4;
	v16 =	vld [tilespmem:s1+$0xFFFFFEC0]  }
.Ltmp1:
0x238: {  	v13 =	vadd.s32 s26, v3;
	[tilespmem:v11+s21+$0x0] =	vst.idx.msk $0xffff, v10;
	v11 =	vld [tilespmem:s1+$0xFFFFFF00];
	(pc) =	sbr.rel @p0 .LBB2_5-.Ltmp1, $4  }
0x239: {  	[tilespmem:v14+s21+$0x0] =	vst.idx.msk $0xffff, v12;
	v9 =	vld [tilespmem:s1+$0xFFFFFF40];
	v12 =	vadd.s32 s28, v3  }
0x23a: {  	v10 =	vadd.s32 s3, v3;
	[tilespmem:v15+s21+$0x0] =	vst.idx.msk $0xffff, v5;
	v5 =	vld [tilespmem:s1+$0xFFFFFF80]  }
0x23b: {  	[tilespmem:v7+s21+$0x0] =	vst.idx.msk $0xffff, v6;
	v6 =	vld [tilespmem:s1+$0xFFFFFFC0];
	v7 =	vadd.s32 s8, v3  }
0x23c: {  	s15 =	sadd.s32 $0x10, s15;
	s14 =	sadd.s32 $0xF, s0;
	v8 =	vadd.s32 s16, v3;
	v4 =	vld [tilespmem:s1+$0xFFFFFC40];
	[tilespmem:v17+s21+$0x0] =	vst.idx.msk $0xffff, v16;
	s1 =	sadd.s32 $0x400, s1  }
0x23d: {  	_ =	sdelay $0x3  }
0x23e: {  	v14 =	vld [tilespmem:s1+$0xFFFFFFD0];
	v15 =	vadd.s32 s14, v0;
	[tilespmem:v13+s21+$0x0] =	vst.idx.msk $0xffff, v11  }
0x23f: {  	s3 =	sadd.s32 $0x1, s0;
	v36 =	vld [tilespmem:s1+$0xFFFFFC10];
	v37 =	vadd.s32 s0, v0;
	[tilespmem:v12+s21+$0x0] =	vst.idx.msk $0xffff, v9  }
0x240: {  	v58 =	vld [tilespmem:s1+$0xFFFFFC50];
	s7 =	sadd.s32 $0x2, s0;
	v59 =	vadd.s32 s3, v0;
	[tilespmem:v10+s21+$0x0] =	vst.idx.msk $0xffff, v5  }
0x241: {  	v60 =	vld [tilespmem:s1+$0xFFFFFC90];
	s10 =	sadd.s32 $0x4, s0;
	v61 =	vadd.s32 s7, v0;
	[tilespmem:v7+s21+$0x0] =	vst.idx.msk $0xffff, v6  }
0x242: {  	v63 =	vld [tilespmem:s1+$0xFFFFFD10];
	s13 =	sadd.s32 $0x6, s0;
	v16 =	vadd.s32 s10, v0;
	[tilespmem:v8+s21+$0x0] =	vst.idx.msk $0xffff, v4  }
0x243: {  	v20 =	vld [tilespmem:s1+$0xFFFFFD90];
	s16 =	sadd.s32 $0x8, s0;
	v21 =	vadd.s32 s13, v0;
	[tilespmem:v15+s21+$0x0] =	vst.idx.msk $0xffff, v14  }
0x244: {  	v23 =	vld [tilespmem:s1+$0xFFFFFE10];
	s18 =	sadd.s32 $0xA, s0;
	v24 =	vadd.s32 s16, v0;
	[tilespmem:v37+s21+$0x0] =	vst.idx.msk $0xffff, v36  }
0x245: {  	s8 =	sadd.s32 $0x3, s0;
	v26 =	vld [tilespmem:s1+$0xFFFFFE90];
	v27 =	vadd.s32 s18, v0;
	[tilespmem:v59+s21+$0x0] =	vst.idx.msk $0xffff, v58  }
0x246: {  	s23 =	sadd.s32 $0xC, s0;
	v62 =	vadd.s32 s8, v0;
	v5 =	vld [tilespmem:s1+$0xFFFFFCD0];
	[tilespmem:v61+s21+$0x0] =	vst.idx.msk $0xffff, v60  }
0x247: {  	s12 =	sadd.s32 $0x5, s0;
	v31 =	vld [tilespmem:s1+$0xFFFFFF10];
	v32 =	vadd.s32 s23, v0;
	[tilespmem:v16+s21+$0x0] =	vst.idx.msk $0xffff, v63  }
0x248: {  	v17 =	vadd.s32 s12, v0;
	v4 =	vld [tilespmem:s1+$0xFFFFFD50];
	[tilespmem:v21+s21+$0x0] =	vst.idx.msk $0xffff, v20  }
0x249: {  	v19 =	vadd.s32 s14, v1;
	s25 =	sadd.s32 $0xE, s0;
	v18 =	vld [tilespmem:s1+$0xFFFFFFE0];
	[tilespmem:v24+s21+$0x0] =	vst.idx.msk $0xffff, v23  }
0x24a: {  	s15 =	sadd.s32 $0x7, s0;
	v34 =	vld [tilespmem:s1+$0xFFFFFF90];
	v35 =	vadd.s32 s25, v0;
	[tilespmem:v27+s21+$0x0] =	vst.idx.msk $0xffff, v26  }
0x24b: {  	v22 =	vadd.s32 s15, v0;
	[tilespmem:v62+s21+$0x0] =	vst.idx.msk $0xffff, v5;
	v5 =	vld [tilespmem:s1+$0xFFFFFDD0]  }
0x24c: {  	v40 =	vadd.s32 s3, v1;
	[tilespmem:v32+s21+$0x0] =	vst.idx.msk $0xffff, v31;
	v39 =	vld [tilespmem:s1+$0xFFFFFC60]  }
0x24d: {  	s17 =	sadd.s32 $0x9, s0;
	v42 =	vadd.s32 s7, v1;
	v41 =	vld [tilespmem:s1+$0xFFFFFCA0];
	[tilespmem:v17+s21+$0x0] =	vst.idx.msk $0xffff, v4  }
0x24e: {  	v25 =	vadd.s32 s17, v0;
	v4 =	vld [tilespmem:s1+$0xFFFFFE50];
	[tilespmem:v19+s21+$0x0] =	vst.idx.msk $0xffff, v18  }
0x24f: {  	s22 =	sadd.s32 $0xB, s0;
	v29 =	vadd.s32 s14, v2;
	[tilespmem:v35+s21+$0x0] =	vst.idx.msk $0xffff, v34;
	v28 =	vld [tilespmem:s1+$0xFFFFFFF0]  }
0x250: {  	v30 =	vadd.s32 s22, v0;
	[tilespmem:v22+s21+$0x0] =	vst.idx.msk $0xffff, v5;
	v5 =	vld [tilespmem:s1+$0xFFFFFED0]  }
0x251: {  	v45 =	vadd.s32 s10, v1;
	v44 =	vld [tilespmem:s1+$0xFFFFFD20];
	[tilespmem:v40+s21+$0x0] =	vst.idx.msk $0xffff, v39  }
0x252: {  	v55 =	vadd.s32 s18, v1;
	v54 =	vld [tilespmem:s1+$0xFFFFFEA0];
	[tilespmem:v42+s21+$0x0] =	vst.idx.msk $0xffff, v41  }
0x253: {  	s24 =	sadd.s32 $0xD, s0;
	v58 =	vadd.s32 s23, v1;
	v57 =	vld [tilespmem:s1+$0xFFFFFF20];
	[tilespmem:v25+s21+$0x0] =	vst.idx.msk $0xffff, v4  }
0x254: {  	v33 =	vadd.s32 s24, v0;
	v4 =	vld [tilespmem:s1+$0xFFFFFF50];
	[tilespmem:v29+s21+$0x0] =	vst.idx.msk $0xffff, v28  }
0x255: {  	v38 =	vadd.s32 s14, v3;
	[tilespmem:v30+s21+$0x0] =	vst.idx.msk $0xffff, v5;
	v5 =	vld [tilespmem:s1+$0x0]  }
0x256: {  	v61 =	vadd.s32 s25, v1;
	v60 =	vld [tilespmem:s1+$0xFFFFFFA0];
	[tilespmem:v45+s21+$0x0] =	vst.idx.msk $0xffff, v44  }
0x257: {  	v63 =	vadd.s32 s0, v1;
	v62 =	vld [tilespmem:s1+$0xFFFFFC20];
	[tilespmem:v55+s21+$0x0] =	vst.idx.msk $0xffff, v54  }
0x258: {  	v47 =	vadd.s32 s12, v1;
	v46 =	vld [tilespmem:s1+$0xFFFFFD60];
	[tilespmem:v58+s21+$0x0] =	vst.idx.msk $0xffff, v57  }
0x259: {  	v43 =	vadd.s32 s8, v1;
	[tilespmem:v33+s21+$0x0] =	vst.idx.msk $0xffff, v4;
	v4 =	vld [tilespmem:s1+$0xFFFFFCE0]  }
0x25a: {  	v48 =	vadd.s32 s13, v1;
	[tilespmem:v38+s21+$0x0] =	vst.idx.msk $0xffff, v5;
	v5 =	vld [tilespmem:s1+$0xFFFFFDA0]  }
0x25b: {  	v50 =	vadd.s32 s15, v1;
	[tilespmem:v61+s21+$0x0] =	vst.idx.msk $0xffff, v60;
	v49 =	vld [tilespmem:s1+$0xFFFFFDE0]  }
0x25c: {  	v17 =	vadd.s32 s3, v2;
	[tilespmem:v63+s21+$0x0] =	vst.idx.msk $0xffff, v62;
	v16 =	vld [tilespmem:s1+$0xFFFFFC70]  }
0x25d: {  	v53 =	vadd.s32 s17, v1;
	v52 =	vld [tilespmem:s1+$0xFFFFFE60];
	[tilespmem:v47+s21+$0x0] =	vst.idx.msk $0xffff, v46  }
0x25e: {  	v51 =	vadd.s32 s16, v1;
	[tilespmem:v43+s21+$0x0] =	vst.idx.msk $0xffff, v4;
	v4 =	vld [tilespmem:s1+$0xFFFFFE20]  }
0x25f: {  	v56 =	vadd.s32 s22, v1;
	[tilespmem:v48+s21+$0x0] =	vst.idx.msk $0xffff, v5;
	v5 =	vld [tilespmem:s1+$0xFFFFFEE0]  }
0x260: {  	v23 =	vadd.s32 s12, v2;
	v22 =	vld [tilespmem:s1+$0xFFFFFD70];
	[tilespmem:v50+s21+$0x0] =	vst.idx.msk $0xffff, v49  }
0x261: {  	v31 =	vadd.s32 s18, v2;
	v30 =	vld [tilespmem:s1+$0xFFFFFEB0];
	[tilespmem:v17+s21+$0x0] =	vst.idx.msk $0xffff, v16  }
0x262: {  	v14 =	vld [tilespmem:s1+$0xFFFFFC30];
	[tilespmem:v53+s21+$0x0] =	vst.idx.msk $0xffff, v52;
	v38 =	vadd.s32 s0, v2  }
0x263: {  	v59 =	vadd.s32 s24, v1;
	[tilespmem:v51+s21+$0x0] =	vst.idx.msk $0xffff, v4;
	v4 =	vld [tilespmem:s1+$0xFFFFFF60]  }
0x264: {  	v18 =	vadd.s32 s7, v2;
	[tilespmem:v56+s21+$0x0] =	vst.idx.msk $0xffff, v5;
	v5 =	vld [tilespmem:s1+$0xFFFFFCB0]  }
0x265: {  	v39 =	vadd.s32 s3, v3;
	v40 =	vld [tilespmem:s1+$0xFFFFFC80];
	[tilespmem:v23+s21+$0x0] =	vst.idx.msk $0xffff, v22  }
0x266: {  	v20 =	vadd.s32 s8, v2;
	[tilespmem:v31+s21+$0x0] =	vst.idx.msk $0xffff, v30;
	v19 =	vld [tilespmem:s1+$0xFFFFFCF0]  }
0x267: {  	v25 =	vadd.s32 s13, v2;
	[tilespmem:v38+s21+$0x0] =	vst.idx.msk $0xffff, v14;
	v24 =	vld [tilespmem:s1+$0xFFFFFDB0]  }
0x268: {  	v21 =	vadd.s32 s10, v2;
	[tilespmem:v59+s21+$0x0] =	vst.idx.msk $0xffff, v4;
	v4 =	vld [tilespmem:s1+$0xFFFFFD30]  }
0x269: {  	v26 =	vadd.s32 s15, v2;
	[tilespmem:v18+s21+$0x0] =	vst.idx.msk $0xffff, v5;
	v5 =	vld [tilespmem:s1+$0xFFFFFDF0]  }
0x26a: {  	v63 =	vadd.s32 s0, v3;
	[tilespmem:v39+s21+$0x0] =	vst.idx.msk $0xffff, v40;
	v62 =	vld [tilespmem:s1+$0xFFFFFC40]  }
0x26b: {  	v28 =	vadd.s32 s16, v2;
	[tilespmem:v20+s21+$0x0] =	vst.idx.msk $0xffff, v19;
	v27 =	vld [tilespmem:s1+$0xFFFFFE30]  }
0x26c: {  	v33 =	vadd.s32 s22, v2;
	[tilespmem:v25+s21+$0x0] =	vst.idx.msk $0xffff, v24;
	v32 =	vld [tilespmem:s1+$0xFFFFFEF0]  }
0x26d: {  	v29 =	vadd.s32 s17, v2;
	[tilespmem:v21+s21+$0x0] =	vst.idx.msk $0xffff, v4;
	v4 =	vld [tilespmem:s1+$0xFFFFFE70]  }
0x26e: {  	v34 =	vadd.s32 s23, v2;
	[tilespmem:v26+s21+$0x0] =	vst.idx.msk $0xffff, v5;
	v5 =	vld [tilespmem:s1+$0xFFFFFF30]  }
0x26f: {  	v36 =	vadd.s32 s24, v2;
	[tilespmem:v63+s21+$0x0] =	vst.idx.msk $0xffff, v62;
	v35 =	vld [tilespmem:s1+$0xFFFFFF70]  }
0x270: {  	v47 =	vadd.s32 s13, v3;
	[tilespmem:v28+s21+$0x0] =	vst.idx.msk $0xffff, v27;
	v48 =	vld [tilespmem:s1+$0xFFFFFDC0]  }
0x271: {  	v41 =	vadd.s32 s7, v3;
	[tilespmem:v33+s21+$0x0] =	vst.idx.msk $0xffff, v32;
	v42 =	vld [tilespmem:s1+$0xFFFFFCC0]  }
0x272: {  	v37 =	vadd.s32 s25, v2;
	[tilespmem:v29+s21+$0x0] =	vst.idx.msk $0xffff, v4;
	v4 =	vld [tilespmem:s1+$0xFFFFFFB0]  }
0x273: {  	v43 =	vld [tilespmem:s1+$0xFFFFFD00];
	[tilespmem:v34+s21+$0x0] =	vst.idx.msk $0xffff, v5;
	v5 =	vadd.s32 s8, v3  }
0x274: {  	v44 =	vadd.s32 s10, v3;
	[tilespmem:v36+s21+$0x0] =	vst.idx.msk $0xffff, v35;
	v45 =	vld [tilespmem:s1+$0xFFFFFD40]  }
0x275: {  	v55 =	vadd.s32 s22, v3;
	[tilespmem:v47+s21+$0x0] =	vst.idx.msk $0xffff, v48;
	v56 =	vld [tilespmem:s1+$0xFFFFFF00]  }
0x276: {  	v49 =	vadd.s32 s15, v3;
	[tilespmem:v41+s21+$0x0] =	vst.idx.msk $0xffff, v42;
	v50 =	vld [tilespmem:s1+$0xFFFFFE00]  }
0x277: {  	v46 =	vld [tilespmem:s1+$0xFFFFFD80];
	[tilespmem:v37+s21+$0x0] =	vst.idx.msk $0xffff, v4;
	v4 =	vadd.s32 s12, v3  }
0x278: {  	v51 =	vadd.s32 s16, v3;
	[tilespmem:v5+s21+$0x0] =	vst.idx.msk $0xffff, v43;
	v5 =	vld [tilespmem:s1+$0xFFFFFE40]  }
0x279: {  	v52 =	vadd.s32 s17, v3;
	[tilespmem:v44+s21+$0x0] =	vst.idx.msk $0xffff, v45;
	v53 =	vld [tilespmem:s1+$0xFFFFFE80]  }
0x27a: {  	v57 =	vadd.s32 s23, v3;
	[tilespmem:v55+s21+$0x0] =	vst.idx.msk $0xffff, v56;
	v58 =	vld [tilespmem:s1+$0xFFFFFF40]  }
0x27b: {  	v60 =	vadd.s32 s25, v3;
	[tilespmem:v49+s21+$0x0] =	vst.idx.msk $0xffff, v50;
	v61 =	vld [tilespmem:s1+$0xFFFFFFC0]  }
0x27c: {  	v54 =	vadd.s32 s18, v3;
	[tilespmem:v4+s21+$0x0] =	vst.idx.msk $0xffff, v46;
	v4 =	vld [tilespmem:s1+$0xFFFFFEC0]  }
0x27d: {  	v59 =	vadd.s32 s24, v3;
	[tilespmem:v51+s21+$0x0] =	vst.idx.msk $0xffff, v5;
	v5 =	vld [tilespmem:s1+$0xFFFFFF80]  }
0x27e: {  	s7 =	sadd.s32 s9, s30;
	[tilespmem:v52+s21+$0x0] =	vst.idx.msk $0xffff, v53  }
0x27f: {  	s0 =	sshll.u32 s7, $0x8;
	[tilespmem:v57+s21+$0x0] =	vst.idx.msk $0xffff, v58  }
0x280: {  	s0 =	sadd.s32 s11, s0;
	[tilespmem:v60+s21+$0x0] =	vst.idx.msk $0xffff, v61  }
0x281: {  	s8 =	sshrl.u32 s0, $0x3;
	[tilespmem:v54+s21+$0x0] =	vst.idx.msk $0xffff, v4  }
0x282: {  	s10 =	sadd.s32 $0xC400, s0;
	s1 =	sadd.s32 s5, s8;
	[tilespmem:v59+s21+$0x0] =	vst.idx.msk $0xffff, v5  }
0x283: {  	[hbm4b:s1+s2] =	stream.linear.scatter [tilespmem:s21], [sflag:$0x4], $0x100, $0x38;
	[tilespmem:$0x16800] =	vst v63  }
0x284: {  	s1 =	sshrl.u32 s10, $0x3  }
0x285: {  	s13 =	sadd.s32 $0x18800, s0;
	s12 =	simm.s32 $0x12708;
	s1 =	sadd.s32 s5, s1  }
0x286: {  	[hbm4b:s1+s2] =	stream.linear.scatter [tilespmem:s12], [sflag:$0x4], $0x100, $0x38;
	[tilespmem:$0x16800] =	vst v63  }
0x287: {  	s1 =	sshrl.u32 s13, $0x3  }
0x288: {  	s14 =	simm.s32 $0x12810;
	s15 =	sadd.s32 $0x24C00, s0;
	s1 =	sadd.s32 s5, s1  }
0x289: {  	[hbm4b:s1+s2] =	stream.linear.scatter [tilespmem:s14], [sflag:$0x4], $0x100, $0x38;
	[tilespmem:$0x16800] =	vst v63  }
0x28a: {  	s1 =	sshrl.u32 s15, $0x3  }
0x28b: {  	s17 =	sadd.s32 $0x31000, s0;
	s16 =	simm.s32 $0x12918;
	s1 =	sadd.s32 s5, s1  }
0x28c: {  	[hbm4b:s1+s2] =	stream.linear.scatter [tilespmem:s16], [sflag:$0x4], $0x100, $0x38;
	[tilespmem:$0x16800] =	vst v63  }
0x28d: {  	s1 =	sshrl.u32 s17, $0x3  }
0x28e: {  	s18 =	simm.s32 $0x12A20;
	s22 =	sadd.s32 $0x3D400, s0;
	s1 =	sadd.s32 s5, s1  }
0x28f: {  	[hbm4b:s1+s2] =	stream.linear.scatter [tilespmem:s18], [sflag:$0x4], $0x100, $0x38;
	[tilespmem:$0x16800] =	vst v63  }
0x290: {  	s1 =	sshrl.u32 s22, $0x3  }
0x291: {  	s23 =	simm.s32 $0x12B28;
	s24 =	sadd.s32 $0x49800, s0;
	s1 =	sadd.s32 s5, s1  }
0x292: {  	[hbm4b:s1+s2] =	stream.linear.scatter [tilespmem:s23], [sflag:$0x4], $0x100, $0x38;
	[tilespmem:$0x16800] =	vst v63  }
0x293: {  	s1 =	sshrl.u32 s24, $0x3  }
0x294: {  	s25 =	simm.s32 $0x12C30;
	s26 =	sadd.s32 $0x55C00, s0;
	s1 =	sadd.s32 s5, s1  }
0x295: {  	[hbm4b:s1+s2] =	stream.linear.scatter [tilespmem:s25], [sflag:$0x4], $0x100, $0x38;
	[tilespmem:$0x16800] =	vst v63  }
0x296: {  	s1 =	sshrl.u32 s26, $0x3  }
0x297: {  	s28 =	simm.s32 $0x12D38;
	s30 =	sadd.s32 $0x62000, s0;
	s1 =	sadd.s32 s5, s1  }
0x298: {  	[hbm4b:s1+s2] =	stream.linear.scatter [tilespmem:s28], [sflag:$0x4], $0x100, $0x38;
	[tilespmem:$0x16800] =	vst v63  }
0x299: {  	s1 =	sshrl.u32 s30, $0x3  }
0x29a: {  	s31 =	simm.s32 $0x12E40;
	s7 =	sadd.s32 $0x6E400, s0;
	s1 =	sadd.s32 s5, s1  }
0x29b: {  	[hbm4b:s1+s2] =	stream.linear.scatter [tilespmem:s31], [sflag:$0x4], $0x100, $0x38;
	[tilespmem:$0x16800] =	vst v63  }
0x29c: {  	s1 =	sshrl.u32 s7, $0x3  }
0x29d: {  	s8 =	simm.s32 $0x12F48;
	s10 =	sadd.s32 $0x7A800, s0;
	s1 =	sadd.s32 s5, s1  }
0x29e: {  	[hbm4b:s1+s2] =	stream.linear.scatter [tilespmem:s8], [sflag:$0x4], $0x100, $0x38;
	[tilespmem:$0x16800] =	vst v63  }
0x29f: {  	s1 =	sshrl.u32 s10, $0x3  }
0x2a0: {  	s12 =	simm.s32 $0x13050;
	s13 =	sadd.s32 $0x86C00, s0;
	s1 =	sadd.s32 s5, s1  }
0x2a1: {  	[hbm4b:s1+s2] =	stream.linear.scatter [tilespmem:s12], [sflag:$0x4], $0x100, $0x38;
	[tilespmem:$0x16800] =	vst v63  }
0x2a2: {  	s1 =	sshrl.u32 s13, $0x3  }
0x2a3: {  	s14 =	simm.s32 $0x13158;
	s15 =	sadd.s32 $0x93000, s0;
	s1 =	sadd.s32 s5, s1  }
0x2a4: {  	[hbm4b:s1+s2] =	stream.linear.scatter [tilespmem:s14], [sflag:$0x4], $0x100, $0x38;
	[tilespmem:$0x16800] =	vst v63  }
0x2a5: {  	s1 =	sshrl.u32 s15, $0x3  }
0x2a6: {  	s16 =	simm.s32 $0x13260;
	s17 =	sadd.s32 $0x9F400, s0;
	s1 =	sadd.s32 s5, s1  }
0x2a7: {  	[hbm4b:s1+s2] =	stream.linear.scatter [tilespmem:s16], [sflag:$0x4], $0x100, $0x38;
	[tilespmem:$0x16800] =	vst v63  }
0x2a8: {  	s1 =	sshrl.u32 s17, $0x3  }
0x2a9: {  	s18 =	simm.s32 $0x13368;
	s22 =	sadd.s32 $0xAB800, s0;
	s1 =	sadd.s32 s5, s1  }
0x2aa: {  	[hbm4b:s1+s2] =	stream.linear.scatter [tilespmem:s18], [sflag:$0x4], $0x100, $0x38;
	[tilespmem:$0x16800] =	vst v63  }
0x2ab: {  	s1 =	sshrl.u32 s22, $0x3  }
0x2ac: {  	s23 =	simm.s32 $0x13470;
	s24 =	sadd.s32 $0xB7C00, s0;
	s1 =	sadd.s32 s5, s1  }
0x2ad: {  	[hbm4b:s1+s2] =	stream.linear.scatter [tilespmem:s23], [sflag:$0x4], $0x100, $0x38;
	[tilespmem:$0x16800] =	vst v63  }
0x2ae: {  	s1 =	sshrl.u32 s24, $0x3  }
0x2af: {  	s25 =	simm.s32 $0x13578;
	s26 =	sadd.s32 $0xC4000, s0;
	s1 =	sadd.s32 s5, s1  }
0x2b0: {  	[hbm4b:s1+s2] =	stream.linear.scatter [tilespmem:s25], [sflag:$0x4], $0x100, $0x38;
	[tilespmem:$0x16800] =	vst v63  }
0x2b1: {  	s1 =	sshrl.u32 s26, $0x3  }
0x2b2: {  	s28 =	simm.s32 $0x13680;
	s30 =	sadd.s32 $0xD0400, s0;
	s1 =	sadd.s32 s5, s1  }
0x2b3: {  	[hbm4b:s1+s2] =	stream.linear.scatter [tilespmem:s28], [sflag:$0x4], $0x100, $0x38;
	[tilespmem:$0x16800] =	vst v63  }
0x2b4: {  	s1 =	sshrl.u32 s30, $0x3  }
0x2b5: {  	s31 =	simm.s32 $0x13788;
	s7 =	sadd.s32 $0xDC800, s0;
	s1 =	sadd.s32 s5, s1  }
0x2b6: {  	[hbm4b:s1+s2] =	stream.linear.scatter [tilespmem:s31], [sflag:$0x4], $0x100, $0x38;
	[tilespmem:$0x16800] =	vst v63  }
0x2b7: {  	s1 =	sshrl.u32 s7, $0x3  }
0x2b8: {  	s8 =	simm.s32 $0x13890;
	s10 =	sadd.s32 $0xE8C00, s0;
	s1 =	sadd.s32 s5, s1  }
0x2b9: {  	[hbm4b:s1+s2] =	stream.linear.scatter [tilespmem:s8], [sflag:$0x4], $0x100, $0x38;
	[tilespmem:$0x16800] =	vst v63  }
0x2ba: {  	s1 =	sshrl.u32 s10, $0x3  }
0x2bb: {  	s12 =	simm.s32 $0x13998;
	s13 =	sadd.s32 $0xF5000, s0;
	s1 =	sadd.s32 s5, s1  }
0x2bc: {  	[hbm4b:s1+s2] =	stream.linear.scatter [tilespmem:s12], [sflag:$0x4], $0x100, $0x38;
	[tilespmem:$0x16800] =	vst v63  }
0x2bd: {  	s1 =	sshrl.u32 s13, $0x3  }
0x2be: {  	s14 =	simm.s32 $0x13AA0;
	s15 =	sadd.s32 $0x101400, s0;
	s1 =	sadd.s32 s5, s1  }
0x2bf: {  	[hbm4b:s1+s2] =	stream.linear.scatter [tilespmem:s14], [sflag:$0x4], $0x100, $0x38;
	[tilespmem:$0x16800] =	vst v63  }
0x2c0: {  	s1 =	sshrl.u32 s15, $0x3  }
0x2c1: {  	s16 =	simm.s32 $0x13BA8;
	s17 =	sadd.s32 $0x10D800, s0;
	s1 =	sadd.s32 s5, s1  }
0x2c2: {  	[hbm4b:s1+s2] =	stream.linear.scatter [tilespmem:s16], [sflag:$0x4], $0x100, $0x38;
	[tilespmem:$0x16800] =	vst v63  }
0x2c3: {  	s1 =	sshrl.u32 s17, $0x3  }
0x2c4: {  	s18 =	simm.s32 $0x13CB0;
	s22 =	sadd.s32 $0x119C00, s0;
	s1 =	sadd.s32 s5, s1  }
0x2c5: {  	[hbm4b:s1+s2] =	stream.linear.scatter [tilespmem:s18], [sflag:$0x4], $0x100, $0x38;
	[tilespmem:$0x16800] =	vst v63  }
0x2c6: {  	s1 =	sshrl.u32 s22, $0x3  }
0x2c7: {  	s23 =	simm.s32 $0x13DB8;
	s24 =	sadd.s32 $0x126000, s0;
	s1 =	sadd.s32 s5, s1  }
0x2c8: {  	[hbm4b:s1+s2] =	stream.linear.scatter [tilespmem:s23], [sflag:$0x4], $0x100, $0x38;
	[tilespmem:$0x16800] =	vst v63  }
0x2c9: {  	s1 =	sshrl.u32 s24, $0x3  }
0x2ca: {  	s25 =	simm.s32 $0x13EC0;
	s26 =	sadd.s32 $0x132400, s0;
	s1 =	sadd.s32 s5, s1  }
0x2cb: {  	[hbm4b:s1+s2] =	stream.linear.scatter [tilespmem:s25], [sflag:$0x4], $0x100, $0x38;
	[tilespmem:$0x16800] =	vst v63  }
0x2cc: {  	s1 =	sshrl.u32 s26, $0x3  }
0x2cd: {  	s28 =	simm.s32 $0x13FC8;
	s30 =	sadd.s32 $0x13E800, s0;
	s1 =	sadd.s32 s5, s1  }
0x2ce: {  	[hbm4b:s1+s2] =	stream.linear.scatter [tilespmem:s28], [sflag:$0x4], $0x100, $0x38;
	[tilespmem:$0x16800] =	vst v63  }
0x2cf: {  	s1 =	sshrl.u32 s30, $0x3  }
0x2d0: {  	s31 =	simm.s32 $0x140D0;
	s7 =	sadd.s32 $0x14AC00, s0;
	s1 =	sadd.s32 s5, s1  }
0x2d1: {  	[hbm4b:s1+s2] =	stream.linear.scatter [tilespmem:s31], [sflag:$0x4], $0x100, $0x38;
	[tilespmem:$0x16800] =	vst v63  }
0x2d2: {  	s1 =	sshrl.u32 s7, $0x3  }
0x2d3: {  	s8 =	simm.s32 $0x141D8;
	s10 =	sadd.s32 $0x157000, s0;
	s1 =	sadd.s32 s5, s1  }
0x2d4: {  	[hbm4b:s1+s2] =	stream.linear.scatter [tilespmem:s8], [sflag:$0x4], $0x100, $0x38;
	[tilespmem:$0x16800] =	vst v63  }
0x2d5: {  	s1 =	sshrl.u32 s10, $0x3  }
0x2d6: {  	s12 =	simm.s32 $0x142E0;
	s13 =	sadd.s32 $0x163400, s0;
	s1 =	sadd.s32 s5, s1  }
0x2d7: {  	[hbm4b:s1+s2] =	stream.linear.scatter [tilespmem:s12], [sflag:$0x4], $0x100, $0x38;
	[tilespmem:$0x16800] =	vst v63  }
0x2d8: {  	s1 =	sshrl.u32 s13, $0x3  }
0x2d9: {  	s14 =	simm.s32 $0x143E8;
	s15 =	sadd.s32 $0x16F800, s0;
	s1 =	sadd.s32 s5, s1  }
0x2da: {  	[hbm4b:s1+s2] =	stream.linear.scatter [tilespmem:s14], [sflag:$0x4], $0x100, $0x38;
	[tilespmem:$0x16800] =	vst v63  }
0x2db: {  	s1 =	sshrl.u32 s15, $0x3  }
0x2dc: {  	s16 =	simm.s32 $0x144F0;
	s17 =	sadd.s32 $0x17BC00, s0;
	s1 =	sadd.s32 s5, s1  }
0x2dd: {  	[hbm4b:s1+s2] =	stream.linear.scatter [tilespmem:s16], [sflag:$0x4], $0x100, $0x38;
	[tilespmem:$0x16800] =	vst v63  }
0x2de: {  	s1 =	sshrl.u32 s17, $0x3  }
0x2df: {  	s18 =	simm.s32 $0x145F8;
	s22 =	sadd.s32 $0x188000, s0;
	s1 =	sadd.s32 s5, s1  }
0x2e0: {  	[hbm4b:s1+s2] =	stream.linear.scatter [tilespmem:s18], [sflag:$0x4], $0x100, $0x38;
	[tilespmem:$0x16800] =	vst v63  }
0x2e1: {  	s1 =	sshrl.u32 s22, $0x3  }
0x2e2: {  	s23 =	simm.s32 $0x14700;
	s24 =	sadd.s32 $0x194400, s0;
	s1 =	sadd.s32 s5, s1  }
0x2e3: {  	[hbm4b:s1+s2] =	stream.linear.scatter [tilespmem:s23], [sflag:$0x4], $0x100, $0x38;
	[tilespmem:$0x16800] =	vst v63  }
0x2e4: {  	s1 =	sshrl.u32 s24, $0x3  }
0x2e5: {  	s25 =	simm.s32 $0x14808;
	s26 =	sadd.s32 $0x1A0800, s0;
	s1 =	sadd.s32 s5, s1  }
0x2e6: {  	[hbm4b:s1+s2] =	stream.linear.scatter [tilespmem:s25], [sflag:$0x4], $0x100, $0x38;
	[tilespmem:$0x16800] =	vst v63  }
0x2e7: {  	s1 =	sshrl.u32 s26, $0x3  }
0x2e8: {  	s28 =	simm.s32 $0x14910;
	s30 =	sadd.s32 $0x1ACC00, s0;
	s1 =	sadd.s32 s5, s1  }
0x2e9: {  	[hbm4b:s1+s2] =	stream.linear.scatter [tilespmem:s28], [sflag:$0x4], $0x100, $0x38;
	[tilespmem:$0x16800] =	vst v63  }
0x2ea: {  	s1 =	sshrl.u32 s30, $0x3  }
0x2eb: {  	s31 =	simm.s32 $0x14A18;
	s7 =	sadd.s32 $0x1B9000, s0;
	s1 =	sadd.s32 s5, s1  }
0x2ec: {  	[hbm4b:s1+s2] =	stream.linear.scatter [tilespmem:s31], [sflag:$0x4], $0x100, $0x38;
	[tilespmem:$0x16800] =	vst v63  }
0x2ed: {  	s1 =	sshrl.u32 s7, $0x3  }
0x2ee: {  	s8 =	simm.s32 $0x14B20;
	s10 =	sadd.s32 $0x1C5400, s0;
	s1 =	sadd.s32 s5, s1  }
0x2ef: {  	[hbm4b:s1+s2] =	stream.linear.scatter [tilespmem:s8], [sflag:$0x4], $0x100, $0x38;
	[tilespmem:$0x16800] =	vst v63  }
0x2f0: {  	s1 =	sshrl.u32 s10, $0x3  }
0x2f1: {  	s12 =	simm.s32 $0x14C28;
	s13 =	sadd.s32 $0x1D1800, s0;
	s1 =	sadd.s32 s5, s1  }
0x2f2: {  	[hbm4b:s1+s2] =	stream.linear.scatter [tilespmem:s12], [sflag:$0x4], $0x100, $0x38;
	[tilespmem:$0x16800] =	vst v63  }
0x2f3: {  	s1 =	sshrl.u32 s13, $0x3  }
0x2f4: {  	s14 =	simm.s32 $0x14D30;
	s15 =	sadd.s32 $0x1DDC00, s0;
	s1 =	sadd.s32 s5, s1  }
0x2f5: {  	[hbm4b:s1+s2] =	stream.linear.scatter [tilespmem:s14], [sflag:$0x4], $0x100, $0x38;
	[tilespmem:$0x16800] =	vst v63  }
0x2f6: {  	s1 =	sshrl.u32 s15, $0x3  }
0x2f7: {  	s16 =	simm.s32 $0x14E38;
	s17 =	sadd.s32 $0x1EA000, s0;
	s1 =	sadd.s32 s5, s1  }
0x2f8: {  	[hbm4b:s1+s2] =	stream.linear.scatter [tilespmem:s16], [sflag:$0x4], $0x100, $0x38;
	[tilespmem:$0x16800] =	vst v63  }
0x2f9: {  	s1 =	sshrl.u32 s17, $0x3  }
0x2fa: {  	s18 =	simm.s32 $0x14F40;
	s22 =	sadd.s32 $0x1F6400, s0;
	s1 =	sadd.s32 s5, s1  }
0x2fb: {  	[hbm4b:s1+s2] =	stream.linear.scatter [tilespmem:s18], [sflag:$0x4], $0x100, $0x38;
	[tilespmem:$0x16800] =	vst v63  }
0x2fc: {  	s1 =	sshrl.u32 s22, $0x3  }
0x2fd: {  	s23 =	simm.s32 $0x15048;
	s24 =	sadd.s32 $0x202800, s0;
	s1 =	sadd.s32 s5, s1  }
0x2fe: {  	[hbm4b:s1+s2] =	stream.linear.scatter [tilespmem:s23], [sflag:$0x4], $0x100, $0x38;
	[tilespmem:$0x16800] =	vst v63  }
0x2ff: {  	s1 =	sshrl.u32 s24, $0x3  }
0x300: {  	s25 =	simm.s32 $0x15150;
	s26 =	sadd.s32 $0x20EC00, s0;
	s1 =	sadd.s32 s5, s1  }
0x301: {  	[hbm4b:s1+s2] =	stream.linear.scatter [tilespmem:s25], [sflag:$0x4], $0x100, $0x38;
	[tilespmem:$0x16800] =	vst v63  }
0x302: {  	s1 =	sshrl.u32 s26, $0x3  }
0x303: {  	s28 =	simm.s32 $0x15258;
	s30 =	sadd.s32 $0x21B000, s0;
	s1 =	sadd.s32 s5, s1  }
0x304: {  	[hbm4b:s1+s2] =	stream.linear.scatter [tilespmem:s28], [sflag:$0x4], $0x100, $0x38;
	[tilespmem:$0x16800] =	vst v63  }
0x305: {  	s1 =	sshrl.u32 s30, $0x3  }
0x306: {  	s31 =	simm.s32 $0x15360;
	s7 =	sadd.s32 $0x227400, s0;
	s1 =	sadd.s32 s5, s1  }
0x307: {  	[hbm4b:s1+s2] =	stream.linear.scatter [tilespmem:s31], [sflag:$0x4], $0x100, $0x38;
	[tilespmem:$0x16800] =	vst v63  }
0x308: {  	s1 =	sshrl.u32 s7, $0x3  }
0x309: {  	s8 =	simm.s32 $0x15468;
	s10 =	sadd.s32 $0x233800, s0;
	s1 =	sadd.s32 s5, s1  }
0x30a: {  	[hbm4b:s1+s2] =	stream.linear.scatter [tilespmem:s8], [sflag:$0x4], $0x100, $0x38;
	[tilespmem:$0x16800] =	vst v63  }
0x30b: {  	s1 =	sshrl.u32 s10, $0x3  }
0x30c: {  	s12 =	simm.s32 $0x15570;
	s13 =	sadd.s32 $0x23FC00, s0;
	s1 =	sadd.s32 s5, s1  }
0x30d: {  	[hbm4b:s1+s2] =	stream.linear.scatter [tilespmem:s12], [sflag:$0x4], $0x100, $0x38;
	[tilespmem:$0x16800] =	vst v63  }
0x30e: {  	s1 =	sshrl.u32 s13, $0x3  }
0x30f: {  	s14 =	simm.s32 $0x15678;
	s15 =	sadd.s32 $0x24C000, s0;
	s1 =	sadd.s32 s5, s1  }
0x310: {  	[hbm4b:s1+s2] =	stream.linear.scatter [tilespmem:s14], [sflag:$0x4], $0x100, $0x38;
	[tilespmem:$0x16800] =	vst v63  }
0x311: {  	s1 =	sshrl.u32 s15, $0x3  }
0x312: {  	s16 =	simm.s32 $0x15780;
	s17 =	sadd.s32 $0x258400, s0;
	s1 =	sadd.s32 s5, s1  }
0x313: {  	[hbm4b:s1+s2] =	stream.linear.scatter [tilespmem:s16], [sflag:$0x4], $0x100, $0x38;
	[tilespmem:$0x16800] =	vst v63  }
0x314: {  	s1 =	sshrl.u32 s17, $0x3  }
0x315: {  	s18 =	simm.s32 $0x15888;
	s22 =	sadd.s32 $0x264800, s0;
	s1 =	sadd.s32 s5, s1  }
0x316: {  	[hbm4b:s1+s2] =	stream.linear.scatter [tilespmem:s18], [sflag:$0x4], $0x100, $0x38;
	[tilespmem:$0x16800] =	vst v63  }
0x317: {  	s1 =	sshrl.u32 s22, $0x3  }
0x318: {  	s23 =	simm.s32 $0x15990;
	s24 =	sadd.s32 $0x270C00, s0;
	s1 =	sadd.s32 s5, s1  }
0x319: {  	[hbm4b:s1+s2] =	stream.linear.scatter [tilespmem:s23], [sflag:$0x4], $0x100, $0x38;
	[tilespmem:$0x16800] =	vst v63  }
0x31a: {  	s1 =	sshrl.u32 s24, $0x3  }
0x31b: {  	s25 =	simm.s32 $0x15A98;
	s26 =	sadd.s32 $0x27D000, s0;
	s1 =	sadd.s32 s5, s1  }
0x31c: {  	[hbm4b:s1+s2] =	stream.linear.scatter [tilespmem:s25], [sflag:$0x4], $0x100, $0x38;
	[tilespmem:$0x16800] =	vst v63  }
0x31d: {  	s1 =	sshrl.u32 s26, $0x3  }
0x31e: {  	s28 =	simm.s32 $0x15BA0;
	s30 =	sadd.s32 $0x289400, s0;
	s1 =	sadd.s32 s5, s1  }
0x31f: {  	[hbm4b:s1+s2] =	stream.linear.scatter [tilespmem:s28], [sflag:$0x4], $0x100, $0x38;
	[tilespmem:$0x16800] =	vst v63  }
0x320: {  	s1 =	sshrl.u32 s30, $0x3  }
0x321: {  	s3 =	sadd.s32 $0x295800, s0;
	s31 =	simm.s32 $0x15CA8;
	s1 =	sadd.s32 s5, s1  }
0x322: {  	[hbm4b:s1+s2] =	stream.linear.scatter [tilespmem:s31], [sflag:$0x4], $0x100, $0x38;
	[tilespmem:$0x16800] =	vst v63  }
0x323: {  	s1 =	sshrl.u32 s3, $0x3  }
0x324: {  	s7 =	simm.s32 $0x15DB0;
	s8 =	sadd.s32 $0x2A1C00, s0;
	s1 =	sadd.s32 s5, s1  }
0x325: {  	[hbm4b:s1+s2] =	stream.linear.scatter [tilespmem:s7], [sflag:$0x4], $0x100, $0x38;
	[tilespmem:$0x16800] =	vst v63  }
0x326: {  	s1 =	sshrl.u32 s8, $0x3  }
0x327: {  	s10 =	simm.s32 $0x15EB8;
	s12 =	sadd.s32 $0x2AE000, s0;
	s1 =	sadd.s32 s5, s1  }
0x328: {  	[hbm4b:s1+s2] =	stream.linear.scatter [tilespmem:s10], [sflag:$0x4], $0x100, $0x38;
	[tilespmem:$0x16800] =	vst v63  }
0x329: {  	s1 =	sshrl.u32 s12, $0x3  }
0x32a: {  	s13 =	simm.s32 $0x15FC0;
	s14 =	sadd.s32 $0x2BA400, s0;
	s1 =	sadd.s32 s5, s1  }
0x32b: {  	[hbm4b:s1+s2] =	stream.linear.scatter [tilespmem:s13], [sflag:$0x4], $0x100, $0x38;
	[tilespmem:$0x16800] =	vst v63  }
0x32c: {  	s1 =	sshrl.u32 s14, $0x3  }
0x32d: {  	s15 =	simm.s32 $0x160C8;
	s16 =	sadd.s32 $0x2C6800, s0;
	s1 =	sadd.s32 s5, s1  }
0x32e: {  	[hbm4b:s1+s2] =	stream.linear.scatter [tilespmem:s15], [sflag:$0x4], $0x100, $0x38;
	[tilespmem:$0x16800] =	vst v63  }
0x32f: {  	s1 =	sshrl.u32 s16, $0x3  }
0x330: {  	s17 =	simm.s32 $0x161D0;
	s18 =	sadd.s32 $0x2D2C00, s0;
	s1 =	sadd.s32 s5, s1  }
0x331: {  	[hbm4b:s1+s2] =	stream.linear.scatter [tilespmem:s17], [sflag:$0x4], $0x100, $0x38;
	[tilespmem:$0x16800] =	vst v63  }
0x332: {  	s1 =	sshrl.u32 s18, $0x3  }
0x333: {  	s22 =	simm.s32 $0x162D8;
	s23 =	sadd.s32 $0x2DF000, s0;
	s1 =	sadd.s32 s5, s1  }
0x334: {  	[hbm4b:s1+s2] =	stream.linear.scatter [tilespmem:s22], [sflag:$0x4], $0x100, $0x38;
	[tilespmem:$0x16800] =	vst v63  }
0x335: {  	s29 =	sadd.s32 $0x1, s29;
	s1 =	sshrl.u32 s23, $0x3  }
0x336: {  	s24 =	simm.s32 $0x163E0;
	s25 =	sadd.s32 $0x2EB400, s0;
	s1 =	sadd.s32 s5, s1  }
0x337: {  	[hbm4b:s1+s2] =	stream.linear.scatter [tilespmem:s24], [sflag:$0x4], $0x100, $0x38;
	[tilespmem:$0x16800] =	vst v63  }
0x338: {  	p0 =	sne.s32 s29, $0x31;
	s1 =	sshrl.u32 s25, $0x3  }
0x339: {  	s26 =	simm.s32 $0x164E8;
	s28 =	sadd.s32 $0x2F7800, s0;
	s1 =	sadd.s32 s5, s1  }
0x33a: {  	[hbm4b:s1+s2] =	stream.linear.scatter [tilespmem:s26], [sflag:$0x4], $0x100, $0x38;
	[tilespmem:$0x16800] =	vst v63  }
.Ltmp2:
0x33b: {  	s0 =	sadd.s32 $0x303C00, s0;
	s1 =	sshrl.u32 s28, $0x3;
	(pc) =	sbr.rel @p0 .LBB2_2-.Ltmp2, $4  }
0x33c: {  	s30 =	simm.s32 $0x165F0;
	s0 =	sshrl.u32 s0, $0x3;
	s1 =	sadd.s32 s5, s1  }
0x33d: {  	[hbm4b:s1+s2] =	stream.linear.scatter [tilespmem:s30], [sflag:$0x4], $0x100, $0x38;
	[tilespmem:$0x16800] =	vst v63  }
0x33e: {  	s0 =	sadd.s32 s5, s0;
	s31 =	simm.s32 $0x166F8  }
0x33f: {  	[hbm4b:s0+s2] =	stream.linear.scatter [tilespmem:s31], [sflag:$0x4], $0x100, $0x38;
	[tilespmem:$0x16800] =	vst v63  }
0x340: {  	s0 =	simm.s32 $0x3  }
0x341: {  	_ =	swait.ge [sflag:s0], $0x800  }
0x342: {  	[sflag:s0] =	ssyncset.done $0x0  }
0x343: {  	s1 =	simm.s32 $0x4;
	[sflag:s0] =	ssyncadd.s32 $0xFFFFF800  }
0x344: {  	_ =	swait.ge [sflag:s1], $0x800  }
0x345: {  	s3 =	rddreg [dreg:$0x8]  }
0x346: {  	s31 =	rddreg [dreg:$0x7];
	s3 =	sadd.s32 $0x1, s3  }
0x347: {  	p0 =	sne.s32 s3, s31  }
.Ltmp3:
0x348: {  	_ = 	snop;
	(pc) =	sbr.rel @p0 .LBB2_1-.Ltmp3, $3  }
0x349: {  	_ =	sdelay $0x1  }
0x34a: {  	[sflag:s1] =	ssyncset.done $0x0  }
0x34b: {  	[sflag:s1] =	ssyncadd.s32 $0xFFFFF800  }
0x34c: {  	_ =	sfence.sel $0x180000  }
0x34d: {  	[bflag:$0x0] =	sbarrier.arrive $0xFFFF  }
0x34e: {  	_ =	strace $0x90000047  }
0x34f: {  	s0 =	stileid.u32;
	[bflag:$0x2] =	sbarrier.arrive $0xFFFF  }
0x350: {  	p0 =	sne.s32 s0, $0x0;
	s0 =	rddreg [dreg:$0x2]  }
0x351: {  	s0 =	sadd.s32 @!p0 $0x100000, s0  }
0x352: {  	[sflag:s0] =	ssyncadd.tile.s32 @!p0 $0x1;
	_ =	shalt  }
.Lfunc_end2:
_tile_overlayer_lowered:
.L_overlay_start_2:
0x353: {  	(tag) =	ssettag $0x2  }
0x354: {  	s0 =	rddreg [dreg:$0x0];
	s2 =	stileid.u32  }
0x355: {  	s1 =	rddreg [dreg:$0x1];
	p0 =	sne.s32 s2, $0x0  }
0x356: {  	s3 =	rddreg [dreg:$0x2];
	[bflag:$0x3] =	sbarrier.arrive $0xFFFF;
	s2 =	simm.s32 @!p0 $0x1C05  }
0x357: {  	[timem:s3], [sflag:s2] =	dma.local @!p0 [hbm:s0], s1  }
0x358: {  	s0 =	simm.s32 @!p0 $0x5  }
0x359: {  	_ =	swait.ge @!p0 [sflag:s0], s1  }
0x35a: {  	s1 =	ssub.s32 @!p0 $0x0, s1;
	[sflag:s0] =	ssyncset.done @!p0 $0x0  }
0x35b: {  	[sflag:s0] =	ssyncadd.s32 @!p0 s1  }
0x35c: {  	[bflag:$0x3] =	sbarrier.arrive $0xFFFF  }
0x35d: {  	_ =	shalt  }

</sc_bundles>
